<compile_context>
chip_gen: v7x
topology: tpu7x:2x2x1
jax: 0.10.2.dev20260603
libtpu: 0.0.44.dev20260713+nightly
codegen_flags: <defaults>
</compile_context>

<pallas_src>
import jax
import jax.numpy as jnp
from jax import lax
from jax.experimental import pallas as pl
from jax.experimental.pallas import tpu as pltpu
from jax.experimental.pallas import tpu_sc as plsc

N_NODES = 10000
N_EDGES = 320000
D = 128
NP = 10240
NROW = NP // 128
DUMP = 10200

NC, NS, L = 2, 16, 16
NW = NC * NS
WROWS = 80
EROWS = NW * WROWS
EPAD = EROWS * 128 - N_EDGES
SLICE = NP // NS


def _mesh():
    return plsc.VectorSubcoreMesh(core_axis_name="c", subcore_axis_name="s",
                                  num_cores=NC, num_subcores=NS)



def _qmap_body(q_ref, out_ref):
    node = (lax.broadcasted_iota(jnp.int32, (NROW, D), 0) * D
            + lax.broadcasted_iota(jnp.int32, (NROW, D), 1))
    acc = jnp.zeros((NROW, D), jnp.int32)
    for j in range(5):
        acc = acc | ((node == q_ref[j]).astype(jnp.int32) << j)
    out_ref[...] = acc


def _qmap(q8):
    return pl.pallas_call(
        _qmap_body,
        in_specs=[pl.BlockSpec(memory_space=pltpu.SMEM)],
        out_shape=jax.ShapeDtypeStruct((NROW, D), jnp.int32),
    )(q8)



def _passA_body(row2d, col2d, qmap_hbm, deg_out, mark_out,
                deg_acc, mark_acc, qv, rowb, colb, c128, idxb, onesb, zb,
                sem_d, sem_m):
    cid = lax.axis_index("c")
    sid = lax.axis_index("s")
    wid = cid * NS + sid

    ones16 = jnp.ones((L,), jnp.float32)
    zero16 = jnp.zeros((L,), jnp.float32)
    for k in range(8):
        onesb[pl.ds(k * L, L)] = ones16

    def zfill(i, c):
        zb[pl.ds(i * L, L)] = zero16
        return c
    lax.fori_loop(0, SLICE // L, zfill, 0)
    pltpu.sync_copy(zb, deg_acc.at[pl.ds(sid * SLICE, SLICE)])
    pltpu.sync_copy(zb, mark_acc.at[pl.ds(sid * SLICE, SLICE)])
    pltpu.sync_copy(qmap_hbm, qv)
    plsc.subcore_barrier()

    rb = wid * WROWS
    pltpu.sync_copy(row2d.at[pl.ds(rb, WROWS)], rowb)
    pltpu.sync_copy(col2d.at[pl.ds(rb, WROWS)], colb)

    def body(r, carry):
        cnt = jnp.int32(0)
        for k in range(8):
            cv = colb[r, pl.ds(k * L, L)]
            rv = rowb[r, pl.ds(k * L, L)]
            c128[pl.ds(k * L, L)] = cv
            hit = plsc.load_gather(qv, [cv]) > 0
            idxb[pl.ds(k * L, L)] = jnp.where(hit, rv, DUMP)
            cnt = cnt + jnp.sum(hit.astype(jnp.int32))
        cp = pltpu.async_copy(onesb, deg_acc.at[c128], sem_d, add=True)

        @pl.when(cnt > 0)
        def _():
            pltpu.async_copy(onesb, mark_acc.at[idxb], sem_m, add=True).wait()
        cp.wait()
        return carry
    lax.fori_loop(0, WROWS, body, 0)
    plsc.subcore_barrier()

    sl = pl.ds(sid * SLICE, SLICE)
    osl = pl.ds(cid * NP + sid * SLICE, SLICE)
    pltpu.sync_copy(deg_acc.at[sl], deg_out.at[osl])
    pltpu.sync_copy(mark_acc.at[sl], mark_out.at[osl])


def _passA(row2d, col2d, qmap):
    f = pl.kernel(
        _passA_body,
        out_type=[jax.ShapeDtypeStruct((NC * NP,), jnp.float32),
                  jax.ShapeDtypeStruct((NC * NP,), jnp.float32)],
        mesh=_mesh(),
        name="sc_passA",
        compiler_params=pltpu.CompilerParams(needs_layout_passes=False),
        scratch_types=[
            pltpu.VMEM_SHARED((NP,), jnp.float32),
            pltpu.VMEM_SHARED((NP,), jnp.float32),
            pltpu.VMEM((NP,), jnp.int32),
            pltpu.VMEM((WROWS, 128), jnp.int32),
            pltpu.VMEM((WROWS, 128), jnp.int32),
            pltpu.VMEM((128,), jnp.int32),
            pltpu.VMEM((128,), jnp.int32),
            pltpu.VMEM((128,), jnp.float32),
            pltpu.VMEM((SLICE,), jnp.float32),
            pltpu.SemaphoreType.DMA,
            pltpu.SemaphoreType.DMA,
        ],
    )
    return f(row2d, col2d, qmap)



LCAP_B = 4096
FLUSH_B = LCAP_B - 16 * 128 - 320 - 64
WIN = 16
NWIN = WROWS // WIN


def _drain(lrow, lsc, ltg, src_hbm, rows, tgtb, acc, cnt, sem_g, sem_s,
           dump_tg, br):
    zero16 = jnp.zeros((L,), jnp.float32)
    dump16 = jnp.full((L,), dump_tg, jnp.int32)
    izero16 = jnp.zeros((L,), jnp.int32)
    for k in range(br // L):
        lrow[pl.ds(cnt + k * L, L)] = izero16
        lsc[pl.ds(cnt + k * L, L)] = zero16
        ltg[pl.ds(cnt + k * L, L)] = dump16

    nb = (cnt + br - 1) // br

    def gstep(b, c):
        cp = pltpu.async_copy(src_hbm.at[lrow.at[pl.ds(b * br, br)]],
                              rows, sem_g)
        for k in range(br // L):
            tgtb[pl.ds(k * L, L)] = ltg[pl.ds(b * br + k * L, L)]
        cp.wait()

        def scale_row(i, cc):
            sb = plsc.load_gather(lsc, [jnp.full((L,), b * br + i, jnp.int32)])
            for k in range(8):
                rows[i, pl.ds(k * L, L)] = rows[i, pl.ds(k * L, L)] * sb
            return cc
        lax.fori_loop(0, br, scale_row, 0)
        pltpu.async_copy(rows, acc.at[tgtb], sem_s, add=True).wait()
        return c
    lax.fori_loop(0, nb, gstep, 0)


def _zero_rows(rows, nr):
    zero16 = jnp.zeros((L,), jnp.float32)

    def zf(i, c):
        for k in range(8):
            rows[i, pl.ds(k * L, L)] = zero16
        return c
    lax.fori_loop(0, nr, zf, 0)


def _passB_body(row2d, col2d, dismk_hbm, gx_hbm, agg_out,
                agg_acc, dmv, rowb, colb, lrow, lsc, ltg, rows, tgtb,
                sem_g, sem_s):
    cid = lax.axis_index("c")
    sid = lax.axis_index("s")
    wid = cid * NS + sid

    _zero_rows(rows, 64)
    pltpu.sync_copy(dismk_hbm, dmv)

    dump16 = jnp.full((L,), DUMP, jnp.int32)

    def zscan(t, cnt):
        off = sid * SLICE + t * L
        mk = dmv[pl.ds(off, L)] > 0
        n = jnp.sum(mk.astype(jnp.int32))

        @pl.when(n > 0)
        def _():
            vv = lax.iota(jnp.int32, L) + off
            plsc.store_compressed(lrow.at[pl.ds(cnt, L)], vv, mask=mk)
        return cnt + n
    cnt0 = lax.fori_loop(0, SLICE // L, zscan, jnp.int32(0))
    for k in range(4):
        lrow[pl.ds(cnt0 + k * L, L)] = dump16

    def zstep(b, c):
        for k in range(4):
            tgtb[pl.ds(k * L, L)] = lrow[pl.ds(b * 64 + k * L, L)]
        pltpu.async_copy(rows, agg_acc.at[tgtb], sem_s).wait()
        return c
    lax.fori_loop(0, (cnt0 + 63) // 64, zstep, 0)
    plsc.subcore_barrier()

    rb = wid * WROWS

    def win(w, cnt):
        pltpu.sync_copy(row2d.at[pl.ds(rb + w * WIN, WIN)], rowb)
        pltpu.sync_copy(col2d.at[pl.ds(rb + w * WIN, WIN)], colb)

        def cstep(r, cnt):
            for k in range(8):
                cv = colb[r, pl.ds(k * L, L)]
                rv = rowb[r, pl.ds(k * L, L)]
                dc = plsc.load_gather(dmv, [cv])
                mk = dc > 0
                n = jnp.sum(mk.astype(jnp.int32))

                @pl.when(n > 0)
                def _():
                    dr = jnp.abs(plsc.load_gather(dmv, [rv]))
                    plsc.store_compressed(lrow.at[pl.ds(cnt, L)], rv, mask=mk)
                    plsc.store_compressed(lsc.at[pl.ds(cnt, L)], dr * dc,
                                          mask=mk)
                    plsc.store_compressed(ltg.at[pl.ds(cnt, L)], cv, mask=mk)
                cnt = cnt + n
            return cnt
        cnt = lax.fori_loop(0, WIN, cstep, cnt)

        @pl.when(cnt > FLUSH_B)
        def _():
            _drain(lrow, lsc, ltg, gx_hbm, rows, tgtb, agg_acc, cnt,
                   sem_g, sem_s, DUMP, 64)
        return jnp.where(cnt > FLUSH_B, 0, cnt)
    cnt = lax.fori_loop(0, NWIN, win, jnp.int32(0))

    base = wid * (NP // NW)

    def sstep(t, cnt):
        off = base + t * L
        dv = dmv[pl.ds(off, L)]
        mk = dv > 0
        n = jnp.sum(mk.astype(jnp.int32))

        @pl.when(n > 0)
        def _():
            vv = lax.iota(jnp.int32, L) + off
            plsc.store_compressed(lrow.at[pl.ds(cnt, L)], vv, mask=mk)
            plsc.store_compressed(lsc.at[pl.ds(cnt, L)], dv * dv, mask=mk)
            plsc.store_compressed(ltg.at[pl.ds(cnt, L)], vv, mask=mk)
        return cnt + n
    cnt = lax.fori_loop(0, (NP // NW) // L, sstep, cnt)

    _drain(lrow, lsc, ltg, gx_hbm, rows, tgtb, agg_acc, cnt, sem_g, sem_s,
           DUMP, 64)
    plsc.subcore_barrier()
    for t in range(SLICE // 64):
        sl = pl.ds(sid * SLICE + t * 64, 64)
        pltpu.sync_copy(agg_acc.at[sl, :], agg_out.at[cid, sl, :])


def _passB(row2d, col2d, dismk, graph_x):
    f = pl.kernel(
        _passB_body,
        out_type=jax.ShapeDtypeStruct((NC, NP, D), jnp.float32),
        mesh=_mesh(),
        name="sc_passB",
        compiler_params=pltpu.CompilerParams(needs_layout_passes=False),
        scratch_types=[
            pltpu.VMEM_SHARED((NP, D), jnp.float32),
            pltpu.VMEM((NP,), jnp.float32),
            pltpu.VMEM((WIN, 128), jnp.int32),
            pltpu.VMEM((WIN, 128), jnp.int32),
            pltpu.VMEM((LCAP_B,), jnp.int32),
            pltpu.VMEM((LCAP_B,), jnp.float32),
            pltpu.VMEM((LCAP_B,), jnp.int32),
            pltpu.VMEM((64, D), jnp.float32),
            pltpu.VMEM((64,), jnp.int32),
            pltpu.SemaphoreType.DMA,
            pltpu.SemaphoreType.DMA,
        ],
    )
    return f(row2d, col2d, dismk, graph_x)



LCAP_C = 10752


def _passC_body(row2d, col2d, dis_hbm, qmap_hbm, h1_hbm, agg2_out,
                disv, qv, rowb, colb, lrow, lsc, lqm, rows, a2, sem_g):
    cid = lax.axis_index("c")
    sid = lax.axis_index("s")
    wid = cid * NS + sid

    zero16 = jnp.zeros((L,), jnp.float32)
    for j in range(8):
        for k in range(8):
            a2[j, pl.ds(k * L, L)] = zero16
    pltpu.sync_copy(dis_hbm, disv)
    pltpu.sync_copy(qmap_hbm, qv)

    rb = wid * WROWS

    def win(w, cnt):
        pltpu.sync_copy(row2d.at[pl.ds(rb + w * WIN, WIN)], rowb)
        pltpu.sync_copy(col2d.at[pl.ds(rb + w * WIN, WIN)], colb)

        def cstep(r, cnt):
            for k in range(8):
                cv = colb[r, pl.ds(k * L, L)]
                rv = rowb[r, pl.ds(k * L, L)]
                qm = plsc.load_gather(qv, [cv])
                mk = qm > 0
                n = jnp.sum(mk.astype(jnp.int32))

                @pl.when(n > 0)
                def _():
                    dr = plsc.load_gather(disv, [rv])
                    dc = plsc.load_gather(disv, [cv])
                    plsc.store_compressed(lrow.at[pl.ds(cnt, L)], rv, mask=mk)
                    plsc.store_compressed(lsc.at[pl.ds(cnt, L)], dr * dc,
                                          mask=mk)
                    plsc.store_compressed(lqm.at[pl.ds(cnt, L)], qm, mask=mk)
                cnt = cnt + n
            return cnt
        return lax.fori_loop(0, WIN, cstep, cnt)
    cnt = lax.fori_loop(0, NWIN, win, jnp.int32(0))

    base = wid * (NP // NW)

    def sstep(t, cnt):
        off = base + t * L
        qm = qv[pl.ds(off, L)]
        mk = qm > 0
        n = jnp.sum(mk.astype(jnp.int32))

        @pl.when(n > 0)
        def _():
            dv = disv[pl.ds(off, L)]
            vv = lax.iota(jnp.int32, L) + off
            plsc.store_compressed(lrow.at[pl.ds(cnt, L)], vv, mask=mk)
            plsc.store_compressed(lsc.at[pl.ds(cnt, L)], dv * dv, mask=mk)
            plsc.store_compressed(lqm.at[pl.ds(cnt, L)], qm, mask=mk)
        return cnt + n
    cnt = lax.fori_loop(0, (NP // NW) // L, sstep, cnt)

    izero16 = jnp.zeros((L,), jnp.int32)
    lrow[pl.ds(cnt, L)] = izero16
    lsc[pl.ds(cnt, L)] = zero16
    lqm[pl.ds(cnt, L)] = izero16

    nb = (cnt + L - 1) // L

    def gstep(b, c):
        pltpu.async_copy(h1_hbm.at[lrow.at[pl.ds(b * L, L)]], rows,
                         sem_g).wait()

        def acc_row(i, cc):
            gi = b * L + i
            sb = plsc.load_gather(lsc, [jnp.full((L,), gi, jnp.int32)])
            qb = plsc.load_gather(lqm, [jnp.full((L,), gi, jnp.int32)])
            for j in range(5):
                mj = ((qb >> j) & 1) > 0
                nj = jnp.sum(mj.astype(jnp.int32))

                @pl.when(nj > 0)
                def _():
                    for k in range(8):
                        a2[j, pl.ds(k * L, L)] = (
                            a2[j, pl.ds(k * L, L)]
                            + rows[i, pl.ds(k * L, L)] * sb)
            return cc
        lax.fori_loop(0, L, acc_row, 0)
        return c
    lax.fori_loop(0, nb, gstep, 0)

    pltpu.sync_copy(a2, agg2_out.at[wid])


def _passC(row2d, col2d, dis, qmap, h1):
    f = pl.kernel(
        _passC_body,
        out_type=jax.ShapeDtypeStruct((NW, 8, D), jnp.float32),
        mesh=_mesh(),
        name="sc_passC",
        compiler_params=pltpu.CompilerParams(needs_layout_passes=False),
        scratch_types=[
            pltpu.VMEM((NP,), jnp.float32),
            pltpu.VMEM((NP,), jnp.int32),
            pltpu.VMEM((WIN, 128), jnp.int32),
            pltpu.VMEM((WIN, 128), jnp.int32),
            pltpu.VMEM((LCAP_C,), jnp.int32),
            pltpu.VMEM((LCAP_C,), jnp.float32),
            pltpu.VMEM((LCAP_C,), jnp.int32),
            pltpu.VMEM((L, D), jnp.float32),
            pltpu.VMEM((8, D), jnp.float32),
            pltpu.SemaphoreType.DMA,
        ],
    )
    return f(row2d, col2d, dis, qmap, h1)



def _prep_body(degp_ref, markp_ref, qmap_ref, dis_ref, dismk_ref):
    node = (lax.broadcasted_iota(jnp.int32, (NROW, D), 0) * D
            + lax.broadcasted_iota(jnp.int32, (NROW, D), 1))
    deg = degp_ref[0] + degp_ref[1] + 1.0
    dis = lax.rsqrt(deg)
    dis_ref[...] = dis
    m = ((markp_ref[0] + markp_ref[1]) > 0) | (qmap_ref[...] > 0)
    dismk_ref[...] = jnp.where(m & (node < N_NODES), dis, -dis)


def _prep(deg_parts, mark_parts, qmap):
    return pl.pallas_call(
        _prep_body,
        out_shape=[jax.ShapeDtypeStruct((NROW, D), jnp.float32),
                   jax.ShapeDtypeStruct((NROW, D), jnp.float32)],
    )(deg_parts.reshape(NC, NROW, D), mark_parts.reshape(NC, NROW, D), qmap)



def _h1_body(agg_ref, w_ref, b_ref, out_ref):
    agg = agg_ref[0] + agg_ref[1]
    acc = lax.dot_general(agg, w_ref[...],
                          (((1,), (1,)), ((), ())),
                          preferred_element_type=jnp.float32)
    out_ref[...] = jnp.maximum(acc + b_ref[...], 0.0)


def _h1_matmul(agg_parts, W1, b1):
    blk = 1024
    grid = NP // blk
    return pl.pallas_call(
        _h1_body,
        grid=(grid,),
        in_specs=[
            pl.BlockSpec((NC, blk, D), lambda i: (0, i, 0)),
            pl.BlockSpec((D, D), lambda i: (0, 0)),
            pl.BlockSpec((1, D), lambda i: (0, 0)),
        ],
        out_specs=pl.BlockSpec((blk, D), lambda i: (i, 0)),
        out_shape=jax.ShapeDtypeStruct((NP, D), jnp.float32),
    )(agg_parts, W1, b1.reshape(1, D))



def _head_body(agg2_ref, w2_ref, b2_ref, wp1a_ref, wp1b_ref, bp1_ref,
               wp2_ref, bp2_ref, xp_ref, out_ref):
    agg2 = agg2_ref[0]
    for i in range(1, NW):
        agg2 = agg2 + agg2_ref[i]
    h2 = lax.dot_general(agg2, w2_ref[...], (((1,), (1,)), ((), ())),
                         preferred_element_type=jnp.float32)
    h2 = jnp.maximum(h2 + b2_ref[...], 0.0)
    p = lax.dot_general(xp_ref[...], wp1b_ref[...], (((1,), (1,)), ((), ())),
                        preferred_element_type=jnp.float32)
    for j in range(5):
        p = p + lax.dot_general(h2[j:j + 1, :], wp1a_ref[:, j * D:(j + 1) * D],
                                (((1,), (1,)), ((), ())),
                                preferred_element_type=jnp.float32)
    p = jnp.maximum(p + bp1_ref[...], 0.0)
    out = lax.dot_general(p, wp2_ref[...], (((1,), (1,)), ((), ())),
                          preferred_element_type=jnp.float32)
    out_ref[...] = out + bp2_ref[...]


def _head(agg2_parts, W2, b2, Wp1, bp1, Wp2, bp2, x):
    wp1a = Wp1[:, :640]
    wp1b = jnp.zeros((256, D), jnp.float32).at[:, :64].set(Wp1[:, 640:704])
    xp = jnp.zeros((1, D), jnp.float32).at[0, :64].set(x)
    out = pl.pallas_call(
        _head_body,
        out_shape=jax.ShapeDtypeStruct((1, 256), jnp.float32),
    )(agg2_parts, W2, b2.reshape(1, -1),
      wp1a, wp1b, bp1.reshape(1, -1), Wp2, bp2.reshape(1, -1), xp)
    return out.reshape(-1)



def kernel(graph_x, graph_edge_index, position, available_moves, x,
           W1, b1, W2, b2, Wp1, bp1, Wp2, bp2):
    row = graph_edge_index[0]
    col = graph_edge_index[1]
    row2d = jnp.concatenate([row, jnp.zeros((EPAD,), jnp.int32)]).reshape(EROWS, 128)
    col2d = jnp.concatenate([col, jnp.full((EPAD,), DUMP, jnp.int32)]).reshape(EROWS, 128)
    q8 = jnp.concatenate([available_moves, position,
                          jnp.full((3,), -1, jnp.int32)])

    qmap2d = _qmap(q8)
    deg_parts, mark_parts = _passA(row2d, col2d, qmap2d.reshape(NP))
    dis2d, dismk2d = _prep(deg_parts, mark_parts, qmap2d)
    dis = dis2d.reshape(NP)
    dismk = dismk2d.reshape(NP)
    qmap = qmap2d.reshape(NP)

    agg_parts = _passB(row2d, col2d, dismk, graph_x)
    h1 = _h1_matmul(agg_parts, W1, b1)

    agg2_parts = _passC(row2d, col2d, dis, qmap, h1)

    return _head(agg2_parts, W2, b2, Wp1, bp1, Wp2, bp2, x)

# --- scband reference (transcript-rebuilt; emitter-appended) ---
"""Pipeline reference for scband-gnnbackbone-13915694039566 (READ-ONLY COPY).

The authoritative reference and input builder live on the scoring server;
editing this copy changes nothing except your own understanding.
"""

import jax, jax.numpy as jnp
import numpy as np

N_NODES = 10000
N_EDGES = 320000
D_FEAT = 128
HIDDEN = 128
EMB = 256
X_DIM = 64


def setup_inputs(seed: int = 0) -> dict:
    key = jax.random.key(seed)
    ks = jax.random.split(key, 14)
    graph_x = jax.random.normal(ks[0], (N_NODES, D_FEAT), dtype=jnp.float32)
    graph_edge_index = jax.random.randint(ks[1], (2, N_EDGES), 0, N_NODES, dtype=jnp.int32)
    position = jax.random.randint(ks[2], (1,), 0, N_NODES, dtype=jnp.int32)
    available_moves = jax.random.randint(ks[3], (4,), 0, N_NODES, dtype=jnp.int32)
    x = jax.random.normal(ks[4], (X_DIM,), dtype=jnp.float32)
    # learned parameters
    W1 = jax.random.normal(ks[5], (HIDDEN, D_FEAT), dtype=jnp.float32) * 0.05
    b1 = jnp.zeros((HIDDEN,), dtype=jnp.float32)
    W2 = jax.random.normal(ks[6], (HIDDEN, HIDDEN), dtype=jnp.float32) * 0.05
    b2 = jnp.zeros((HIDDEN,), dtype=jnp.float32)
    Wp1 = jax.random.normal(ks[7], (EMB, HIDDEN * 5 + X_DIM), dtype=jnp.float32) * 0.05
    bp1 = jnp.zeros((EMB,), dtype=jnp.float32)
    Wp2 = jax.random.normal(ks[8], (EMB, EMB), dtype=jnp.float32) * 0.05
    bp2 = jnp.zeros((EMB,), dtype=jnp.float32)
    return {
        "graph_x": graph_x,
        "graph_edge_index": graph_edge_index,
        "position": position,
        "available_moves": available_moves,
        "x": x,
        "W1": W1, "b1": b1, "W2": W2, "b2": b2,
        "Wp1": Wp1, "bp1": bp1, "Wp2": Wp2, "bp2": bp2,
    }


def gcn_conv(x, edge_index, W, b):
    # Faithful PyG GCNConv: add self loops, symmetric normalization,
    # linear transform first, then normalized scatter-add aggregation, then bias.
    N = x.shape[0]
    loops = jnp.arange(N, dtype=edge_index.dtype)
    row = jnp.concatenate([edge_index[0], loops])  # source
    col = jnp.concatenate([edge_index[1], loops])  # target
    deg = jnp.zeros((N,), dtype=x.dtype).at[col].add(jnp.ones_like(col, dtype=x.dtype))
    deg_inv_sqrt = jnp.where(deg > 0, 1.0 / jnp.sqrt(deg), 0.0)
    norm = deg_inv_sqrt[row] * deg_inv_sqrt[col]
    h = x @ W.T
    msg = h[row] * norm[:, None]
    out = jnp.zeros_like(h).at[col].add(msg)
    return out + b


def reference(graph_x, graph_edge_index, position, available_moves, x,
              W1, b1, W2, b2, Wp1, bp1, Wp2, bp2):
    # 2D path of GNNBackbone.forward (graph_x.ndim == 2)
    all_positions = jnp.concatenate([available_moves, position], axis=0)
    h = jax.nn.relu(gcn_conv(graph_x, graph_edge_index, W1, b1))
    h = jax.nn.relu(gcn_conv(h, graph_edge_index, W2, b2))
    current_x = h[all_positions].reshape(-1)
    current_x = jnp.concatenate([current_x, x], axis=-1)
    p = jax.nn.relu(current_x @ Wp1.T + bp1)
    projected = p @ Wp2.T + bp2
    return projected

if __name__ == "__main__":
    import jax
    _d = setup_inputs()
    print(jax.jit(kernel)(*tuple(_d.values())))

</pallas_src>

<mosaic_0001>
#map = affine_map<(d0, d1) -> (0, 0)>
#map1 = affine_map<(d0, d1) -> (0)>
#map2 = affine_map<(d0, d1) -> (0, 0, 0)>
module attributes {stable_mosaic.version = 14 : i64} {
  func.func @sc_passB(%arg0: i32, %arg1: i32, %arg2: memref<2560x128xi32, #tpu.memory_space<hbm>>, %arg3: memref<2560x128xi32, #tpu.memory_space<hbm>>, %arg4: memref<10240xf32, #tpu.memory_space<hbm>>, %arg5: memref<10000x128xf32, #tpu.memory_space<hbm>>, %arg6: memref<2x10240x128xf32, #tpu.memory_space<hbm>>, %arg7: memref<10240x128xf32, #tpu.memory_space<vmem_shared>>, %arg8: memref<10240xf32, #tpu.memory_space<vmem>>, %arg9: memref<16x128xi32, #tpu.memory_space<vmem>>, %arg10: memref<16x128xi32, #tpu.memory_space<vmem>>, %arg11: memref<4096xi32, #tpu.memory_space<vmem>>, %arg12: memref<4096xf32, #tpu.memory_space<vmem>>, %arg13: memref<4096xi32, #tpu.memory_space<vmem>>, %arg14: memref<64x128xf32, #tpu.memory_space<vmem>>, %arg15: memref<64xi32, #tpu.memory_space<vmem>>, %arg16: memref<!tpu.dma_semaphore, #tpu.memory_space<semaphore_mem>>, %arg17: memref<!tpu.dma_semaphore, #tpu.memory_space<semaphore_mem>>) attributes {dimension_semantics = [#tpu.dimension_semantics<core_parallel>, #tpu.dimension_semantics<subcore_parallel>], iteration_bounds = array<i64: 2, 16>, scalar_prefetch = 0 : i64, scratch_operands = 11 : i64, tpu.core_type = #tpu.core_type<sc_vector_subcore>, window_params = [{transform_indices = #map}, {transform_indices = #map}, {transform_indices = #map1}, {transform_indices = #map}, {transform_indices = #map2}]} {
    %mul3A = arith.constant 16 : i32
    %mul3A_0 = arith.muli %arg0, %mul3A : i32
    %add3A = arith.addi %mul3A_0, %arg1 : i32
    %broadcast_in_dim3A = arith.constant 0.000000e+00 : f32
    %broadcast_in_dim3A_1 = vector.broadcast %broadcast_in_dim3A : f32 to vector<16xf32>
    %scan3A = arith.constant 0 : i32
    %scan3A_2 = arith.constant 0 : i32
    %scan3A_3 = arith.constant 64 : i32
    %scan3A_4 = arith.addi %scan3A_2, %scan3A_3 : i32
    %scan3A_5 = arith.constant 1 : i32
    scf.for %scan3A_208 = %scan3A_2 to %scan3A_4 step %scan3A_5  : i32 {
      %swap3A_209 = arith.index_cast %scan3A_208 : i32 to index
      %swap3A_210 = arith.constant 0 : index
      %swap3A_211 = tpu.vector_load %arg14[%swap3A_209, %swap3A_210] {strides = array<i32>} : memref<64x128xf32, #tpu.memory_space<vmem>>, vector<16xf32>,
      tpu.vector_store %arg14[%swap3A_209, %swap3A_210], %broadcast_in_dim3A_1 {strides = array<i32>} : memref<64x128xf32, #tpu.memory_space<vmem>>, vector<16xf32>,
      %swap3A_212 = arith.index_cast %scan3A_208 : i32 to index
      %swap3A_213 = arith.constant 16 : index
      %swap3A_214 = tpu.vector_load %arg14[%swap3A_212, %swap3A_213] {strides = array<i32>} : memref<64x128xf32, #tpu.memory_space<vmem>>, vector<16xf32>,
      tpu.vector_store %arg14[%swap3A_212, %swap3A_213], %broadcast_in_dim3A_1 {strides = array<i32>} : memref<64x128xf32, #tpu.memory_space<vmem>>, vector<16xf32>,
      %swap3A_215 = arith.index_cast %scan3A_208 : i32 to index
      %swap3A_216 = arith.constant 32 : index
      %swap3A_217 = tpu.vector_load %arg14[%swap3A_215, %swap3A_216] {strides = array<i32>} : memref<64x128xf32, #tpu.memory_space<vmem>>, vector<16xf32>,
      tpu.vector_store %arg14[%swap3A_215, %swap3A_216], %broadcast_in_dim3A_1 {strides = array<i32>} : memref<64x128xf32, #tpu.memory_space<vmem>>, vector<16xf32>,
      %swap3A_218 = arith.index_cast %scan3A_208 : i32 to index
      %swap3A_219 = arith.constant 48 : index
      %swap3A_220 = tpu.vector_load %arg14[%swap3A_218, %swap3A_219] {strides = array<i32>} : memref<64x128xf32, #tpu.memory_space<vmem>>, vector<16xf32>,
      tpu.vector_store %arg14[%swap3A_218, %swap3A_219], %broadcast_in_dim3A_1 {strides = array<i32>} : memref<64x128xf32, #tpu.memory_space<vmem>>, vector<16xf32>,
      %swap3A_221 = arith.index_cast %scan3A_208 : i32 to index
      %swap3A_222 = arith.constant 64 : index
      %swap3A_223 = tpu.vector_load %arg14[%swap3A_221, %swap3A_222] {strides = array<i32>} : memref<64x128xf32, #tpu.memory_space<vmem>>, vector<16xf32>,
      tpu.vector_store %arg14[%swap3A_221, %swap3A_222], %broadcast_in_dim3A_1 {strides = array<i32>} : memref<64x128xf32, #tpu.memory_space<vmem>>, vector<16xf32>,
      %swap3A_224 = arith.index_cast %scan3A_208 : i32 to index
      %swap3A_225 = arith.constant 80 : index
      %swap3A_226 = tpu.vector_load %arg14[%swap3A_224, %swap3A_225] {strides = array<i32>} : memref<64x128xf32, #tpu.memory_space<vmem>>, vector<16xf32>,
      tpu.vector_store %arg14[%swap3A_224, %swap3A_225], %broadcast_in_dim3A_1 {strides = array<i32>} : memref<64x128xf32, #tpu.memory_space<vmem>>, vector<16xf32>,
      %swap3A_227 = arith.index_cast %scan3A_208 : i32 to index
      %swap3A_228 = arith.constant 96 : index
      %swap3A_229 = tpu.vector_load %arg14[%swap3A_227, %swap3A_228] {strides = array<i32>} : memref<64x128xf32, #tpu.memory_space<vmem>>, vector<16xf32>,
      tpu.vector_store %arg14[%swap3A_227, %swap3A_228], %broadcast_in_dim3A_1 {strides = array<i32>} : memref<64x128xf32, #tpu.memory_space<vmem>>, vector<16xf32>,
      %swap3A_230 = arith.index_cast %scan3A_208 : i32 to index
      %swap3A_231 = arith.constant 112 : index
      %swap3A_232 = tpu.vector_load %arg14[%swap3A_230, %swap3A_231] {strides = array<i32>} : memref<64x128xf32, #tpu.memory_space<vmem>>, vector<16xf32>,
      tpu.vector_store %arg14[%swap3A_230, %swap3A_231], %broadcast_in_dim3A_1 {strides = array<i32>} : memref<64x128xf32, #tpu.memory_space<vmem>>, vector<16xf32>,
    }
    %scan3A_6 = arith.constant 64 : i32
    "tpu.region"() ({
      %run_scoped3A = tpu.sem_alloc : memref<!tpu.dma_semaphore, #tpu.memory_space<semaphore_mem>>
      tpu.enqueue_dma source(%arg4 : memref<10240xf32, #tpu.memory_space<hbm>>) target(%arg8 : memref<10240xf32, #tpu.memory_space<vmem>>) target_semaphore(%run_scoped3A : memref<!tpu.dma_semaphore, #tpu.memory_space<semaphore_mem>>)
      tpu.wait_dma2 semaphore(%run_scoped3A : memref<!tpu.dma_semaphore, #tpu.memory_space<semaphore_mem>>) src(%arg4 : memref<10240xf32, #tpu.memory_space<hbm>>) dst(%arg8 : memref<10240xf32, #tpu.memory_space<vmem>>)
      tpu.yield
    }) : () -> ()
    %broadcast_in_dim3A_7 = arith.constant 10200 : i32
    %broadcast_in_dim3A_8 = vector.broadcast %broadcast_in_dim3A_7 : i32 to vector<16xi32>
    %scan3A_9 = arith.constant 0 : i32
    %scan3A_10 = arith.constant 0 : i32
    %scan3A_11 = arith.constant 40 : i32
    %scan3A_12 = arith.addi %scan3A_10, %scan3A_11 : i32
    %scan3A_13 = arith.constant 1 : i32
    %scan3A_14 = scf.for %scan3A_208 = %scan3A_10 to %scan3A_12 step %scan3A_13 iter_args(%scan3A_209 = %scan3A_9) -> (i32)  : i32 {
      %mul3A_210 = arith.constant 640 : i32
      %mul3A_211 = arith.muli %arg1, %mul3A_210 : i32
      %mul3A_212 = arith.constant 16 : i32
      %mul3A_213 = arith.muli %scan3A_208, %mul3A_212 : i32
      %add3A_214 = arith.addi %mul3A_211, %mul3A_213 : i32
      %get3A = arith.index_cast %add3A_214 : i32 to index
      %get3A_215 = tpu.vector_load %arg8[%get3A] {strides = array<i32>} : memref<10240xf32, #tpu.memory_space<vmem>>, vector<16xf32>,
      %gt3A = arith.constant 0.000000e+00 : f32
      %gt3A_216 = vector.broadcast %gt3A : f32 to vector<16xf32>
      %gt3A_217 = arith.cmpf ogt, %get3A_215, %gt3A_216 : vector<16xf32>
      %convert_element_type3A = arith.extui %gt3A_217 : vector<16xi1> to vector<16xi32>
      %reduce_sum3A = arith.constant true
      %reduce_sum3A_218 = vector.broadcast %reduce_sum3A : i1 to vector<16xi1>
      %reduce_sum3A_219 = tpu.scan <sum>, %convert_element_type3A masked %reduce_sum3A_218 : vector<16xi32>, vector<16xi1> -> vector<16xi32>
      %reduce_sum3A_220 = vector.extract %reduce_sum3A_219[15] : i32 from vector<16xi32>
      %gt3A_221 = arith.constant 0 : i32
      %gt3A_222 = arith.cmpi sgt, %reduce_sum3A_220, %gt3A_221 : i32
      %convert_element_type3A_223 = arith.extui %gt3A_222 : i1 to i32
      %cond3A = arith.constant 0 : i32
      %cond3A_224 = arith.cmpi ne, %convert_element_type3A_223, %cond3A : i32
      scf.if %cond3A_224 {
        %iota3A = tpu.iota {dimensions = array<i32: 0>} : vector<16xi32>
        %add3A_226 = vector.broadcast %add3A_214 : i32 to vector<16xi32>
        %add3A_227 = arith.addi %iota3A, %add3A_226 : vector<16xi32>
        %swap3A_228 = arith.index_cast %scan3A_209 : i32 to index
        %swap3A_229 = tpu.vector_load %arg11[%swap3A_228] masked %gt3A_217 {strides = array<i32>} : memref<4096xi32, #tpu.memory_space<vmem>>, vector<16xi32>, vector<16xi1>
        tpu.vector_store %arg11[%swap3A_228], %add3A_227 masked %gt3A_217 {strides = array<i32>} : memref<4096xi32, #tpu.memory_space<vmem>>, vector<16xi32>, vector<16xi1>
      } else {
      }
      %add3A_225 = arith.addi %scan3A_209, %reduce_sum3A_220 : i32
      scf.yield %add3A_225 : i32
    }
    %scan3A_15 = arith.constant 40 : i32
    %add3A_16 = arith.constant 0 : i32
    %add3A_17 = arith.addi %scan3A_14, %add3A_16 : i32
    %swap3A = arith.index_cast %add3A_17 : i32 to index
    %swap3A_18 = tpu.vector_load %arg11[%swap3A] {strides = array<i32>} : memref<4096xi32, #tpu.memory_space<vmem>>, vector<16xi32>,
    tpu.vector_store %arg11[%swap3A], %broadcast_in_dim3A_8 {strides = array<i32>} : memref<4096xi32, #tpu.memory_space<vmem>>, vector<16xi32>,
    %add3A_19 = arith.constant 16 : i32
    %add3A_20 = arith.addi %scan3A_14, %add3A_19 : i32
    %swap3A_21 = arith.index_cast %add3A_20 : i32 to index
    %swap3A_22 = tpu.vector_load %arg11[%swap3A_21] {strides = array<i32>} : memref<4096xi32, #tpu.memory_space<vmem>>, vector<16xi32>,
    tpu.vector_store %arg11[%swap3A_21], %broadcast_in_dim3A_8 {strides = array<i32>} : memref<4096xi32, #tpu.memory_space<vmem>>, vector<16xi32>,
    %add3A_23 = arith.constant 32 : i32
    %add3A_24 = arith.addi %scan3A_14, %add3A_23 : i32
    %swap3A_25 = arith.index_cast %add3A_24 : i32 to index
    %swap3A_26 = tpu.vector_load %arg11[%swap3A_25] {strides = array<i32>} : memref<4096xi32, #tpu.memory_space<vmem>>, vector<16xi32>,
    tpu.vector_store %arg11[%swap3A_25], %broadcast_in_dim3A_8 {strides = array<i32>} : memref<4096xi32, #tpu.memory_space<vmem>>, vector<16xi32>,
    %add3A_27 = arith.constant 48 : i32
    %add3A_28 = arith.addi %scan3A_14, %add3A_27 : i32
    %swap3A_29 = arith.index_cast %add3A_28 : i32 to index
    %swap3A_30 = tpu.vector_load %arg11[%swap3A_29] {strides = array<i32>} : memref<4096xi32, #tpu.memory_space<vmem>>, vector<16xi32>,
    tpu.vector_store %arg11[%swap3A_29], %broadcast_in_dim3A_8 {strides = array<i32>} : memref<4096xi32, #tpu.memory_space<vmem>>, vector<16xi32>,
    %add3A_31 = arith.constant 63 : i32
    %add3A_32 = arith.addi %scan3A_14, %add3A_31 : i32
    %jit3A = arith.constant 64 : i32
    %div3A = arith.divsi %add3A_32, %jit3A : i32
    %sign3A = arith.constant 0 : i32
    %sign3A_33 = arith.cmpi sgt, %add3A_32, %sign3A : i32
    %sign3A_34 = arith.extui %sign3A_33 : i1 to i32
    %sign3A_35 = arith.constant 0 : i32
    %sign3A_36 = arith.cmpi slt, %add3A_32, %sign3A_35 : i32
    %sign3A_37 = arith.extui %sign3A_36 : i1 to i32
    %sign3A_38 = arith.subi %sign3A_34, %sign3A_37 : i32
    %sign3A_39 = arith.constant 0 : i32
    %sign3A_40 = arith.cmpi sgt, %jit3A, %sign3A_39 : i32
    %sign3A_41 = arith.extui %sign3A_40 : i1 to i32
    %sign3A_42 = arith.constant 0 : i32
    %sign3A_43 = arith.cmpi slt, %jit3A, %sign3A_42 : i32
    %sign3A_44 = arith.extui %sign3A_43 : i1 to i32
    %sign3A_45 = arith.subi %sign3A_41, %sign3A_44 : i32
    %ne3A = arith.cmpi ne, %sign3A_38, %sign3A_45 : i32
    %rem3A = arith.remsi %add3A_32, %jit3A : i32
    %ne3A_46 = arith.constant 0 : i32
    %ne3A_47 = arith.cmpi ne, %rem3A, %ne3A_46 : i32
    %and3A = arith.andi %ne3A, %ne3A_47 : i1
    %sub3A = arith.constant 1 : i32
    %sub3A_48 = arith.subi %div3A, %sub3A : i32
    %select_n3A = arith.select %and3A, %sub3A_48, %div3A : i32
    %while3A = arith.constant 0 : i32
    %while3A_49 = arith.constant 0 : i32
    %while3A_50 = arith.subi %select_n3A, %while3A_49 : i32
    %while3A_51 = arith.addi %while3A_49, %while3A_50 : i32
    %while3A_52 = arith.constant 1 : i32
    %while3A_53 = arith.divsi %while3A_50, %while3A_52 : i32
    %while3A_54 = arith.muli %while3A_53, %while3A_52 : i32
    %while3A_55 = arith.addi %while3A_49, %while3A_54 : i32
    %while3A_56 = arith.constant 1 : i32
    scf.for %while3A_208 = %while3A_49 to %while3A_55 step %while3A_56  : i32 {
      %mul3A_209 = arith.constant 64 : i32
      %mul3A_210 = arith.muli %while3A_208, %mul3A_209 : i32
      %add3A_211 = arith.constant 0 : i32
      %add3A_212 = arith.addi %mul3A_210, %add3A_211 : i32
      %get3A = arith.index_cast %add3A_212 : i32 to index
      %get3A_213 = tpu.vector_load %arg11[%get3A] {strides = array<i32>} : memref<4096xi32, #tpu.memory_space<vmem>>, vector<16xi32>,
      %swap3A_214 = arith.constant 0 : index
      %swap3A_215 = tpu.vector_load %arg15[%swap3A_214] {strides = array<i32>} : memref<64xi32, #tpu.memory_space<vmem>>, vector<16xi32>,
      tpu.vector_store %arg15[%swap3A_214], %get3A_213 {strides = array<i32>} : memref<64xi32, #tpu.memory_space<vmem>>, vector<16xi32>,
      %mul3A_216 = arith.constant 64 : i32
      %mul3A_217 = arith.muli %while3A_208, %mul3A_216 : i32
      %add3A_218 = arith.constant 16 : i32
      %add3A_219 = arith.addi %mul3A_217, %add3A_218 : i32
      %get3A_220 = arith.index_cast %add3A_219 : i32 to index
      %get3A_221 = tpu.vector_load %arg11[%get3A_220] {strides = array<i32>} : memref<4096xi32, #tpu.memory_space<vmem>>, vector<16xi32>,
      %swap3A_222 = arith.constant 16 : index
      %swap3A_223 = tpu.vector_load %arg15[%swap3A_222] {strides = array<i32>} : memref<64xi32, #tpu.memory_space<vmem>>, vector<16xi32>,
      tpu.vector_store %arg15[%swap3A_222], %get3A_221 {strides = array<i32>} : memref<64xi32, #tpu.memory_space<vmem>>, vector<16xi32>,
      %mul3A_224 = arith.constant 64 : i32
      %mul3A_225 = arith.muli %while3A_208, %mul3A_224 : i32
      %add3A_226 = arith.constant 32 : i32
      %add3A_227 = arith.addi %mul3A_225, %add3A_226 : i32
      %get3A_228 = arith.index_cast %add3A_227 : i32 to index
      %get3A_229 = tpu.vector_load %arg11[%get3A_228] {strides = array<i32>} : memref<4096xi32, #tpu.memory_space<vmem>>, vector<16xi32>,
      %swap3A_230 = arith.constant 32 : index
      %swap3A_231 = tpu.vector_load %arg15[%swap3A_230] {strides = array<i32>} : memref<64xi32, #tpu.memory_space<vmem>>, vector<16xi32>,
      tpu.vector_store %arg15[%swap3A_230], %get3A_229 {strides = array<i32>} : memref<64xi32, #tpu.memory_space<vmem>>, vector<16xi32>,
      %mul3A_232 = arith.constant 64 : i32
      %mul3A_233 = arith.muli %while3A_208, %mul3A_232 : i32
      %add3A_234 = arith.constant 48 : i32
      %add3A_235 = arith.addi %mul3A_233, %add3A_234 : i32
      %get3A_236 = arith.index_cast %add3A_235 : i32 to index
      %get3A_237 = tpu.vector_load %arg11[%get3A_236] {strides = array<i32>} : memref<4096xi32, #tpu.memory_space<vmem>>, vector<16xi32>,
      %swap3A_238 = arith.constant 48 : index
      %swap3A_239 = tpu.vector_load %arg15[%swap3A_238] {strides = array<i32>} : memref<64xi32, #tpu.memory_space<vmem>>, vector<16xi32>,
      tpu.vector_store %arg15[%swap3A_238], %get3A_237 {strides = array<i32>} : memref<64xi32, #tpu.memory_space<vmem>>, vector<16xi32>,
      %dma_start3A = arith.constant 0 : i32
      %dma_start3A_240 = arith.constant 0 : i32
      %dma_start3A_241 = tpu.memref_slice %arg7[%dma_start3A, %dma_start3A_240] : memref<10240x128xf32, #tpu.memory_space<vmem_shared>> -> memref<10240x128xf32, #tpu.memory_space<vmem_shared>>
      tpu.enqueue_indirect_dma source(%arg14 : memref<64x128xf32, #tpu.memory_space<vmem>>) target(%dma_start3A_241 : memref<10240x128xf32, #tpu.memory_space<vmem_shared>>) offsets(%arg15 : memref<64xi32, #tpu.memory_space<vmem>>) semaphore(%arg17 : memref<!tpu.dma_semaphore, #tpu.memory_space<semaphore_mem>>)
      %dma_wait3A = arith.constant 0 : i32
      %dma_wait3A_242 = arith.constant 0 : i32
      %dma_wait3A_243 = tpu.memref_slice %arg7[%dma_wait3A, %dma_wait3A_242] : memref<10240x128xf32, #tpu.memory_space<vmem_shared>> -> memref<10240x128xf32, #tpu.memory_space<vmem_shared>>
      tpu.wait_indirect_dma semaphore(%arg17 : memref<!tpu.dma_semaphore, #tpu.memory_space<semaphore_mem>>) src(%arg14 : memref<64x128xf32, #tpu.memory_space<vmem>>) dst(%dma_wait3A_243 : memref<10240x128xf32, #tpu.memory_space<vmem_shared>>)
    }
    %while3A_57 = arith.constant 1 : i32
    scf.for %while3A_208 = %while3A_55 to %while3A_51 step %while3A_57  : i32 {
      %mul3A_209 = arith.constant 64 : i32
      %mul3A_210 = arith.muli %while3A_208, %mul3A_209 : i32
      %add3A_211 = arith.constant 0 : i32
      %add3A_212 = arith.addi %mul3A_210, %add3A_211 : i32
      %get3A = arith.index_cast %add3A_212 : i32 to index
      %get3A_213 = tpu.vector_load %arg11[%get3A] {strides = array<i32>} : memref<4096xi32, #tpu.memory_space<vmem>>, vector<16xi32>,
      %swap3A_214 = arith.constant 0 : index
      %swap3A_215 = tpu.vector_load %arg15[%swap3A_214] {strides = array<i32>} : memref<64xi32, #tpu.memory_space<vmem>>, vector<16xi32>,
      tpu.vector_store %arg15[%swap3A_214], %get3A_213 {strides = array<i32>} : memref<64xi32, #tpu.memory_space<vmem>>, vector<16xi32>,
      %mul3A_216 = arith.constant 64 : i32
      %mul3A_217 = arith.muli %while3A_208, %mul3A_216 : i32
      %add3A_218 = arith.constant 16 : i32
      %add3A_219 = arith.addi %mul3A_217, %add3A_218 : i32
      %get3A_220 = arith.index_cast %add3A_219 : i32 to index
      %get3A_221 = tpu.vector_load %arg11[%get3A_220] {strides = array<i32>} : memref<4096xi32, #tpu.memory_space<vmem>>, vector<16xi32>,
      %swap3A_222 = arith.constant 16 : index
      %swap3A_223 = tpu.vector_load %arg15[%swap3A_222] {strides = array<i32>} : memref<64xi32, #tpu.memory_space<vmem>>, vector<16xi32>,
      tpu.vector_store %arg15[%swap3A_222], %get3A_221 {strides = array<i32>} : memref<64xi32, #tpu.memory_space<vmem>>, vector<16xi32>,
      %mul3A_224 = arith.constant 64 : i32
      %mul3A_225 = arith.muli %while3A_208, %mul3A_224 : i32
      %add3A_226 = arith.constant 32 : i32
      %add3A_227 = arith.addi %mul3A_225, %add3A_226 : i32
      %get3A_228 = arith.index_cast %add3A_227 : i32 to index
      %get3A_229 = tpu.vector_load %arg11[%get3A_228] {strides = array<i32>} : memref<4096xi32, #tpu.memory_space<vmem>>, vector<16xi32>,
      %swap3A_230 = arith.constant 32 : index
      %swap3A_231 = tpu.vector_load %arg15[%swap3A_230] {strides = array<i32>} : memref<64xi32, #tpu.memory_space<vmem>>, vector<16xi32>,
      tpu.vector_store %arg15[%swap3A_230], %get3A_229 {strides = array<i32>} : memref<64xi32, #tpu.memory_space<vmem>>, vector<16xi32>,
      %mul3A_232 = arith.constant 64 : i32
      %mul3A_233 = arith.muli %while3A_208, %mul3A_232 : i32
      %add3A_234 = arith.constant 48 : i32
      %add3A_235 = arith.addi %mul3A_233, %add3A_234 : i32
      %get3A_236 = arith.index_cast %add3A_235 : i32 to index
      %get3A_237 = tpu.vector_load %arg11[%get3A_236] {strides = array<i32>} : memref<4096xi32, #tpu.memory_space<vmem>>, vector<16xi32>,
      %swap3A_238 = arith.constant 48 : index
      %swap3A_239 = tpu.vector_load %arg15[%swap3A_238] {strides = array<i32>} : memref<64xi32, #tpu.memory_space<vmem>>, vector<16xi32>,
      tpu.vector_store %arg15[%swap3A_238], %get3A_237 {strides = array<i32>} : memref<64xi32, #tpu.memory_space<vmem>>, vector<16xi32>,
      %dma_start3A = arith.constant 0 : i32
      %dma_start3A_240 = arith.constant 0 : i32
      %dma_start3A_241 = tpu.memref_slice %arg7[%dma_start3A, %dma_start3A_240] : memref<10240x128xf32, #tpu.memory_space<vmem_shared>> -> memref<10240x128xf32, #tpu.memory_space<vmem_shared>>
      tpu.enqueue_indirect_dma source(%arg14 : memref<64x128xf32, #tpu.memory_space<vmem>>) target(%dma_start3A_241 : memref<10240x128xf32, #tpu.memory_space<vmem_shared>>) offsets(%arg15 : memref<64xi32, #tpu.memory_space<vmem>>) semaphore(%arg17 : memref<!tpu.dma_semaphore, #tpu.memory_space<semaphore_mem>>)
      %dma_wait3A = arith.constant 0 : i32
      %dma_wait3A_242 = arith.constant 0 : i32
      %dma_wait3A_243 = tpu.memref_slice %arg7[%dma_wait3A, %dma_wait3A_242] : memref<10240x128xf32, #tpu.memory_space<vmem_shared>> -> memref<10240x128xf32, #tpu.memory_space<vmem_shared>>
      tpu.wait_indirect_dma semaphore(%arg17 : memref<!tpu.dma_semaphore, #tpu.memory_space<semaphore_mem>>) src(%arg14 : memref<64x128xf32, #tpu.memory_space<vmem>>) dst(%dma_wait3A_243 : memref<10240x128xf32, #tpu.memory_space<vmem_shared>>)
    }
    %barrier3A = arith.constant 0 : index
    tpu.barrier barrier_id(%barrier3A)
    %mul3A_58 = arith.constant 80 : i32
    %mul3A_59 = arith.muli %add3A, %mul3A_58 : i32
    %scan3A_60 = arith.constant 0 : i32
    %scan3A_61 = arith.constant 0 : i32
    %scan3A_62 = arith.constant 5 : i32
    %scan3A_63 = arith.addi %scan3A_61, %scan3A_62 : i32
    %scan3A_64 = arith.constant 1 : i32
    %scan3A_65 = scf.for %scan3A_208 = %scan3A_61 to %scan3A_63 step %scan3A_64 iter_args(%scan3A_209 = %scan3A_60) -> (i32)  : i32 {
      %mul3A_210 = arith.constant 16 : i32
      %mul3A_211 = arith.muli %scan3A_208, %mul3A_210 : i32
      %add3A_212 = arith.addi %mul3A_59, %mul3A_211 : i32
      "tpu.region"() ({
        %run_scoped3A = tpu.sem_alloc : memref<!tpu.dma_semaphore, #tpu.memory_space<semaphore_mem>>
        %dma_start3A = arith.constant 0 : i32
        %dma_start3A_228 = tpu.memref_slice %arg2[%add3A_212, %dma_start3A] : memref<2560x128xi32, #tpu.memory_space<hbm>> -> memref<16x128xi32, #tpu.memory_space<hbm>>
        %dma_start3A_229 = arith.constant 0 : i32
        %dma_start3A_230 = tpu.memref_slice %arg2[%add3A_212, %dma_start3A_229] : memref<2560x128xi32, #tpu.memory_space<hbm>> -> memref<16x128xi32, #tpu.memory_space<hbm>>
        tpu.enqueue_dma source(%dma_start3A_230 : memref<16x128xi32, #tpu.memory_space<hbm>>) target(%arg9 : memref<16x128xi32, #tpu.memory_space<vmem>>) target_semaphore(%run_scoped3A : memref<!tpu.dma_semaphore, #tpu.memory_space<semaphore_mem>>)
        %dma_wait3A = arith.constant 0 : i32
        %dma_wait3A_231 = tpu.memref_slice %arg2[%add3A_212, %dma_wait3A] : memref<2560x128xi32, #tpu.memory_space<hbm>> -> memref<16x128xi32, #tpu.memory_space<hbm>>
        %dma_wait3A_232 = arith.constant 0 : i32
        %dma_wait3A_233 = tpu.memref_slice %arg2[%add3A_212, %dma_wait3A_232] : memref<2560x128xi32, #tpu.memory_space<hbm>> -> memref<16x128xi32, #tpu.memory_space<hbm>>
        tpu.wait_dma2 semaphore(%run_scoped3A : memref<!tpu.dma_semaphore, #tpu.memory_space<semaphore_mem>>) src(%dma_wait3A_233 : memref<16x128xi32, #tpu.memory_space<hbm>>) dst(%arg9 : memref<16x128xi32, #tpu.memory_space<vmem>>)
        tpu.yield
      }) : () -> ()
      %mul3A_213 = arith.constant 16 : i32
      %mul3A_214 = arith.muli %scan3A_208, %mul3A_213 : i32
      %add3A_215 = arith.addi %mul3A_59, %mul3A_214 : i32
      "tpu.region"() ({
        %run_scoped3A = tpu.sem_alloc : memref<!tpu.dma_semaphore, #tpu.memory_space<semaphore_mem>>
        %dma_start3A = arith.constant 0 : i32
        %dma_start3A_228 = tpu.memref_slice %arg3[%add3A_215, %dma_start3A] : memref<2560x128xi32, #tpu.memory_space<hbm>> -> memref<16x128xi32, #tpu.memory_space<hbm>>
        %dma_start3A_229 = arith.constant 0 : i32
        %dma_start3A_230 = tpu.memref_slice %arg3[%add3A_215, %dma_start3A_229] : memref<2560x128xi32, #tpu.memory_space<hbm>> -> memref<16x128xi32, #tpu.memory_space<hbm>>
        tpu.enqueue_dma source(%dma_start3A_230 : memref<16x128xi32, #tpu.memory_space<hbm>>) target(%arg10 : memref<16x128xi32, #tpu.memory_space<vmem>>) target_semaphore(%run_scoped3A : memref<!tpu.dma_semaphore, #tpu.memory_space<semaphore_mem>>)
        %dma_wait3A = arith.constant 0 : i32
        %dma_wait3A_231 = tpu.memref_slice %arg3[%add3A_215, %dma_wait3A] : memref<2560x128xi32, #tpu.memory_space<hbm>> -> memref<16x128xi32, #tpu.memory_space<hbm>>
        %dma_wait3A_232 = arith.constant 0 : i32
        %dma_wait3A_233 = tpu.memref_slice %arg3[%add3A_215, %dma_wait3A_232] : memref<2560x128xi32, #tpu.memory_space<hbm>> -> memref<16x128xi32, #tpu.memory_space<hbm>>
        tpu.wait_dma2 semaphore(%run_scoped3A : memref<!tpu.dma_semaphore, #tpu.memory_space<semaphore_mem>>) src(%dma_wait3A_233 : memref<16x128xi32, #tpu.memory_space<hbm>>) dst(%arg10 : memref<16x128xi32, #tpu.memory_space<vmem>>)
        tpu.yield
      }) : () -> ()
      %scan3A_216 = arith.constant 0 : i32
      %scan3A_217 = arith.constant 16 : i32
      %scan3A_218 = arith.addi %scan3A_216, %scan3A_217 : i32
      %scan3A_219 = arith.constant 1 : i32
      %scan3A_220 = scf.for %scan3A_228 = %scan3A_216 to %scan3A_218 step %scan3A_219 iter_args(%scan3A_229 = %scan3A_209) -> (i32)  : i32 {
        %get3A = arith.index_cast %scan3A_228 : i32 to index
        %get3A_230 = arith.constant 0 : index
        %get3A_231 = tpu.vector_load %arg10[%get3A, %get3A_230] {strides = array<i32>} : memref<16x128xi32, #tpu.memory_space<vmem>>, vector<16xi32>,
        %get3A_232 = arith.index_cast %scan3A_228 : i32 to index
        %get3A_233 = arith.constant 0 : index
        %get3A_234 = tpu.vector_load %arg9[%get3A_232, %get3A_233] {strides = array<i32>} : memref<16x128xi32, #tpu.memory_space<vmem>>, vector<16xi32>,
        %gather3A = tpu.vector_load_idx %arg8[%get3A_231] : memref<10240xf32, #tpu.memory_space<vmem>>[vector<16xi32>], vector<16xf32>,
        %gt3A_235 = arith.constant 0.000000e+00 : f32
        %gt3A_236 = vector.broadcast %gt3A_235 : f32 to vector<16xf32>
        %gt3A_237 = arith.cmpf ogt, %gather3A, %gt3A_236 : vector<16xf32>
        %convert_element_type3A_238 = arith.extui %gt3A_237 : vector<16xi1> to vector<16xi32>
        %reduce_sum3A = arith.constant true
        %reduce_sum3A_239 = vector.broadcast %reduce_sum3A : i1 to vector<16xi1>
        %reduce_sum3A_240 = tpu.scan <sum>, %convert_element_type3A_238 masked %reduce_sum3A_239 : vector<16xi32>, vector<16xi1> -> vector<16xi32>
        %reduce_sum3A_241 = vector.extract %reduce_sum3A_240[15] : i32 from vector<16xi32>
        %gt3A_242 = arith.constant 0 : i32
        %gt3A_243 = arith.cmpi sgt, %reduce_sum3A_241, %gt3A_242 : i32
        %convert_element_type3A_244 = arith.extui %gt3A_243 : i1 to i32
        %cond3A_245 = arith.constant 0 : i32
        %cond3A_246 = arith.cmpi ne, %convert_element_type3A_244, %cond3A_245 : i32
        scf.if %cond3A_246 {
          %gather3A_395 = tpu.vector_load_idx %arg8[%get3A_234] : memref<10240xf32, #tpu.memory_space<vmem>>[vector<16xi32>], vector<16xf32>,
          %abs3A = math.absf %gather3A_395 : vector<16xf32>
          %swap3A_396 = arith.index_cast %scan3A_229 : i32 to index
          %swap3A_397 = tpu.vector_load %arg11[%swap3A_396] masked %gt3A_237 {strides = array<i32>} : memref<4096xi32, #tpu.memory_space<vmem>>, vector<16xi32>, vector<16xi1>
          tpu.vector_store %arg11[%swap3A_396], %get3A_234 masked %gt3A_237 {strides = array<i32>} : memref<4096xi32, #tpu.memory_space<vmem>>, vector<16xi32>, vector<16xi1>
          %mul3A_398 = arith.mulf %abs3A, %gather3A : vector<16xf32>
          %swap3A_399 = arith.index_cast %scan3A_229 : i32 to index
          %swap3A_400 = tpu.vector_load %arg12[%swap3A_399] masked %gt3A_237 {strides = array<i32>} : memref<4096xf32, #tpu.memory_space<vmem>>, vector<16xf32>, vector<16xi1>
          tpu.vector_store %arg12[%swap3A_399], %mul3A_398 masked %gt3A_237 {strides = array<i32>} : memref<4096xf32, #tpu.memory_space<vmem>>, vector<16xf32>, vector<16xi1>
          %swap3A_401 = arith.index_cast %scan3A_229 : i32 to index
          %swap3A_402 = tpu.vector_load %arg13[%swap3A_401] masked %gt3A_237 {strides = array<i32>} : memref<4096xi32, #tpu.memory_space<vmem>>, vector<16xi32>, vector<16xi1>
          tpu.vector_store %arg13[%swap3A_401], %get3A_231 masked %gt3A_237 {strides = array<i32>} : memref<4096xi32, #tpu.memory_space<vmem>>, vector<16xi32>, vector<16xi1>
        } else {
        }
        %add3A_247 = arith.addi %scan3A_229, %reduce_sum3A_241 : i32
        %get3A_248 = arith.index_cast %scan3A_228 : i32 to index
        %get3A_249 = arith.constant 16 : index
        %get3A_250 = tpu.vector_load %arg10[%get3A_248, %get3A_249] {strides = array<i32>} : memref<16x128xi32, #tpu.memory_space<vmem>>, vector<16xi32>,
        %get3A_251 = arith.index_cast %scan3A_228 : i32 to index
        %get3A_252 = arith.constant 16 : index
        %get3A_253 = tpu.vector_load %arg9[%get3A_251, %get3A_252] {strides = array<i32>} : memref<16x128xi32, #tpu.memory_space<vmem>>, vector<16xi32>,
        %gather3A_254 = tpu.vector_load_idx %arg8[%get3A_250] : memref<10240xf32, #tpu.memory_space<vmem>>[vector<16xi32>], vector<16xf32>,
        %gt3A_255 = arith.constant 0.000000e+00 : f32
        %gt3A_256 = vector.broadcast %gt3A_255 : f32 to vector<16xf32>
        %gt3A_257 = arith.cmpf ogt, %gather3A_254, %gt3A_256 : vector<16xf32>
        %convert_element_type3A_258 = arith.extui %gt3A_257 : vector<16xi1> to vector<16xi32>
        %reduce_sum3A_259 = arith.constant true
        %reduce_sum3A_260 = vector.broadcast %reduce_sum3A_259 : i1 to vector<16xi1>
        %reduce_sum3A_261 = tpu.scan <sum>, %convert_element_type3A_258 masked %reduce_sum3A_260 : vector<16xi32>, vector<16xi1> -> vector<16xi32>
        %reduce_sum3A_262 = vector.extract %reduce_sum3A_261[15] : i32 from vector<16xi32>
        %gt3A_263 = arith.constant 0 : i32
        %gt3A_264 = arith.cmpi sgt, %reduce_sum3A_262, %gt3A_263 : i32
        %convert_element_type3A_265 = arith.extui %gt3A_264 : i1 to i32
        %cond3A_266 = arith.constant 0 : i32
        %cond3A_267 = arith.cmpi ne, %convert_element_type3A_265, %cond3A_266 : i32
        scf.if %cond3A_267 {
          %gather3A_395 = tpu.vector_load_idx %arg8[%get3A_253] : memref<10240xf32, #tpu.memory_space<vmem>>[vector<16xi32>], vector<16xf32>,
          %abs3A = math.absf %gather3A_395 : vector<16xf32>
          %swap3A_396 = arith.index_cast %add3A_247 : i32 to index
          %swap3A_397 = tpu.vector_load %arg11[%swap3A_396] masked %gt3A_257 {strides = array<i32>} : memref<4096xi32, #tpu.memory_space<vmem>>, vector<16xi32>, vector<16xi1>
          tpu.vector_store %arg11[%swap3A_396], %get3A_253 masked %gt3A_257 {strides = array<i32>} : memref<4096xi32, #tpu.memory_space<vmem>>, vector<16xi32>, vector<16xi1>
          %mul3A_398 = arith.mulf %abs3A, %gather3A_254 : vector<16xf32>
          %swap3A_399 = arith.index_cast %add3A_247 : i32 to index
          %swap3A_400 = tpu.vector_load %arg12[%swap3A_399] masked %gt3A_257 {strides = array<i32>} : memref<4096xf32, #tpu.memory_space<vmem>>, vector<16xf32>, vector<16xi1>
          tpu.vector_store %arg12[%swap3A_399], %mul3A_398 masked %gt3A_257 {strides = array<i32>} : memref<4096xf32, #tpu.memory_space<vmem>>, vector<16xf32>, vector<16xi1>
          %swap3A_401 = arith.index_cast %add3A_247 : i32 to index
          %swap3A_402 = tpu.vector_load %arg13[%swap3A_401] masked %gt3A_257 {strides = array<i32>} : memref<4096xi32, #tpu.memory_space<vmem>>, vector<16xi32>, vector<16xi1>
          tpu.vector_store %arg13[%swap3A_401], %get3A_250 masked %gt3A_257 {strides = array<i32>} : memref<4096xi32, #tpu.memory_space<vmem>>, vector<16xi32>, vector<16xi1>
        } else {
        }
        %add3A_268 = arith.addi %add3A_247, %reduce_sum3A_262 : i32
        %get3A_269 = arith.index_cast %scan3A_228 : i32 to index
        %get3A_270 = arith.constant 32 : index
        %get3A_271 = tpu.vector_load %arg10[%get3A_269, %get3A_270] {strides = array<i32>} : memref<16x128xi32, #tpu.memory_space<vmem>>, vector<16xi32>,
        %get3A_272 = arith.index_cast %scan3A_228 : i32 to index
        %get3A_273 = arith.constant 32 : index
        %get3A_274 = tpu.vector_load %arg9[%get3A_272, %get3A_273] {strides = array<i32>} : memref<16x128xi32, #tpu.memory_space<vmem>>, vector<16xi32>,
        %gather3A_275 = tpu.vector_load_idx %arg8[%get3A_271] : memref<10240xf32, #tpu.memory_space<vmem>>[vector<16xi32>], vector<16xf32>,
        %gt3A_276 = arith.constant 0.000000e+00 : f32
        %gt3A_277 = vector.broadcast %gt3A_276 : f32 to vector<16xf32>
        %gt3A_278 = arith.cmpf ogt, %gather3A_275, %gt3A_277 : vector<16xf32>
        %convert_element_type3A_279 = arith.extui %gt3A_278 : vector<16xi1> to vector<16xi32>
        %reduce_sum3A_280 = arith.constant true
        %reduce_sum3A_281 = vector.broadcast %reduce_sum3A_280 : i1 to vector<16xi1>
        %reduce_sum3A_282 = tpu.scan <sum>, %convert_element_type3A_279 masked %reduce_sum3A_281 : vector<16xi32>, vector<16xi1> -> vector<16xi32>
        %reduce_sum3A_283 = vector.extract %reduce_sum3A_282[15] : i32 from vector<16xi32>
        %gt3A_284 = arith.constant 0 : i32
        %gt3A_285 = arith.cmpi sgt, %reduce_sum3A_283, %gt3A_284 : i32
        %convert_element_type3A_286 = arith.extui %gt3A_285 : i1 to i32
        %cond3A_287 = arith.constant 0 : i32
        %cond3A_288 = arith.cmpi ne, %convert_element_type3A_286, %cond3A_287 : i32
        scf.if %cond3A_288 {
          %gather3A_395 = tpu.vector_load_idx %arg8[%get3A_274] : memref<10240xf32, #tpu.memory_space<vmem>>[vector<16xi32>], vector<16xf32>,
          %abs3A = math.absf %gather3A_395 : vector<16xf32>
          %swap3A_396 = arith.index_cast %add3A_268 : i32 to index
          %swap3A_397 = tpu.vector_load %arg11[%swap3A_396] masked %gt3A_278 {strides = array<i32>} : memref<4096xi32, #tpu.memory_space<vmem>>, vector<16xi32>, vector<16xi1>
          tpu.vector_store %arg11[%swap3A_396], %get3A_274 masked %gt3A_278 {strides = array<i32>} : memref<4096xi32, #tpu.memory_space<vmem>>, vector<16xi32>, vector<16xi1>
          %mul3A_398 = arith.mulf %abs3A, %gather3A_275 : vector<16xf32>
          %swap3A_399 = arith.index_cast %add3A_268 : i32 to index
          %swap3A_400 = tpu.vector_load %arg12[%swap3A_399] masked %gt3A_278 {strides = array<i32>} : memref<4096xf32, #tpu.memory_space<vmem>>, vector<16xf32>, vector<16xi1>
          tpu.vector_store %arg12[%swap3A_399], %mul3A_398 masked %gt3A_278 {strides = array<i32>} : memref<4096xf32, #tpu.memory_space<vmem>>, vector<16xf32>, vector<16xi1>
          %swap3A_401 = arith.index_cast %add3A_268 : i32 to index
          %swap3A_402 = tpu.vector_load %arg13[%swap3A_401] masked %gt3A_278 {strides = array<i32>} : memref<4096xi32, #tpu.memory_space<vmem>>, vector<16xi32>, vector<16xi1>
          tpu.vector_store %arg13[%swap3A_401], %get3A_271 masked %gt3A_278 {strides = array<i32>} : memref<4096xi32, #tpu.memory_space<vmem>>, vector<16xi32>, vector<16xi1>
        } else {
        }
        %add3A_289 = arith.addi %add3A_268, %reduce_sum3A_283 : i32
        %get3A_290 = arith.index_cast %scan3A_228 : i32 to index
        %get3A_291 = arith.constant 48 : index
        %get3A_292 = tpu.vector_load %arg10[%get3A_290, %get3A_291] {strides = array<i32>} : memref<16x128xi32, #tpu.memory_space<vmem>>, vector<16xi32>,
        %get3A_293 = arith.index_cast %scan3A_228 : i32 to index
        %get3A_294 = arith.constant 48 : index
        %get3A_295 = tpu.vector_load %arg9[%get3A_293, %get3A_294] {strides = array<i32>} : memref<16x128xi32, #tpu.memory_space<vmem>>, vector<16xi32>,
        %gather3A_296 = tpu.vector_load_idx %arg8[%get3A_292] : memref<10240xf32, #tpu.memory_space<vmem>>[vector<16xi32>], vector<16xf32>,
        %gt3A_297 = arith.constant 0.000000e+00 : f32
        %gt3A_298 = vector.broadcast %gt3A_297 : f32 to vector<16xf32>
        %gt3A_299 = arith.cmpf ogt, %gather3A_296, %gt3A_298 : vector<16xf32>
        %convert_element_type3A_300 = arith.extui %gt3A_299 : vector<16xi1> to vector<16xi32>
        %reduce_sum3A_301 = arith.constant true
        %reduce_sum3A_302 = vector.broadcast %reduce_sum3A_301 : i1 to vector<16xi1>
        %reduce_sum3A_303 = tpu.scan <sum>, %convert_element_type3A_300 masked %reduce_sum3A_302 : vector<16xi32>, vector<16xi1> -> vector<16xi32>
        %reduce_sum3A_304 = vector.extract %reduce_sum3A_303[15] : i32 from vector<16xi32>
        %gt3A_305 = arith.constant 0 : i32
        %gt3A_306 = arith.cmpi sgt, %reduce_sum3A_304, %gt3A_305 : i32
        %convert_element_type3A_307 = arith.extui %gt3A_306 : i1 to i32
        %cond3A_308 = arith.constant 0 : i32
        %cond3A_309 = arith.cmpi ne, %convert_element_type3A_307, %cond3A_308 : i32
        scf.if %cond3A_309 {
          %gather3A_395 = tpu.vector_load_idx %arg8[%get3A_295] : memref<10240xf32, #tpu.memory_space<vmem>>[vector<16xi32>], vector<16xf32>,
          %abs3A = math.absf %gather3A_395 : vector<16xf32>
          %swap3A_396 = arith.index_cast %add3A_289 : i32 to index
          %swap3A_397 = tpu.vector_load %arg11[%swap3A_396] masked %gt3A_299 {strides = array<i32>} : memref<4096xi32, #tpu.memory_space<vmem>>, vector<16xi32>, vector<16xi1>
          tpu.vector_store %arg11[%swap3A_396], %get3A_295 masked %gt3A_299 {strides = array<i32>} : memref<4096xi32, #tpu.memory_space<vmem>>, vector<16xi32>, vector<16xi1>
          %mul3A_398 = arith.mulf %abs3A, %gather3A_296 : vector<16xf32>
          %swap3A_399 = arith.index_cast %add3A_289 : i32 to index
          %swap3A_400 = tpu.vector_load %arg12[%swap3A_399] masked %gt3A_299 {strides = array<i32>} : memref<4096xf32, #tpu.memory_space<vmem>>, vector<16xf32>, vector<16xi1>
          tpu.vector_store %arg12[%swap3A_399], %mul3A_398 masked %gt3A_299 {strides = array<i32>} : memref<4096xf32, #tpu.memory_space<vmem>>, vector<16xf32>, vector<16xi1>
          %swap3A_401 = arith.index_cast %add3A_289 : i32 to index
          %swap3A_402 = tpu.vector_load %arg13[%swap3A_401] masked %gt3A_299 {strides = array<i32>} : memref<4096xi32, #tpu.memory_space<vmem>>, vector<16xi32>, vector<16xi1>
          tpu.vector_store %arg13[%swap3A_401], %get3A_292 masked %gt3A_299 {strides = array<i32>} : memref<4096xi32, #tpu.memory_space<vmem>>, vector<16xi32>, vector<16xi1>
        } else {
        }
        %add3A_310 = arith.addi %add3A_289, %reduce_sum3A_304 : i32
        %get3A_311 = arith.index_cast %scan3A_228 : i32 to index
        %get3A_312 = arith.constant 64 : index
        %get3A_313 = tpu.vector_load %arg10[%get3A_311, %get3A_312] {strides = array<i32>} : memref<16x128xi32, #tpu.memory_space<vmem>>, vector<16xi32>,
        %get3A_314 = arith.index_cast %scan3A_228 : i32 to index
        %get3A_315 = arith.constant 64 : index
        %get3A_316 = tpu.vector_load %arg9[%get3A_314, %get3A_315] {strides = array<i32>} : memref<16x128xi32, #tpu.memory_space<vmem>>, vector<16xi32>,
        %gather3A_317 = tpu.vector_load_idx %arg8[%get3A_313] : memref<10240xf32, #tpu.memory_space<vmem>>[vector<16xi32>], vector<16xf32>,
        %gt3A_318 = arith.constant 0.000000e+00 : f32
        %gt3A_319 = vector.broadcast %gt3A_318 : f32 to vector<16xf32>
        %gt3A_320 = arith.cmpf ogt, %gather3A_317, %gt3A_319 : vector<16xf32>
        %convert_element_type3A_321 = arith.extui %gt3A_320 : vector<16xi1> to vector<16xi32>
        %reduce_sum3A_322 = arith.constant true
        %reduce_sum3A_323 = vector.broadcast %reduce_sum3A_322 : i1 to vector<16xi1>
        %reduce_sum3A_324 = tpu.scan <sum>, %convert_element_type3A_321 masked %reduce_sum3A_323 : vector<16xi32>, vector<16xi1> -> vector<16xi32>
        %reduce_sum3A_325 = vector.extract %reduce_sum3A_324[15] : i32 from vector<16xi32>
        %gt3A_326 = arith.constant 0 : i32
        %gt3A_327 = arith.cmpi sgt, %reduce_sum3A_325, %gt3A_326 : i32
        %convert_element_type3A_328 = arith.extui %gt3A_327 : i1 to i32
        %cond3A_329 = arith.constant 0 : i32
        %cond3A_330 = arith.cmpi ne, %convert_element_type3A_328, %cond3A_329 : i32
        scf.if %cond3A_330 {
          %gather3A_395 = tpu.vector_load_idx %arg8[%get3A_316] : memref<10240xf32, #tpu.memory_space<vmem>>[vector<16xi32>], vector<16xf32>,
          %abs3A = math.absf %gather3A_395 : vector<16xf32>
          %swap3A_396 = arith.index_cast %add3A_310 : i32 to index
          %swap3A_397 = tpu.vector_load %arg11[%swap3A_396] masked %gt3A_320 {strides = array<i32>} : memref<4096xi32, #tpu.memory_space<vmem>>, vector<16xi32>, vector<16xi1>
          tpu.vector_store %arg11[%swap3A_396], %get3A_316 masked %gt3A_320 {strides = array<i32>} : memref<4096xi32, #tpu.memory_space<vmem>>, vector<16xi32>, vector<16xi1>
          %mul3A_398 = arith.mulf %abs3A, %gather3A_317 : vector<16xf32>
          %swap3A_399 = arith.index_cast %add3A_310 : i32 to index
          %swap3A_400 = tpu.vector_load %arg12[%swap3A_399] masked %gt3A_320 {strides = array<i32>} : memref<4096xf32, #tpu.memory_space<vmem>>, vector<16xf32>, vector<16xi1>
          tpu.vector_store %arg12[%swap3A_399], %mul3A_398 masked %gt3A_320 {strides = array<i32>} : memref<4096xf32, #tpu.memory_space<vmem>>, vector<16xf32>, vector<16xi1>
          %swap3A_401 = arith.index_cast %add3A_310 : i32 to index
          %swap3A_402 = tpu.vector_load %arg13[%swap3A_401] masked %gt3A_320 {strides = array<i32>} : memref<4096xi32, #tpu.memory_space<vmem>>, vector<16xi32>, vector<16xi1>
          tpu.vector_store %arg13[%swap3A_401], %get3A_313 masked %gt3A_320 {strides = array<i32>} : memref<4096xi32, #tpu.memory_space<vmem>>, vector<16xi32>, vector<16xi1>
        } else {
        }
        %add3A_331 = arith.addi %add3A_310, %reduce_sum3A_325 : i32
        %get3A_332 = arith.index_cast %scan3A_228 : i32 to index
        %get3A_333 = arith.constant 80 : index
        %get3A_334 = tpu.vector_load %arg10[%get3A_332, %get3A_333] {strides = array<i32>} : memref<16x128xi32, #tpu.memory_space<vmem>>, vector<16xi32>,
        %get3A_335 = arith.index_cast %scan3A_228 : i32 to index
        %get3A_336 = arith.constant 80 : index
        %get3A_337 = tpu.vector_load %arg9[%get3A_335, %get3A_336] {strides = array<i32>} : memref<16x128xi32, #tpu.memory_space<vmem>>, vector<16xi32>,
        %gather3A_338 = tpu.vector_load_idx %arg8[%get3A_334] : memref<10240xf32, #tpu.memory_space<vmem>>[vector<16xi32>], vector<16xf32>,
        %gt3A_339 = arith.constant 0.000000e+00 : f32
        %gt3A_340 = vector.broadcast %gt3A_339 : f32 to vector<16xf32>
        %gt3A_341 = arith.cmpf ogt, %gather3A_338, %gt3A_340 : vector<16xf32>
        %convert_element_type3A_342 = arith.extui %gt3A_341 : vector<16xi1> to vector<16xi32>
        %reduce_sum3A_343 = arith.constant true
        %reduce_sum3A_344 = vector.broadcast %reduce_sum3A_343 : i1 to vector<16xi1>
        %reduce_sum3A_345 = tpu.scan <sum>, %convert_element_type3A_342 masked %reduce_sum3A_344 : vector<16xi32>, vector<16xi1> -> vector<16xi32>
        %reduce_sum3A_346 = vector.extract %reduce_sum3A_345[15] : i32 from vector<16xi32>
        %gt3A_347 = arith.constant 0 : i32
        %gt3A_348 = arith.cmpi sgt, %reduce_sum3A_346, %gt3A_347 : i32
        %convert_element_type3A_349 = arith.extui %gt3A_348 : i1 to i32
        %cond3A_350 = arith.constant 0 : i32
        %cond3A_351 = arith.cmpi ne, %convert_element_type3A_349, %cond3A_350 : i32
        scf.if %cond3A_351 {
          %gather3A_395 = tpu.vector_load_idx %arg8[%get3A_337] : memref<10240xf32, #tpu.memory_space<vmem>>[vector<16xi32>], vector<16xf32>,
          %abs3A = math.absf %gather3A_395 : vector<16xf32>
          %swap3A_396 = arith.index_cast %add3A_331 : i32 to index
          %swap3A_397 = tpu.vector_load %arg11[%swap3A_396] masked %gt3A_341 {strides = array<i32>} : memref<4096xi32, #tpu.memory_space<vmem>>, vector<16xi32>, vector<16xi1>
          tpu.vector_store %arg11[%swap3A_396], %get3A_337 masked %gt3A_341 {strides = array<i32>} : memref<4096xi32, #tpu.memory_space<vmem>>, vector<16xi32>, vector<16xi1>
          %mul3A_398 = arith.mulf %abs3A, %gather3A_338 : vector<16xf32>
          %swap3A_399 = arith.index_cast %add3A_331 : i32 to index
          %swap3A_400 = tpu.vector_load %arg12[%swap3A_399] masked %gt3A_341 {strides = array<i32>} : memref<4096xf32, #tpu.memory_space<vmem>>, vector<16xf32>, vector<16xi1>
          tpu.vector_store %arg12[%swap3A_399], %mul3A_398 masked %gt3A_341 {strides = array<i32>} : memref<4096xf32, #tpu.memory_space<vmem>>, vector<16xf32>, vector<16xi1>
          %swap3A_401 = arith.index_cast %add3A_331 : i32 to index
          %swap3A_402 = tpu.vector_load %arg13[%swap3A_401] masked %gt3A_341 {strides = array<i32>} : memref<4096xi32, #tpu.memory_space<vmem>>, vector<16xi32>, vector<16xi1>
          tpu.vector_store %arg13[%swap3A_401], %get3A_334 masked %gt3A_341 {strides = array<i32>} : memref<4096xi32, #tpu.memory_space<vmem>>, vector<16xi32>, vector<16xi1>
        } else {
        }
        %add3A_352 = arith.addi %add3A_331, %reduce_sum3A_346 : i32
        %get3A_353 = arith.index_cast %scan3A_228 : i32 to index
        %get3A_354 = arith.constant 96 : index
        %get3A_355 = tpu.vector_load %arg10[%get3A_353, %get3A_354] {strides = array<i32>} : memref<16x128xi32, #tpu.memory_space<vmem>>, vector<16xi32>,
        %get3A_356 = arith.index_cast %scan3A_228 : i32 to index
        %get3A_357 = arith.constant 96 : index
        %get3A_358 = tpu.vector_load %arg9[%get3A_356, %get3A_357] {strides = array<i32>} : memref<16x128xi32, #tpu.memory_space<vmem>>, vector<16xi32>,
        %gather3A_359 = tpu.vector_load_idx %arg8[%get3A_355] : memref<10240xf32, #tpu.memory_space<vmem>>[vector<16xi32>], vector<16xf32>,
        %gt3A_360 = arith.constant 0.000000e+00 : f32
        %gt3A_361 = vector.broadcast %gt3A_360 : f32 to vector<16xf32>
        %gt3A_362 = arith.cmpf ogt, %gather3A_359, %gt3A_361 : vector<16xf32>
        %convert_element_type3A_363 = arith.extui %gt3A_362 : vector<16xi1> to vector<16xi32>
        %reduce_sum3A_364 = arith.constant true
        %reduce_sum3A_365 = vector.broadcast %reduce_sum3A_364 : i1 to vector<16xi1>
        %reduce_sum3A_366 = tpu.scan <sum>, %convert_element_type3A_363 masked %reduce_sum3A_365 : vector<16xi32>, vector<16xi1> -> vector<16xi32>
        %reduce_sum3A_367 = vector.extract %reduce_sum3A_366[15] : i32 from vector<16xi32>
        %gt3A_368 = arith.constant 0 : i32
        %gt3A_369 = arith.cmpi sgt, %reduce_sum3A_367, %gt3A_368 : i32
        %convert_element_type3A_370 = arith.extui %gt3A_369 : i1 to i32
        %cond3A_371 = arith.constant 0 : i32
        %cond3A_372 = arith.cmpi ne, %convert_element_type3A_370, %cond3A_371 : i32
        scf.if %cond3A_372 {
          %gather3A_395 = tpu.vector_load_idx %arg8[%get3A_358] : memref<10240xf32, #tpu.memory_space<vmem>>[vector<16xi32>], vector<16xf32>,
          %abs3A = math.absf %gather3A_395 : vector<16xf32>
          %swap3A_396 = arith.index_cast %add3A_352 : i32 to index
          %swap3A_397 = tpu.vector_load %arg11[%swap3A_396] masked %gt3A_362 {strides = array<i32>} : memref<4096xi32, #tpu.memory_space<vmem>>, vector<16xi32>, vector<16xi1>
          tpu.vector_store %arg11[%swap3A_396], %get3A_358 masked %gt3A_362 {strides = array<i32>} : memref<4096xi32, #tpu.memory_space<vmem>>, vector<16xi32>, vector<16xi1>
          %mul3A_398 = arith.mulf %abs3A, %gather3A_359 : vector<16xf32>
          %swap3A_399 = arith.index_cast %add3A_352 : i32 to index
          %swap3A_400 = tpu.vector_load %arg12[%swap3A_399] masked %gt3A_362 {strides = array<i32>} : memref<4096xf32, #tpu.memory_space<vmem>>, vector<16xf32>, vector<16xi1>
          tpu.vector_store %arg12[%swap3A_399], %mul3A_398 masked %gt3A_362 {strides = array<i32>} : memref<4096xf32, #tpu.memory_space<vmem>>, vector<16xf32>, vector<16xi1>
          %swap3A_401 = arith.index_cast %add3A_352 : i32 to index
          %swap3A_402 = tpu.vector_load %arg13[%swap3A_401] masked %gt3A_362 {strides = array<i32>} : memref<4096xi32, #tpu.memory_space<vmem>>, vector<16xi32>, vector<16xi1>
          tpu.vector_store %arg13[%swap3A_401], %get3A_355 masked %gt3A_362 {strides = array<i32>} : memref<4096xi32, #tpu.memory_space<vmem>>, vector<16xi32>, vector<16xi1>
        } else {
        }
        %add3A_373 = arith.addi %add3A_352, %reduce_sum3A_367 : i32
        %get3A_374 = arith.index_cast %scan3A_228 : i32 to index
        %get3A_375 = arith.constant 112 : index
        %get3A_376 = tpu.vector_load %arg10[%get3A_374, %get3A_375] {strides = array<i32>} : memref<16x128xi32, #tpu.memory_space<vmem>>, vector<16xi32>,
        %get3A_377 = arith.index_cast %scan3A_228 : i32 to index
        %get3A_378 = arith.constant 112 : index
        %get3A_379 = tpu.vector_load %arg9[%get3A_377, %get3A_378] {strides = array<i32>} : memref<16x128xi32, #tpu.memory_space<vmem>>, vector<16xi32>,
        %gather3A_380 = tpu.vector_load_idx %arg8[%get3A_376] : memref<10240xf32, #tpu.memory_space<vmem>>[vector<16xi32>], vector<16xf32>,
        %gt3A_381 = arith.constant 0.000000e+00 : f32
        %gt3A_382 = vector.broadcast %gt3A_381 : f32 to vector<16xf32>
        %gt3A_383 = arith.cmpf ogt, %gather3A_380, %gt3A_382 : vector<16xf32>
        %convert_element_type3A_384 = arith.extui %gt3A_383 : vector<16xi1> to vector<16xi32>
        %reduce_sum3A_385 = arith.constant true
        %reduce_sum3A_386 = vector.broadcast %reduce_sum3A_385 : i1 to vector<16xi1>
        %reduce_sum3A_387 = tpu.scan <sum>, %convert_element_type3A_384 masked %reduce_sum3A_386 : vector<16xi32>, vector<16xi1> -> vector<16xi32>
        %reduce_sum3A_388 = vector.extract %reduce_sum3A_387[15] : i32 from vector<16xi32>
        %gt3A_389 = arith.constant 0 : i32
        %gt3A_390 = arith.cmpi sgt, %reduce_sum3A_388, %gt3A_389 : i32
        %convert_element_type3A_391 = arith.extui %gt3A_390 : i1 to i32
        %cond3A_392 = arith.constant 0 : i32
        %cond3A_393 = arith.cmpi ne, %convert_element_type3A_391, %cond3A_392 : i32
        scf.if %cond3A_393 {
          %gather3A_395 = tpu.vector_load_idx %arg8[%get3A_379] : memref<10240xf32, #tpu.memory_space<vmem>>[vector<16xi32>], vector<16xf32>,
          %abs3A = math.absf %gather3A_395 : vector<16xf32>
          %swap3A_396 = arith.index_cast %add3A_373 : i32 to index
          %swap3A_397 = tpu.vector_load %arg11[%swap3A_396] masked %gt3A_383 {strides = array<i32>} : memref<4096xi32, #tpu.memory_space<vmem>>, vector<16xi32>, vector<16xi1>
          tpu.vector_store %arg11[%swap3A_396], %get3A_379 masked %gt3A_383 {strides = array<i32>} : memref<4096xi32, #tpu.memory_space<vmem>>, vector<16xi32>, vector<16xi1>
          %mul3A_398 = arith.mulf %abs3A, %gather3A_380 : vector<16xf32>
          %swap3A_399 = arith.index_cast %add3A_373 : i32 to index
          %swap3A_400 = tpu.vector_load %arg12[%swap3A_399] masked %gt3A_383 {strides = array<i32>} : memref<4096xf32, #tpu.memory_space<vmem>>, vector<16xf32>, vector<16xi1>
          tpu.vector_store %arg12[%swap3A_399], %mul3A_398 masked %gt3A_383 {strides = array<i32>} : memref<4096xf32, #tpu.memory_space<vmem>>, vector<16xf32>, vector<16xi1>
          %swap3A_401 = arith.index_cast %add3A_373 : i32 to index
          %swap3A_402 = tpu.vector_load %arg13[%swap3A_401] masked %gt3A_383 {strides = array<i32>} : memref<4096xi32, #tpu.memory_space<vmem>>, vector<16xi32>, vector<16xi1>
          tpu.vector_store %arg13[%swap3A_401], %get3A_376 masked %gt3A_383 {strides = array<i32>} : memref<4096xi32, #tpu.memory_space<vmem>>, vector<16xi32>, vector<16xi1>
        } else {
        }
        %add3A_394 = arith.addi %add3A_373, %reduce_sum3A_388 : i32
        scf.yield %add3A_394 : i32
      }
      %scan3A_221 = arith.constant 16 : i32
      %gt3A = arith.constant 1664 : i32
      %gt3A_222 = arith.cmpi sgt, %scan3A_220, %gt3A : i32
      %convert_element_type3A = arith.extui %gt3A_222 : i1 to i32
      %cond3A = arith.constant 0 : i32
      %cond3A_223 = arith.cmpi ne, %convert_element_type3A, %cond3A : i32
      scf.if %cond3A_223 {
        %broadcast_in_dim3A_228 = arith.constant 0.000000e+00 : f32
        %broadcast_in_dim3A_229 = vector.broadcast %broadcast_in_dim3A_228 : f32 to vector<16xf32>
        %broadcast_in_dim3A_230 = arith.constant 10200 : i32
        %broadcast_in_dim3A_231 = vector.broadcast %broadcast_in_dim3A_230 : i32 to vector<16xi32>
        %broadcast_in_dim3A_232 = arith.constant 0 : i32
        %broadcast_in_dim3A_233 = vector.broadcast %broadcast_in_dim3A_232 : i32 to vector<16xi32>
        %add3A_234 = arith.constant 0 : i32
        %add3A_235 = arith.addi %scan3A_220, %add3A_234 : i32
        %swap3A_236 = arith.index_cast %add3A_235 : i32 to index
        %swap3A_237 = tpu.vector_load %arg11[%swap3A_236] {strides = array<i32>} : memref<4096xi32, #tpu.memory_space<vmem>>, vector<16xi32>,
        tpu.vector_store %arg11[%swap3A_236], %broadcast_in_dim3A_233 {strides = array<i32>} : memref<4096xi32, #tpu.memory_space<vmem>>, vector<16xi32>,
        %add3A_238 = arith.constant 0 : i32
        %add3A_239 = arith.addi %scan3A_220, %add3A_238 : i32
        %swap3A_240 = arith.index_cast %add3A_239 : i32 to index
        %swap3A_241 = tpu.vector_load %arg12[%swap3A_240] {strides = array<i32>} : memref<4096xf32, #tpu.memory_space<vmem>>, vector<16xf32>,
        tpu.vector_store %arg12[%swap3A_240], %broadcast_in_dim3A_229 {strides = array<i32>} : memref<4096xf32, #tpu.memory_space<vmem>>, vector<16xf32>,
        %add3A_242 = arith.constant 0 : i32
        %add3A_243 = arith.addi %scan3A_220, %add3A_242 : i32
        %swap3A_244 = arith.index_cast %add3A_243 : i32 to index
        %swap3A_245 = tpu.vector_load %arg13[%swap3A_244] {strides = array<i32>} : memref<4096xi32, #tpu.memory_space<vmem>>, vector<16xi32>,
        tpu.vector_store %arg13[%swap3A_244], %broadcast_in_dim3A_231 {strides = array<i32>} : memref<4096xi32, #tpu.memory_space<vmem>>, vector<16xi32>,
        %add3A_246 = arith.constant 16 : i32
        %add3A_247 = arith.addi %scan3A_220, %add3A_246 : i32
        %swap3A_248 = arith.index_cast %add3A_247 : i32 to index
        %swap3A_249 = tpu.vector_load %arg11[%swap3A_248] {strides = array<i32>} : memref<4096xi32, #tpu.memory_space<vmem>>, vector<16xi32>,
        tpu.vector_store %arg11[%swap3A_248], %broadcast_in_dim3A_233 {strides = array<i32>} : memref<4096xi32, #tpu.memory_space<vmem>>, vector<16xi32>,
        %add3A_250 = arith.constant 16 : i32
        %add3A_251 = arith.addi %scan3A_220, %add3A_250 : i32
        %swap3A_252 = arith.index_cast %add3A_251 : i32 to index
        %swap3A_253 = tpu.vector_load %arg12[%swap3A_252] {strides = array<i32>} : memref<4096xf32, #tpu.memory_space<vmem>>, vector<16xf32>,
        tpu.vector_store %arg12[%swap3A_252], %broadcast_in_dim3A_229 {strides = array<i32>} : memref<4096xf32, #tpu.memory_space<vmem>>, vector<16xf32>,
        %add3A_254 = arith.constant 16 : i32
        %add3A_255 = arith.addi %scan3A_220, %add3A_254 : i32
        %swap3A_256 = arith.index_cast %add3A_255 : i32 to index
        %swap3A_257 = tpu.vector_load %arg13[%swap3A_256] {strides = array<i32>} : memref<4096xi32, #tpu.memory_space<vmem>>, vector<16xi32>,
        tpu.vector_store %arg13[%swap3A_256], %broadcast_in_dim3A_231 {strides = array<i32>} : memref<4096xi32, #tpu.memory_space<vmem>>, vector<16xi32>,
        %add3A_258 = arith.constant 32 : i32
        %add3A_259 = arith.addi %scan3A_220, %add3A_258 : i32
        %swap3A_260 = arith.index_cast %add3A_259 : i32 to index
        %swap3A_261 = tpu.vector_load %arg11[%swap3A_260] {strides = array<i32>} : memref<4096xi32, #tpu.memory_space<vmem>>, vector<16xi32>,
        tpu.vector_store %arg11[%swap3A_260], %broadcast_in_dim3A_233 {strides = array<i32>} : memref<4096xi32, #tpu.memory_space<vmem>>, vector<16xi32>,
        %add3A_262 = arith.constant 32 : i32
        %add3A_263 = arith.addi %scan3A_220, %add3A_262 : i32
        %swap3A_264 = arith.index_cast %add3A_263 : i32 to index
        %swap3A_265 = tpu.vector_load %arg12[%swap3A_264] {strides = array<i32>} : memref<4096xf32, #tpu.memory_space<vmem>>, vector<16xf32>,
        tpu.vector_store %arg12[%swap3A_264], %broadcast_in_dim3A_229 {strides = array<i32>} : memref<4096xf32, #tpu.memory_space<vmem>>, vector<16xf32>,
        %add3A_266 = arith.constant 32 : i32
        %add3A_267 = arith.addi %scan3A_220, %add3A_266 : i32
        %swap3A_268 = arith.index_cast %add3A_267 : i32 to index
        %swap3A_269 = tpu.vector_load %arg13[%swap3A_268] {strides = array<i32>} : memref<4096xi32, #tpu.memory_space<vmem>>, vector<16xi32>,
        tpu.vector_store %arg13[%swap3A_268], %broadcast_in_dim3A_231 {strides = array<i32>} : memref<4096xi32, #tpu.memory_space<vmem>>, vector<16xi32>,
        %add3A_270 = arith.constant 48 : i32
        %add3A_271 = arith.addi %scan3A_220, %add3A_270 : i32
        %swap3A_272 = arith.index_cast %add3A_271 : i32 to index
        %swap3A_273 = tpu.vector_load %arg11[%swap3A_272] {strides = array<i32>} : memref<4096xi32, #tpu.memory_space<vmem>>, vector<16xi32>,
        tpu.vector_store %arg11[%swap3A_272], %broadcast_in_dim3A_233 {strides = array<i32>} : memref<4096xi32, #tpu.memory_space<vmem>>, vector<16xi32>,
        %add3A_274 = arith.constant 48 : i32
        %add3A_275 = arith.addi %scan3A_220, %add3A_274 : i32
        %swap3A_276 = arith.index_cast %add3A_275 : i32 to index
        %swap3A_277 = tpu.vector_load %arg12[%swap3A_276] {strides = array<i32>} : memref<4096xf32, #tpu.memory_space<vmem>>, vector<16xf32>,
        tpu.vector_store %arg12[%swap3A_276], %broadcast_in_dim3A_229 {strides = array<i32>} : memref<4096xf32, #tpu.memory_space<vmem>>, vector<16xf32>,
        %add3A_278 = arith.constant 48 : i32
        %add3A_279 = arith.addi %scan3A_220, %add3A_278 : i32
        %swap3A_280 = arith.index_cast %add3A_279 : i32 to index
        %swap3A_281 = tpu.vector_load %arg13[%swap3A_280] {strides = array<i32>} : memref<4096xi32, #tpu.memory_space<vmem>>, vector<16xi32>,
        tpu.vector_store %arg13[%swap3A_280], %broadcast_in_dim3A_231 {strides = array<i32>} : memref<4096xi32, #tpu.memory_space<vmem>>, vector<16xi32>,
        %add3A_282 = arith.constant 64 : i32
        %add3A_283 = arith.addi %scan3A_220, %add3A_282 : i32
        %sub3A_284 = arith.constant 1 : i32
        %sub3A_285 = arith.subi %add3A_283, %sub3A_284 : i32
        %jit3A_286 = arith.constant 64 : i32
        %div3A_287 = arith.divsi %sub3A_285, %jit3A_286 : i32
        %sign3A_288 = arith.constant 0 : i32
        %sign3A_289 = arith.cmpi sgt, %sub3A_285, %sign3A_288 : i32
        %sign3A_290 = arith.extui %sign3A_289 : i1 to i32
        %sign3A_291 = arith.constant 0 : i32
        %sign3A_292 = arith.cmpi slt, %sub3A_285, %sign3A_291 : i32
        %sign3A_293 = arith.extui %sign3A_292 : i1 to i32
        %sign3A_294 = arith.subi %sign3A_290, %sign3A_293 : i32
        %sign3A_295 = arith.constant 0 : i32
        %sign3A_296 = arith.cmpi sgt, %jit3A_286, %sign3A_295 : i32
        %sign3A_297 = arith.extui %sign3A_296 : i1 to i32
        %sign3A_298 = arith.constant 0 : i32
        %sign3A_299 = arith.cmpi slt, %jit3A_286, %sign3A_298 : i32
        %sign3A_300 = arith.extui %sign3A_299 : i1 to i32
        %sign3A_301 = arith.subi %sign3A_297, %sign3A_300 : i32
        %ne3A_302 = arith.cmpi ne, %sign3A_294, %sign3A_301 : i32
        %rem3A_303 = arith.remsi %sub3A_285, %jit3A_286 : i32
        %ne3A_304 = arith.constant 0 : i32
        %ne3A_305 = arith.cmpi ne, %rem3A_303, %ne3A_304 : i32
        %and3A_306 = arith.andi %ne3A_302, %ne3A_305 : i1
        %sub3A_307 = arith.constant 1 : i32
        %sub3A_308 = arith.subi %div3A_287, %sub3A_307 : i32
        %select_n3A_309 = arith.select %and3A_306, %sub3A_308, %div3A_287 : i32
        %while3A_310 = arith.constant 0 : i32
        %while3A_311 = arith.constant 0 : i32
        %while3A_312 = arith.subi %select_n3A_309, %while3A_311 : i32
        %while3A_313 = arith.addi %while3A_311, %while3A_312 : i32
        %while3A_314 = arith.constant 1 : i32
        %while3A_315 = arith.divsi %while3A_312, %while3A_314 : i32
        %while3A_316 = arith.muli %while3A_315, %while3A_314 : i32
        %while3A_317 = arith.addi %while3A_311, %while3A_316 : i32
        %while3A_318 = arith.constant 1 : i32
        scf.for %while3A_320 = %while3A_311 to %while3A_317 step %while3A_318  : i32 {
          %mul3A_321 = arith.constant 64 : i32
          %mul3A_322 = arith.muli %while3A_320, %mul3A_321 : i32
          %dma_start3A = tpu.memref_slice %arg11[%mul3A_322] : memref<4096xi32, #tpu.memory_space<vmem>> -> memref<64xi32, #tpu.memory_space<vmem>>
          %dma_start3A_323 = arith.constant 0 : i32
          %dma_start3A_324 = arith.constant 0 : i32
          %dma_start3A_325 = tpu.memref_slice %arg5[%dma_start3A_323, %dma_start3A_324] : memref<10000x128xf32, #tpu.memory_space<hbm>> -> memref<10000x128xf32, #tpu.memory_space<hbm>>
          tpu.enqueue_indirect_dma source(%dma_start3A_325 : memref<10000x128xf32, #tpu.memory_space<hbm>>) target(%arg14 : memref<64x128xf32, #tpu.memory_space<vmem>>) offsets(%dma_start3A : memref<64xi32, #tpu.memory_space<vmem>>) semaphore(%arg16 : memref<!tpu.dma_semaphore, #tpu.memory_space<semaphore_mem>>)
          %mul3A_326 = arith.constant 64 : i32
          %mul3A_327 = arith.muli %while3A_320, %mul3A_326 : i32
          %add3A_328 = arith.constant 0 : i32
          %add3A_329 = arith.addi %mul3A_327, %add3A_328 : i32
          %get3A = arith.index_cast %add3A_329 : i32 to index
          %get3A_330 = tpu.vector_load %arg13[%get3A] {strides = array<i32>} : memref<4096xi32, #tpu.memory_space<vmem>>, vector<16xi32>,
          %swap3A_331 = arith.constant 0 : index
          %swap3A_332 = tpu.vector_load %arg15[%swap3A_331] {strides = array<i32>} : memref<64xi32, #tpu.memory_space<vmem>>, vector<16xi32>,
          tpu.vector_store %arg15[%swap3A_331], %get3A_330 {strides = array<i32>} : memref<64xi32, #tpu.memory_space<vmem>>, vector<16xi32>,
          %mul3A_333 = arith.constant 64 : i32
          %mul3A_334 = arith.muli %while3A_320, %mul3A_333 : i32
          %add3A_335 = arith.constant 16 : i32
          %add3A_336 = arith.addi %mul3A_334, %add3A_335 : i32
          %get3A_337 = arith.index_cast %add3A_336 : i32 to index
          %get3A_338 = tpu.vector_load %arg13[%get3A_337] {strides = array<i32>} : memref<4096xi32, #tpu.memory_space<vmem>>, vector<16xi32>,
          %swap3A_339 = arith.constant 16 : index
          %swap3A_340 = tpu.vector_load %arg15[%swap3A_339] {strides = array<i32>} : memref<64xi32, #tpu.memory_space<vmem>>, vector<16xi32>,
          tpu.vector_store %arg15[%swap3A_339], %get3A_338 {strides = array<i32>} : memref<64xi32, #tpu.memory_space<vmem>>, vector<16xi32>,
          %mul3A_341 = arith.constant 64 : i32
          %mul3A_342 = arith.muli %while3A_320, %mul3A_341 : i32
          %add3A_343 = arith.constant 32 : i32
          %add3A_344 = arith.addi %mul3A_342, %add3A_343 : i32
          %get3A_345 = arith.index_cast %add3A_344 : i32 to index
          %get3A_346 = tpu.vector_load %arg13[%get3A_345] {strides = array<i32>} : memref<4096xi32, #tpu.memory_space<vmem>>, vector<16xi32>,
          %swap3A_347 = arith.constant 32 : index
          %swap3A_348 = tpu.vector_load %arg15[%swap3A_347] {strides = array<i32>} : memref<64xi32, #tpu.memory_space<vmem>>, vector<16xi32>,
          tpu.vector_store %arg15[%swap3A_347], %get3A_346 {strides = array<i32>} : memref<64xi32, #tpu.memory_space<vmem>>, vector<16xi32>,
          %mul3A_349 = arith.constant 64 : i32
          %mul3A_350 = arith.muli %while3A_320, %mul3A_349 : i32
          %add3A_351 = arith.constant 48 : i32
          %add3A_352 = arith.addi %mul3A_350, %add3A_351 : i32
          %get3A_353 = arith.index_cast %add3A_352 : i32 to index
          %get3A_354 = tpu.vector_load %arg13[%get3A_353] {strides = array<i32>} : memref<4096xi32, #tpu.memory_space<vmem>>, vector<16xi32>,
          %swap3A_355 = arith.constant 48 : index
          %swap3A_356 = tpu.vector_load %arg15[%swap3A_355] {strides = array<i32>} : memref<64xi32, #tpu.memory_space<vmem>>, vector<16xi32>,
          tpu.vector_store %arg15[%swap3A_355], %get3A_354 {strides = array<i32>} : memref<64xi32, #tpu.memory_space<vmem>>, vector<16xi32>,
          %dma_wait3A = tpu.memref_slice %arg11[%mul3A_322] : memref<4096xi32, #tpu.memory_space<vmem>> -> memref<64xi32, #tpu.memory_space<vmem>>
          %dma_wait3A_357 = arith.constant 0 : i32
          %dma_wait3A_358 = arith.constant 0 : i32
          %dma_wait3A_359 = tpu.memref_slice %arg5[%dma_wait3A_357, %dma_wait3A_358] : memref<10000x128xf32, #tpu.memory_space<hbm>> -> memref<10000x128xf32, #tpu.memory_space<hbm>>
          tpu.wait_indirect_dma semaphore(%arg16 : memref<!tpu.dma_semaphore, #tpu.memory_space<semaphore_mem>>) src(%dma_wait3A_359 : memref<10000x128xf32, #tpu.memory_space<hbm>>) dst(%arg14 : memref<64x128xf32, #tpu.memory_space<vmem>>)
          %scan3A_360 = arith.constant 0 : i32
          %scan3A_361 = arith.constant 0 : i32
          %scan3A_362 = arith.constant 64 : i32
          %scan3A_363 = arith.addi %scan3A_361, %scan3A_362 : i32
          %scan3A_364 = arith.constant 1 : i32
          scf.for %scan3A_372 = %scan3A_361 to %scan3A_363 step %scan3A_364  : i32 {
            %mul3A_373 = arith.constant 64 : i32
            %mul3A_374 = arith.muli %while3A_320, %mul3A_373 : i32
            %add3A_375 = arith.addi %mul3A_374, %scan3A_372 : i32
            %broadcast_in_dim3A_376 = vector.broadcast %add3A_375 : i32 to vector<16xi32>
            %gather3A = tpu.vector_load_idx %arg12[%broadcast_in_dim3A_376] : memref<4096xf32, #tpu.memory_space<vmem>>[vector<16xi32>], vector<16xf32>,
            %get3A_377 = arith.index_cast %scan3A_372 : i32 to index
            %get3A_378 = arith.constant 0 : index
            %get3A_379 = tpu.vector_load %arg14[%get3A_377, %get3A_378] {strides = array<i32>} : memref<64x128xf32, #tpu.memory_space<vmem>>, vector<16xf32>,
            %mul3A_380 = arith.mulf %get3A_379, %gather3A : vector<16xf32>
            %swap3A_381 = arith.index_cast %scan3A_372 : i32 to index
            %swap3A_382 = arith.constant 0 : index
            %swap3A_383 = tpu.vector_load %arg14[%swap3A_381, %swap3A_382] {strides = array<i32>} : memref<64x128xf32, #tpu.memory_space<vmem>>, vector<16xf32>,
            tpu.vector_store %arg14[%swap3A_381, %swap3A_382], %mul3A_380 {strides = array<i32>} : memref<64x128xf32, #tpu.memory_space<vmem>>, vector<16xf32>,
            %get3A_384 = arith.index_cast %scan3A_372 : i32 to index
            %get3A_385 = arith.constant 16 : index
            %get3A_386 = tpu.vector_load %arg14[%get3A_384, %get3A_385] {strides = array<i32>} : memref<64x128xf32, #tpu.memory_space<vmem>>, vector<16xf32>,
            %mul3A_387 = arith.mulf %get3A_386, %gather3A : vector<16xf32>
            %swap3A_388 = arith.index_cast %scan3A_372 : i32 to index
            %swap3A_389 = arith.constant 16 : index
            %swap3A_390 = tpu.vector_load %arg14[%swap3A_388, %swap3A_389] {strides = array<i32>} : memref<64x128xf32, #tpu.memory_space<vmem>>, vector<16xf32>,
            tpu.vector_store %arg14[%swap3A_388, %swap3A_389], %mul3A_387 {strides = array<i32>} : memref<64x128xf32, #tpu.memory_space<vmem>>, vector<16xf32>,
            %get3A_391 = arith.index_cast %scan3A_372 : i32 to index
            %get3A_392 = arith.constant 32 : index
            %get3A_393 = tpu.vector_load %arg14[%get3A_391, %get3A_392] {strides = array<i32>} : memref<64x128xf32, #tpu.memory_space<vmem>>, vector<16xf32>,
            %mul3A_394 = arith.mulf %get3A_393, %gather3A : vector<16xf32>
            %swap3A_395 = arith.index_cast %scan3A_372 : i32 to index
            %swap3A_396 = arith.constant 32 : index
            %swap3A_397 = tpu.vector_load %arg14[%swap3A_395, %swap3A_396] {strides = array<i32>} : memref<64x128xf32, #tpu.memory_space<vmem>>, vector<16xf32>,
            tpu.vector_store %arg14[%swap3A_395, %swap3A_396], %mul3A_394 {strides = array<i32>} : memref<64x128xf32, #tpu.memory_space<vmem>>, vector<16xf32>,
            %get3A_398 = arith.index_cast %scan3A_372 : i32 to index
            %get3A_399 = arith.constant 48 : index
            %get3A_400 = tpu.vector_load %arg14[%get3A_398, %get3A_399] {strides = array<i32>} : memref<64x128xf32, #tpu.memory_space<vmem>>, vector<16xf32>,
            %mul3A_401 = arith.mulf %get3A_400, %gather3A : vector<16xf32>
            %swap3A_402 = arith.index_cast %scan3A_372 : i32 to index
            %swap3A_403 = arith.constant 48 : index
            %swap3A_404 = tpu.vector_load %arg14[%swap3A_402, %swap3A_403] {strides = array<i32>} : memref<64x128xf32, #tpu.memory_space<vmem>>, vector<16xf32>,
            tpu.vector_store %arg14[%swap3A_402, %swap3A_403], %mul3A_401 {strides = array<i32>} : memref<64x128xf32, #tpu.memory_space<vmem>>, vector<16xf32>,
            %get3A_405 = arith.index_cast %scan3A_372 : i32 to index
            %get3A_406 = arith.constant 64 : index
            %get3A_407 = tpu.vector_load %arg14[%get3A_405, %get3A_406] {strides = array<i32>} : memref<64x128xf32, #tpu.memory_space<vmem>>, vector<16xf32>,
            %mul3A_408 = arith.mulf %get3A_407, %gather3A : vector<16xf32>
            %swap3A_409 = arith.index_cast %scan3A_372 : i32 to index
            %swap3A_410 = arith.constant 64 : index
            %swap3A_411 = tpu.vector_load %arg14[%swap3A_409, %swap3A_410] {strides = array<i32>} : memref<64x128xf32, #tpu.memory_space<vmem>>, vector<16xf32>,
            tpu.vector_store %arg14[%swap3A_409, %swap3A_410], %mul3A_408 {strides = array<i32>} : memref<64x128xf32, #tpu.memory_space<vmem>>, vector<16xf32>,
            %get3A_412 = arith.index_cast %scan3A_372 : i32 to index
            %get3A_413 = arith.constant 80 : index
            %get3A_414 = tpu.vector_load %arg14[%get3A_412, %get3A_413] {strides = array<i32>} : memref<64x128xf32, #tpu.memory_space<vmem>>, vector<16xf32>,
            %mul3A_415 = arith.mulf %get3A_414, %gather3A : vector<16xf32>
            %swap3A_416 = arith.index_cast %scan3A_372 : i32 to index
            %swap3A_417 = arith.constant 80 : index
            %swap3A_418 = tpu.vector_load %arg14[%swap3A_416, %swap3A_417] {strides = array<i32>} : memref<64x128xf32, #tpu.memory_space<vmem>>, vector<16xf32>,
            tpu.vector_store %arg14[%swap3A_416, %swap3A_417], %mul3A_415 {strides = array<i32>} : memref<64x128xf32, #tpu.memory_space<vmem>>, vector<16xf32>,
            %get3A_419 = arith.index_cast %scan3A_372 : i32 to index
            %get3A_420 = arith.constant 96 : index
            %get3A_421 = tpu.vector_load %arg14[%get3A_419, %get3A_420] {strides = array<i32>} : memref<64x128xf32, #tpu.memory_space<vmem>>, vector<16xf32>,
            %mul3A_422 = arith.mulf %get3A_421, %gather3A : vector<16xf32>
            %swap3A_423 = arith.index_cast %scan3A_372 : i32 to index
            %swap3A_424 = arith.constant 96 : index
            %swap3A_425 = tpu.vector_load %arg14[%swap3A_423, %swap3A_424] {strides = array<i32>} : memref<64x128xf32, #tpu.memory_space<vmem>>, vector<16xf32>,
            tpu.vector_store %arg14[%swap3A_423, %swap3A_424], %mul3A_422 {strides = array<i32>} : memref<64x128xf32, #tpu.memory_space<vmem>>, vector<16xf32>,
            %get3A_426 = arith.index_cast %scan3A_372 : i32 to index
            %get3A_427 = arith.constant 112 : index
            %get3A_428 = tpu.vector_load %arg14[%get3A_426, %get3A_427] {strides = array<i32>} : memref<64x128xf32, #tpu.memory_space<vmem>>, vector<16xf32>,
            %mul3A_429 = arith.mulf %get3A_428, %gather3A : vector<16xf32>
            %swap3A_430 = arith.index_cast %scan3A_372 : i32 to index
            %swap3A_431 = arith.constant 112 : index
            %swap3A_432 = tpu.vector_load %arg14[%swap3A_430, %swap3A_431] {strides = array<i32>} : memref<64x128xf32, #tpu.memory_space<vmem>>, vector<16xf32>,
            tpu.vector_store %arg14[%swap3A_430, %swap3A_431], %mul3A_429 {strides = array<i32>} : memref<64x128xf32, #tpu.memory_space<vmem>>, vector<16xf32>,
          }
          %scan3A_365 = arith.constant 64 : i32
          %dma_start3A_366 = arith.constant 0 : i32
          %dma_start3A_367 = arith.constant 0 : i32
          %dma_start3A_368 = tpu.memref_slice %arg7[%dma_start3A_366, %dma_start3A_367] : memref<10240x128xf32, #tpu.memory_space<vmem_shared>> -> memref<10240x128xf32, #tpu.memory_space<vmem_shared>>
          tpu.enqueue_indirect_dma source(%arg14 : memref<64x128xf32, #tpu.memory_space<vmem>>) target(%dma_start3A_368 : memref<10240x128xf32, #tpu.memory_space<vmem_shared>>) offsets(%arg15 : memref<64xi32, #tpu.memory_space<vmem>>) semaphore(%arg17 : memref<!tpu.dma_semaphore, #tpu.memory_space<semaphore_mem>>) {add = true}
          %dma_wait3A_369 = arith.constant 0 : i32
          %dma_wait3A_370 = arith.constant 0 : i32
          %dma_wait3A_371 = tpu.memref_slice %arg7[%dma_wait3A_369, %dma_wait3A_370] : memref<10240x128xf32, #tpu.memory_space<vmem_shared>> -> memref<10240x128xf32, #tpu.memory_space<vmem_shared>>
          tpu.wait_indirect_dma semaphore(%arg17 : memref<!tpu.dma_semaphore, #tpu.memory_space<semaphore_mem>>) src(%arg14 : memref<64x128xf32, #tpu.memory_space<vmem>>) dst(%dma_wait3A_371 : memref<10240x128xf32, #tpu.memory_space<vmem_shared>>)
        }
        %while3A_319 = arith.constant 1 : i32
        scf.for %while3A_320 = %while3A_317 to %while3A_313 step %while3A_319  : i32 {
          %mul3A_321 = arith.constant 64 : i32
          %mul3A_322 = arith.muli %while3A_320, %mul3A_321 : i32
          %dma_start3A = tpu.memref_slice %arg11[%mul3A_322] : memref<4096xi32, #tpu.memory_space<vmem>> -> memref<64xi32, #tpu.memory_space<vmem>>
          %dma_start3A_323 = arith.constant 0 : i32
          %dma_start3A_324 = arith.constant 0 : i32
          %dma_start3A_325 = tpu.memref_slice %arg5[%dma_start3A_323, %dma_start3A_324] : memref<10000x128xf32, #tpu.memory_space<hbm>> -> memref<10000x128xf32, #tpu.memory_space<hbm>>
          tpu.enqueue_indirect_dma source(%dma_start3A_325 : memref<10000x128xf32, #tpu.memory_space<hbm>>) target(%arg14 : memref<64x128xf32, #tpu.memory_space<vmem>>) offsets(%dma_start3A : memref<64xi32, #tpu.memory_space<vmem>>) semaphore(%arg16 : memref<!tpu.dma_semaphore, #tpu.memory_space<semaphore_mem>>)
          %mul3A_326 = arith.constant 64 : i32
          %mul3A_327 = arith.muli %while3A_320, %mul3A_326 : i32
          %add3A_328 = arith.constant 0 : i32
          %add3A_329 = arith.addi %mul3A_327, %add3A_328 : i32
          %get3A = arith.index_cast %add3A_329 : i32 to index
          %get3A_330 = tpu.vector_load %arg13[%get3A] {strides = array<i32>} : memref<4096xi32, #tpu.memory_space<vmem>>, vector<16xi32>,
          %swap3A_331 = arith.constant 0 : index
          %swap3A_332 = tpu.vector_load %arg15[%swap3A_331] {strides = array<i32>} : memref<64xi32, #tpu.memory_space<vmem>>, vector<16xi32>,
          tpu.vector_store %arg15[%swap3A_331], %get3A_330 {strides = array<i32>} : memref<64xi32, #tpu.memory_space<vmem>>, vector<16xi32>,
          %mul3A_333 = arith.constant 64 : i32
          %mul3A_334 = arith.muli %while3A_320, %mul3A_333 : i32
          %add3A_335 = arith.constant 16 : i32
          %add3A_336 = arith.addi %mul3A_334, %add3A_335 : i32
          %get3A_337 = arith.index_cast %add3A_336 : i32 to index
          %get3A_338 = tpu.vector_load %arg13[%get3A_337] {strides = array<i32>} : memref<4096xi32, #tpu.memory_space<vmem>>, vector<16xi32>,
          %swap3A_339 = arith.constant 16 : index
          %swap3A_340 = tpu.vector_load %arg15[%swap3A_339] {strides = array<i32>} : memref<64xi32, #tpu.memory_space<vmem>>, vector<16xi32>,
          tpu.vector_store %arg15[%swap3A_339], %get3A_338 {strides = array<i32>} : memref<64xi32, #tpu.memory_space<vmem>>, vector<16xi32>,
          %mul3A_341 = arith.constant 64 : i32
          %mul3A_342 = arith.muli %while3A_320, %mul3A_341 : i32
          %add3A_343 = arith.constant 32 : i32
          %add3A_344 = arith.addi %mul3A_342, %add3A_343 : i32
          %get3A_345 = arith.index_cast %add3A_344 : i32 to index
          %get3A_346 = tpu.vector_load %arg13[%get3A_345] {strides = array<i32>} : memref<4096xi32, #tpu.memory_space<vmem>>, vector<16xi32>,
          %swap3A_347 = arith.constant 32 : index
          %swap3A_348 = tpu.vector_load %arg15[%swap3A_347] {strides = array<i32>} : memref<64xi32, #tpu.memory_space<vmem>>, vector<16xi32>,
          tpu.vector_store %arg15[%swap3A_347], %get3A_346 {strides = array<i32>} : memref<64xi32, #tpu.memory_space<vmem>>, vector<16xi32>,
          %mul3A_349 = arith.constant 64 : i32
          %mul3A_350 = arith.muli %while3A_320, %mul3A_349 : i32
          %add3A_351 = arith.constant 48 : i32
          %add3A_352 = arith.addi %mul3A_350, %add3A_351 : i32
          %get3A_353 = arith.index_cast %add3A_352 : i32 to index
          %get3A_354 = tpu.vector_load %arg13[%get3A_353] {strides = array<i32>} : memref<4096xi32, #tpu.memory_space<vmem>>, vector<16xi32>,
          %swap3A_355 = arith.constant 48 : index
          %swap3A_356 = tpu.vector_load %arg15[%swap3A_355] {strides = array<i32>} : memref<64xi32, #tpu.memory_space<vmem>>, vector<16xi32>,
          tpu.vector_store %arg15[%swap3A_355], %get3A_354 {strides = array<i32>} : memref<64xi32, #tpu.memory_space<vmem>>, vector<16xi32>,
          %dma_wait3A = tpu.memref_slice %arg11[%mul3A_322] : memref<4096xi32, #tpu.memory_space<vmem>> -> memref<64xi32, #tpu.memory_space<vmem>>
          %dma_wait3A_357 = arith.constant 0 : i32
          %dma_wait3A_358 = arith.constant 0 : i32
          %dma_wait3A_359 = tpu.memref_slice %arg5[%dma_wait3A_357, %dma_wait3A_358] : memref<10000x128xf32, #tpu.memory_space<hbm>> -> memref<10000x128xf32, #tpu.memory_space<hbm>>
          tpu.wait_indirect_dma semaphore(%arg16 : memref<!tpu.dma_semaphore, #tpu.memory_space<semaphore_mem>>) src(%dma_wait3A_359 : memref<10000x128xf32, #tpu.memory_space<hbm>>) dst(%arg14 : memref<64x128xf32, #tpu.memory_space<vmem>>)
          %scan3A_360 = arith.constant 0 : i32
          %scan3A_361 = arith.constant 0 : i32
          %scan3A_362 = arith.constant 64 : i32
          %scan3A_363 = arith.addi %scan3A_361, %scan3A_362 : i32
          %scan3A_364 = arith.constant 1 : i32
          scf.for %scan3A_372 = %scan3A_361 to %scan3A_363 step %scan3A_364  : i32 {
            %mul3A_373 = arith.constant 64 : i32
            %mul3A_374 = arith.muli %while3A_320, %mul3A_373 : i32
            %add3A_375 = arith.addi %mul3A_374, %scan3A_372 : i32
            %broadcast_in_dim3A_376 = vector.broadcast %add3A_375 : i32 to vector<16xi32>
            %gather3A = tpu.vector_load_idx %arg12[%broadcast_in_dim3A_376] : memref<4096xf32, #tpu.memory_space<vmem>>[vector<16xi32>], vector<16xf32>,
            %get3A_377 = arith.index_cast %scan3A_372 : i32 to index
            %get3A_378 = arith.constant 0 : index
            %get3A_379 = tpu.vector_load %arg14[%get3A_377, %get3A_378] {strides = array<i32>} : memref<64x128xf32, #tpu.memory_space<vmem>>, vector<16xf32>,
            %mul3A_380 = arith.mulf %get3A_379, %gather3A : vector<16xf32>
            %swap3A_381 = arith.index_cast %scan3A_372 : i32 to index
            %swap3A_382 = arith.constant 0 : index
            %swap3A_383 = tpu.vector_load %arg14[%swap3A_381, %swap3A_382] {strides = array<i32>} : memref<64x128xf32, #tpu.memory_space<vmem>>, vector<16xf32>,
            tpu.vector_store %arg14[%swap3A_381, %swap3A_382], %mul3A_380 {strides = array<i32>} : memref<64x128xf32, #tpu.memory_space<vmem>>, vector<16xf32>,
            %get3A_384 = arith.index_cast %scan3A_372 : i32 to index
            %get3A_385 = arith.constant 16 : index
            %get3A_386 = tpu.vector_load %arg14[%get3A_384, %get3A_385] {strides = array<i32>} : memref<64x128xf32, #tpu.memory_space<vmem>>, vector<16xf32>,
            %mul3A_387 = arith.mulf %get3A_386, %gather3A : vector<16xf32>
            %swap3A_388 = arith.index_cast %scan3A_372 : i32 to index
            %swap3A_389 = arith.constant 16 : index
            %swap3A_390 = tpu.vector_load %arg14[%swap3A_388, %swap3A_389] {strides = array<i32>} : memref<64x128xf32, #tpu.memory_space<vmem>>, vector<16xf32>,
            tpu.vector_store %arg14[%swap3A_388, %swap3A_389], %mul3A_387 {strides = array<i32>} : memref<64x128xf32, #tpu.memory_space<vmem>>, vector<16xf32>,
            %get3A_391 = arith.index_cast %scan3A_372 : i32 to index
            %get3A_392 = arith.constant 32 : index
            %get3A_393 = tpu.vector_load %arg14[%get3A_391, %get3A_392] {strides = array<i32>} : memref<64x128xf32, #tpu.memory_space<vmem>>, vector<16xf32>,
            %mul3A_394 = arith.mulf %get3A_393, %gather3A : vector<16xf32>
            %swap3A_395 = arith.index_cast %scan3A_372 : i32 to index
            %swap3A_396 = arith.constant 32 : index
            %swap3A_397 = tpu.vector_load %arg14[%swap3A_395, %swap3A_396] {strides = array<i32>} : memref<64x128xf32, #tpu.memory_space<vmem>>, vector<16xf32>,
            tpu.vector_store %arg14[%swap3A_395, %swap3A_396], %mul3A_394 {strides = array<i32>} : memref<64x128xf32, #tpu.memory_space<vmem>>, vector<16xf32>,
            %get3A_398 = arith.index_cast %scan3A_372 : i32 to index
            %get3A_399 = arith.constant 48 : index
            %get3A_400 = tpu.vector_load %arg14[%get3A_398, %get3A_399] {strides = array<i32>} : memref<64x128xf32, #tpu.memory_space<vmem>>, vector<16xf32>,
            %mul3A_401 = arith.mulf %get3A_400, %gather3A : vector<16xf32>
            %swap3A_402 = arith.index_cast %scan3A_372 : i32 to index
            %swap3A_403 = arith.constant 48 : index
            %swap3A_404 = tpu.vector_load %arg14[%swap3A_402, %swap3A_403] {strides = array<i32>} : memref<64x128xf32, #tpu.memory_space<vmem>>, vector<16xf32>,
            tpu.vector_store %arg14[%swap3A_402, %swap3A_403], %mul3A_401 {strides = array<i32>} : memref<64x128xf32, #tpu.memory_space<vmem>>, vector<16xf32>,
            %get3A_405 = arith.index_cast %scan3A_372 : i32 to index
            %get3A_406 = arith.constant 64 : index
            %get3A_407 = tpu.vector_load %arg14[%get3A_405, %get3A_406] {strides = array<i32>} : memref<64x128xf32, #tpu.memory_space<vmem>>, vector<16xf32>,
            %mul3A_408 = arith.mulf %get3A_407, %gather3A : vector<16xf32>
            %swap3A_409 = arith.index_cast %scan3A_372 : i32 to index
            %swap3A_410 = arith.constant 64 : index
            %swap3A_411 = tpu.vector_load %arg14[%swap3A_409, %swap3A_410] {strides = array<i32>} : memref<64x128xf32, #tpu.memory_space<vmem>>, vector<16xf32>,
            tpu.vector_store %arg14[%swap3A_409, %swap3A_410], %mul3A_408 {strides = array<i32>} : memref<64x128xf32, #tpu.memory_space<vmem>>, vector<16xf32>,
            %get3A_412 = arith.index_cast %scan3A_372 : i32 to index
            %get3A_413 = arith.constant 80 : index
            %get3A_414 = tpu.vector_load %arg14[%get3A_412, %get3A_413] {strides = array<i32>} : memref<64x128xf32, #tpu.memory_space<vmem>>, vector<16xf32>,
            %mul3A_415 = arith.mulf %get3A_414, %gather3A : vector<16xf32>
            %swap3A_416 = arith.index_cast %scan3A_372 : i32 to index
            %swap3A_417 = arith.constant 80 : index
            %swap3A_418 = tpu.vector_load %arg14[%swap3A_416, %swap3A_417] {strides = array<i32>} : memref<64x128xf32, #tpu.memory_space<vmem>>, vector<16xf32>,
            tpu.vector_store %arg14[%swap3A_416, %swap3A_417], %mul3A_415 {strides = array<i32>} : memref<64x128xf32, #tpu.memory_space<vmem>>, vector<16xf32>,
            %get3A_419 = arith.index_cast %scan3A_372 : i32 to index
            %get3A_420 = arith.constant 96 : index
            %get3A_421 = tpu.vector_load %arg14[%get3A_419, %get3A_420] {strides = array<i32>} : memref<64x128xf32, #tpu.memory_space<vmem>>, vector<16xf32>,
            %mul3A_422 = arith.mulf %get3A_421, %gather3A : vector<16xf32>
            %swap3A_423 = arith.index_cast %scan3A_372 : i32 to index
            %swap3A_424 = arith.constant 96 : index
            %swap3A_425 = tpu.vector_load %arg14[%swap3A_423, %swap3A_424] {strides = array<i32>} : memref<64x128xf32, #tpu.memory_space<vmem>>, vector<16xf32>,
            tpu.vector_store %arg14[%swap3A_423, %swap3A_424], %mul3A_422 {strides = array<i32>} : memref<64x128xf32, #tpu.memory_space<vmem>>, vector<16xf32>,
            %get3A_426 = arith.index_cast %scan3A_372 : i32 to index
            %get3A_427 = arith.constant 112 : index
            %get3A_428 = tpu.vector_load %arg14[%get3A_426, %get3A_427] {strides = array<i32>} : memref<64x128xf32, #tpu.memory_space<vmem>>, vector<16xf32>,
            %mul3A_429 = arith.mulf %get3A_428, %gather3A : vector<16xf32>
            %swap3A_430 = arith.index_cast %scan3A_372 : i32 to index
            %swap3A_431 = arith.constant 112 : index
            %swap3A_432 = tpu.vector_load %arg14[%swap3A_430, %swap3A_431] {strides = array<i32>} : memref<64x128xf32, #tpu.memory_space<vmem>>, vector<16xf32>,
            tpu.vector_store %arg14[%swap3A_430, %swap3A_431], %mul3A_429 {strides = array<i32>} : memref<64x128xf32, #tpu.memory_space<vmem>>, vector<16xf32>,
          }
          %scan3A_365 = arith.constant 64 : i32
          %dma_start3A_366 = arith.constant 0 : i32
          %dma_start3A_367 = arith.constant 0 : i32
          %dma_start3A_368 = tpu.memref_slice %arg7[%dma_start3A_366, %dma_start3A_367] : memref<10240x128xf32, #tpu.memory_space<vmem_shared>> -> memref<10240x128xf32, #tpu.memory_space<vmem_shared>>
          tpu.enqueue_indirect_dma source(%arg14 : memref<64x128xf32, #tpu.memory_space<vmem>>) target(%dma_start3A_368 : memref<10240x128xf32, #tpu.memory_space<vmem_shared>>) offsets(%arg15 : memref<64xi32, #tpu.memory_space<vmem>>) semaphore(%arg17 : memref<!tpu.dma_semaphore, #tpu.memory_space<semaphore_mem>>) {add = true}
          %dma_wait3A_369 = arith.constant 0 : i32
          %dma_wait3A_370 = arith.constant 0 : i32
          %dma_wait3A_371 = tpu.memref_slice %arg7[%dma_wait3A_369, %dma_wait3A_370] : memref<10240x128xf32, #tpu.memory_space<vmem_shared>> -> memref<10240x128xf32, #tpu.memory_space<vmem_shared>>
          tpu.wait_indirect_dma semaphore(%arg17 : memref<!tpu.dma_semaphore, #tpu.memory_space<semaphore_mem>>) src(%arg14 : memref<64x128xf32, #tpu.memory_space<vmem>>) dst(%dma_wait3A_371 : memref<10240x128xf32, #tpu.memory_space<vmem_shared>>)
        }
      } else {
      }
      %gt3A_224 = arith.constant 1664 : i32
      %gt3A_225 = arith.cmpi sgt, %scan3A_220, %gt3A_224 : i32
      %jit3A_226 = arith.constant 0 : i32
      %select_n3A_227 = arith.select %gt3A_225, %jit3A_226, %scan3A_220 : i32
      scf.yield %select_n3A_227 : i32
    }
    %scan3A_66 = arith.constant 5 : i32
    %mul3A_67 = arith.constant 320 : i32
    %mul3A_68 = arith.muli %add3A, %mul3A_67 : i32
    %scan3A_69 = arith.constant 0 : i32
    %scan3A_70 = arith.constant 20 : i32
    %scan3A_71 = arith.addi %scan3A_69, %scan3A_70 : i32
    %scan3A_72 = arith.constant 1 : i32
    %scan3A_73 = scf.for %scan3A_208 = %scan3A_69 to %scan3A_71 step %scan3A_72 iter_args(%scan3A_209 = %scan3A_65) -> (i32)  : i32 {
      %mul3A_210 = arith.constant 16 : i32
      %mul3A_211 = arith.muli %scan3A_208, %mul3A_210 : i32
      %add3A_212 = arith.addi %mul3A_68, %mul3A_211 : i32
      %get3A = arith.index_cast %add3A_212 : i32 to index
      %get3A_213 = tpu.vector_load %arg8[%get3A] {strides = array<i32>} : memref<10240xf32, #tpu.memory_space<vmem>>, vector<16xf32>,
      %gt3A = arith.constant 0.000000e+00 : f32
      %gt3A_214 = vector.broadcast %gt3A : f32 to vector<16xf32>
      %gt3A_215 = arith.cmpf ogt, %get3A_213, %gt3A_214 : vector<16xf32>
      %convert_element_type3A = arith.extui %gt3A_215 : vector<16xi1> to vector<16xi32>
      %reduce_sum3A = arith.constant true
      %reduce_sum3A_216 = vector.broadcast %reduce_sum3A : i1 to vector<16xi1>
      %reduce_sum3A_217 = tpu.scan <sum>, %convert_element_type3A masked %reduce_sum3A_216 : vector<16xi32>, vector<16xi1> -> vector<16xi32>
      %reduce_sum3A_218 = vector.extract %reduce_sum3A_217[15] : i32 from vector<16xi32>
      %gt3A_219 = arith.constant 0 : i32
      %gt3A_220 = arith.cmpi sgt, %reduce_sum3A_218, %gt3A_219 : i32
      %convert_element_type3A_221 = arith.extui %gt3A_220 : i1 to i32
      %cond3A = arith.constant 0 : i32
      %cond3A_222 = arith.cmpi ne, %convert_element_type3A_221, %cond3A : i32
      scf.if %cond3A_222 {
        %iota3A = tpu.iota {dimensions = array<i32: 0>} : vector<16xi32>
        %add3A_224 = vector.broadcast %add3A_212 : i32 to vector<16xi32>
        %add3A_225 = arith.addi %iota3A, %add3A_224 : vector<16xi32>
        %swap3A_226 = arith.index_cast %scan3A_209 : i32 to index
        %swap3A_227 = tpu.vector_load %arg11[%swap3A_226] masked %gt3A_215 {strides = array<i32>} : memref<4096xi32, #tpu.memory_space<vmem>>, vector<16xi32>, vector<16xi1>
        tpu.vector_store %arg11[%swap3A_226], %add3A_225 masked %gt3A_215 {strides = array<i32>} : memref<4096xi32, #tpu.memory_space<vmem>>, vector<16xi32>, vector<16xi1>
        %mul3A_228 = arith.mulf %get3A_213, %get3A_213 : vector<16xf32>
        %swap3A_229 = arith.index_cast %scan3A_209 : i32 to index
        %swap3A_230 = tpu.vector_load %arg12[%swap3A_229] masked %gt3A_215 {strides = array<i32>} : memref<4096xf32, #tpu.memory_space<vmem>>, vector<16xf32>, vector<16xi1>
        tpu.vector_store %arg12[%swap3A_229], %mul3A_228 masked %gt3A_215 {strides = array<i32>} : memref<4096xf32, #tpu.memory_space<vmem>>, vector<16xf32>, vector<16xi1>
        %swap3A_231 = arith.index_cast %scan3A_209 : i32 to index
        %swap3A_232 = tpu.vector_load %arg13[%swap3A_231] masked %gt3A_215 {strides = array<i32>} : memref<4096xi32, #tpu.memory_space<vmem>>, vector<16xi32>, vector<16xi1>
        tpu.vector_store %arg13[%swap3A_231], %add3A_225 masked %gt3A_215 {strides = array<i32>} : memref<4096xi32, #tpu.memory_space<vmem>>, vector<16xi32>, vector<16xi1>
      } else {
      }
      %add3A_223 = arith.addi %scan3A_209, %reduce_sum3A_218 : i32
      scf.yield %add3A_223 : i32
    }
    %scan3A_74 = arith.constant 20 : i32
    %broadcast_in_dim3A_75 = arith.constant 0.000000e+00 : f32
    %broadcast_in_dim3A_76 = vector.broadcast %broadcast_in_dim3A_75 : f32 to vector<16xf32>
    %broadcast_in_dim3A_77 = arith.constant 10200 : i32
    %broadcast_in_dim3A_78 = vector.broadcast %broadcast_in_dim3A_77 : i32 to vector<16xi32>
    %broadcast_in_dim3A_79 = arith.constant 0 : i32
    %broadcast_in_dim3A_80 = vector.broadcast %broadcast_in_dim3A_79 : i32 to vector<16xi32>
    %add3A_81 = arith.constant 0 : i32
    %add3A_82 = arith.addi %scan3A_73, %add3A_81 : i32
    %swap3A_83 = arith.index_cast %add3A_82 : i32 to index
    %swap3A_84 = tpu.vector_load %arg11[%swap3A_83] {strides = array<i32>} : memref<4096xi32, #tpu.memory_space<vmem>>, vector<16xi32>,
    tpu.vector_store %arg11[%swap3A_83], %broadcast_in_dim3A_80 {strides = array<i32>} : memref<4096xi32, #tpu.memory_space<vmem>>, vector<16xi32>,
    %add3A_85 = arith.constant 0 : i32
    %add3A_86 = arith.addi %scan3A_73, %add3A_85 : i32
    %swap3A_87 = arith.index_cast %add3A_86 : i32 to index
    %swap3A_88 = tpu.vector_load %arg12[%swap3A_87] {strides = array<i32>} : memref<4096xf32, #tpu.memory_space<vmem>>, vector<16xf32>,
    tpu.vector_store %arg12[%swap3A_87], %broadcast_in_dim3A_76 {strides = array<i32>} : memref<4096xf32, #tpu.memory_space<vmem>>, vector<16xf32>,
    %add3A_89 = arith.constant 0 : i32
    %add3A_90 = arith.addi %scan3A_73, %add3A_89 : i32
    %swap3A_91 = arith.index_cast %add3A_90 : i32 to index
    %swap3A_92 = tpu.vector_load %arg13[%swap3A_91] {strides = array<i32>} : memref<4096xi32, #tpu.memory_space<vmem>>, vector<16xi32>,
    tpu.vector_store %arg13[%swap3A_91], %broadcast_in_dim3A_78 {strides = array<i32>} : memref<4096xi32, #tpu.memory_space<vmem>>, vector<16xi32>,
    %add3A_93 = arith.constant 16 : i32
    %add3A_94 = arith.addi %scan3A_73, %add3A_93 : i32
    %swap3A_95 = arith.index_cast %add3A_94 : i32 to index
    %swap3A_96 = tpu.vector_load %arg11[%swap3A_95] {strides = array<i32>} : memref<4096xi32, #tpu.memory_space<vmem>>, vector<16xi32>,
    tpu.vector_store %arg11[%swap3A_95], %broadcast_in_dim3A_80 {strides = array<i32>} : memref<4096xi32, #tpu.memory_space<vmem>>, vector<16xi32>,
    %add3A_97 = arith.constant 16 : i32
    %add3A_98 = arith.addi %scan3A_73, %add3A_97 : i32
    %swap3A_99 = arith.index_cast %add3A_98 : i32 to index
    %swap3A_100 = tpu.vector_load %arg12[%swap3A_99] {strides = array<i32>} : memref<4096xf32, #tpu.memory_space<vmem>>, vector<16xf32>,
    tpu.vector_store %arg12[%swap3A_99], %broadcast_in_dim3A_76 {strides = array<i32>} : memref<4096xf32, #tpu.memory_space<vmem>>, vector<16xf32>,
    %add3A_101 = arith.constant 16 : i32
    %add3A_102 = arith.addi %scan3A_73, %add3A_101 : i32
    %swap3A_103 = arith.index_cast %add3A_102 : i32 to index
    %swap3A_104 = tpu.vector_load %arg13[%swap3A_103] {strides = array<i32>} : memref<4096xi32, #tpu.memory_space<vmem>>, vector<16xi32>,
    tpu.vector_store %arg13[%swap3A_103], %broadcast_in_dim3A_78 {strides = array<i32>} : memref<4096xi32, #tpu.memory_space<vmem>>, vector<16xi32>,
    %add3A_105 = arith.constant 32 : i32
    %add3A_106 = arith.addi %scan3A_73, %add3A_105 : i32
    %swap3A_107 = arith.index_cast %add3A_106 : i32 to index
    %swap3A_108 = tpu.vector_load %arg11[%swap3A_107] {strides = array<i32>} : memref<4096xi32, #tpu.memory_space<vmem>>, vector<16xi32>,
    tpu.vector_store %arg11[%swap3A_107], %broadcast_in_dim3A_80 {strides = array<i32>} : memref<4096xi32, #tpu.memory_space<vmem>>, vector<16xi32>,
    %add3A_109 = arith.constant 32 : i32
    %add3A_110 = arith.addi %scan3A_73, %add3A_109 : i32
    %swap3A_111 = arith.index_cast %add3A_110 : i32 to index
    %swap3A_112 = tpu.vector_load %arg12[%swap3A_111] {strides = array<i32>} : memref<4096xf32, #tpu.memory_space<vmem>>, vector<16xf32>,
    tpu.vector_store %arg12[%swap3A_111], %broadcast_in_dim3A_76 {strides = array<i32>} : memref<4096xf32, #tpu.memory_space<vmem>>, vector<16xf32>,
    %add3A_113 = arith.constant 32 : i32
    %add3A_114 = arith.addi %scan3A_73, %add3A_113 : i32
    %swap3A_115 = arith.index_cast %add3A_114 : i32 to index
    %swap3A_116 = tpu.vector_load %arg13[%swap3A_115] {strides = array<i32>} : memref<4096xi32, #tpu.memory_space<vmem>>, vector<16xi32>,
    tpu.vector_store %arg13[%swap3A_115], %broadcast_in_dim3A_78 {strides = array<i32>} : memref<4096xi32, #tpu.memory_space<vmem>>, vector<16xi32>,
    %add3A_117 = arith.constant 48 : i32
    %add3A_118 = arith.addi %scan3A_73, %add3A_117 : i32
    %swap3A_119 = arith.index_cast %add3A_118 : i32 to index
    %swap3A_120 = tpu.vector_load %arg11[%swap3A_119] {strides = array<i32>} : memref<4096xi32, #tpu.memory_space<vmem>>, vector<16xi32>,
    tpu.vector_store %arg11[%swap3A_119], %broadcast_in_dim3A_80 {strides = array<i32>} : memref<4096xi32, #tpu.memory_space<vmem>>, vector<16xi32>,
    %add3A_121 = arith.constant 48 : i32
    %add3A_122 = arith.addi %scan3A_73, %add3A_121 : i32
    %swap3A_123 = arith.index_cast %add3A_122 : i32 to index
    %swap3A_124 = tpu.vector_load %arg12[%swap3A_123] {strides = array<i32>} : memref<4096xf32, #tpu.memory_space<vmem>>, vector<16xf32>,
    tpu.vector_store %arg12[%swap3A_123], %broadcast_in_dim3A_76 {strides = array<i32>} : memref<4096xf32, #tpu.memory_space<vmem>>, vector<16xf32>,
    %add3A_125 = arith.constant 48 : i32
    %add3A_126 = arith.addi %scan3A_73, %add3A_125 : i32
    %swap3A_127 = arith.index_cast %add3A_126 : i32 to index
    %swap3A_128 = tpu.vector_load %arg13[%swap3A_127] {strides = array<i32>} : memref<4096xi32, #tpu.memory_space<vmem>>, vector<16xi32>,
    tpu.vector_store %arg13[%swap3A_127], %broadcast_in_dim3A_78 {strides = array<i32>} : memref<4096xi32, #tpu.memory_space<vmem>>, vector<16xi32>,
    %add3A_129 = arith.constant 64 : i32
    %add3A_130 = arith.addi %scan3A_73, %add3A_129 : i32
    %sub3A_131 = arith.constant 1 : i32
    %sub3A_132 = arith.subi %add3A_130, %sub3A_131 : i32
    %jit3A_133 = arith.constant 64 : i32
    %div3A_134 = arith.divsi %sub3A_132, %jit3A_133 : i32
    %sign3A_135 = arith.constant 0 : i32
    %sign3A_136 = arith.cmpi sgt, %sub3A_132, %sign3A_135 : i32
    %sign3A_137 = arith.extui %sign3A_136 : i1 to i32
    %sign3A_138 = arith.constant 0 : i32
    %sign3A_139 = arith.cmpi slt, %sub3A_132, %sign3A_138 : i32
    %sign3A_140 = arith.extui %sign3A_139 : i1 to i32
    %sign3A_141 = arith.subi %sign3A_137, %sign3A_140 : i32
    %sign3A_142 = arith.constant 0 : i32
    %sign3A_143 = arith.cmpi sgt, %jit3A_133, %sign3A_142 : i32
    %sign3A_144 = arith.extui %sign3A_143 : i1 to i32
    %sign3A_145 = arith.constant 0 : i32
    %sign3A_146 = arith.cmpi slt, %jit3A_133, %sign3A_145 : i32
    %sign3A_147 = arith.extui %sign3A_146 : i1 to i32
    %sign3A_148 = arith.subi %sign3A_144, %sign3A_147 : i32
    %ne3A_149 = arith.cmpi ne, %sign3A_141, %sign3A_148 : i32
    %rem3A_150 = arith.remsi %sub3A_132, %jit3A_133 : i32
    %ne3A_151 = arith.constant 0 : i32
    %ne3A_152 = arith.cmpi ne, %rem3A_150, %ne3A_151 : i32
    %and3A_153 = arith.andi %ne3A_149, %ne3A_152 : i1
    %sub3A_154 = arith.constant 1 : i32
    %sub3A_155 = arith.subi %div3A_134, %sub3A_154 : i32
    %select_n3A_156 = arith.select %and3A_153, %sub3A_155, %div3A_134 : i32
    %while3A_157 = arith.constant 0 : i32
    %while3A_158 = arith.constant 0 : i32
    %while3A_159 = arith.subi %select_n3A_156, %while3A_158 : i32
    %while3A_160 = arith.addi %while3A_158, %while3A_159 : i32
    %while3A_161 = arith.constant 1 : i32
    %while3A_162 = arith.divsi %while3A_159, %while3A_161 : i32
    %while3A_163 = arith.muli %while3A_162, %while3A_161 : i32
    %while3A_164 = arith.addi %while3A_158, %while3A_163 : i32
    %while3A_165 = arith.constant 1 : i32
    scf.for %while3A_208 = %while3A_158 to %while3A_164 step %while3A_165  : i32 {
      %mul3A_209 = arith.constant 64 : i32
      %mul3A_210 = arith.muli %while3A_208, %mul3A_209 : i32
      %dma_start3A = tpu.memref_slice %arg11[%mul3A_210] : memref<4096xi32, #tpu.memory_space<vmem>> -> memref<64xi32, #tpu.memory_space<vmem>>
      %dma_start3A_211 = arith.constant 0 : i32
      %dma_start3A_212 = arith.constant 0 : i32
      %dma_start3A_213 = tpu.memref_slice %arg5[%dma_start3A_211, %dma_start3A_212] : memref<10000x128xf32, #tpu.memory_space<hbm>> -> memref<10000x128xf32, #tpu.memory_space<hbm>>
      tpu.enqueue_indirect_dma source(%dma_start3A_213 : memref<10000x128xf32, #tpu.memory_space<hbm>>) target(%arg14 : memref<64x128xf32, #tpu.memory_space<vmem>>) offsets(%dma_start3A : memref<64xi32, #tpu.memory_space<vmem>>) semaphore(%arg16 : memref<!tpu.dma_semaphore, #tpu.memory_space<semaphore_mem>>)
      %mul3A_214 = arith.constant 64 : i32
      %mul3A_215 = arith.muli %while3A_208, %mul3A_214 : i32
      %add3A_216 = arith.constant 0 : i32
      %add3A_217 = arith.addi %mul3A_215, %add3A_216 : i32
      %get3A = arith.index_cast %add3A_217 : i32 to index
      %get3A_218 = tpu.vector_load %arg13[%get3A] {strides = array<i32>} : memref<4096xi32, #tpu.memory_space<vmem>>, vector<16xi32>,
      %swap3A_219 = arith.constant 0 : index
      %swap3A_220 = tpu.vector_load %arg15[%swap3A_219] {strides = array<i32>} : memref<64xi32, #tpu.memory_space<vmem>>, vector<16xi32>,
      tpu.vector_store %arg15[%swap3A_219], %get3A_218 {strides = array<i32>} : memref<64xi32, #tpu.memory_space<vmem>>, vector<16xi32>,
      %mul3A_221 = arith.constant 64 : i32
      %mul3A_222 = arith.muli %while3A_208, %mul3A_221 : i32
      %add3A_223 = arith.constant 16 : i32
      %add3A_224 = arith.addi %mul3A_222, %add3A_223 : i32
      %get3A_225 = arith.index_cast %add3A_224 : i32 to index
      %get3A_226 = tpu.vector_load %arg13[%get3A_225] {strides = array<i32>} : memref<4096xi32, #tpu.memory_space<vmem>>, vector<16xi32>,
      %swap3A_227 = arith.constant 16 : index
      %swap3A_228 = tpu.vector_load %arg15[%swap3A_227] {strides = array<i32>} : memref<64xi32, #tpu.memory_space<vmem>>, vector<16xi32>,
      tpu.vector_store %arg15[%swap3A_227], %get3A_226 {strides = array<i32>} : memref<64xi32, #tpu.memory_space<vmem>>, vector<16xi32>,
      %mul3A_229 = arith.constant 64 : i32
      %mul3A_230 = arith.muli %while3A_208, %mul3A_229 : i32
      %add3A_231 = arith.constant 32 : i32
      %add3A_232 = arith.addi %mul3A_230, %add3A_231 : i32
      %get3A_233 = arith.index_cast %add3A_232 : i32 to index
      %get3A_234 = tpu.vector_load %arg13[%get3A_233] {strides = array<i32>} : memref<4096xi32, #tpu.memory_space<vmem>>, vector<16xi32>,
      %swap3A_235 = arith.constant 32 : index
      %swap3A_236 = tpu.vector_load %arg15[%swap3A_235] {strides = array<i32>} : memref<64xi32, #tpu.memory_space<vmem>>, vector<16xi32>,
      tpu.vector_store %arg15[%swap3A_235], %get3A_234 {strides = array<i32>} : memref<64xi32, #tpu.memory_space<vmem>>, vector<16xi32>,
      %mul3A_237 = arith.constant 64 : i32
      %mul3A_238 = arith.muli %while3A_208, %mul3A_237 : i32
      %add3A_239 = arith.constant 48 : i32
      %add3A_240 = arith.addi %mul3A_238, %add3A_239 : i32
      %get3A_241 = arith.index_cast %add3A_240 : i32 to index
      %get3A_242 = tpu.vector_load %arg13[%get3A_241] {strides = array<i32>} : memref<4096xi32, #tpu.memory_space<vmem>>, vector<16xi32>,
      %swap3A_243 = arith.constant 48 : index
      %swap3A_244 = tpu.vector_load %arg15[%swap3A_243] {strides = array<i32>} : memref<64xi32, #tpu.memory_space<vmem>>, vector<16xi32>,
      tpu.vector_store %arg15[%swap3A_243], %get3A_242 {strides = array<i32>} : memref<64xi32, #tpu.memory_space<vmem>>, vector<16xi32>,
      %dma_wait3A = tpu.memref_slice %arg11[%mul3A_210] : memref<4096xi32, #tpu.memory_space<vmem>> -> memref<64xi32, #tpu.memory_space<vmem>>
      %dma_wait3A_245 = arith.constant 0 : i32
      %dma_wait3A_246 = arith.constant 0 : i32
      %dma_wait3A_247 = tpu.memref_slice %arg5[%dma_wait3A_245, %dma_wait3A_246] : memref<10000x128xf32, #tpu.memory_space<hbm>> -> memref<10000x128xf32, #tpu.memory_space<hbm>>
      tpu.wait_indirect_dma semaphore(%arg16 : memref<!tpu.dma_semaphore, #tpu.memory_space<semaphore_mem>>) src(%dma_wait3A_247 : memref<10000x128xf32, #tpu.memory_space<hbm>>) dst(%arg14 : memref<64x128xf32, #tpu.memory_space<vmem>>)
      %scan3A_248 = arith.constant 0 : i32
      %scan3A_249 = arith.constant 0 : i32
      %scan3A_250 = arith.constant 64 : i32
      %scan3A_251 = arith.addi %scan3A_249, %scan3A_250 : i32
      %scan3A_252 = arith.constant 1 : i32
      scf.for %scan3A_260 = %scan3A_249 to %scan3A_251 step %scan3A_252  : i32 {
        %mul3A_261 = arith.constant 64 : i32
        %mul3A_262 = arith.muli %while3A_208, %mul3A_261 : i32
        %add3A_263 = arith.addi %mul3A_262, %scan3A_260 : i32
        %broadcast_in_dim3A_264 = vector.broadcast %add3A_263 : i32 to vector<16xi32>
        %gather3A = tpu.vector_load_idx %arg12[%broadcast_in_dim3A_264] : memref<4096xf32, #tpu.memory_space<vmem>>[vector<16xi32>], vector<16xf32>,
        %get3A_265 = arith.index_cast %scan3A_260 : i32 to index
        %get3A_266 = arith.constant 0 : index
        %get3A_267 = tpu.vector_load %arg14[%get3A_265, %get3A_266] {strides = array<i32>} : memref<64x128xf32, #tpu.memory_space<vmem>>, vector<16xf32>,
        %mul3A_268 = arith.mulf %get3A_267, %gather3A : vector<16xf32>
        %swap3A_269 = arith.index_cast %scan3A_260 : i32 to index
        %swap3A_270 = arith.constant 0 : index
        %swap3A_271 = tpu.vector_load %arg14[%swap3A_269, %swap3A_270] {strides = array<i32>} : memref<64x128xf32, #tpu.memory_space<vmem>>, vector<16xf32>,
        tpu.vector_store %arg14[%swap3A_269, %swap3A_270], %mul3A_268 {strides = array<i32>} : memref<64x128xf32, #tpu.memory_space<vmem>>, vector<16xf32>,
        %get3A_272 = arith.index_cast %scan3A_260 : i32 to index
        %get3A_273 = arith.constant 16 : index
        %get3A_274 = tpu.vector_load %arg14[%get3A_272, %get3A_273] {strides = array<i32>} : memref<64x128xf32, #tpu.memory_space<vmem>>, vector<16xf32>,
        %mul3A_275 = arith.mulf %get3A_274, %gather3A : vector<16xf32>
        %swap3A_276 = arith.index_cast %scan3A_260 : i32 to index
        %swap3A_277 = arith.constant 16 : index
        %swap3A_278 = tpu.vector_load %arg14[%swap3A_276, %swap3A_277] {strides = array<i32>} : memref<64x128xf32, #tpu.memory_space<vmem>>, vector<16xf32>,
        tpu.vector_store %arg14[%swap3A_276, %swap3A_277], %mul3A_275 {strides = array<i32>} : memref<64x128xf32, #tpu.memory_space<vmem>>, vector<16xf32>,
        %get3A_279 = arith.index_cast %scan3A_260 : i32 to index
        %get3A_280 = arith.constant 32 : index
        %get3A_281 = tpu.vector_load %arg14[%get3A_279, %get3A_280] {strides = array<i32>} : memref<64x128xf32, #tpu.memory_space<vmem>>, vector<16xf32>,
        %mul3A_282 = arith.mulf %get3A_281, %gather3A : vector<16xf32>
        %swap3A_283 = arith.index_cast %scan3A_260 : i32 to index
        %swap3A_284 = arith.constant 32 : index
        %swap3A_285 = tpu.vector_load %arg14[%swap3A_283, %swap3A_284] {strides = array<i32>} : memref<64x128xf32, #tpu.memory_space<vmem>>, vector<16xf32>,
        tpu.vector_store %arg14[%swap3A_283, %swap3A_284], %mul3A_282 {strides = array<i32>} : memref<64x128xf32, #tpu.memory_space<vmem>>, vector<16xf32>,
        %get3A_286 = arith.index_cast %scan3A_260 : i32 to index
        %get3A_287 = arith.constant 48 : index
        %get3A_288 = tpu.vector_load %arg14[%get3A_286, %get3A_287] {strides = array<i32>} : memref<64x128xf32, #tpu.memory_space<vmem>>, vector<16xf32>,
        %mul3A_289 = arith.mulf %get3A_288, %gather3A : vector<16xf32>
        %swap3A_290 = arith.index_cast %scan3A_260 : i32 to index
        %swap3A_291 = arith.constant 48 : index
        %swap3A_292 = tpu.vector_load %arg14[%swap3A_290, %swap3A_291] {strides = array<i32>} : memref<64x128xf32, #tpu.memory_space<vmem>>, vector<16xf32>,
        tpu.vector_store %arg14[%swap3A_290, %swap3A_291], %mul3A_289 {strides = array<i32>} : memref<64x128xf32, #tpu.memory_space<vmem>>, vector<16xf32>,
        %get3A_293 = arith.index_cast %scan3A_260 : i32 to index
        %get3A_294 = arith.constant 64 : index
        %get3A_295 = tpu.vector_load %arg14[%get3A_293, %get3A_294] {strides = array<i32>} : memref<64x128xf32, #tpu.memory_space<vmem>>, vector<16xf32>,
        %mul3A_296 = arith.mulf %get3A_295, %gather3A : vector<16xf32>
        %swap3A_297 = arith.index_cast %scan3A_260 : i32 to index
        %swap3A_298 = arith.constant 64 : index
        %swap3A_299 = tpu.vector_load %arg14[%swap3A_297, %swap3A_298] {strides = array<i32>} : memref<64x128xf32, #tpu.memory_space<vmem>>, vector<16xf32>,
        tpu.vector_store %arg14[%swap3A_297, %swap3A_298], %mul3A_296 {strides = array<i32>} : memref<64x128xf32, #tpu.memory_space<vmem>>, vector<16xf32>,
        %get3A_300 = arith.index_cast %scan3A_260 : i32 to index
        %get3A_301 = arith.constant 80 : index
        %get3A_302 = tpu.vector_load %arg14[%get3A_300, %get3A_301] {strides = array<i32>} : memref<64x128xf32, #tpu.memory_space<vmem>>, vector<16xf32>,
        %mul3A_303 = arith.mulf %get3A_302, %gather3A : vector<16xf32>
        %swap3A_304 = arith.index_cast %scan3A_260 : i32 to index
        %swap3A_305 = arith.constant 80 : index
        %swap3A_306 = tpu.vector_load %arg14[%swap3A_304, %swap3A_305] {strides = array<i32>} : memref<64x128xf32, #tpu.memory_space<vmem>>, vector<16xf32>,
        tpu.vector_store %arg14[%swap3A_304, %swap3A_305], %mul3A_303 {strides = array<i32>} : memref<64x128xf32, #tpu.memory_space<vmem>>, vector<16xf32>,
        %get3A_307 = arith.index_cast %scan3A_260 : i32 to index
        %get3A_308 = arith.constant 96 : index
        %get3A_309 = tpu.vector_load %arg14[%get3A_307, %get3A_308] {strides = array<i32>} : memref<64x128xf32, #tpu.memory_space<vmem>>, vector<16xf32>,
        %mul3A_310 = arith.mulf %get3A_309, %gather3A : vector<16xf32>
        %swap3A_311 = arith.index_cast %scan3A_260 : i32 to index
        %swap3A_312 = arith.constant 96 : index
        %swap3A_313 = tpu.vector_load %arg14[%swap3A_311, %swap3A_312] {strides = array<i32>} : memref<64x128xf32, #tpu.memory_space<vmem>>, vector<16xf32>,
        tpu.vector_store %arg14[%swap3A_311, %swap3A_312], %mul3A_310 {strides = array<i32>} : memref<64x128xf32, #tpu.memory_space<vmem>>, vector<16xf32>,
        %get3A_314 = arith.index_cast %scan3A_260 : i32 to index
        %get3A_315 = arith.constant 112 : index
        %get3A_316 = tpu.vector_load %arg14[%get3A_314, %get3A_315] {strides = array<i32>} : memref<64x128xf32, #tpu.memory_space<vmem>>, vector<16xf32>,
        %mul3A_317 = arith.mulf %get3A_316, %gather3A : vector<16xf32>
        %swap3A_318 = arith.index_cast %scan3A_260 : i32 to index
        %swap3A_319 = arith.constant 112 : index
        %swap3A_320 = tpu.vector_load %arg14[%swap3A_318, %swap3A_319] {strides = array<i32>} : memref<64x128xf32, #tpu.memory_space<vmem>>, vector<16xf32>,
        tpu.vector_store %arg14[%swap3A_318, %swap3A_319], %mul3A_317 {strides = array<i32>} : memref<64x128xf32, #tpu.memory_space<vmem>>, vector<16xf32>,
      }
      %scan3A_253 = arith.constant 64 : i32
      %dma_start3A_254 = arith.constant 0 : i32
      %dma_start3A_255 = arith.constant 0 : i32
      %dma_start3A_256 = tpu.memref_slice %arg7[%dma_start3A_254, %dma_start3A_255] : memref<10240x128xf32, #tpu.memory_space<vmem_shared>> -> memref<10240x128xf32, #tpu.memory_space<vmem_shared>>
      tpu.enqueue_indirect_dma source(%arg14 : memref<64x128xf32, #tpu.memory_space<vmem>>) target(%dma_start3A_256 : memref<10240x128xf32, #tpu.memory_space<vmem_shared>>) offsets(%arg15 : memref<64xi32, #tpu.memory_space<vmem>>) semaphore(%arg17 : memref<!tpu.dma_semaphore, #tpu.memory_space<semaphore_mem>>) {add = true}
      %dma_wait3A_257 = arith.constant 0 : i32
      %dma_wait3A_258 = arith.constant 0 : i32
      %dma_wait3A_259 = tpu.memref_slice %arg7[%dma_wait3A_257, %dma_wait3A_258] : memref<10240x128xf32, #tpu.memory_space<vmem_shared>> -> memref<10240x128xf32, #tpu.memory_space<vmem_shared>>
      tpu.wait_indirect_dma semaphore(%arg17 : memref<!tpu.dma_semaphore, #tpu.memory_space<semaphore_mem>>) src(%arg14 : memref<64x128xf32, #tpu.memory_space<vmem>>) dst(%dma_wait3A_259 : memref<10240x128xf32, #tpu.memory_space<vmem_shared>>)
    }
    %while3A_166 = arith.constant 1 : i32
    scf.for %while3A_208 = %while3A_164 to %while3A_160 step %while3A_166  : i32 {
      %mul3A_209 = arith.constant 64 : i32
      %mul3A_210 = arith.muli %while3A_208, %mul3A_209 : i32
      %dma_start3A = tpu.memref_slice %arg11[%mul3A_210] : memref<4096xi32, #tpu.memory_space<vmem>> -> memref<64xi32, #tpu.memory_space<vmem>>
      %dma_start3A_211 = arith.constant 0 : i32
      %dma_start3A_212 = arith.constant 0 : i32
      %dma_start3A_213 = tpu.memref_slice %arg5[%dma_start3A_211, %dma_start3A_212] : memref<10000x128xf32, #tpu.memory_space<hbm>> -> memref<10000x128xf32, #tpu.memory_space<hbm>>
      tpu.enqueue_indirect_dma source(%dma_start3A_213 : memref<10000x128xf32, #tpu.memory_space<hbm>>) target(%arg14 : memref<64x128xf32, #tpu.memory_space<vmem>>) offsets(%dma_start3A : memref<64xi32, #tpu.memory_space<vmem>>) semaphore(%arg16 : memref<!tpu.dma_semaphore, #tpu.memory_space<semaphore_mem>>)
      %mul3A_214 = arith.constant 64 : i32
      %mul3A_215 = arith.muli %while3A_208, %mul3A_214 : i32
      %add3A_216 = arith.constant 0 : i32
      %add3A_217 = arith.addi %mul3A_215, %add3A_216 : i32
      %get3A = arith.index_cast %add3A_217 : i32 to index
      %get3A_218 = tpu.vector_load %arg13[%get3A] {strides = array<i32>} : memref<4096xi32, #tpu.memory_space<vmem>>, vector<16xi32>,
      %swap3A_219 = arith.constant 0 : index
      %swap3A_220 = tpu.vector_load %arg15[%swap3A_219] {strides = array<i32>} : memref<64xi32, #tpu.memory_space<vmem>>, vector<16xi32>,
      tpu.vector_store %arg15[%swap3A_219], %get3A_218 {strides = array<i32>} : memref<64xi32, #tpu.memory_space<vmem>>, vector<16xi32>,
      %mul3A_221 = arith.constant 64 : i32
      %mul3A_222 = arith.muli %while3A_208, %mul3A_221 : i32
      %add3A_223 = arith.constant 16 : i32
      %add3A_224 = arith.addi %mul3A_222, %add3A_223 : i32
      %get3A_225 = arith.index_cast %add3A_224 : i32 to index
      %get3A_226 = tpu.vector_load %arg13[%get3A_225] {strides = array<i32>} : memref<4096xi32, #tpu.memory_space<vmem>>, vector<16xi32>,
      %swap3A_227 = arith.constant 16 : index
      %swap3A_228 = tpu.vector_load %arg15[%swap3A_227] {strides = array<i32>} : memref<64xi32, #tpu.memory_space<vmem>>, vector<16xi32>,
      tpu.vector_store %arg15[%swap3A_227], %get3A_226 {strides = array<i32>} : memref<64xi32, #tpu.memory_space<vmem>>, vector<16xi32>,
      %mul3A_229 = arith.constant 64 : i32
      %mul3A_230 = arith.muli %while3A_208, %mul3A_229 : i32
      %add3A_231 = arith.constant 32 : i32
      %add3A_232 = arith.addi %mul3A_230, %add3A_231 : i32
      %get3A_233 = arith.index_cast %add3A_232 : i32 to index
      %get3A_234 = tpu.vector_load %arg13[%get3A_233] {strides = array<i32>} : memref<4096xi32, #tpu.memory_space<vmem>>, vector<16xi32>,
      %swap3A_235 = arith.constant 32 : index
      %swap3A_236 = tpu.vector_load %arg15[%swap3A_235] {strides = array<i32>} : memref<64xi32, #tpu.memory_space<vmem>>, vector<16xi32>,
      tpu.vector_store %arg15[%swap3A_235], %get3A_234 {strides = array<i32>} : memref<64xi32, #tpu.memory_space<vmem>>, vector<16xi32>,
      %mul3A_237 = arith.constant 64 : i32
      %mul3A_238 = arith.muli %while3A_208, %mul3A_237 : i32
      %add3A_239 = arith.constant 48 : i32
      %add3A_240 = arith.addi %mul3A_238, %add3A_239 : i32
      %get3A_241 = arith.index_cast %add3A_240 : i32 to index
      %get3A_242 = tpu.vector_load %arg13[%get3A_241] {strides = array<i32>} : memref<4096xi32, #tpu.memory_space<vmem>>, vector<16xi32>,
      %swap3A_243 = arith.constant 48 : index
      %swap3A_244 = tpu.vector_load %arg15[%swap3A_243] {strides = array<i32>} : memref<64xi32, #tpu.memory_space<vmem>>, vector<16xi32>,
      tpu.vector_store %arg15[%swap3A_243], %get3A_242 {strides = array<i32>} : memref<64xi32, #tpu.memory_space<vmem>>, vector<16xi32>,
      %dma_wait3A = tpu.memref_slice %arg11[%mul3A_210] : memref<4096xi32, #tpu.memory_space<vmem>> -> memref<64xi32, #tpu.memory_space<vmem>>
      %dma_wait3A_245 = arith.constant 0 : i32
      %dma_wait3A_246 = arith.constant 0 : i32
      %dma_wait3A_247 = tpu.memref_slice %arg5[%dma_wait3A_245, %dma_wait3A_246] : memref<10000x128xf32, #tpu.memory_space<hbm>> -> memref<10000x128xf32, #tpu.memory_space<hbm>>
      tpu.wait_indirect_dma semaphore(%arg16 : memref<!tpu.dma_semaphore, #tpu.memory_space<semaphore_mem>>) src(%dma_wait3A_247 : memref<10000x128xf32, #tpu.memory_space<hbm>>) dst(%arg14 : memref<64x128xf32, #tpu.memory_space<vmem>>)
      %scan3A_248 = arith.constant 0 : i32
      %scan3A_249 = arith.constant 0 : i32
      %scan3A_250 = arith.constant 64 : i32
      %scan3A_251 = arith.addi %scan3A_249, %scan3A_250 : i32
      %scan3A_252 = arith.constant 1 : i32
      scf.for %scan3A_260 = %scan3A_249 to %scan3A_251 step %scan3A_252  : i32 {
        %mul3A_261 = arith.constant 64 : i32
        %mul3A_262 = arith.muli %while3A_208, %mul3A_261 : i32
        %add3A_263 = arith.addi %mul3A_262, %scan3A_260 : i32
        %broadcast_in_dim3A_264 = vector.broadcast %add3A_263 : i32 to vector<16xi32>
        %gather3A = tpu.vector_load_idx %arg12[%broadcast_in_dim3A_264] : memref<4096xf32, #tpu.memory_space<vmem>>[vector<16xi32>], vector<16xf32>,
        %get3A_265 = arith.index_cast %scan3A_260 : i32 to index
        %get3A_266 = arith.constant 0 : index
        %get3A_267 = tpu.vector_load %arg14[%get3A_265, %get3A_266] {strides = array<i32>} : memref<64x128xf32, #tpu.memory_space<vmem>>, vector<16xf32>,
        %mul3A_268 = arith.mulf %get3A_267, %gather3A : vector<16xf32>
        %swap3A_269 = arith.index_cast %scan3A_260 : i32 to index
        %swap3A_270 = arith.constant 0 : index
        %swap3A_271 = tpu.vector_load %arg14[%swap3A_269, %swap3A_270] {strides = array<i32>} : memref<64x128xf32, #tpu.memory_space<vmem>>, vector<16xf32>,
        tpu.vector_store %arg14[%swap3A_269, %swap3A_270], %mul3A_268 {strides = array<i32>} : memref<64x128xf32, #tpu.memory_space<vmem>>, vector<16xf32>,
        %get3A_272 = arith.index_cast %scan3A_260 : i32 to index
        %get3A_273 = arith.constant 16 : index
        %get3A_274 = tpu.vector_load %arg14[%get3A_272, %get3A_273] {strides = array<i32>} : memref<64x128xf32, #tpu.memory_space<vmem>>, vector<16xf32>,
        %mul3A_275 = arith.mulf %get3A_274, %gather3A : vector<16xf32>
        %swap3A_276 = arith.index_cast %scan3A_260 : i32 to index
        %swap3A_277 = arith.constant 16 : index
        %swap3A_278 = tpu.vector_load %arg14[%swap3A_276, %swap3A_277] {strides = array<i32>} : memref<64x128xf32, #tpu.memory_space<vmem>>, vector<16xf32>,
        tpu.vector_store %arg14[%swap3A_276, %swap3A_277], %mul3A_275 {strides = array<i32>} : memref<64x128xf32, #tpu.memory_space<vmem>>, vector<16xf32>,
        %get3A_279 = arith.index_cast %scan3A_260 : i32 to index
        %get3A_280 = arith.constant 32 : index
        %get3A_281 = tpu.vector_load %arg14[%get3A_279, %get3A_280] {strides = array<i32>} : memref<64x128xf32, #tpu.memory_space<vmem>>, vector<16xf32>,
        %mul3A_282 = arith.mulf %get3A_281, %gather3A : vector<16xf32>
        %swap3A_283 = arith.index_cast %scan3A_260 : i32 to index
        %swap3A_284 = arith.constant 32 : index
        %swap3A_285 = tpu.vector_load %arg14[%swap3A_283, %swap3A_284] {strides = array<i32>} : memref<64x128xf32, #tpu.memory_space<vmem>>, vector<16xf32>,
        tpu.vector_store %arg14[%swap3A_283, %swap3A_284], %mul3A_282 {strides = array<i32>} : memref<64x128xf32, #tpu.memory_space<vmem>>, vector<16xf32>,
        %get3A_286 = arith.index_cast %scan3A_260 : i32 to index
        %get3A_287 = arith.constant 48 : index
        %get3A_288 = tpu.vector_load %arg14[%get3A_286, %get3A_287] {strides = array<i32>} : memref<64x128xf32, #tpu.memory_space<vmem>>, vector<16xf32>,
        %mul3A_289 = arith.mulf %get3A_288, %gather3A : vector<16xf32>
        %swap3A_290 = arith.index_cast %scan3A_260 : i32 to index
        %swap3A_291 = arith.constant 48 : index
        %swap3A_292 = tpu.vector_load %arg14[%swap3A_290, %swap3A_291] {strides = array<i32>} : memref<64x128xf32, #tpu.memory_space<vmem>>, vector<16xf32>,
        tpu.vector_store %arg14[%swap3A_290, %swap3A_291], %mul3A_289 {strides = array<i32>} : memref<64x128xf32, #tpu.memory_space<vmem>>, vector<16xf32>,
        %get3A_293 = arith.index_cast %scan3A_260 : i32 to index
        %get3A_294 = arith.constant 64 : index
        %get3A_295 = tpu.vector_load %arg14[%get3A_293, %get3A_294] {strides = array<i32>} : memref<64x128xf32, #tpu.memory_space<vmem>>, vector<16xf32>,
        %mul3A_296 = arith.mulf %get3A_295, %gather3A : vector<16xf32>
        %swap3A_297 = arith.index_cast %scan3A_260 : i32 to index
        %swap3A_298 = arith.constant 64 : index
        %swap3A_299 = tpu.vector_load %arg14[%swap3A_297, %swap3A_298] {strides = array<i32>} : memref<64x128xf32, #tpu.memory_space<vmem>>, vector<16xf32>,
        tpu.vector_store %arg14[%swap3A_297, %swap3A_298], %mul3A_296 {strides = array<i32>} : memref<64x128xf32, #tpu.memory_space<vmem>>, vector<16xf32>,
        %get3A_300 = arith.index_cast %scan3A_260 : i32 to index
        %get3A_301 = arith.constant 80 : index
        %get3A_302 = tpu.vector_load %arg14[%get3A_300, %get3A_301] {strides = array<i32>} : memref<64x128xf32, #tpu.memory_space<vmem>>, vector<16xf32>,
        %mul3A_303 = arith.mulf %get3A_302, %gather3A : vector<16xf32>
        %swap3A_304 = arith.index_cast %scan3A_260 : i32 to index
        %swap3A_305 = arith.constant 80 : index
        %swap3A_306 = tpu.vector_load %arg14[%swap3A_304, %swap3A_305] {strides = array<i32>} : memref<64x128xf32, #tpu.memory_space<vmem>>, vector<16xf32>,
        tpu.vector_store %arg14[%swap3A_304, %swap3A_305], %mul3A_303 {strides = array<i32>} : memref<64x128xf32, #tpu.memory_space<vmem>>, vector<16xf32>,
        %get3A_307 = arith.index_cast %scan3A_260 : i32 to index
        %get3A_308 = arith.constant 96 : index
        %get3A_309 = tpu.vector_load %arg14[%get3A_307, %get3A_308] {strides = array<i32>} : memref<64x128xf32, #tpu.memory_space<vmem>>, vector<16xf32>,
        %mul3A_310 = arith.mulf %get3A_309, %gather3A : vector<16xf32>
        %swap3A_311 = arith.index_cast %scan3A_260 : i32 to index
        %swap3A_312 = arith.constant 96 : index
        %swap3A_313 = tpu.vector_load %arg14[%swap3A_311, %swap3A_312] {strides = array<i32>} : memref<64x128xf32, #tpu.memory_space<vmem>>, vector<16xf32>,
        tpu.vector_store %arg14[%swap3A_311, %swap3A_312], %mul3A_310 {strides = array<i32>} : memref<64x128xf32, #tpu.memory_space<vmem>>, vector<16xf32>,
        %get3A_314 = arith.index_cast %scan3A_260 : i32 to index
        %get3A_315 = arith.constant 112 : index
        %get3A_316 = tpu.vector_load %arg14[%get3A_314, %get3A_315] {strides = array<i32>} : memref<64x128xf32, #tpu.memory_space<vmem>>, vector<16xf32>,
        %mul3A_317 = arith.mulf %get3A_316, %gather3A : vector<16xf32>
        %swap3A_318 = arith.index_cast %scan3A_260 : i32 to index
        %swap3A_319 = arith.constant 112 : index
        %swap3A_320 = tpu.vector_load %arg14[%swap3A_318, %swap3A_319] {strides = array<i32>} : memref<64x128xf32, #tpu.memory_space<vmem>>, vector<16xf32>,
        tpu.vector_store %arg14[%swap3A_318, %swap3A_319], %mul3A_317 {strides = array<i32>} : memref<64x128xf32, #tpu.memory_space<vmem>>, vector<16xf32>,
      }
      %scan3A_253 = arith.constant 64 : i32
      %dma_start3A_254 = arith.constant 0 : i32
      %dma_start3A_255 = arith.constant 0 : i32
      %dma_start3A_256 = tpu.memref_slice %arg7[%dma_start3A_254, %dma_start3A_255] : memref<10240x128xf32, #tpu.memory_space<vmem_shared>> -> memref<10240x128xf32, #tpu.memory_space<vmem_shared>>
      tpu.enqueue_indirect_dma source(%arg14 : memref<64x128xf32, #tpu.memory_space<vmem>>) target(%dma_start3A_256 : memref<10240x128xf32, #tpu.memory_space<vmem_shared>>) offsets(%arg15 : memref<64xi32, #tpu.memory_space<vmem>>) semaphore(%arg17 : memref<!tpu.dma_semaphore, #tpu.memory_space<semaphore_mem>>) {add = true}
      %dma_wait3A_257 = arith.constant 0 : i32
      %dma_wait3A_258 = arith.constant 0 : i32
      %dma_wait3A_259 = tpu.memref_slice %arg7[%dma_wait3A_257, %dma_wait3A_258] : memref<10240x128xf32, #tpu.memory_space<vmem_shared>> -> memref<10240x128xf32, #tpu.memory_space<vmem_shared>>
      tpu.wait_indirect_dma semaphore(%arg17 : memref<!tpu.dma_semaphore, #tpu.memory_space<semaphore_mem>>) src(%arg14 : memref<64x128xf32, #tpu.memory_space<vmem>>) dst(%dma_wait3A_259 : memref<10240x128xf32, #tpu.memory_space<vmem_shared>>)
    }
    %barrier3A_167 = arith.constant 0 : index
    tpu.barrier barrier_id(%barrier3A_167)
    %mul3A_168 = arith.constant 640 : i32
    %mul3A_169 = arith.muli %arg1, %mul3A_168 : i32
    %add3A_170 = arith.constant 0 : i32
    %add3A_171 = arith.addi %mul3A_169, %add3A_170 : i32
    "tpu.region"() ({
      %run_scoped3A = tpu.sem_alloc : memref<!tpu.dma_semaphore, #tpu.memory_space<semaphore_mem>>
      %dma_start3A = arith.constant 0 : i32
      %dma_start3A_208 = tpu.memref_slice %arg6[%arg0, %add3A_171, %dma_start3A] : memref<2x10240x128xf32, #tpu.memory_space<hbm>> -> memref<1x64x128xf32, #tpu.memory_space<hbm>>
      %dma_start3A_209 = tpu.memref_squeeze %dma_start3A_208 : memref<1x64x128xf32, #tpu.memory_space<hbm>> -> memref<64x128xf32, #tpu.memory_space<hbm>>
      %dma_start3A_210 = arith.constant 0 : i32
      %dma_start3A_211 = tpu.memref_slice %arg7[%add3A_171, %dma_start3A_210] : memref<10240x128xf32, #tpu.memory_space<vmem_shared>> -> memref<64x128xf32, #tpu.memory_space<vmem_shared>>
      tpu.enqueue_dma source(%dma_start3A_211 : memref<64x128xf32, #tpu.memory_space<vmem_shared>>) target(%dma_start3A_209 : memref<64x128xf32, #tpu.memory_space<hbm>>) target_semaphore(%run_scoped3A : memref<!tpu.dma_semaphore, #tpu.memory_space<semaphore_mem>>)
      %dma_wait3A = arith.constant 0 : i32
      %dma_wait3A_212 = tpu.memref_slice %arg6[%arg0, %add3A_171, %dma_wait3A] : memref<2x10240x128xf32, #tpu.memory_space<hbm>> -> memref<1x64x128xf32, #tpu.memory_space<hbm>>
      %dma_wait3A_213 = tpu.memref_squeeze %dma_wait3A_212 : memref<1x64x128xf32, #tpu.memory_space<hbm>> -> memref<64x128xf32, #tpu.memory_space<hbm>>
      %dma_wait3A_214 = arith.constant 0 : i32
      %dma_wait3A_215 = tpu.memref_slice %arg7[%add3A_171, %dma_wait3A_214] : memref<10240x128xf32, #tpu.memory_space<vmem_shared>> -> memref<64x128xf32, #tpu.memory_space<vmem_shared>>
      tpu.wait_dma2 semaphore(%run_scoped3A : memref<!tpu.dma_semaphore, #tpu.memory_space<semaphore_mem>>) src(%dma_wait3A_215 : memref<64x128xf32, #tpu.memory_space<vmem_shared>>) dst(%dma_wait3A_213 : memref<64x128xf32, #tpu.memory_space<hbm>>)
      tpu.yield
    }) : () -> ()
    %mul3A_172 = arith.constant 640 : i32
    %mul3A_173 = arith.muli %arg1, %mul3A_172 : i32
    %add3A_174 = arith.constant 64 : i32
    %add3A_175 = arith.addi %mul3A_173, %add3A_174 : i32
    "tpu.region"() ({
      %run_scoped3A = tpu.sem_alloc : memref<!tpu.dma_semaphore, #tpu.memory_space<semaphore_mem>>
      %dma_start3A = arith.constant 0 : i32
      %dma_start3A_208 = tpu.memref_slice %arg6[%arg0, %add3A_175, %dma_start3A] : memref<2x10240x128xf32, #tpu.memory_space<hbm>> -> memref<1x64x128xf32, #tpu.memory_space<hbm>>
      %dma_start3A_209 = tpu.memref_squeeze %dma_start3A_208 : memref<1x64x128xf32, #tpu.memory_space<hbm>> -> memref<64x128xf32, #tpu.memory_space<hbm>>
      %dma_start3A_210 = arith.constant 0 : i32
      %dma_start3A_211 = tpu.memref_slice %arg7[%add3A_175, %dma_start3A_210] : memref<10240x128xf32, #tpu.memory_space<vmem_shared>> -> memref<64x128xf32, #tpu.memory_space<vmem_shared>>
      tpu.enqueue_dma source(%dma_start3A_211 : memref<64x128xf32, #tpu.memory_space<vmem_shared>>) target(%dma_start3A_209 : memref<64x128xf32, #tpu.memory_space<hbm>>) target_semaphore(%run_scoped3A : memref<!tpu.dma_semaphore, #tpu.memory_space<semaphore_mem>>)
      %dma_wait3A = arith.constant 0 : i32
      %dma_wait3A_212 = tpu.memref_slice %arg6[%arg0, %add3A_175, %dma_wait3A] : memref<2x10240x128xf32, #tpu.memory_space<hbm>> -> memref<1x64x128xf32, #tpu.memory_space<hbm>>
      %dma_wait3A_213 = tpu.memref_squeeze %dma_wait3A_212 : memref<1x64x128xf32, #tpu.memory_space<hbm>> -> memref<64x128xf32, #tpu.memory_space<hbm>>
      %dma_wait3A_214 = arith.constant 0 : i32
      %dma_wait3A_215 = tpu.memref_slice %arg7[%add3A_175, %dma_wait3A_214] : memref<10240x128xf32, #tpu.memory_space<vmem_shared>> -> memref<64x128xf32, #tpu.memory_space<vmem_shared>>
      tpu.wait_dma2 semaphore(%run_scoped3A : memref<!tpu.dma_semaphore, #tpu.memory_space<semaphore_mem>>) src(%dma_wait3A_215 : memref<64x128xf32, #tpu.memory_space<vmem_shared>>) dst(%dma_wait3A_213 : memref<64x128xf32, #tpu.memory_space<hbm>>)
      tpu.yield
    }) : () -> ()
    %mul3A_176 = arith.constant 640 : i32
    %mul3A_177 = arith.muli %arg1, %mul3A_176 : i32
    %add3A_178 = arith.constant 128 : i32
    %add3A_179 = arith.addi %mul3A_177, %add3A_178 : i32
    "tpu.region"() ({
      %run_scoped3A = tpu.sem_alloc : memref<!tpu.dma_semaphore, #tpu.memory_space<semaphore_mem>>
      %dma_start3A = arith.constant 0 : i32
      %dma_start3A_208 = tpu.memref_slice %arg6[%arg0, %add3A_179, %dma_start3A] : memref<2x10240x128xf32, #tpu.memory_space<hbm>> -> memref<1x64x128xf32, #tpu.memory_space<hbm>>
      %dma_start3A_209 = tpu.memref_squeeze %dma_start3A_208 : memref<1x64x128xf32, #tpu.memory_space<hbm>> -> memref<64x128xf32, #tpu.memory_space<hbm>>
      %dma_start3A_210 = arith.constant 0 : i32
      %dma_start3A_211 = tpu.memref_slice %arg7[%add3A_179, %dma_start3A_210] : memref<10240x128xf32, #tpu.memory_space<vmem_shared>> -> memref<64x128xf32, #tpu.memory_space<vmem_shared>>
      tpu.enqueue_dma source(%dma_start3A_211 : memref<64x128xf32, #tpu.memory_space<vmem_shared>>) target(%dma_start3A_209 : memref<64x128xf32, #tpu.memory_space<hbm>>) target_semaphore(%run_scoped3A : memref<!tpu.dma_semaphore, #tpu.memory_space<semaphore_mem>>)
      %dma_wait3A = arith.constant 0 : i32
      %dma_wait3A_212 = tpu.memref_slice %arg6[%arg0, %add3A_179, %dma_wait3A] : memref<2x10240x128xf32, #tpu.memory_space<hbm>> -> memref<1x64x128xf32, #tpu.memory_space<hbm>>
      %dma_wait3A_213 = tpu.memref_squeeze %dma_wait3A_212 : memref<1x64x128xf32, #tpu.memory_space<hbm>> -> memref<64x128xf32, #tpu.memory_space<hbm>>
      %dma_wait3A_214 = arith.constant 0 : i32
      %dma_wait3A_215 = tpu.memref_slice %arg7[%add3A_179, %dma_wait3A_214] : memref<10240x128xf32, #tpu.memory_space<vmem_shared>> -> memref<64x128xf32, #tpu.memory_space<vmem_shared>>
      tpu.wait_dma2 semaphore(%run_scoped3A : memref<!tpu.dma_semaphore, #tpu.memory_space<semaphore_mem>>) src(%dma_wait3A_215 : memref<64x128xf32, #tpu.memory_space<vmem_shared>>) dst(%dma_wait3A_213 : memref<64x128xf32, #tpu.memory_space<hbm>>)
      tpu.yield
    }) : () -> ()
    %mul3A_180 = arith.constant 640 : i32
    %mul3A_181 = arith.muli %arg1, %mul3A_180 : i32
    %add3A_182 = arith.constant 192 : i32
    %add3A_183 = arith.addi %mul3A_181, %add3A_182 : i32
    "tpu.region"() ({
      %run_scoped3A = tpu.sem_alloc : memref<!tpu.dma_semaphore, #tpu.memory_space<semaphore_mem>>
      %dma_start3A = arith.constant 0 : i32
      %dma_start3A_208 = tpu.memref_slice %arg6[%arg0, %add3A_183, %dma_start3A] : memref<2x10240x128xf32, #tpu.memory_space<hbm>> -> memref<1x64x128xf32, #tpu.memory_space<hbm>>
      %dma_start3A_209 = tpu.memref_squeeze %dma_start3A_208 : memref<1x64x128xf32, #tpu.memory_space<hbm>> -> memref<64x128xf32, #tpu.memory_space<hbm>>
      %dma_start3A_210 = arith.constant 0 : i32
      %dma_start3A_211 = tpu.memref_slice %arg7[%add3A_183, %dma_start3A_210] : memref<10240x128xf32, #tpu.memory_space<vmem_shared>> -> memref<64x128xf32, #tpu.memory_space<vmem_shared>>
      tpu.enqueue_dma source(%dma_start3A_211 : memref<64x128xf32, #tpu.memory_space<vmem_shared>>) target(%dma_start3A_209 : memref<64x128xf32, #tpu.memory_space<hbm>>) target_semaphore(%run_scoped3A : memref<!tpu.dma_semaphore, #tpu.memory_space<semaphore_mem>>)
      %dma_wait3A = arith.constant 0 : i32
      %dma_wait3A_212 = tpu.memref_slice %arg6[%arg0, %add3A_183, %dma_wait3A] : memref<2x10240x128xf32, #tpu.memory_space<hbm>> -> memref<1x64x128xf32, #tpu.memory_space<hbm>>
      %dma_wait3A_213 = tpu.memref_squeeze %dma_wait3A_212 : memref<1x64x128xf32, #tpu.memory_space<hbm>> -> memref<64x128xf32, #tpu.memory_space<hbm>>
      %dma_wait3A_214 = arith.constant 0 : i32
      %dma_wait3A_215 = tpu.memref_slice %arg7[%add3A_183, %dma_wait3A_214] : memref<10240x128xf32, #tpu.memory_space<vmem_shared>> -> memref<64x128xf32, #tpu.memory_space<vmem_shared>>
      tpu.wait_dma2 semaphore(%run_scoped3A : memref<!tpu.dma_semaphore, #tpu.memory_space<semaphore_mem>>) src(%dma_wait3A_215 : memref<64x128xf32, #tpu.memory_space<vmem_shared>>) dst(%dma_wait3A_213 : memref<64x128xf32, #tpu.memory_space<hbm>>)
      tpu.yield
    }) : () -> ()
    %mul3A_184 = arith.constant 640 : i32
    %mul3A_185 = arith.muli %arg1, %mul3A_184 : i32
    %add3A_186 = arith.constant 256 : i32
    %add3A_187 = arith.addi %mul3A_185, %add3A_186 : i32
    "tpu.region"() ({
      %run_scoped3A = tpu.sem_alloc : memref<!tpu.dma_semaphore, #tpu.memory_space<semaphore_mem>>
      %dma_start3A = arith.constant 0 : i32
      %dma_start3A_208 = tpu.memref_slice %arg6[%arg0, %add3A_187, %dma_start3A] : memref<2x10240x128xf32, #tpu.memory_space<hbm>> -> memref<1x64x128xf32, #tpu.memory_space<hbm>>
      %dma_start3A_209 = tpu.memref_squeeze %dma_start3A_208 : memref<1x64x128xf32, #tpu.memory_space<hbm>> -> memref<64x128xf32, #tpu.memory_space<hbm>>
      %dma_start3A_210 = arith.constant 0 : i32
      %dma_start3A_211 = tpu.memref_slice %arg7[%add3A_187, %dma_start3A_210] : memref<10240x128xf32, #tpu.memory_space<vmem_shared>> -> memref<64x128xf32, #tpu.memory_space<vmem_shared>>
      tpu.enqueue_dma source(%dma_start3A_211 : memref<64x128xf32, #tpu.memory_space<vmem_shared>>) target(%dma_start3A_209 : memref<64x128xf32, #tpu.memory_space<hbm>>) target_semaphore(%run_scoped3A : memref<!tpu.dma_semaphore, #tpu.memory_space<semaphore_mem>>)
      %dma_wait3A = arith.constant 0 : i32
      %dma_wait3A_212 = tpu.memref_slice %arg6[%arg0, %add3A_187, %dma_wait3A] : memref<2x10240x128xf32, #tpu.memory_space<hbm>> -> memref<1x64x128xf32, #tpu.memory_space<hbm>>
      %dma_wait3A_213 = tpu.memref_squeeze %dma_wait3A_212 : memref<1x64x128xf32, #tpu.memory_space<hbm>> -> memref<64x128xf32, #tpu.memory_space<hbm>>
      %dma_wait3A_214 = arith.constant 0 : i32
      %dma_wait3A_215 = tpu.memref_slice %arg7[%add3A_187, %dma_wait3A_214] : memref<10240x128xf32, #tpu.memory_space<vmem_shared>> -> memref<64x128xf32, #tpu.memory_space<vmem_shared>>
      tpu.wait_dma2 semaphore(%run_scoped3A : memref<!tpu.dma_semaphore, #tpu.memory_space<semaphore_mem>>) src(%dma_wait3A_215 : memref<64x128xf32, #tpu.memory_space<vmem_shared>>) dst(%dma_wait3A_213 : memref<64x128xf32, #tpu.memory_space<hbm>>)
      tpu.yield
    }) : () -> ()
    %mul3A_188 = arith.constant 640 : i32
    %mul3A_189 = arith.muli %arg1, %mul3A_188 : i32
    %add3A_190 = arith.constant 320 : i32
    %add3A_191 = arith.addi %mul3A_189, %add3A_190 : i32
    "tpu.region"() ({
      %run_scoped3A = tpu.sem_alloc : memref<!tpu.dma_semaphore, #tpu.memory_space<semaphore_mem>>
      %dma_start3A = arith.constant 0 : i32
      %dma_start3A_208 = tpu.memref_slice %arg6[%arg0, %add3A_191, %dma_start3A] : memref<2x10240x128xf32, #tpu.memory_space<hbm>> -> memref<1x64x128xf32, #tpu.memory_space<hbm>>
      %dma_start3A_209 = tpu.memref_squeeze %dma_start3A_208 : memref<1x64x128xf32, #tpu.memory_space<hbm>> -> memref<64x128xf32, #tpu.memory_space<hbm>>
      %dma_start3A_210 = arith.constant 0 : i32
      %dma_start3A_211 = tpu.memref_slice %arg7[%add3A_191, %dma_start3A_210] : memref<10240x128xf32, #tpu.memory_space<vmem_shared>> -> memref<64x128xf32, #tpu.memory_space<vmem_shared>>
      tpu.enqueue_dma source(%dma_start3A_211 : memref<64x128xf32, #tpu.memory_space<vmem_shared>>) target(%dma_start3A_209 : memref<64x128xf32, #tpu.memory_space<hbm>>) target_semaphore(%run_scoped3A : memref<!tpu.dma_semaphore, #tpu.memory_space<semaphore_mem>>)
      %dma_wait3A = arith.constant 0 : i32
      %dma_wait3A_212 = tpu.memref_slice %arg6[%arg0, %add3A_191, %dma_wait3A] : memref<2x10240x128xf32, #tpu.memory_space<hbm>> -> memref<1x64x128xf32, #tpu.memory_space<hbm>>
      %dma_wait3A_213 = tpu.memref_squeeze %dma_wait3A_212 : memref<1x64x128xf32, #tpu.memory_space<hbm>> -> memref<64x128xf32, #tpu.memory_space<hbm>>
      %dma_wait3A_214 = arith.constant 0 : i32
      %dma_wait3A_215 = tpu.memref_slice %arg7[%add3A_191, %dma_wait3A_214] : memref<10240x128xf32, #tpu.memory_space<vmem_shared>> -> memref<64x128xf32, #tpu.memory_space<vmem_shared>>
      tpu.wait_dma2 semaphore(%run_scoped3A : memref<!tpu.dma_semaphore, #tpu.memory_space<semaphore_mem>>) src(%dma_wait3A_215 : memref<64x128xf32, #tpu.memory_space<vmem_shared>>) dst(%dma_wait3A_213 : memref<64x128xf32, #tpu.memory_space<hbm>>)
      tpu.yield
    }) : () -> ()
    %mul3A_192 = arith.constant 640 : i32
    %mul3A_193 = arith.muli %arg1, %mul3A_192 : i32
    %add3A_194 = arith.constant 384 : i32
    %add3A_195 = arith.addi %mul3A_193, %add3A_194 : i32
    "tpu.region"() ({
      %run_scoped3A = tpu.sem_alloc : memref<!tpu.dma_semaphore, #tpu.memory_space<semaphore_mem>>
      %dma_start3A = arith.constant 0 : i32
      %dma_start3A_208 = tpu.memref_slice %arg6[%arg0, %add3A_195, %dma_start3A] : memref<2x10240x128xf32, #tpu.memory_space<hbm>> -> memref<1x64x128xf32, #tpu.memory_space<hbm>>
      %dma_start3A_209 = tpu.memref_squeeze %dma_start3A_208 : memref<1x64x128xf32, #tpu.memory_space<hbm>> -> memref<64x128xf32, #tpu.memory_space<hbm>>
      %dma_start3A_210 = arith.constant 0 : i32
      %dma_start3A_211 = tpu.memref_slice %arg7[%add3A_195, %dma_start3A_210] : memref<10240x128xf32, #tpu.memory_space<vmem_shared>> -> memref<64x128xf32, #tpu.memory_space<vmem_shared>>
      tpu.enqueue_dma source(%dma_start3A_211 : memref<64x128xf32, #tpu.memory_space<vmem_shared>>) target(%dma_start3A_209 : memref<64x128xf32, #tpu.memory_space<hbm>>) target_semaphore(%run_scoped3A : memref<!tpu.dma_semaphore, #tpu.memory_space<semaphore_mem>>)
      %dma_wait3A = arith.constant 0 : i32
      %dma_wait3A_212 = tpu.memref_slice %arg6[%arg0, %add3A_195, %dma_wait3A] : memref<2x10240x128xf32, #tpu.memory_space<hbm>> -> memref<1x64x128xf32, #tpu.memory_space<hbm>>
      %dma_wait3A_213 = tpu.memref_squeeze %dma_wait3A_212 : memref<1x64x128xf32, #tpu.memory_space<hbm>> -> memref<64x128xf32, #tpu.memory_space<hbm>>
      %dma_wait3A_214 = arith.constant 0 : i32
      %dma_wait3A_215 = tpu.memref_slice %arg7[%add3A_195, %dma_wait3A_214] : memref<10240x128xf32, #tpu.memory_space<vmem_shared>> -> memref<64x128xf32, #tpu.memory_space<vmem_shared>>
      tpu.wait_dma2 semaphore(%run_scoped3A : memref<!tpu.dma_semaphore, #tpu.memory_space<semaphore_mem>>) src(%dma_wait3A_215 : memref<64x128xf32, #tpu.memory_space<vmem_shared>>) dst(%dma_wait3A_213 : memref<64x128xf32, #tpu.memory_space<hbm>>)
      tpu.yield
    }) : () -> ()
    %mul3A_196 = arith.constant 640 : i32
    %mul3A_197 = arith.muli %arg1, %mul3A_196 : i32
    %add3A_198 = arith.constant 448 : i32
    %add3A_199 = arith.addi %mul3A_197, %add3A_198 : i32
    "tpu.region"() ({
      %run_scoped3A = tpu.sem_alloc : memref<!tpu.dma_semaphore, #tpu.memory_space<semaphore_mem>>
      %dma_start3A = arith.constant 0 : i32
      %dma_start3A_208 = tpu.memref_slice %arg6[%arg0, %add3A_199, %dma_start3A] : memref<2x10240x128xf32, #tpu.memory_space<hbm>> -> memref<1x64x128xf32, #tpu.memory_space<hbm>>
      %dma_start3A_209 = tpu.memref_squeeze %dma_start3A_208 : memref<1x64x128xf32, #tpu.memory_space<hbm>> -> memref<64x128xf32, #tpu.memory_space<hbm>>
      %dma_start3A_210 = arith.constant 0 : i32
      %dma_start3A_211 = tpu.memref_slice %arg7[%add3A_199, %dma_start3A_210] : memref<10240x128xf32, #tpu.memory_space<vmem_shared>> -> memref<64x128xf32, #tpu.memory_space<vmem_shared>>
      tpu.enqueue_dma source(%dma_start3A_211 : memref<64x128xf32, #tpu.memory_space<vmem_shared>>) target(%dma_start3A_209 : memref<64x128xf32, #tpu.memory_space<hbm>>) target_semaphore(%run_scoped3A : memref<!tpu.dma_semaphore, #tpu.memory_space<semaphore_mem>>)
      %dma_wait3A = arith.constant 0 : i32
      %dma_wait3A_212 = tpu.memref_slice %arg6[%arg0, %add3A_199, %dma_wait3A] : memref<2x10240x128xf32, #tpu.memory_space<hbm>> -> memref<1x64x128xf32, #tpu.memory_space<hbm>>
      %dma_wait3A_213 = tpu.memref_squeeze %dma_wait3A_212 : memref<1x64x128xf32, #tpu.memory_space<hbm>> -> memref<64x128xf32, #tpu.memory_space<hbm>>
      %dma_wait3A_214 = arith.constant 0 : i32
      %dma_wait3A_215 = tpu.memref_slice %arg7[%add3A_199, %dma_wait3A_214] : memref<10240x128xf32, #tpu.memory_space<vmem_shared>> -> memref<64x128xf32, #tpu.memory_space<vmem_shared>>
      tpu.wait_dma2 semaphore(%run_scoped3A : memref<!tpu.dma_semaphore, #tpu.memory_space<semaphore_mem>>) src(%dma_wait3A_215 : memref<64x128xf32, #tpu.memory_space<vmem_shared>>) dst(%dma_wait3A_213 : memref<64x128xf32, #tpu.memory_space<hbm>>)
      tpu.yield
    }) : () -> ()
    %mul3A_200 = arith.constant 640 : i32
    %mul3A_201 = arith.muli %arg1, %mul3A_200 : i32
    %add3A_202 = arith.constant 512 : i32
    %add3A_203 = arith.addi %mul3A_201, %add3A_202 : i32
    "tpu.region"() ({
      %run_scoped3A = tpu.sem_alloc : memref<!tpu.dma_semaphore, #tpu.memory_space<semaphore_mem>>
      %dma_start3A = arith.constant 0 : i32
      %dma_start3A_208 = tpu.memref_slice %arg6[%arg0, %add3A_203, %dma_start3A] : memref<2x10240x128xf32, #tpu.memory_space<hbm>> -> memref<1x64x128xf32, #tpu.memory_space<hbm>>
      %dma_start3A_209 = tpu.memref_squeeze %dma_start3A_208 : memref<1x64x128xf32, #tpu.memory_space<hbm>> -> memref<64x128xf32, #tpu.memory_space<hbm>>
      %dma_start3A_210 = arith.constant 0 : i32
      %dma_start3A_211 = tpu.memref_slice %arg7[%add3A_203, %dma_start3A_210] : memref<10240x128xf32, #tpu.memory_space<vmem_shared>> -> memref<64x128xf32, #tpu.memory_space<vmem_shared>>
      tpu.enqueue_dma source(%dma_start3A_211 : memref<64x128xf32, #tpu.memory_space<vmem_shared>>) target(%dma_start3A_209 : memref<64x128xf32, #tpu.memory_space<hbm>>) target_semaphore(%run_scoped3A : memref<!tpu.dma_semaphore, #tpu.memory_space<semaphore_mem>>)
      %dma_wait3A = arith.constant 0 : i32
      %dma_wait3A_212 = tpu.memref_slice %arg6[%arg0, %add3A_203, %dma_wait3A] : memref<2x10240x128xf32, #tpu.memory_space<hbm>> -> memref<1x64x128xf32, #tpu.memory_space<hbm>>
      %dma_wait3A_213 = tpu.memref_squeeze %dma_wait3A_212 : memref<1x64x128xf32, #tpu.memory_space<hbm>> -> memref<64x128xf32, #tpu.memory_space<hbm>>
      %dma_wait3A_214 = arith.constant 0 : i32
      %dma_wait3A_215 = tpu.memref_slice %arg7[%add3A_203, %dma_wait3A_214] : memref<10240x128xf32, #tpu.memory_space<vmem_shared>> -> memref<64x128xf32, #tpu.memory_space<vmem_shared>>
      tpu.wait_dma2 semaphore(%run_scoped3A : memref<!tpu.dma_semaphore, #tpu.memory_space<semaphore_mem>>) src(%dma_wait3A_215 : memref<64x128xf32, #tpu.memory_space<vmem_shared>>) dst(%dma_wait3A_213 : memref<64x128xf32, #tpu.memory_space<hbm>>)
      tpu.yield
    }) : () -> ()
    %mul3A_204 = arith.constant 640 : i32
    %mul3A_205 = arith.muli %arg1, %mul3A_204 : i32
    %add3A_206 = arith.constant 576 : i32
    %add3A_207 = arith.addi %mul3A_205, %add3A_206 : i32
    "tpu.region"() ({
      %run_scoped3A = tpu.sem_alloc : memref<!tpu.dma_semaphore, #tpu.memory_space<semaphore_mem>>
      %dma_start3A = arith.constant 0 : i32
      %dma_start3A_208 = tpu.memref_slice %arg6[%arg0, %add3A_207, %dma_start3A] : memref<2x10240x128xf32, #tpu.memory_space<hbm>> -> memref<1x64x128xf32, #tpu.memory_space<hbm>>
      %dma_start3A_209 = tpu.memref_squeeze %dma_start3A_208 : memref<1x64x128xf32, #tpu.memory_space<hbm>> -> memref<64x128xf32, #tpu.memory_space<hbm>>
      %dma_start3A_210 = arith.constant 0 : i32
      %dma_start3A_211 = tpu.memref_slice %arg7[%add3A_207, %dma_start3A_210] : memref<10240x128xf32, #tpu.memory_space<vmem_shared>> -> memref<64x128xf32, #tpu.memory_space<vmem_shared>>
      tpu.enqueue_dma source(%dma_start3A_211 : memref<64x128xf32, #tpu.memory_space<vmem_shared>>) target(%dma_start3A_209 : memref<64x128xf32, #tpu.memory_space<hbm>>) target_semaphore(%run_scoped3A : memref<!tpu.dma_semaphore, #tpu.memory_space<semaphore_mem>>)
      %dma_wait3A = arith.constant 0 : i32
      %dma_wait3A_212 = tpu.memref_slice %arg6[%arg0, %add3A_207, %dma_wait3A] : memref<2x10240x128xf32, #tpu.memory_space<hbm>> -> memref<1x64x128xf32, #tpu.memory_space<hbm>>
      %dma_wait3A_213 = tpu.memref_squeeze %dma_wait3A_212 : memref<1x64x128xf32, #tpu.memory_space<hbm>> -> memref<64x128xf32, #tpu.memory_space<hbm>>
      %dma_wait3A_214 = arith.constant 0 : i32
      %dma_wait3A_215 = tpu.memref_slice %arg7[%add3A_207, %dma_wait3A_214] : memref<10240x128xf32, #tpu.memory_space<vmem_shared>> -> memref<64x128xf32, #tpu.memory_space<vmem_shared>>
      tpu.wait_dma2 semaphore(%run_scoped3A : memref<!tpu.dma_semaphore, #tpu.memory_space<semaphore_mem>>) src(%dma_wait3A_215 : memref<64x128xf32, #tpu.memory_space<vmem_shared>>) dst(%dma_wait3A_213 : memref<64x128xf32, #tpu.memory_space<hbm>>)
      tpu.yield
    }) : () -> ()
    return
  }
}

#map = affine_map<(d0, d1) -> (0, 0)>
#map1 = affine_map<(d0, d1) -> (0)>
#map2 = affine_map<(d0, d1) -> (0, 0, 0)>
module attributes {stable_mosaic.version = 14 : i64} {
  func.func @sc_passC(%arg0: i32, %arg1: i32, %arg2: memref<2560x128xi32, #tpu.memory_space<hbm>>, %arg3: memref<2560x128xi32, #tpu.memory_space<hbm>>, %arg4: memref<10240xf32, #tpu.memory_space<hbm>>, %arg5: memref<10240xi32, #tpu.memory_space<hbm>>, %arg6: memref<10240x128xf32, #tpu.memory_space<hbm>>, %arg7: memref<32x8x128xf32, #tpu.memory_space<hbm>>, %arg8: memref<10240xf32, #tpu.memory_space<vmem>>, %arg9: memref<10240xi32, #tpu.memory_space<vmem>>, %arg10: memref<16x128xi32, #tpu.memory_space<vmem>>, %arg11: memref<16x128xi32, #tpu.memory_space<vmem>>, %arg12: memref<10752xi32, #tpu.memory_space<vmem>>, %arg13: memref<10752xf32, #tpu.memory_space<vmem>>, %arg14: memref<10752xi32, #tpu.memory_space<vmem>>, %arg15: memref<16x128xf32, #tpu.memory_space<vmem>>, %arg16: memref<8x128xf32, #tpu.memory_space<vmem>>, %arg17: memref<!tpu.dma_semaphore, #tpu.memory_space<semaphore_mem>>) attributes {dimension_semantics = [#tpu.dimension_semantics<core_parallel>, #tpu.dimension_semantics<subcore_parallel>], iteration_bounds = array<i64: 2, 16>, scalar_prefetch = 0 : i64, scratch_operands = 10 : i64, tpu.core_type = #tpu.core_type<sc_vector_subcore>, window_params = [{transform_indices = #map}, {transform_indices = #map}, {transform_indices = #map1}, {transform_indices = #map1}, {transform_indices = #map}, {transform_indices = #map2}]} {
    %mul3A = arith.constant 16 : i32
    %mul3A_0 = arith.muli %arg0, %mul3A : i32
    %add3A = arith.addi %mul3A_0, %arg1 : i32
    %broadcast_in_dim3A = arith.constant 0.000000e+00 : f32
    %broadcast_in_dim3A_1 = vector.broadcast %broadcast_in_dim3A : f32 to vector<16xf32>
    %swap3A = arith.constant 0 : i32
    %swap3A_2 = arith.index_cast %swap3A : i32 to index
    %swap3A_3 = arith.constant 0 : index
    %swap3A_4 = tpu.vector_load %arg16[%swap3A_2, %swap3A_3] {strides = array<i32>} : memref<8x128xf32, #tpu.memory_space<vmem>>, vector<16xf32>,
    tpu.vector_store %arg16[%swap3A_2, %swap3A_3], %broadcast_in_dim3A_1 {strides = array<i32>} : memref<8x128xf32, #tpu.memory_space<vmem>>, vector<16xf32>,
    %swap3A_5 = arith.constant 0 : i32
    %swap3A_6 = arith.index_cast %swap3A_5 : i32 to index
    %swap3A_7 = arith.constant 16 : index
    %swap3A_8 = tpu.vector_load %arg16[%swap3A_6, %swap3A_7] {strides = array<i32>} : memref<8x128xf32, #tpu.memory_space<vmem>>, vector<16xf32>,
    tpu.vector_store %arg16[%swap3A_6, %swap3A_7], %broadcast_in_dim3A_1 {strides = array<i32>} : memref<8x128xf32, #tpu.memory_space<vmem>>, vector<16xf32>,
    %swap3A_9 = arith.constant 0 : i32
    %swap3A_10 = arith.index_cast %swap3A_9 : i32 to index
    %swap3A_11 = arith.constant 32 : index
    %swap3A_12 = tpu.vector_load %arg16[%swap3A_10, %swap3A_11] {strides = array<i32>} : memref<8x128xf32, #tpu.memory_space<vmem>>, vector<16xf32>,
    tpu.vector_store %arg16[%swap3A_10, %swap3A_11], %broadcast_in_dim3A_1 {strides = array<i32>} : memref<8x128xf32, #tpu.memory_space<vmem>>, vector<16xf32>,
    %swap3A_13 = arith.constant 0 : i32
    %swap3A_14 = arith.index_cast %swap3A_13 : i32 to index
    %swap3A_15 = arith.constant 48 : index
    %swap3A_16 = tpu.vector_load %arg16[%swap3A_14, %swap3A_15] {strides = array<i32>} : memref<8x128xf32, #tpu.memory_space<vmem>>, vector<16xf32>,
    tpu.vector_store %arg16[%swap3A_14, %swap3A_15], %broadcast_in_dim3A_1 {strides = array<i32>} : memref<8x128xf32, #tpu.memory_space<vmem>>, vector<16xf32>,
    %swap3A_17 = arith.constant 0 : i32
    %swap3A_18 = arith.index_cast %swap3A_17 : i32 to index
    %swap3A_19 = arith.constant 64 : index
    %swap3A_20 = tpu.vector_load %arg16[%swap3A_18, %swap3A_19] {strides = array<i32>} : memref<8x128xf32, #tpu.memory_space<vmem>>, vector<16xf32>,
    tpu.vector_store %arg16[%swap3A_18, %swap3A_19], %broadcast_in_dim3A_1 {strides = array<i32>} : memref<8x128xf32, #tpu.memory_space<vmem>>, vector<16xf32>,
    %swap3A_21 = arith.constant 0 : i32
    %swap3A_22 = arith.index_cast %swap3A_21 : i32 to index
    %swap3A_23 = arith.constant 80 : index
    %swap3A_24 = tpu.vector_load %arg16[%swap3A_22, %swap3A_23] {strides = array<i32>} : memref<8x128xf32, #tpu.memory_space<vmem>>, vector<16xf32>,
    tpu.vector_store %arg16[%swap3A_22, %swap3A_23], %broadcast_in_dim3A_1 {strides = array<i32>} : memref<8x128xf32, #tpu.memory_space<vmem>>, vector<16xf32>,
    %swap3A_25 = arith.constant 0 : i32
    %swap3A_26 = arith.index_cast %swap3A_25 : i32 to index
    %swap3A_27 = arith.constant 96 : index
    %swap3A_28 = tpu.vector_load %arg16[%swap3A_26, %swap3A_27] {strides = array<i32>} : memref<8x128xf32, #tpu.memory_space<vmem>>, vector<16xf32>,
    tpu.vector_store %arg16[%swap3A_26, %swap3A_27], %broadcast_in_dim3A_1 {strides = array<i32>} : memref<8x128xf32, #tpu.memory_space<vmem>>, vector<16xf32>,
    %swap3A_29 = arith.constant 0 : i32
    %swap3A_30 = arith.index_cast %swap3A_29 : i32 to index
    %swap3A_31 = arith.constant 112 : index
    %swap3A_32 = tpu.vector_load %arg16[%swap3A_30, %swap3A_31] {strides = array<i32>} : memref<8x128xf32, #tpu.memory_space<vmem>>, vector<16xf32>,
    tpu.vector_store %arg16[%swap3A_30, %swap3A_31], %broadcast_in_dim3A_1 {strides = array<i32>} : memref<8x128xf32, #tpu.memory_space<vmem>>, vector<16xf32>,
    %swap3A_33 = arith.constant 1 : i32
    %swap3A_34 = arith.index_cast %swap3A_33 : i32 to index
    %swap3A_35 = arith.constant 0 : index
    %swap3A_36 = tpu.vector_load %arg16[%swap3A_34, %swap3A_35] {strides = array<i32>} : memref<8x128xf32, #tpu.memory_space<vmem>>, vector<16xf32>,
    tpu.vector_store %arg16[%swap3A_34, %swap3A_35], %broadcast_in_dim3A_1 {strides = array<i32>} : memref<8x128xf32, #tpu.memory_space<vmem>>, vector<16xf32>,
    %swap3A_37 = arith.constant 1 : i32
    %swap3A_38 = arith.index_cast %swap3A_37 : i32 to index
    %swap3A_39 = arith.constant 16 : index
    %swap3A_40 = tpu.vector_load %arg16[%swap3A_38, %swap3A_39] {strides = array<i32>} : memref<8x128xf32, #tpu.memory_space<vmem>>, vector<16xf32>,
    tpu.vector_store %arg16[%swap3A_38, %swap3A_39], %broadcast_in_dim3A_1 {strides = array<i32>} : memref<8x128xf32, #tpu.memory_space<vmem>>, vector<16xf32>,
    %swap3A_41 = arith.constant 1 : i32
    %swap3A_42 = arith.index_cast %swap3A_41 : i32 to index
    %swap3A_43 = arith.constant 32 : index
    %swap3A_44 = tpu.vector_load %arg16[%swap3A_42, %swap3A_43] {strides = array<i32>} : memref<8x128xf32, #tpu.memory_space<vmem>>, vector<16xf32>,
    tpu.vector_store %arg16[%swap3A_42, %swap3A_43], %broadcast_in_dim3A_1 {strides = array<i32>} : memref<8x128xf32, #tpu.memory_space<vmem>>, vector<16xf32>,
    %swap3A_45 = arith.constant 1 : i32
    %swap3A_46 = arith.index_cast %swap3A_45 : i32 to index
    %swap3A_47 = arith.constant 48 : index
    %swap3A_48 = tpu.vector_load %arg16[%swap3A_46, %swap3A_47] {strides = array<i32>} : memref<8x128xf32, #tpu.memory_space<vmem>>, vector<16xf32>,
    tpu.vector_store %arg16[%swap3A_46, %swap3A_47], %broadcast_in_dim3A_1 {strides = array<i32>} : memref<8x128xf32, #tpu.memory_space<vmem>>, vector<16xf32>,
    %swap3A_49 = arith.constant 1 : i32
    %swap3A_50 = arith.index_cast %swap3A_49 : i32 to index
    %swap3A_51 = arith.constant 64 : index
    %swap3A_52 = tpu.vector_load %arg16[%swap3A_50, %swap3A_51] {strides = array<i32>} : memref<8x128xf32, #tpu.memory_space<vmem>>, vector<16xf32>,
    tpu.vector_store %arg16[%swap3A_50, %swap3A_51], %broadcast_in_dim3A_1 {strides = array<i32>} : memref<8x128xf32, #tpu.memory_space<vmem>>, vector<16xf32>,
    %swap3A_53 = arith.constant 1 : i32
    %swap3A_54 = arith.index_cast %swap3A_53 : i32 to index
    %swap3A_55 = arith.constant 80 : index
    %swap3A_56 = tpu.vector_load %arg16[%swap3A_54, %swap3A_55] {strides = array<i32>} : memref<8x128xf32, #tpu.memory_space<vmem>>, vector<16xf32>,
    tpu.vector_store %arg16[%swap3A_54, %swap3A_55], %broadcast_in_dim3A_1 {strides = array<i32>} : memref<8x128xf32, #tpu.memory_space<vmem>>, vector<16xf32>,
    %swap3A_57 = arith.constant 1 : i32
    %swap3A_58 = arith.index_cast %swap3A_57 : i32 to index
    %swap3A_59 = arith.constant 96 : index
    %swap3A_60 = tpu.vector_load %arg16[%swap3A_58, %swap3A_59] {strides = array<i32>} : memref<8x128xf32, #tpu.memory_space<vmem>>, vector<16xf32>,
    tpu.vector_store %arg16[%swap3A_58, %swap3A_59], %broadcast_in_dim3A_1 {strides = array<i32>} : memref<8x128xf32, #tpu.memory_space<vmem>>, vector<16xf32>,
    %swap3A_61 = arith.constant 1 : i32
    %swap3A_62 = arith.index_cast %swap3A_61 : i32 to index
    %swap3A_63 = arith.constant 112 : index
    %swap3A_64 = tpu.vector_load %arg16[%swap3A_62, %swap3A_63] {strides = array<i32>} : memref<8x128xf32, #tpu.memory_space<vmem>>, vector<16xf32>,
    tpu.vector_store %arg16[%swap3A_62, %swap3A_63], %broadcast_in_dim3A_1 {strides = array<i32>} : memref<8x128xf32, #tpu.memory_space<vmem>>, vector<16xf32>,
    %swap3A_65 = arith.constant 2 : i32
    %swap3A_66 = arith.index_cast %swap3A_65 : i32 to index
    %swap3A_67 = arith.constant 0 : index
    %swap3A_68 = tpu.vector_load %arg16[%swap3A_66, %swap3A_67] {strides = array<i32>} : memref<8x128xf32, #tpu.memory_space<vmem>>, vector<16xf32>,
    tpu.vector_store %arg16[%swap3A_66, %swap3A_67], %broadcast_in_dim3A_1 {strides = array<i32>} : memref<8x128xf32, #tpu.memory_space<vmem>>, vector<16xf32>,
    %swap3A_69 = arith.constant 2 : i32
    %swap3A_70 = arith.index_cast %swap3A_69 : i32 to index
    %swap3A_71 = arith.constant 16 : index
    %swap3A_72 = tpu.vector_load %arg16[%swap3A_70, %swap3A_71] {strides = array<i32>} : memref<8x128xf32, #tpu.memory_space<vmem>>, vector<16xf32>,
    tpu.vector_store %arg16[%swap3A_70, %swap3A_71], %broadcast_in_dim3A_1 {strides = array<i32>} : memref<8x128xf32, #tpu.memory_space<vmem>>, vector<16xf32>,
    %swap3A_73 = arith.constant 2 : i32
    %swap3A_74 = arith.index_cast %swap3A_73 : i32 to index
    %swap3A_75 = arith.constant 32 : index
    %swap3A_76 = tpu.vector_load %arg16[%swap3A_74, %swap3A_75] {strides = array<i32>} : memref<8x128xf32, #tpu.memory_space<vmem>>, vector<16xf32>,
    tpu.vector_store %arg16[%swap3A_74, %swap3A_75], %broadcast_in_dim3A_1 {strides = array<i32>} : memref<8x128xf32, #tpu.memory_space<vmem>>, vector<16xf32>,
    %swap3A_77 = arith.constant 2 : i32
    %swap3A_78 = arith.index_cast %swap3A_77 : i32 to index
    %swap3A_79 = arith.constant 48 : index
    %swap3A_80 = tpu.vector_load %arg16[%swap3A_78, %swap3A_79] {strides = array<i32>} : memref<8x128xf32, #tpu.memory_space<vmem>>, vector<16xf32>,
    tpu.vector_store %arg16[%swap3A_78, %swap3A_79], %broadcast_in_dim3A_1 {strides = array<i32>} : memref<8x128xf32, #tpu.memory_space<vmem>>, vector<16xf32>,
    %swap3A_81 = arith.constant 2 : i32
    %swap3A_82 = arith.index_cast %swap3A_81 : i32 to index
    %swap3A_83 = arith.constant 64 : index
    %swap3A_84 = tpu.vector_load %arg16[%swap3A_82, %swap3A_83] {strides = array<i32>} : memref<8x128xf32, #tpu.memory_space<vmem>>, vector<16xf32>,
    tpu.vector_store %arg16[%swap3A_82, %swap3A_83], %broadcast_in_dim3A_1 {strides = array<i32>} : memref<8x128xf32, #tpu.memory_space<vmem>>, vector<16xf32>,
    %swap3A_85 = arith.constant 2 : i32
    %swap3A_86 = arith.index_cast %swap3A_85 : i32 to index
    %swap3A_87 = arith.constant 80 : index
    %swap3A_88 = tpu.vector_load %arg16[%swap3A_86, %swap3A_87] {strides = array<i32>} : memref<8x128xf32, #tpu.memory_space<vmem>>, vector<16xf32>,
    tpu.vector_store %arg16[%swap3A_86, %swap3A_87], %broadcast_in_dim3A_1 {strides = array<i32>} : memref<8x128xf32, #tpu.memory_space<vmem>>, vector<16xf32>,
    %swap3A_89 = arith.constant 2 : i32
    %swap3A_90 = arith.index_cast %swap3A_89 : i32 to index
    %swap3A_91 = arith.constant 96 : index
    %swap3A_92 = tpu.vector_load %arg16[%swap3A_90, %swap3A_91] {strides = array<i32>} : memref<8x128xf32, #tpu.memory_space<vmem>>, vector<16xf32>,
    tpu.vector_store %arg16[%swap3A_90, %swap3A_91], %broadcast_in_dim3A_1 {strides = array<i32>} : memref<8x128xf32, #tpu.memory_space<vmem>>, vector<16xf32>,
    %swap3A_93 = arith.constant 2 : i32
    %swap3A_94 = arith.index_cast %swap3A_93 : i32 to index
    %swap3A_95 = arith.constant 112 : index
    %swap3A_96 = tpu.vector_load %arg16[%swap3A_94, %swap3A_95] {strides = array<i32>} : memref<8x128xf32, #tpu.memory_space<vmem>>, vector<16xf32>,
    tpu.vector_store %arg16[%swap3A_94, %swap3A_95], %broadcast_in_dim3A_1 {strides = array<i32>} : memref<8x128xf32, #tpu.memory_space<vmem>>, vector<16xf32>,
    %swap3A_97 = arith.constant 3 : i32
    %swap3A_98 = arith.index_cast %swap3A_97 : i32 to index
    %swap3A_99 = arith.constant 0 : index
    %swap3A_100 = tpu.vector_load %arg16[%swap3A_98, %swap3A_99] {strides = array<i32>} : memref<8x128xf32, #tpu.memory_space<vmem>>, vector<16xf32>,
    tpu.vector_store %arg16[%swap3A_98, %swap3A_99], %broadcast_in_dim3A_1 {strides = array<i32>} : memref<8x128xf32, #tpu.memory_space<vmem>>, vector<16xf32>,
    %swap3A_101 = arith.constant 3 : i32
    %swap3A_102 = arith.index_cast %swap3A_101 : i32 to index
    %swap3A_103 = arith.constant 16 : index
    %swap3A_104 = tpu.vector_load %arg16[%swap3A_102, %swap3A_103] {strides = array<i32>} : memref<8x128xf32, #tpu.memory_space<vmem>>, vector<16xf32>,
    tpu.vector_store %arg16[%swap3A_102, %swap3A_103], %broadcast_in_dim3A_1 {strides = array<i32>} : memref<8x128xf32, #tpu.memory_space<vmem>>, vector<16xf32>,
    %swap3A_105 = arith.constant 3 : i32
    %swap3A_106 = arith.index_cast %swap3A_105 : i32 to index
    %swap3A_107 = arith.constant 32 : index
    %swap3A_108 = tpu.vector_load %arg16[%swap3A_106, %swap3A_107] {strides = array<i32>} : memref<8x128xf32, #tpu.memory_space<vmem>>, vector<16xf32>,
    tpu.vector_store %arg16[%swap3A_106, %swap3A_107], %broadcast_in_dim3A_1 {strides = array<i32>} : memref<8x128xf32, #tpu.memory_space<vmem>>, vector<16xf32>,
    %swap3A_109 = arith.constant 3 : i32
    %swap3A_110 = arith.index_cast %swap3A_109 : i32 to index
    %swap3A_111 = arith.constant 48 : index
    %swap3A_112 = tpu.vector_load %arg16[%swap3A_110, %swap3A_111] {strides = array<i32>} : memref<8x128xf32, #tpu.memory_space<vmem>>, vector<16xf32>,
    tpu.vector_store %arg16[%swap3A_110, %swap3A_111], %broadcast_in_dim3A_1 {strides = array<i32>} : memref<8x128xf32, #tpu.memory_space<vmem>>, vector<16xf32>,
    %swap3A_113 = arith.constant 3 : i32
    %swap3A_114 = arith.index_cast %swap3A_113 : i32 to index
    %swap3A_115 = arith.constant 64 : index
    %swap3A_116 = tpu.vector_load %arg16[%swap3A_114, %swap3A_115] {strides = array<i32>} : memref<8x128xf32, #tpu.memory_space<vmem>>, vector<16xf32>,
    tpu.vector_store %arg16[%swap3A_114, %swap3A_115], %broadcast_in_dim3A_1 {strides = array<i32>} : memref<8x128xf32, #tpu.memory_space<vmem>>, vector<16xf32>,
    %swap3A_117 = arith.constant 3 : i32
    %swap3A_118 = arith.index_cast %swap3A_117 : i32 to index
    %swap3A_119 = arith.constant 80 : index
    %swap3A_120 = tpu.vector_load %arg16[%swap3A_118, %swap3A_119] {strides = array<i32>} : memref<8x128xf32, #tpu.memory_space<vmem>>, vector<16xf32>,
    tpu.vector_store %arg16[%swap3A_118, %swap3A_119], %broadcast_in_dim3A_1 {strides = array<i32>} : memref<8x128xf32, #tpu.memory_space<vmem>>, vector<16xf32>,
    %swap3A_121 = arith.constant 3 : i32
    %swap3A_122 = arith.index_cast %swap3A_121 : i32 to index
    %swap3A_123 = arith.constant 96 : index
    %swap3A_124 = tpu.vector_load %arg16[%swap3A_122, %swap3A_123] {strides = array<i32>} : memref<8x128xf32, #tpu.memory_space<vmem>>, vector<16xf32>,
    tpu.vector_store %arg16[%swap3A_122, %swap3A_123], %broadcast_in_dim3A_1 {strides = array<i32>} : memref<8x128xf32, #tpu.memory_space<vmem>>, vector<16xf32>,
    %swap3A_125 = arith.constant 3 : i32
    %swap3A_126 = arith.index_cast %swap3A_125 : i32 to index
    %swap3A_127 = arith.constant 112 : index
    %swap3A_128 = tpu.vector_load %arg16[%swap3A_126, %swap3A_127] {strides = array<i32>} : memref<8x128xf32, #tpu.memory_space<vmem>>, vector<16xf32>,
    tpu.vector_store %arg16[%swap3A_126, %swap3A_127], %broadcast_in_dim3A_1 {strides = array<i32>} : memref<8x128xf32, #tpu.memory_space<vmem>>, vector<16xf32>,
    %swap3A_129 = arith.constant 4 : i32
    %swap3A_130 = arith.index_cast %swap3A_129 : i32 to index
    %swap3A_131 = arith.constant 0 : index
    %swap3A_132 = tpu.vector_load %arg16[%swap3A_130, %swap3A_131] {strides = array<i32>} : memref<8x128xf32, #tpu.memory_space<vmem>>, vector<16xf32>,
    tpu.vector_store %arg16[%swap3A_130, %swap3A_131], %broadcast_in_dim3A_1 {strides = array<i32>} : memref<8x128xf32, #tpu.memory_space<vmem>>, vector<16xf32>,
    %swap3A_133 = arith.constant 4 : i32
    %swap3A_134 = arith.index_cast %swap3A_133 : i32 to index
    %swap3A_135 = arith.constant 16 : index
    %swap3A_136 = tpu.vector_load %arg16[%swap3A_134, %swap3A_135] {strides = array<i32>} : memref<8x128xf32, #tpu.memory_space<vmem>>, vector<16xf32>,
    tpu.vector_store %arg16[%swap3A_134, %swap3A_135], %broadcast_in_dim3A_1 {strides = array<i32>} : memref<8x128xf32, #tpu.memory_space<vmem>>, vector<16xf32>,
    %swap3A_137 = arith.constant 4 : i32
    %swap3A_138 = arith.index_cast %swap3A_137 : i32 to index
    %swap3A_139 = arith.constant 32 : index
    %swap3A_140 = tpu.vector_load %arg16[%swap3A_138, %swap3A_139] {strides = array<i32>} : memref<8x128xf32, #tpu.memory_space<vmem>>, vector<16xf32>,
    tpu.vector_store %arg16[%swap3A_138, %swap3A_139], %broadcast_in_dim3A_1 {strides = array<i32>} : memref<8x128xf32, #tpu.memory_space<vmem>>, vector<16xf32>,
    %swap3A_141 = arith.constant 4 : i32
    %swap3A_142 = arith.index_cast %swap3A_141 : i32 to index
    %swap3A_143 = arith.constant 48 : index
    %swap3A_144 = tpu.vector_load %arg16[%swap3A_142, %swap3A_143] {strides = array<i32>} : memref<8x128xf32, #tpu.memory_space<vmem>>, vector<16xf32>,
    tpu.vector_store %arg16[%swap3A_142, %swap3A_143], %broadcast_in_dim3A_1 {strides = array<i32>} : memref<8x128xf32, #tpu.memory_space<vmem>>, vector<16xf32>,
    %swap3A_145 = arith.constant 4 : i32
    %swap3A_146 = arith.index_cast %swap3A_145 : i32 to index
    %swap3A_147 = arith.constant 64 : index
    %swap3A_148 = tpu.vector_load %arg16[%swap3A_146, %swap3A_147] {strides = array<i32>} : memref<8x128xf32, #tpu.memory_space<vmem>>, vector<16xf32>,
    tpu.vector_store %arg16[%swap3A_146, %swap3A_147], %broadcast_in_dim3A_1 {strides = array<i32>} : memref<8x128xf32, #tpu.memory_space<vmem>>, vector<16xf32>,
    %swap3A_149 = arith.constant 4 : i32
    %swap3A_150 = arith.index_cast %swap3A_149 : i32 to index
    %swap3A_151 = arith.constant 80 : index
    %swap3A_152 = tpu.vector_load %arg16[%swap3A_150, %swap3A_151] {strides = array<i32>} : memref<8x128xf32, #tpu.memory_space<vmem>>, vector<16xf32>,
    tpu.vector_store %arg16[%swap3A_150, %swap3A_151], %broadcast_in_dim3A_1 {strides = array<i32>} : memref<8x128xf32, #tpu.memory_space<vmem>>, vector<16xf32>,
    %swap3A_153 = arith.constant 4 : i32
    %swap3A_154 = arith.index_cast %swap3A_153 : i32 to index
    %swap3A_155 = arith.constant 96 : index
    %swap3A_156 = tpu.vector_load %arg16[%swap3A_154, %swap3A_155] {strides = array<i32>} : memref<8x128xf32, #tpu.memory_space<vmem>>, vector<16xf32>,
    tpu.vector_store %arg16[%swap3A_154, %swap3A_155], %broadcast_in_dim3A_1 {strides = array<i32>} : memref<8x128xf32, #tpu.memory_space<vmem>>, vector<16xf32>,
    %swap3A_157 = arith.constant 4 : i32
    %swap3A_158 = arith.index_cast %swap3A_157 : i32 to index
    %swap3A_159 = arith.constant 112 : index
    %swap3A_160 = tpu.vector_load %arg16[%swap3A_158, %swap3A_159] {strides = array<i32>} : memref<8x128xf32, #tpu.memory_space<vmem>>, vector<16xf32>,
    tpu.vector_store %arg16[%swap3A_158, %swap3A_159], %broadcast_in_dim3A_1 {strides = array<i32>} : memref<8x128xf32, #tpu.memory_space<vmem>>, vector<16xf32>,
    %swap3A_161 = arith.constant 5 : i32
    %swap3A_162 = arith.index_cast %swap3A_161 : i32 to index
    %swap3A_163 = arith.constant 0 : index
    %swap3A_164 = tpu.vector_load %arg16[%swap3A_162, %swap3A_163] {strides = array<i32>} : memref<8x128xf32, #tpu.memory_space<vmem>>, vector<16xf32>,
    tpu.vector_store %arg16[%swap3A_162, %swap3A_163], %broadcast_in_dim3A_1 {strides = array<i32>} : memref<8x128xf32, #tpu.memory_space<vmem>>, vector<16xf32>,
    %swap3A_165 = arith.constant 5 : i32
    %swap3A_166 = arith.index_cast %swap3A_165 : i32 to index
    %swap3A_167 = arith.constant 16 : index
    %swap3A_168 = tpu.vector_load %arg16[%swap3A_166, %swap3A_167] {strides = array<i32>} : memref<8x128xf32, #tpu.memory_space<vmem>>, vector<16xf32>,
    tpu.vector_store %arg16[%swap3A_166, %swap3A_167], %broadcast_in_dim3A_1 {strides = array<i32>} : memref<8x128xf32, #tpu.memory_space<vmem>>, vector<16xf32>,
    %swap3A_169 = arith.constant 5 : i32
    %swap3A_170 = arith.index_cast %swap3A_169 : i32 to index
    %swap3A_171 = arith.constant 32 : index
    %swap3A_172 = tpu.vector_load %arg16[%swap3A_170, %swap3A_171] {strides = array<i32>} : memref<8x128xf32, #tpu.memory_space<vmem>>, vector<16xf32>,
    tpu.vector_store %arg16[%swap3A_170, %swap3A_171], %broadcast_in_dim3A_1 {strides = array<i32>} : memref<8x128xf32, #tpu.memory_space<vmem>>, vector<16xf32>,
    %swap3A_173 = arith.constant 5 : i32
    %swap3A_174 = arith.index_cast %swap3A_173 : i32 to index
    %swap3A_175 = arith.constant 48 : index
    %swap3A_176 = tpu.vector_load %arg16[%swap3A_174, %swap3A_175] {strides = array<i32>} : memref<8x128xf32, #tpu.memory_space<vmem>>, vector<16xf32>,
    tpu.vector_store %arg16[%swap3A_174, %swap3A_175], %broadcast_in_dim3A_1 {strides = array<i32>} : memref<8x128xf32, #tpu.memory_space<vmem>>, vector<16xf32>,
    %swap3A_177 = arith.constant 5 : i32
    %swap3A_178 = arith.index_cast %swap3A_177 : i32 to index
    %swap3A_179 = arith.constant 64 : index
    %swap3A_180 = tpu.vector_load %arg16[%swap3A_178, %swap3A_179] {strides = array<i32>} : memref<8x128xf32, #tpu.memory_space<vmem>>, vector<16xf32>,
    tpu.vector_store %arg16[%swap3A_178, %swap3A_179], %broadcast_in_dim3A_1 {strides = array<i32>} : memref<8x128xf32, #tpu.memory_space<vmem>>, vector<16xf32>,
    %swap3A_181 = arith.constant 5 : i32
    %swap3A_182 = arith.index_cast %swap3A_181 : i32 to index
    %swap3A_183 = arith.constant 80 : index
    %swap3A_184 = tpu.vector_load %arg16[%swap3A_182, %swap3A_183] {strides = array<i32>} : memref<8x128xf32, #tpu.memory_space<vmem>>, vector<16xf32>,
    tpu.vector_store %arg16[%swap3A_182, %swap3A_183], %broadcast_in_dim3A_1 {strides = array<i32>} : memref<8x128xf32, #tpu.memory_space<vmem>>, vector<16xf32>,
    %swap3A_185 = arith.constant 5 : i32
    %swap3A_186 = arith.index_cast %swap3A_185 : i32 to index
    %swap3A_187 = arith.constant 96 : index
    %swap3A_188 = tpu.vector_load %arg16[%swap3A_186, %swap3A_187] {strides = array<i32>} : memref<8x128xf32, #tpu.memory_space<vmem>>, vector<16xf32>,
    tpu.vector_store %arg16[%swap3A_186, %swap3A_187], %broadcast_in_dim3A_1 {strides = array<i32>} : memref<8x128xf32, #tpu.memory_space<vmem>>, vector<16xf32>,
    %swap3A_189 = arith.constant 5 : i32
    %swap3A_190 = arith.index_cast %swap3A_189 : i32 to index
    %swap3A_191 = arith.constant 112 : index
    %swap3A_192 = tpu.vector_load %arg16[%swap3A_190, %swap3A_191] {strides = array<i32>} : memref<8x128xf32, #tpu.memory_space<vmem>>, vector<16xf32>,
    tpu.vector_store %arg16[%swap3A_190, %swap3A_191], %broadcast_in_dim3A_1 {strides = array<i32>} : memref<8x128xf32, #tpu.memory_space<vmem>>, vector<16xf32>,
    %swap3A_193 = arith.constant 6 : i32
    %swap3A_194 = arith.index_cast %swap3A_193 : i32 to index
    %swap3A_195 = arith.constant 0 : index
    %swap3A_196 = tpu.vector_load %arg16[%swap3A_194, %swap3A_195] {strides = array<i32>} : memref<8x128xf32, #tpu.memory_space<vmem>>, vector<16xf32>,
    tpu.vector_store %arg16[%swap3A_194, %swap3A_195], %broadcast_in_dim3A_1 {strides = array<i32>} : memref<8x128xf32, #tpu.memory_space<vmem>>, vector<16xf32>,
    %swap3A_197 = arith.constant 6 : i32
    %swap3A_198 = arith.index_cast %swap3A_197 : i32 to index
    %swap3A_199 = arith.constant 16 : index
    %swap3A_200 = tpu.vector_load %arg16[%swap3A_198, %swap3A_199] {strides = array<i32>} : memref<8x128xf32, #tpu.memory_space<vmem>>, vector<16xf32>,
    tpu.vector_store %arg16[%swap3A_198, %swap3A_199], %broadcast_in_dim3A_1 {strides = array<i32>} : memref<8x128xf32, #tpu.memory_space<vmem>>, vector<16xf32>,
    %swap3A_201 = arith.constant 6 : i32
    %swap3A_202 = arith.index_cast %swap3A_201 : i32 to index
    %swap3A_203 = arith.constant 32 : index
    %swap3A_204 = tpu.vector_load %arg16[%swap3A_202, %swap3A_203] {strides = array<i32>} : memref<8x128xf32, #tpu.memory_space<vmem>>, vector<16xf32>,
    tpu.vector_store %arg16[%swap3A_202, %swap3A_203], %broadcast_in_dim3A_1 {strides = array<i32>} : memref<8x128xf32, #tpu.memory_space<vmem>>, vector<16xf32>,
    %swap3A_205 = arith.constant 6 : i32
    %swap3A_206 = arith.index_cast %swap3A_205 : i32 to index
    %swap3A_207 = arith.constant 48 : index
    %swap3A_208 = tpu.vector_load %arg16[%swap3A_206, %swap3A_207] {strides = array<i32>} : memref<8x128xf32, #tpu.memory_space<vmem>>, vector<16xf32>,
    tpu.vector_store %arg16[%swap3A_206, %swap3A_207], %broadcast_in_dim3A_1 {strides = array<i32>} : memref<8x128xf32, #tpu.memory_space<vmem>>, vector<16xf32>,
    %swap3A_209 = arith.constant 6 : i32
    %swap3A_210 = arith.index_cast %swap3A_209 : i32 to index
    %swap3A_211 = arith.constant 64 : index
    %swap3A_212 = tpu.vector_load %arg16[%swap3A_210, %swap3A_211] {strides = array<i32>} : memref<8x128xf32, #tpu.memory_space<vmem>>, vector<16xf32>,
    tpu.vector_store %arg16[%swap3A_210, %swap3A_211], %broadcast_in_dim3A_1 {strides = array<i32>} : memref<8x128xf32, #tpu.memory_space<vmem>>, vector<16xf32>,
    %swap3A_213 = arith.constant 6 : i32
    %swap3A_214 = arith.index_cast %swap3A_213 : i32 to index
    %swap3A_215 = arith.constant 80 : index
    %swap3A_216 = tpu.vector_load %arg16[%swap3A_214, %swap3A_215] {strides = array<i32>} : memref<8x128xf32, #tpu.memory_space<vmem>>, vector<16xf32>,
    tpu.vector_store %arg16[%swap3A_214, %swap3A_215], %broadcast_in_dim3A_1 {strides = array<i32>} : memref<8x128xf32, #tpu.memory_space<vmem>>, vector<16xf32>,
    %swap3A_217 = arith.constant 6 : i32
    %swap3A_218 = arith.index_cast %swap3A_217 : i32 to index
    %swap3A_219 = arith.constant 96 : index
    %swap3A_220 = tpu.vector_load %arg16[%swap3A_218, %swap3A_219] {strides = array<i32>} : memref<8x128xf32, #tpu.memory_space<vmem>>, vector<16xf32>,
    tpu.vector_store %arg16[%swap3A_218, %swap3A_219], %broadcast_in_dim3A_1 {strides = array<i32>} : memref<8x128xf32, #tpu.memory_space<vmem>>, vector<16xf32>,
    %swap3A_221 = arith.constant 6 : i32
    %swap3A_222 = arith.index_cast %swap3A_221 : i32 to index
    %swap3A_223 = arith.constant 112 : index
    %swap3A_224 = tpu.vector_load %arg16[%swap3A_222, %swap3A_223] {strides = array<i32>} : memref<8x128xf32, #tpu.memory_space<vmem>>, vector<16xf32>,
    tpu.vector_store %arg16[%swap3A_222, %swap3A_223], %broadcast_in_dim3A_1 {strides = array<i32>} : memref<8x128xf32, #tpu.memory_space<vmem>>, vector<16xf32>,
    %swap3A_225 = arith.constant 7 : i32
    %swap3A_226 = arith.index_cast %swap3A_225 : i32 to index
    %swap3A_227 = arith.constant 0 : index
    %swap3A_228 = tpu.vector_load %arg16[%swap3A_226, %swap3A_227] {strides = array<i32>} : memref<8x128xf32, #tpu.memory_space<vmem>>, vector<16xf32>,
    tpu.vector_store %arg16[%swap3A_226, %swap3A_227], %broadcast_in_dim3A_1 {strides = array<i32>} : memref<8x128xf32, #tpu.memory_space<vmem>>, vector<16xf32>,
    %swap3A_229 = arith.constant 7 : i32
    %swap3A_230 = arith.index_cast %swap3A_229 : i32 to index
    %swap3A_231 = arith.constant 16 : index
    %swap3A_232 = tpu.vector_load %arg16[%swap3A_230, %swap3A_231] {strides = array<i32>} : memref<8x128xf32, #tpu.memory_space<vmem>>, vector<16xf32>,
    tpu.vector_store %arg16[%swap3A_230, %swap3A_231], %broadcast_in_dim3A_1 {strides = array<i32>} : memref<8x128xf32, #tpu.memory_space<vmem>>, vector<16xf32>,
    %swap3A_233 = arith.constant 7 : i32
    %swap3A_234 = arith.index_cast %swap3A_233 : i32 to index
    %swap3A_235 = arith.constant 32 : index
    %swap3A_236 = tpu.vector_load %arg16[%swap3A_234, %swap3A_235] {strides = array<i32>} : memref<8x128xf32, #tpu.memory_space<vmem>>, vector<16xf32>,
    tpu.vector_store %arg16[%swap3A_234, %swap3A_235], %broadcast_in_dim3A_1 {strides = array<i32>} : memref<8x128xf32, #tpu.memory_space<vmem>>, vector<16xf32>,
    %swap3A_237 = arith.constant 7 : i32
    %swap3A_238 = arith.index_cast %swap3A_237 : i32 to index
    %swap3A_239 = arith.constant 48 : index
    %swap3A_240 = tpu.vector_load %arg16[%swap3A_238, %swap3A_239] {strides = array<i32>} : memref<8x128xf32, #tpu.memory_space<vmem>>, vector<16xf32>,
    tpu.vector_store %arg16[%swap3A_238, %swap3A_239], %broadcast_in_dim3A_1 {strides = array<i32>} : memref<8x128xf32, #tpu.memory_space<vmem>>, vector<16xf32>,
    %swap3A_241 = arith.constant 7 : i32
    %swap3A_242 = arith.index_cast %swap3A_241 : i32 to index
    %swap3A_243 = arith.constant 64 : index
    %swap3A_244 = tpu.vector_load %arg16[%swap3A_242, %swap3A_243] {strides = array<i32>} : memref<8x128xf32, #tpu.memory_space<vmem>>, vector<16xf32>,
    tpu.vector_store %arg16[%swap3A_242, %swap3A_243], %broadcast_in_dim3A_1 {strides = array<i32>} : memref<8x128xf32, #tpu.memory_space<vmem>>, vector<16xf32>,
    %swap3A_245 = arith.constant 7 : i32
    %swap3A_246 = arith.index_cast %swap3A_245 : i32 to index
    %swap3A_247 = arith.constant 80 : index
    %swap3A_248 = tpu.vector_load %arg16[%swap3A_246, %swap3A_247] {strides = array<i32>} : memref<8x128xf32, #tpu.memory_space<vmem>>, vector<16xf32>,
    tpu.vector_store %arg16[%swap3A_246, %swap3A_247], %broadcast_in_dim3A_1 {strides = array<i32>} : memref<8x128xf32, #tpu.memory_space<vmem>>, vector<16xf32>,
    %swap3A_249 = arith.constant 7 : i32
    %swap3A_250 = arith.index_cast %swap3A_249 : i32 to index
    %swap3A_251 = arith.constant 96 : index
    %swap3A_252 = tpu.vector_load %arg16[%swap3A_250, %swap3A_251] {strides = array<i32>} : memref<8x128xf32, #tpu.memory_space<vmem>>, vector<16xf32>,
    tpu.vector_store %arg16[%swap3A_250, %swap3A_251], %broadcast_in_dim3A_1 {strides = array<i32>} : memref<8x128xf32, #tpu.memory_space<vmem>>, vector<16xf32>,
    %swap3A_253 = arith.constant 7 : i32
    %swap3A_254 = arith.index_cast %swap3A_253 : i32 to index
    %swap3A_255 = arith.constant 112 : index
    %swap3A_256 = tpu.vector_load %arg16[%swap3A_254, %swap3A_255] {strides = array<i32>} : memref<8x128xf32, #tpu.memory_space<vmem>>, vector<16xf32>,
    tpu.vector_store %arg16[%swap3A_254, %swap3A_255], %broadcast_in_dim3A_1 {strides = array<i32>} : memref<8x128xf32, #tpu.memory_space<vmem>>, vector<16xf32>,
    "tpu.region"() ({
      %run_scoped3A = tpu.sem_alloc : memref<!tpu.dma_semaphore, #tpu.memory_space<semaphore_mem>>
      tpu.enqueue_dma source(%arg4 : memref<10240xf32, #tpu.memory_space<hbm>>) target(%arg8 : memref<10240xf32, #tpu.memory_space<vmem>>) target_semaphore(%run_scoped3A : memref<!tpu.dma_semaphore, #tpu.memory_space<semaphore_mem>>)
      tpu.wait_dma2 semaphore(%run_scoped3A : memref<!tpu.dma_semaphore, #tpu.memory_space<semaphore_mem>>) src(%arg4 : memref<10240xf32, #tpu.memory_space<hbm>>) dst(%arg8 : memref<10240xf32, #tpu.memory_space<vmem>>)
      tpu.yield
    }) : () -> ()
    "tpu.region"() ({
      %run_scoped3A = tpu.sem_alloc : memref<!tpu.dma_semaphore, #tpu.memory_space<semaphore_mem>>
      tpu.enqueue_dma source(%arg5 : memref<10240xi32, #tpu.memory_space<hbm>>) target(%arg9 : memref<10240xi32, #tpu.memory_space<vmem>>) target_semaphore(%run_scoped3A : memref<!tpu.dma_semaphore, #tpu.memory_space<semaphore_mem>>)
      tpu.wait_dma2 semaphore(%run_scoped3A : memref<!tpu.dma_semaphore, #tpu.memory_space<semaphore_mem>>) src(%arg5 : memref<10240xi32, #tpu.memory_space<hbm>>) dst(%arg9 : memref<10240xi32, #tpu.memory_space<vmem>>)
      tpu.yield
    }) : () -> ()
    %mul3A_257 = arith.constant 80 : i32
    %mul3A_258 = arith.muli %add3A, %mul3A_257 : i32
    %scan3A = arith.constant 0 : i32
    %scan3A_259 = arith.constant 0 : i32
    %scan3A_260 = arith.constant 5 : i32
    %scan3A_261 = arith.addi %scan3A_259, %scan3A_260 : i32
    %scan3A_262 = arith.constant 1 : i32
    %scan3A_263 = scf.for %scan3A_310 = %scan3A_259 to %scan3A_261 step %scan3A_262 iter_args(%scan3A_311 = %scan3A) -> (i32)  : i32 {
      %mul3A_312 = arith.constant 16 : i32
      %mul3A_313 = arith.muli %scan3A_310, %mul3A_312 : i32
      %add3A_314 = arith.addi %mul3A_258, %mul3A_313 : i32
      "tpu.region"() ({
        %run_scoped3A = tpu.sem_alloc : memref<!tpu.dma_semaphore, #tpu.memory_space<semaphore_mem>>
        %dma_start3A = arith.constant 0 : i32
        %dma_start3A_324 = tpu.memref_slice %arg2[%add3A_314, %dma_start3A] : memref<2560x128xi32, #tpu.memory_space<hbm>> -> memref<16x128xi32, #tpu.memory_space<hbm>>
        %dma_start3A_325 = arith.constant 0 : i32
        %dma_start3A_326 = tpu.memref_slice %arg2[%add3A_314, %dma_start3A_325] : memref<2560x128xi32, #tpu.memory_space<hbm>> -> memref<16x128xi32, #tpu.memory_space<hbm>>
        tpu.enqueue_dma source(%dma_start3A_326 : memref<16x128xi32, #tpu.memory_space<hbm>>) target(%arg10 : memref<16x128xi32, #tpu.memory_space<vmem>>) target_semaphore(%run_scoped3A : memref<!tpu.dma_semaphore, #tpu.memory_space<semaphore_mem>>)
        %dma_wait3A = arith.constant 0 : i32
        %dma_wait3A_327 = tpu.memref_slice %arg2[%add3A_314, %dma_wait3A] : memref<2560x128xi32, #tpu.memory_space<hbm>> -> memref<16x128xi32, #tpu.memory_space<hbm>>
        %dma_wait3A_328 = arith.constant 0 : i32
        %dma_wait3A_329 = tpu.memref_slice %arg2[%add3A_314, %dma_wait3A_328] : memref<2560x128xi32, #tpu.memory_space<hbm>> -> memref<16x128xi32, #tpu.memory_space<hbm>>
        tpu.wait_dma2 semaphore(%run_scoped3A : memref<!tpu.dma_semaphore, #tpu.memory_space<semaphore_mem>>) src(%dma_wait3A_329 : memref<16x128xi32, #tpu.memory_space<hbm>>) dst(%arg10 : memref<16x128xi32, #tpu.memory_space<vmem>>)
        tpu.yield
      }) : () -> ()
      %mul3A_315 = arith.constant 16 : i32
      %mul3A_316 = arith.muli %scan3A_310, %mul3A_315 : i32
      %add3A_317 = arith.addi %mul3A_258, %mul3A_316 : i32
      "tpu.region"() ({
        %run_scoped3A = tpu.sem_alloc : memref<!tpu.dma_semaphore, #tpu.memory_space<semaphore_mem>>
        %dma_start3A = arith.constant 0 : i32
        %dma_start3A_324 = tpu.memref_slice %arg3[%add3A_317, %dma_start3A] : memref<2560x128xi32, #tpu.memory_space<hbm>> -> memref<16x128xi32, #tpu.memory_space<hbm>>
        %dma_start3A_325 = arith.constant 0 : i32
        %dma_start3A_326 = tpu.memref_slice %arg3[%add3A_317, %dma_start3A_325] : memref<2560x128xi32, #tpu.memory_space<hbm>> -> memref<16x128xi32, #tpu.memory_space<hbm>>
        tpu.enqueue_dma source(%dma_start3A_326 : memref<16x128xi32, #tpu.memory_space<hbm>>) target(%arg11 : memref<16x128xi32, #tpu.memory_space<vmem>>) target_semaphore(%run_scoped3A : memref<!tpu.dma_semaphore, #tpu.memory_space<semaphore_mem>>)
        %dma_wait3A = arith.constant 0 : i32
        %dma_wait3A_327 = tpu.memref_slice %arg3[%add3A_317, %dma_wait3A] : memref<2560x128xi32, #tpu.memory_space<hbm>> -> memref<16x128xi32, #tpu.memory_space<hbm>>
        %dma_wait3A_328 = arith.constant 0 : i32
        %dma_wait3A_329 = tpu.memref_slice %arg3[%add3A_317, %dma_wait3A_328] : memref<2560x128xi32, #tpu.memory_space<hbm>> -> memref<16x128xi32, #tpu.memory_space<hbm>>
        tpu.wait_dma2 semaphore(%run_scoped3A : memref<!tpu.dma_semaphore, #tpu.memory_space<semaphore_mem>>) src(%dma_wait3A_329 : memref<16x128xi32, #tpu.memory_space<hbm>>) dst(%arg11 : memref<16x128xi32, #tpu.memory_space<vmem>>)
        tpu.yield
      }) : () -> ()
      %scan3A_318 = arith.constant 0 : i32
      %scan3A_319 = arith.constant 16 : i32
      %scan3A_320 = arith.addi %scan3A_318, %scan3A_319 : i32
      %scan3A_321 = arith.constant 1 : i32
      %scan3A_322 = scf.for %scan3A_324 = %scan3A_318 to %scan3A_320 step %scan3A_321 iter_args(%scan3A_325 = %scan3A_311) -> (i32)  : i32 {
        %get3A = arith.index_cast %scan3A_324 : i32 to index
        %get3A_326 = arith.constant 0 : index
        %get3A_327 = tpu.vector_load %arg11[%get3A, %get3A_326] {strides = array<i32>} : memref<16x128xi32, #tpu.memory_space<vmem>>, vector<16xi32>,
        %get3A_328 = arith.index_cast %scan3A_324 : i32 to index
        %get3A_329 = arith.constant 0 : index
        %get3A_330 = tpu.vector_load %arg10[%get3A_328, %get3A_329] {strides = array<i32>} : memref<16x128xi32, #tpu.memory_space<vmem>>, vector<16xi32>,
        %gather3A = tpu.vector_load_idx %arg9[%get3A_327] : memref<10240xi32, #tpu.memory_space<vmem>>[vector<16xi32>], vector<16xi32>,
        %gt3A = arith.constant 0 : i32
        %gt3A_331 = vector.broadcast %gt3A : i32 to vector<16xi32>
        %gt3A_332 = arith.cmpi sgt, %gather3A, %gt3A_331 : vector<16xi32>
        %convert_element_type3A = arith.extui %gt3A_332 : vector<16xi1> to vector<16xi32>
        %reduce_sum3A = arith.constant true
        %reduce_sum3A_333 = vector.broadcast %reduce_sum3A : i1 to vector<16xi1>
        %reduce_sum3A_334 = tpu.scan <sum>, %convert_element_type3A masked %reduce_sum3A_333 : vector<16xi32>, vector<16xi1> -> vector<16xi32>
        %reduce_sum3A_335 = vector.extract %reduce_sum3A_334[15] : i32 from vector<16xi32>
        %gt3A_336 = arith.constant 0 : i32
        %gt3A_337 = arith.cmpi sgt, %reduce_sum3A_335, %gt3A_336 : i32
        %convert_element_type3A_338 = arith.extui %gt3A_337 : i1 to i32
        %cond3A = arith.constant 0 : i32
        %cond3A_339 = arith.cmpi ne, %convert_element_type3A_338, %cond3A : i32
        scf.if %cond3A_339 {
          %gather3A_488 = tpu.vector_load_idx %arg8[%get3A_330] : memref<10240xf32, #tpu.memory_space<vmem>>[vector<16xi32>], vector<16xf32>,
          %gather3A_489 = tpu.vector_load_idx %arg8[%get3A_327] : memref<10240xf32, #tpu.memory_space<vmem>>[vector<16xi32>], vector<16xf32>,
          %swap3A_490 = arith.index_cast %scan3A_325 : i32 to index
          %swap3A_491 = tpu.vector_load %arg12[%swap3A_490] masked %gt3A_332 {strides = array<i32>} : memref<10752xi32, #tpu.memory_space<vmem>>, vector<16xi32>, vector<16xi1>
          tpu.vector_store %arg12[%swap3A_490], %get3A_330 masked %gt3A_332 {strides = array<i32>} : memref<10752xi32, #tpu.memory_space<vmem>>, vector<16xi32>, vector<16xi1>
          %mul3A_492 = arith.mulf %gather3A_488, %gather3A_489 : vector<16xf32>
          %swap3A_493 = arith.index_cast %scan3A_325 : i32 to index
          %swap3A_494 = tpu.vector_load %arg13[%swap3A_493] masked %gt3A_332 {strides = array<i32>} : memref<10752xf32, #tpu.memory_space<vmem>>, vector<16xf32>, vector<16xi1>
          tpu.vector_store %arg13[%swap3A_493], %mul3A_492 masked %gt3A_332 {strides = array<i32>} : memref<10752xf32, #tpu.memory_space<vmem>>, vector<16xf32>, vector<16xi1>
          %swap3A_495 = arith.index_cast %scan3A_325 : i32 to index
          %swap3A_496 = tpu.vector_load %arg14[%swap3A_495] masked %gt3A_332 {strides = array<i32>} : memref<10752xi32, #tpu.memory_space<vmem>>, vector<16xi32>, vector<16xi1>
          tpu.vector_store %arg14[%swap3A_495], %gather3A masked %gt3A_332 {strides = array<i32>} : memref<10752xi32, #tpu.memory_space<vmem>>, vector<16xi32>, vector<16xi1>
        } else {
        }
        %add3A_340 = arith.addi %scan3A_325, %reduce_sum3A_335 : i32
        %get3A_341 = arith.index_cast %scan3A_324 : i32 to index
        %get3A_342 = arith.constant 16 : index
        %get3A_343 = tpu.vector_load %arg11[%get3A_341, %get3A_342] {strides = array<i32>} : memref<16x128xi32, #tpu.memory_space<vmem>>, vector<16xi32>,
        %get3A_344 = arith.index_cast %scan3A_324 : i32 to index
        %get3A_345 = arith.constant 16 : index
        %get3A_346 = tpu.vector_load %arg10[%get3A_344, %get3A_345] {strides = array<i32>} : memref<16x128xi32, #tpu.memory_space<vmem>>, vector<16xi32>,
        %gather3A_347 = tpu.vector_load_idx %arg9[%get3A_343] : memref<10240xi32, #tpu.memory_space<vmem>>[vector<16xi32>], vector<16xi32>,
        %gt3A_348 = arith.constant 0 : i32
        %gt3A_349 = vector.broadcast %gt3A_348 : i32 to vector<16xi32>
        %gt3A_350 = arith.cmpi sgt, %gather3A_347, %gt3A_349 : vector<16xi32>
        %convert_element_type3A_351 = arith.extui %gt3A_350 : vector<16xi1> to vector<16xi32>
        %reduce_sum3A_352 = arith.constant true
        %reduce_sum3A_353 = vector.broadcast %reduce_sum3A_352 : i1 to vector<16xi1>
        %reduce_sum3A_354 = tpu.scan <sum>, %convert_element_type3A_351 masked %reduce_sum3A_353 : vector<16xi32>, vector<16xi1> -> vector<16xi32>
        %reduce_sum3A_355 = vector.extract %reduce_sum3A_354[15] : i32 from vector<16xi32>
        %gt3A_356 = arith.constant 0 : i32
        %gt3A_357 = arith.cmpi sgt, %reduce_sum3A_355, %gt3A_356 : i32
        %convert_element_type3A_358 = arith.extui %gt3A_357 : i1 to i32
        %cond3A_359 = arith.constant 0 : i32
        %cond3A_360 = arith.cmpi ne, %convert_element_type3A_358, %cond3A_359 : i32
        scf.if %cond3A_360 {
          %gather3A_488 = tpu.vector_load_idx %arg8[%get3A_346] : memref<10240xf32, #tpu.memory_space<vmem>>[vector<16xi32>], vector<16xf32>,
          %gather3A_489 = tpu.vector_load_idx %arg8[%get3A_343] : memref<10240xf32, #tpu.memory_space<vmem>>[vector<16xi32>], vector<16xf32>,
          %swap3A_490 = arith.index_cast %add3A_340 : i32 to index
          %swap3A_491 = tpu.vector_load %arg12[%swap3A_490] masked %gt3A_350 {strides = array<i32>} : memref<10752xi32, #tpu.memory_space<vmem>>, vector<16xi32>, vector<16xi1>
          tpu.vector_store %arg12[%swap3A_490], %get3A_346 masked %gt3A_350 {strides = array<i32>} : memref<10752xi32, #tpu.memory_space<vmem>>, vector<16xi32>, vector<16xi1>
          %mul3A_492 = arith.mulf %gather3A_488, %gather3A_489 : vector<16xf32>
          %swap3A_493 = arith.index_cast %add3A_340 : i32 to index
          %swap3A_494 = tpu.vector_load %arg13[%swap3A_493] masked %gt3A_350 {strides = array<i32>} : memref<10752xf32, #tpu.memory_space<vmem>>, vector<16xf32>, vector<16xi1>
          tpu.vector_store %arg13[%swap3A_493], %mul3A_492 masked %gt3A_350 {strides = array<i32>} : memref<10752xf32, #tpu.memory_space<vmem>>, vector<16xf32>, vector<16xi1>
          %swap3A_495 = arith.index_cast %add3A_340 : i32 to index
          %swap3A_496 = tpu.vector_load %arg14[%swap3A_495] masked %gt3A_350 {strides = array<i32>} : memref<10752xi32, #tpu.memory_space<vmem>>, vector<16xi32>, vector<16xi1>
          tpu.vector_store %arg14[%swap3A_495], %gather3A_347 masked %gt3A_350 {strides = array<i32>} : memref<10752xi32, #tpu.memory_space<vmem>>, vector<16xi32>, vector<16xi1>
        } else {
        }
        %add3A_361 = arith.addi %add3A_340, %reduce_sum3A_355 : i32
        %get3A_362 = arith.index_cast %scan3A_324 : i32 to index
        %get3A_363 = arith.constant 32 : index
        %get3A_364 = tpu.vector_load %arg11[%get3A_362, %get3A_363] {strides = array<i32>} : memref<16x128xi32, #tpu.memory_space<vmem>>, vector<16xi32>,
        %get3A_365 = arith.index_cast %scan3A_324 : i32 to index
        %get3A_366 = arith.constant 32 : index
        %get3A_367 = tpu.vector_load %arg10[%get3A_365, %get3A_366] {strides = array<i32>} : memref<16x128xi32, #tpu.memory_space<vmem>>, vector<16xi32>,
        %gather3A_368 = tpu.vector_load_idx %arg9[%get3A_364] : memref<10240xi32, #tpu.memory_space<vmem>>[vector<16xi32>], vector<16xi32>,
        %gt3A_369 = arith.constant 0 : i32
        %gt3A_370 = vector.broadcast %gt3A_369 : i32 to vector<16xi32>
        %gt3A_371 = arith.cmpi sgt, %gather3A_368, %gt3A_370 : vector<16xi32>
        %convert_element_type3A_372 = arith.extui %gt3A_371 : vector<16xi1> to vector<16xi32>
        %reduce_sum3A_373 = arith.constant true
        %reduce_sum3A_374 = vector.broadcast %reduce_sum3A_373 : i1 to vector<16xi1>
        %reduce_sum3A_375 = tpu.scan <sum>, %convert_element_type3A_372 masked %reduce_sum3A_374 : vector<16xi32>, vector<16xi1> -> vector<16xi32>
        %reduce_sum3A_376 = vector.extract %reduce_sum3A_375[15] : i32 from vector<16xi32>
        %gt3A_377 = arith.constant 0 : i32
        %gt3A_378 = arith.cmpi sgt, %reduce_sum3A_376, %gt3A_377 : i32
        %convert_element_type3A_379 = arith.extui %gt3A_378 : i1 to i32
        %cond3A_380 = arith.constant 0 : i32
        %cond3A_381 = arith.cmpi ne, %convert_element_type3A_379, %cond3A_380 : i32
        scf.if %cond3A_381 {
          %gather3A_488 = tpu.vector_load_idx %arg8[%get3A_367] : memref<10240xf32, #tpu.memory_space<vmem>>[vector<16xi32>], vector<16xf32>,
          %gather3A_489 = tpu.vector_load_idx %arg8[%get3A_364] : memref<10240xf32, #tpu.memory_space<vmem>>[vector<16xi32>], vector<16xf32>,
          %swap3A_490 = arith.index_cast %add3A_361 : i32 to index
          %swap3A_491 = tpu.vector_load %arg12[%swap3A_490] masked %gt3A_371 {strides = array<i32>} : memref<10752xi32, #tpu.memory_space<vmem>>, vector<16xi32>, vector<16xi1>
          tpu.vector_store %arg12[%swap3A_490], %get3A_367 masked %gt3A_371 {strides = array<i32>} : memref<10752xi32, #tpu.memory_space<vmem>>, vector<16xi32>, vector<16xi1>
          %mul3A_492 = arith.mulf %gather3A_488, %gather3A_489 : vector<16xf32>
          %swap3A_493 = arith.index_cast %add3A_361 : i32 to index
          %swap3A_494 = tpu.vector_load %arg13[%swap3A_493] masked %gt3A_371 {strides = array<i32>} : memref<10752xf32, #tpu.memory_space<vmem>>, vector<16xf32>, vector<16xi1>
          tpu.vector_store %arg13[%swap3A_493], %mul3A_492 masked %gt3A_371 {strides = array<i32>} : memref<10752xf32, #tpu.memory_space<vmem>>, vector<16xf32>, vector<16xi1>
          %swap3A_495 = arith.index_cast %add3A_361 : i32 to index
          %swap3A_496 = tpu.vector_load %arg14[%swap3A_495] masked %gt3A_371 {strides = array<i32>} : memref<10752xi32, #tpu.memory_space<vmem>>, vector<16xi32>, vector<16xi1>
          tpu.vector_store %arg14[%swap3A_495], %gather3A_368 masked %gt3A_371 {strides = array<i32>} : memref<10752xi32, #tpu.memory_space<vmem>>, vector<16xi32>, vector<16xi1>
        } else {
        }
        %add3A_382 = arith.addi %add3A_361, %reduce_sum3A_376 : i32
        %get3A_383 = arith.index_cast %scan3A_324 : i32 to index
        %get3A_384 = arith.constant 48 : index
        %get3A_385 = tpu.vector_load %arg11[%get3A_383, %get3A_384] {strides = array<i32>} : memref<16x128xi32, #tpu.memory_space<vmem>>, vector<16xi32>,
        %get3A_386 = arith.index_cast %scan3A_324 : i32 to index
        %get3A_387 = arith.constant 48 : index
        %get3A_388 = tpu.vector_load %arg10[%get3A_386, %get3A_387] {strides = array<i32>} : memref<16x128xi32, #tpu.memory_space<vmem>>, vector<16xi32>,
        %gather3A_389 = tpu.vector_load_idx %arg9[%get3A_385] : memref<10240xi32, #tpu.memory_space<vmem>>[vector<16xi32>], vector<16xi32>,
        %gt3A_390 = arith.constant 0 : i32
        %gt3A_391 = vector.broadcast %gt3A_390 : i32 to vector<16xi32>
        %gt3A_392 = arith.cmpi sgt, %gather3A_389, %gt3A_391 : vector<16xi32>
        %convert_element_type3A_393 = arith.extui %gt3A_392 : vector<16xi1> to vector<16xi32>
        %reduce_sum3A_394 = arith.constant true
        %reduce_sum3A_395 = vector.broadcast %reduce_sum3A_394 : i1 to vector<16xi1>
        %reduce_sum3A_396 = tpu.scan <sum>, %convert_element_type3A_393 masked %reduce_sum3A_395 : vector<16xi32>, vector<16xi1> -> vector<16xi32>
        %reduce_sum3A_397 = vector.extract %reduce_sum3A_396[15] : i32 from vector<16xi32>
        %gt3A_398 = arith.constant 0 : i32
        %gt3A_399 = arith.cmpi sgt, %reduce_sum3A_397, %gt3A_398 : i32
        %convert_element_type3A_400 = arith.extui %gt3A_399 : i1 to i32
        %cond3A_401 = arith.constant 0 : i32
        %cond3A_402 = arith.cmpi ne, %convert_element_type3A_400, %cond3A_401 : i32
        scf.if %cond3A_402 {
          %gather3A_488 = tpu.vector_load_idx %arg8[%get3A_388] : memref<10240xf32, #tpu.memory_space<vmem>>[vector<16xi32>], vector<16xf32>,
          %gather3A_489 = tpu.vector_load_idx %arg8[%get3A_385] : memref<10240xf32, #tpu.memory_space<vmem>>[vector<16xi32>], vector<16xf32>,
          %swap3A_490 = arith.index_cast %add3A_382 : i32 to index
          %swap3A_491 = tpu.vector_load %arg12[%swap3A_490] masked %gt3A_392 {strides = array<i32>} : memref<10752xi32, #tpu.memory_space<vmem>>, vector<16xi32>, vector<16xi1>
          tpu.vector_store %arg12[%swap3A_490], %get3A_388 masked %gt3A_392 {strides = array<i32>} : memref<10752xi32, #tpu.memory_space<vmem>>, vector<16xi32>, vector<16xi1>
          %mul3A_492 = arith.mulf %gather3A_488, %gather3A_489 : vector<16xf32>
          %swap3A_493 = arith.index_cast %add3A_382 : i32 to index
          %swap3A_494 = tpu.vector_load %arg13[%swap3A_493] masked %gt3A_392 {strides = array<i32>} : memref<10752xf32, #tpu.memory_space<vmem>>, vector<16xf32>, vector<16xi1>
          tpu.vector_store %arg13[%swap3A_493], %mul3A_492 masked %gt3A_392 {strides = array<i32>} : memref<10752xf32, #tpu.memory_space<vmem>>, vector<16xf32>, vector<16xi1>
          %swap3A_495 = arith.index_cast %add3A_382 : i32 to index
          %swap3A_496 = tpu.vector_load %arg14[%swap3A_495] masked %gt3A_392 {strides = array<i32>} : memref<10752xi32, #tpu.memory_space<vmem>>, vector<16xi32>, vector<16xi1>
          tpu.vector_store %arg14[%swap3A_495], %gather3A_389 masked %gt3A_392 {strides = array<i32>} : memref<10752xi32, #tpu.memory_space<vmem>>, vector<16xi32>, vector<16xi1>
        } else {
        }
        %add3A_403 = arith.addi %add3A_382, %reduce_sum3A_397 : i32
        %get3A_404 = arith.index_cast %scan3A_324 : i32 to index
        %get3A_405 = arith.constant 64 : index
        %get3A_406 = tpu.vector_load %arg11[%get3A_404, %get3A_405] {strides = array<i32>} : memref<16x128xi32, #tpu.memory_space<vmem>>, vector<16xi32>,
        %get3A_407 = arith.index_cast %scan3A_324 : i32 to index
        %get3A_408 = arith.constant 64 : index
        %get3A_409 = tpu.vector_load %arg10[%get3A_407, %get3A_408] {strides = array<i32>} : memref<16x128xi32, #tpu.memory_space<vmem>>, vector<16xi32>,
        %gather3A_410 = tpu.vector_load_idx %arg9[%get3A_406] : memref<10240xi32, #tpu.memory_space<vmem>>[vector<16xi32>], vector<16xi32>,
        %gt3A_411 = arith.constant 0 : i32
        %gt3A_412 = vector.broadcast %gt3A_411 : i32 to vector<16xi32>
        %gt3A_413 = arith.cmpi sgt, %gather3A_410, %gt3A_412 : vector<16xi32>
        %convert_element_type3A_414 = arith.extui %gt3A_413 : vector<16xi1> to vector<16xi32>
        %reduce_sum3A_415 = arith.constant true
        %reduce_sum3A_416 = vector.broadcast %reduce_sum3A_415 : i1 to vector<16xi1>
        %reduce_sum3A_417 = tpu.scan <sum>, %convert_element_type3A_414 masked %reduce_sum3A_416 : vector<16xi32>, vector<16xi1> -> vector<16xi32>
        %reduce_sum3A_418 = vector.extract %reduce_sum3A_417[15] : i32 from vector<16xi32>
        %gt3A_419 = arith.constant 0 : i32
        %gt3A_420 = arith.cmpi sgt, %reduce_sum3A_418, %gt3A_419 : i32
        %convert_element_type3A_421 = arith.extui %gt3A_420 : i1 to i32
        %cond3A_422 = arith.constant 0 : i32
        %cond3A_423 = arith.cmpi ne, %convert_element_type3A_421, %cond3A_422 : i32
        scf.if %cond3A_423 {
          %gather3A_488 = tpu.vector_load_idx %arg8[%get3A_409] : memref<10240xf32, #tpu.memory_space<vmem>>[vector<16xi32>], vector<16xf32>,
          %gather3A_489 = tpu.vector_load_idx %arg8[%get3A_406] : memref<10240xf32, #tpu.memory_space<vmem>>[vector<16xi32>], vector<16xf32>,
          %swap3A_490 = arith.index_cast %add3A_403 : i32 to index
          %swap3A_491 = tpu.vector_load %arg12[%swap3A_490] masked %gt3A_413 {strides = array<i32>} : memref<10752xi32, #tpu.memory_space<vmem>>, vector<16xi32>, vector<16xi1>
          tpu.vector_store %arg12[%swap3A_490], %get3A_409 masked %gt3A_413 {strides = array<i32>} : memref<10752xi32, #tpu.memory_space<vmem>>, vector<16xi32>, vector<16xi1>
          %mul3A_492 = arith.mulf %gather3A_488, %gather3A_489 : vector<16xf32>
          %swap3A_493 = arith.index_cast %add3A_403 : i32 to index
          %swap3A_494 = tpu.vector_load %arg13[%swap3A_493] masked %gt3A_413 {strides = array<i32>} : memref<10752xf32, #tpu.memory_space<vmem>>, vector<16xf32>, vector<16xi1>
          tpu.vector_store %arg13[%swap3A_493], %mul3A_492 masked %gt3A_413 {strides = array<i32>} : memref<10752xf32, #tpu.memory_space<vmem>>, vector<16xf32>, vector<16xi1>
          %swap3A_495 = arith.index_cast %add3A_403 : i32 to index
          %swap3A_496 = tpu.vector_load %arg14[%swap3A_495] masked %gt3A_413 {strides = array<i32>} : memref<10752xi32, #tpu.memory_space<vmem>>, vector<16xi32>, vector<16xi1>
          tpu.vector_store %arg14[%swap3A_495], %gather3A_410 masked %gt3A_413 {strides = array<i32>} : memref<10752xi32, #tpu.memory_space<vmem>>, vector<16xi32>, vector<16xi1>
        } else {
        }
        %add3A_424 = arith.addi %add3A_403, %reduce_sum3A_418 : i32
        %get3A_425 = arith.index_cast %scan3A_324 : i32 to index
        %get3A_426 = arith.constant 80 : index
        %get3A_427 = tpu.vector_load %arg11[%get3A_425, %get3A_426] {strides = array<i32>} : memref<16x128xi32, #tpu.memory_space<vmem>>, vector<16xi32>,
        %get3A_428 = arith.index_cast %scan3A_324 : i32 to index
        %get3A_429 = arith.constant 80 : index
        %get3A_430 = tpu.vector_load %arg10[%get3A_428, %get3A_429] {strides = array<i32>} : memref<16x128xi32, #tpu.memory_space<vmem>>, vector<16xi32>,
        %gather3A_431 = tpu.vector_load_idx %arg9[%get3A_427] : memref<10240xi32, #tpu.memory_space<vmem>>[vector<16xi32>], vector<16xi32>,
        %gt3A_432 = arith.constant 0 : i32
        %gt3A_433 = vector.broadcast %gt3A_432 : i32 to vector<16xi32>
        %gt3A_434 = arith.cmpi sgt, %gather3A_431, %gt3A_433 : vector<16xi32>
        %convert_element_type3A_435 = arith.extui %gt3A_434 : vector<16xi1> to vector<16xi32>
        %reduce_sum3A_436 = arith.constant true
        %reduce_sum3A_437 = vector.broadcast %reduce_sum3A_436 : i1 to vector<16xi1>
        %reduce_sum3A_438 = tpu.scan <sum>, %convert_element_type3A_435 masked %reduce_sum3A_437 : vector<16xi32>, vector<16xi1> -> vector<16xi32>
        %reduce_sum3A_439 = vector.extract %reduce_sum3A_438[15] : i32 from vector<16xi32>
        %gt3A_440 = arith.constant 0 : i32
        %gt3A_441 = arith.cmpi sgt, %reduce_sum3A_439, %gt3A_440 : i32
        %convert_element_type3A_442 = arith.extui %gt3A_441 : i1 to i32
        %cond3A_443 = arith.constant 0 : i32
        %cond3A_444 = arith.cmpi ne, %convert_element_type3A_442, %cond3A_443 : i32
        scf.if %cond3A_444 {
          %gather3A_488 = tpu.vector_load_idx %arg8[%get3A_430] : memref<10240xf32, #tpu.memory_space<vmem>>[vector<16xi32>], vector<16xf32>,
          %gather3A_489 = tpu.vector_load_idx %arg8[%get3A_427] : memref<10240xf32, #tpu.memory_space<vmem>>[vector<16xi32>], vector<16xf32>,
          %swap3A_490 = arith.index_cast %add3A_424 : i32 to index
          %swap3A_491 = tpu.vector_load %arg12[%swap3A_490] masked %gt3A_434 {strides = array<i32>} : memref<10752xi32, #tpu.memory_space<vmem>>, vector<16xi32>, vector<16xi1>
          tpu.vector_store %arg12[%swap3A_490], %get3A_430 masked %gt3A_434 {strides = array<i32>} : memref<10752xi32, #tpu.memory_space<vmem>>, vector<16xi32>, vector<16xi1>
          %mul3A_492 = arith.mulf %gather3A_488, %gather3A_489 : vector<16xf32>
          %swap3A_493 = arith.index_cast %add3A_424 : i32 to index
          %swap3A_494 = tpu.vector_load %arg13[%swap3A_493] masked %gt3A_434 {strides = array<i32>} : memref<10752xf32, #tpu.memory_space<vmem>>, vector<16xf32>, vector<16xi1>
          tpu.vector_store %arg13[%swap3A_493], %mul3A_492 masked %gt3A_434 {strides = array<i32>} : memref<10752xf32, #tpu.memory_space<vmem>>, vector<16xf32>, vector<16xi1>
          %swap3A_495 = arith.index_cast %add3A_424 : i32 to index
          %swap3A_496 = tpu.vector_load %arg14[%swap3A_495] masked %gt3A_434 {strides = array<i32>} : memref<10752xi32, #tpu.memory_space<vmem>>, vector<16xi32>, vector<16xi1>
          tpu.vector_store %arg14[%swap3A_495], %gather3A_431 masked %gt3A_434 {strides = array<i32>} : memref<10752xi32, #tpu.memory_space<vmem>>, vector<16xi32>, vector<16xi1>
        } else {
        }
        %add3A_445 = arith.addi %add3A_424, %reduce_sum3A_439 : i32
        %get3A_446 = arith.index_cast %scan3A_324 : i32 to index
        %get3A_447 = arith.constant 96 : index
        %get3A_448 = tpu.vector_load %arg11[%get3A_446, %get3A_447] {strides = array<i32>} : memref<16x128xi32, #tpu.memory_space<vmem>>, vector<16xi32>,
        %get3A_449 = arith.index_cast %scan3A_324 : i32 to index
        %get3A_450 = arith.constant 96 : index
        %get3A_451 = tpu.vector_load %arg10[%get3A_449, %get3A_450] {strides = array<i32>} : memref<16x128xi32, #tpu.memory_space<vmem>>, vector<16xi32>,
        %gather3A_452 = tpu.vector_load_idx %arg9[%get3A_448] : memref<10240xi32, #tpu.memory_space<vmem>>[vector<16xi32>], vector<16xi32>,
        %gt3A_453 = arith.constant 0 : i32
        %gt3A_454 = vector.broadcast %gt3A_453 : i32 to vector<16xi32>
        %gt3A_455 = arith.cmpi sgt, %gather3A_452, %gt3A_454 : vector<16xi32>
        %convert_element_type3A_456 = arith.extui %gt3A_455 : vector<16xi1> to vector<16xi32>
        %reduce_sum3A_457 = arith.constant true
        %reduce_sum3A_458 = vector.broadcast %reduce_sum3A_457 : i1 to vector<16xi1>
        %reduce_sum3A_459 = tpu.scan <sum>, %convert_element_type3A_456 masked %reduce_sum3A_458 : vector<16xi32>, vector<16xi1> -> vector<16xi32>
        %reduce_sum3A_460 = vector.extract %reduce_sum3A_459[15] : i32 from vector<16xi32>
        %gt3A_461 = arith.constant 0 : i32
        %gt3A_462 = arith.cmpi sgt, %reduce_sum3A_460, %gt3A_461 : i32
        %convert_element_type3A_463 = arith.extui %gt3A_462 : i1 to i32
        %cond3A_464 = arith.constant 0 : i32
        %cond3A_465 = arith.cmpi ne, %convert_element_type3A_463, %cond3A_464 : i32
        scf.if %cond3A_465 {
          %gather3A_488 = tpu.vector_load_idx %arg8[%get3A_451] : memref<10240xf32, #tpu.memory_space<vmem>>[vector<16xi32>], vector<16xf32>,
          %gather3A_489 = tpu.vector_load_idx %arg8[%get3A_448] : memref<10240xf32, #tpu.memory_space<vmem>>[vector<16xi32>], vector<16xf32>,
          %swap3A_490 = arith.index_cast %add3A_445 : i32 to index
          %swap3A_491 = tpu.vector_load %arg12[%swap3A_490] masked %gt3A_455 {strides = array<i32>} : memref<10752xi32, #tpu.memory_space<vmem>>, vector<16xi32>, vector<16xi1>
          tpu.vector_store %arg12[%swap3A_490], %get3A_451 masked %gt3A_455 {strides = array<i32>} : memref<10752xi32, #tpu.memory_space<vmem>>, vector<16xi32>, vector<16xi1>
          %mul3A_492 = arith.mulf %gather3A_488, %gather3A_489 : vector<16xf32>
          %swap3A_493 = arith.index_cast %add3A_445 : i32 to index
          %swap3A_494 = tpu.vector_load %arg13[%swap3A_493] masked %gt3A_455 {strides = array<i32>} : memref<10752xf32, #tpu.memory_space<vmem>>, vector<16xf32>, vector<16xi1>
          tpu.vector_store %arg13[%swap3A_493], %mul3A_492 masked %gt3A_455 {strides = array<i32>} : memref<10752xf32, #tpu.memory_space<vmem>>, vector<16xf32>, vector<16xi1>
          %swap3A_495 = arith.index_cast %add3A_445 : i32 to index
          %swap3A_496 = tpu.vector_load %arg14[%swap3A_495] masked %gt3A_455 {strides = array<i32>} : memref<10752xi32, #tpu.memory_space<vmem>>, vector<16xi32>, vector<16xi1>
          tpu.vector_store %arg14[%swap3A_495], %gather3A_452 masked %gt3A_455 {strides = array<i32>} : memref<10752xi32, #tpu.memory_space<vmem>>, vector<16xi32>, vector<16xi1>
        } else {
        }
        %add3A_466 = arith.addi %add3A_445, %reduce_sum3A_460 : i32
        %get3A_467 = arith.index_cast %scan3A_324 : i32 to index
        %get3A_468 = arith.constant 112 : index
        %get3A_469 = tpu.vector_load %arg11[%get3A_467, %get3A_468] {strides = array<i32>} : memref<16x128xi32, #tpu.memory_space<vmem>>, vector<16xi32>,
        %get3A_470 = arith.index_cast %scan3A_324 : i32 to index
        %get3A_471 = arith.constant 112 : index
        %get3A_472 = tpu.vector_load %arg10[%get3A_470, %get3A_471] {strides = array<i32>} : memref<16x128xi32, #tpu.memory_space<vmem>>, vector<16xi32>,
        %gather3A_473 = tpu.vector_load_idx %arg9[%get3A_469] : memref<10240xi32, #tpu.memory_space<vmem>>[vector<16xi32>], vector<16xi32>,
        %gt3A_474 = arith.constant 0 : i32
        %gt3A_475 = vector.broadcast %gt3A_474 : i32 to vector<16xi32>
        %gt3A_476 = arith.cmpi sgt, %gather3A_473, %gt3A_475 : vector<16xi32>
        %convert_element_type3A_477 = arith.extui %gt3A_476 : vector<16xi1> to vector<16xi32>
        %reduce_sum3A_478 = arith.constant true
        %reduce_sum3A_479 = vector.broadcast %reduce_sum3A_478 : i1 to vector<16xi1>
        %reduce_sum3A_480 = tpu.scan <sum>, %convert_element_type3A_477 masked %reduce_sum3A_479 : vector<16xi32>, vector<16xi1> -> vector<16xi32>
        %reduce_sum3A_481 = vector.extract %reduce_sum3A_480[15] : i32 from vector<16xi32>
        %gt3A_482 = arith.constant 0 : i32
        %gt3A_483 = arith.cmpi sgt, %reduce_sum3A_481, %gt3A_482 : i32
        %convert_element_type3A_484 = arith.extui %gt3A_483 : i1 to i32
        %cond3A_485 = arith.constant 0 : i32
        %cond3A_486 = arith.cmpi ne, %convert_element_type3A_484, %cond3A_485 : i32
        scf.if %cond3A_486 {
          %gather3A_488 = tpu.vector_load_idx %arg8[%get3A_472] : memref<10240xf32, #tpu.memory_space<vmem>>[vector<16xi32>], vector<16xf32>,
          %gather3A_489 = tpu.vector_load_idx %arg8[%get3A_469] : memref<10240xf32, #tpu.memory_space<vmem>>[vector<16xi32>], vector<16xf32>,
          %swap3A_490 = arith.index_cast %add3A_466 : i32 to index
          %swap3A_491 = tpu.vector_load %arg12[%swap3A_490] masked %gt3A_476 {strides = array<i32>} : memref<10752xi32, #tpu.memory_space<vmem>>, vector<16xi32>, vector<16xi1>
          tpu.vector_store %arg12[%swap3A_490], %get3A_472 masked %gt3A_476 {strides = array<i32>} : memref<10752xi32, #tpu.memory_space<vmem>>, vector<16xi32>, vector<16xi1>
          %mul3A_492 = arith.mulf %gather3A_488, %gather3A_489 : vector<16xf32>
          %swap3A_493 = arith.index_cast %add3A_466 : i32 to index
          %swap3A_494 = tpu.vector_load %arg13[%swap3A_493] masked %gt3A_476 {strides = array<i32>} : memref<10752xf32, #tpu.memory_space<vmem>>, vector<16xf32>, vector<16xi1>
          tpu.vector_store %arg13[%swap3A_493], %mul3A_492 masked %gt3A_476 {strides = array<i32>} : memref<10752xf32, #tpu.memory_space<vmem>>, vector<16xf32>, vector<16xi1>
          %swap3A_495 = arith.index_cast %add3A_466 : i32 to index
          %swap3A_496 = tpu.vector_load %arg14[%swap3A_495] masked %gt3A_476 {strides = array<i32>} : memref<10752xi32, #tpu.memory_space<vmem>>, vector<16xi32>, vector<16xi1>
          tpu.vector_store %arg14[%swap3A_495], %gather3A_473 masked %gt3A_476 {strides = array<i32>} : memref<10752xi32, #tpu.memory_space<vmem>>, vector<16xi32>, vector<16xi1>
        } else {
        }
        %add3A_487 = arith.addi %add3A_466, %reduce_sum3A_481 : i32
        scf.yield %add3A_487 : i32
      }
      %scan3A_323 = arith.constant 16 : i32
      scf.yield %scan3A_322 : i32
    }
    %scan3A_264 = arith.constant 5 : i32
    %mul3A_265 = arith.constant 320 : i32
    %mul3A_266 = arith.muli %add3A, %mul3A_265 : i32
    %scan3A_267 = arith.constant 0 : i32
    %scan3A_268 = arith.constant 20 : i32
    %scan3A_269 = arith.addi %scan3A_267, %scan3A_268 : i32
    %scan3A_270 = arith.constant 1 : i32
    %scan3A_271 = scf.for %scan3A_310 = %scan3A_267 to %scan3A_269 step %scan3A_270 iter_args(%scan3A_311 = %scan3A_263) -> (i32)  : i32 {
      %mul3A_312 = arith.constant 16 : i32
      %mul3A_313 = arith.muli %scan3A_310, %mul3A_312 : i32
      %add3A_314 = arith.addi %mul3A_266, %mul3A_313 : i32
      %get3A = arith.index_cast %add3A_314 : i32 to index
      %get3A_315 = tpu.vector_load %arg9[%get3A] {strides = array<i32>} : memref<10240xi32, #tpu.memory_space<vmem>>, vector<16xi32>,
      %gt3A = arith.constant 0 : i32
      %gt3A_316 = vector.broadcast %gt3A : i32 to vector<16xi32>
      %gt3A_317 = arith.cmpi sgt, %get3A_315, %gt3A_316 : vector<16xi32>
      %convert_element_type3A = arith.extui %gt3A_317 : vector<16xi1> to vector<16xi32>
      %reduce_sum3A = arith.constant true
      %reduce_sum3A_318 = vector.broadcast %reduce_sum3A : i1 to vector<16xi1>
      %reduce_sum3A_319 = tpu.scan <sum>, %convert_element_type3A masked %reduce_sum3A_318 : vector<16xi32>, vector<16xi1> -> vector<16xi32>
      %reduce_sum3A_320 = vector.extract %reduce_sum3A_319[15] : i32 from vector<16xi32>
      %gt3A_321 = arith.constant 0 : i32
      %gt3A_322 = arith.cmpi sgt, %reduce_sum3A_320, %gt3A_321 : i32
      %convert_element_type3A_323 = arith.extui %gt3A_322 : i1 to i32
      %cond3A = arith.constant 0 : i32
      %cond3A_324 = arith.cmpi ne, %convert_element_type3A_323, %cond3A : i32
      scf.if %cond3A_324 {
        %get3A_326 = arith.index_cast %add3A_314 : i32 to index
        %get3A_327 = tpu.vector_load %arg8[%get3A_326] {strides = array<i32>} : memref<10240xf32, #tpu.memory_space<vmem>>, vector<16xf32>,
        %iota3A = tpu.iota {dimensions = array<i32: 0>} : vector<16xi32>
        %add3A_328 = vector.broadcast %add3A_314 : i32 to vector<16xi32>
        %add3A_329 = arith.addi %iota3A, %add3A_328 : vector<16xi32>
        %swap3A_330 = arith.index_cast %scan3A_311 : i32 to index
        %swap3A_331 = tpu.vector_load %arg12[%swap3A_330] masked %gt3A_317 {strides = array<i32>} : memref<10752xi32, #tpu.memory_space<vmem>>, vector<16xi32>, vector<16xi1>
        tpu.vector_store %arg12[%swap3A_330], %add3A_329 masked %gt3A_317 {strides = array<i32>} : memref<10752xi32, #tpu.memory_space<vmem>>, vector<16xi32>, vector<16xi1>
        %mul3A_332 = arith.mulf %get3A_327, %get3A_327 : vector<16xf32>
        %swap3A_333 = arith.index_cast %scan3A_311 : i32 to index
        %swap3A_334 = tpu.vector_load %arg13[%swap3A_333] masked %gt3A_317 {strides = array<i32>} : memref<10752xf32, #tpu.memory_space<vmem>>, vector<16xf32>, vector<16xi1>
        tpu.vector_store %arg13[%swap3A_333], %mul3A_332 masked %gt3A_317 {strides = array<i32>} : memref<10752xf32, #tpu.memory_space<vmem>>, vector<16xf32>, vector<16xi1>
        %swap3A_335 = arith.index_cast %scan3A_311 : i32 to index
        %swap3A_336 = tpu.vector_load %arg14[%swap3A_335] masked %gt3A_317 {strides = array<i32>} : memref<10752xi32, #tpu.memory_space<vmem>>, vector<16xi32>, vector<16xi1>
        tpu.vector_store %arg14[%swap3A_335], %get3A_315 masked %gt3A_317 {strides = array<i32>} : memref<10752xi32, #tpu.memory_space<vmem>>, vector<16xi32>, vector<16xi1>
      } else {
      }
      %add3A_325 = arith.addi %scan3A_311, %reduce_sum3A_320 : i32
      scf.yield %add3A_325 : i32
    }
    %scan3A_272 = arith.constant 20 : i32
    %broadcast_in_dim3A_273 = arith.constant 0 : i32
    %broadcast_in_dim3A_274 = vector.broadcast %broadcast_in_dim3A_273 : i32 to vector<16xi32>
    %swap3A_275 = arith.index_cast %scan3A_271 : i32 to index
    %swap3A_276 = tpu.vector_load %arg12[%swap3A_275] {strides = array<i32>} : memref<10752xi32, #tpu.memory_space<vmem>>, vector<16xi32>,
    tpu.vector_store %arg12[%swap3A_275], %broadcast_in_dim3A_274 {strides = array<i32>} : memref<10752xi32, #tpu.memory_space<vmem>>, vector<16xi32>,
    %swap3A_277 = arith.index_cast %scan3A_271 : i32 to index
    %swap3A_278 = tpu.vector_load %arg13[%swap3A_277] {strides = array<i32>} : memref<10752xf32, #tpu.memory_space<vmem>>, vector<16xf32>,
    tpu.vector_store %arg13[%swap3A_277], %broadcast_in_dim3A_1 {strides = array<i32>} : memref<10752xf32, #tpu.memory_space<vmem>>, vector<16xf32>,
    %swap3A_279 = arith.index_cast %scan3A_271 : i32 to index
    %swap3A_280 = tpu.vector_load %arg14[%swap3A_279] {strides = array<i32>} : memref<10752xi32, #tpu.memory_space<vmem>>, vector<16xi32>,
    tpu.vector_store %arg14[%swap3A_279], %broadcast_in_dim3A_274 {strides = array<i32>} : memref<10752xi32, #tpu.memory_space<vmem>>, vector<16xi32>,
    %add3A_281 = arith.constant 16 : i32
    %add3A_282 = arith.addi %scan3A_271, %add3A_281 : i32
    %sub3A = arith.constant 1 : i32
    %sub3A_283 = arith.subi %add3A_282, %sub3A : i32
    %jit3A = arith.constant 16 : i32
    %div3A = arith.divsi %sub3A_283, %jit3A : i32
    %sign3A = arith.constant 0 : i32
    %sign3A_284 = arith.cmpi sgt, %sub3A_283, %sign3A : i32
    %sign3A_285 = arith.extui %sign3A_284 : i1 to i32
    %sign3A_286 = arith.constant 0 : i32
    %sign3A_287 = arith.cmpi slt, %sub3A_283, %sign3A_286 : i32
    %sign3A_288 = arith.extui %sign3A_287 : i1 to i32
    %sign3A_289 = arith.subi %sign3A_285, %sign3A_288 : i32
    %sign3A_290 = arith.constant 0 : i32
    %sign3A_291 = arith.cmpi sgt, %jit3A, %sign3A_290 : i32
    %sign3A_292 = arith.extui %sign3A_291 : i1 to i32
    %sign3A_293 = arith.constant 0 : i32
    %sign3A_294 = arith.cmpi slt, %jit3A, %sign3A_293 : i32
    %sign3A_295 = arith.extui %sign3A_294 : i1 to i32
    %sign3A_296 = arith.subi %sign3A_292, %sign3A_295 : i32
    %ne3A = arith.cmpi ne, %sign3A_289, %sign3A_296 : i32
    %rem3A = arith.remsi %sub3A_283, %jit3A : i32
    %ne3A_297 = arith.constant 0 : i32
    %ne3A_298 = arith.cmpi ne, %rem3A, %ne3A_297 : i32
    %and3A = arith.andi %ne3A, %ne3A_298 : i1
    %sub3A_299 = arith.constant 1 : i32
    %sub3A_300 = arith.subi %div3A, %sub3A_299 : i32
    %select_n3A = arith.select %and3A, %sub3A_300, %div3A : i32
    %while3A = arith.constant 0 : i32
    %while3A_301 = arith.constant 0 : i32
    %while3A_302 = arith.subi %select_n3A, %while3A_301 : i32
    %while3A_303 = arith.addi %while3A_301, %while3A_302 : i32
    %while3A_304 = arith.constant 1 : i32
    %while3A_305 = arith.divsi %while3A_302, %while3A_304 : i32
    %while3A_306 = arith.muli %while3A_305, %while3A_304 : i32
    %while3A_307 = arith.addi %while3A_301, %while3A_306 : i32
    %while3A_308 = arith.constant 1 : i32
    scf.for %while3A_310 = %while3A_301 to %while3A_307 step %while3A_308  : i32 {
      %mul3A_311 = arith.constant 16 : i32
      %mul3A_312 = arith.muli %while3A_310, %mul3A_311 : i32
      %dma_start3A = tpu.memref_slice %arg12[%mul3A_312] : memref<10752xi32, #tpu.memory_space<vmem>> -> memref<16xi32, #tpu.memory_space<vmem>>
      %dma_start3A_313 = arith.constant 0 : i32
      %dma_start3A_314 = arith.constant 0 : i32
      %dma_start3A_315 = tpu.memref_slice %arg6[%dma_start3A_313, %dma_start3A_314] : memref<10240x128xf32, #tpu.memory_space<hbm>> -> memref<10240x128xf32, #tpu.memory_space<hbm>>
      tpu.enqueue_indirect_dma source(%dma_start3A_315 : memref<10240x128xf32, #tpu.memory_space<hbm>>) target(%arg15 : memref<16x128xf32, #tpu.memory_space<vmem>>) offsets(%dma_start3A : memref<16xi32, #tpu.memory_space<vmem>>) semaphore(%arg17 : memref<!tpu.dma_semaphore, #tpu.memory_space<semaphore_mem>>)
      %dma_wait3A = tpu.memref_slice %arg12[%mul3A_312] : memref<10752xi32, #tpu.memory_space<vmem>> -> memref<16xi32, #tpu.memory_space<vmem>>
      %dma_wait3A_316 = arith.constant 0 : i32
      %dma_wait3A_317 = arith.constant 0 : i32
      %dma_wait3A_318 = tpu.memref_slice %arg6[%dma_wait3A_316, %dma_wait3A_317] : memref<10240x128xf32, #tpu.memory_space<hbm>> -> memref<10240x128xf32, #tpu.memory_space<hbm>>
      tpu.wait_indirect_dma semaphore(%arg17 : memref<!tpu.dma_semaphore, #tpu.memory_space<semaphore_mem>>) src(%dma_wait3A_318 : memref<10240x128xf32, #tpu.memory_space<hbm>>) dst(%arg15 : memref<16x128xf32, #tpu.memory_space<vmem>>)
      %scan3A_319 = arith.constant 0 : i32
      %scan3A_320 = arith.constant 0 : i32
      %scan3A_321 = arith.constant 16 : i32
      %scan3A_322 = arith.addi %scan3A_320, %scan3A_321 : i32
      %scan3A_323 = arith.constant 1 : i32
      scf.for %scan3A_325 = %scan3A_320 to %scan3A_322 step %scan3A_323  : i32 {
        %mul3A_326 = arith.constant 16 : i32
        %mul3A_327 = arith.muli %while3A_310, %mul3A_326 : i32
        %add3A_328 = arith.addi %mul3A_327, %scan3A_325 : i32
        %broadcast_in_dim3A_329 = vector.broadcast %add3A_328 : i32 to vector<16xi32>
        %gather3A = tpu.vector_load_idx %arg13[%broadcast_in_dim3A_329] : memref<10752xf32, #tpu.memory_space<vmem>>[vector<16xi32>], vector<16xf32>,
        %broadcast_in_dim3A_330 = vector.broadcast %add3A_328 : i32 to vector<16xi32>
        %gather3A_331 = tpu.vector_load_idx %arg14[%broadcast_in_dim3A_330] : memref<10752xi32, #tpu.memory_space<vmem>>[vector<16xi32>], vector<16xi32>,
        %shift_right_arithmetic3A = arith.constant 0 : i32
        %shift_right_arithmetic3A_332 = vector.broadcast %shift_right_arithmetic3A : i32 to vector<16xi32>
        %shift_right_arithmetic3A_333 = arith.shrsi %gather3A_331, %shift_right_arithmetic3A_332 : vector<16xi32>
        %and3A_334 = arith.constant 1 : i32
        %and3A_335 = vector.broadcast %and3A_334 : i32 to vector<16xi32>
        %and3A_336 = arith.andi %shift_right_arithmetic3A_333, %and3A_335 : vector<16xi32>
        %gt3A = arith.constant 0 : i32
        %gt3A_337 = vector.broadcast %gt3A : i32 to vector<16xi32>
        %gt3A_338 = arith.cmpi sgt, %and3A_336, %gt3A_337 : vector<16xi32>
        %convert_element_type3A = arith.extui %gt3A_338 : vector<16xi1> to vector<16xi32>
        %reduce_sum3A = arith.constant true
        %reduce_sum3A_339 = vector.broadcast %reduce_sum3A : i1 to vector<16xi1>
        %reduce_sum3A_340 = tpu.scan <sum>, %convert_element_type3A masked %reduce_sum3A_339 : vector<16xi32>, vector<16xi1> -> vector<16xi32>
        %reduce_sum3A_341 = vector.extract %reduce_sum3A_340[15] : i32 from vector<16xi32>
        %gt3A_342 = arith.constant 0 : i32
        %gt3A_343 = arith.cmpi sgt, %reduce_sum3A_341, %gt3A_342 : i32
        %convert_element_type3A_344 = arith.extui %gt3A_343 : i1 to i32
        %cond3A = arith.constant 0 : i32
        %cond3A_345 = arith.cmpi ne, %convert_element_type3A_344, %cond3A : i32
        scf.if %cond3A_345 {
          %get3A = arith.constant 0 : i32
          %get3A_422 = arith.index_cast %get3A : i32 to index
          %get3A_423 = arith.constant 0 : index
          %get3A_424 = tpu.vector_load %arg16[%get3A_422, %get3A_423] {strides = array<i32>} : memref<8x128xf32, #tpu.memory_space<vmem>>, vector<16xf32>,
          %get3A_425 = arith.index_cast %scan3A_325 : i32 to index
          %get3A_426 = arith.constant 0 : index
          %get3A_427 = tpu.vector_load %arg15[%get3A_425, %get3A_426] {strides = array<i32>} : memref<16x128xf32, #tpu.memory_space<vmem>>, vector<16xf32>,
          %mul3A_428 = arith.mulf %get3A_427, %gather3A : vector<16xf32>
          %add3A_429 = arith.addf %get3A_424, %mul3A_428 : vector<16xf32>
          %swap3A_430 = arith.constant 0 : i32
          %swap3A_431 = arith.index_cast %swap3A_430 : i32 to index
          %swap3A_432 = arith.constant 0 : index
          %swap3A_433 = tpu.vector_load %arg16[%swap3A_431, %swap3A_432] {strides = array<i32>} : memref<8x128xf32, #tpu.memory_space<vmem>>, vector<16xf32>,
          tpu.vector_store %arg16[%swap3A_431, %swap3A_432], %add3A_429 {strides = array<i32>} : memref<8x128xf32, #tpu.memory_space<vmem>>, vector<16xf32>,
          %get3A_434 = arith.constant 0 : i32
          %get3A_435 = arith.index_cast %get3A_434 : i32 to index
          %get3A_436 = arith.constant 16 : index
          %get3A_437 = tpu.vector_load %arg16[%get3A_435, %get3A_436] {strides = array<i32>} : memref<8x128xf32, #tpu.memory_space<vmem>>, vector<16xf32>,
          %get3A_438 = arith.index_cast %scan3A_325 : i32 to index
          %get3A_439 = arith.constant 16 : index
          %get3A_440 = tpu.vector_load %arg15[%get3A_438, %get3A_439] {strides = array<i32>} : memref<16x128xf32, #tpu.memory_space<vmem>>, vector<16xf32>,
          %mul3A_441 = arith.mulf %get3A_440, %gather3A : vector<16xf32>
          %add3A_442 = arith.addf %get3A_437, %mul3A_441 : vector<16xf32>
          %swap3A_443 = arith.constant 0 : i32
          %swap3A_444 = arith.index_cast %swap3A_443 : i32 to index
          %swap3A_445 = arith.constant 16 : index
          %swap3A_446 = tpu.vector_load %arg16[%swap3A_444, %swap3A_445] {strides = array<i32>} : memref<8x128xf32, #tpu.memory_space<vmem>>, vector<16xf32>,
          tpu.vector_store %arg16[%swap3A_444, %swap3A_445], %add3A_442 {strides = array<i32>} : memref<8x128xf32, #tpu.memory_space<vmem>>, vector<16xf32>,
          %get3A_447 = arith.constant 0 : i32
          %get3A_448 = arith.index_cast %get3A_447 : i32 to index
          %get3A_449 = arith.constant 32 : index
          %get3A_450 = tpu.vector_load %arg16[%get3A_448, %get3A_449] {strides = array<i32>} : memref<8x128xf32, #tpu.memory_space<vmem>>, vector<16xf32>,
          %get3A_451 = arith.index_cast %scan3A_325 : i32 to index
          %get3A_452 = arith.constant 32 : index
          %get3A_453 = tpu.vector_load %arg15[%get3A_451, %get3A_452] {strides = array<i32>} : memref<16x128xf32, #tpu.memory_space<vmem>>, vector<16xf32>,
          %mul3A_454 = arith.mulf %get3A_453, %gather3A : vector<16xf32>
          %add3A_455 = arith.addf %get3A_450, %mul3A_454 : vector<16xf32>
          %swap3A_456 = arith.constant 0 : i32
          %swap3A_457 = arith.index_cast %swap3A_456 : i32 to index
          %swap3A_458 = arith.constant 32 : index
          %swap3A_459 = tpu.vector_load %arg16[%swap3A_457, %swap3A_458] {strides = array<i32>} : memref<8x128xf32, #tpu.memory_space<vmem>>, vector<16xf32>,
          tpu.vector_store %arg16[%swap3A_457, %swap3A_458], %add3A_455 {strides = array<i32>} : memref<8x128xf32, #tpu.memory_space<vmem>>, vector<16xf32>,
          %get3A_460 = arith.constant 0 : i32
          %get3A_461 = arith.index_cast %get3A_460 : i32 to index
          %get3A_462 = arith.constant 48 : index
          %get3A_463 = tpu.vector_load %arg16[%get3A_461, %get3A_462] {strides = array<i32>} : memref<8x128xf32, #tpu.memory_space<vmem>>, vector<16xf32>,
          %get3A_464 = arith.index_cast %scan3A_325 : i32 to index
          %get3A_465 = arith.constant 48 : index
          %get3A_466 = tpu.vector_load %arg15[%get3A_464, %get3A_465] {strides = array<i32>} : memref<16x128xf32, #tpu.memory_space<vmem>>, vector<16xf32>,
          %mul3A_467 = arith.mulf %get3A_466, %gather3A : vector<16xf32>
          %add3A_468 = arith.addf %get3A_463, %mul3A_467 : vector<16xf32>
          %swap3A_469 = arith.constant 0 : i32
          %swap3A_470 = arith.index_cast %swap3A_469 : i32 to index
          %swap3A_471 = arith.constant 48 : index
          %swap3A_472 = tpu.vector_load %arg16[%swap3A_470, %swap3A_471] {strides = array<i32>} : memref<8x128xf32, #tpu.memory_space<vmem>>, vector<16xf32>,
          tpu.vector_store %arg16[%swap3A_470, %swap3A_471], %add3A_468 {strides = array<i32>} : memref<8x128xf32, #tpu.memory_space<vmem>>, vector<16xf32>,
          %get3A_473 = arith.constant 0 : i32
          %get3A_474 = arith.index_cast %get3A_473 : i32 to index
          %get3A_475 = arith.constant 64 : index
          %get3A_476 = tpu.vector_load %arg16[%get3A_474, %get3A_475] {strides = array<i32>} : memref<8x128xf32, #tpu.memory_space<vmem>>, vector<16xf32>,
          %get3A_477 = arith.index_cast %scan3A_325 : i32 to index
          %get3A_478 = arith.constant 64 : index
          %get3A_479 = tpu.vector_load %arg15[%get3A_477, %get3A_478] {strides = array<i32>} : memref<16x128xf32, #tpu.memory_space<vmem>>, vector<16xf32>,
          %mul3A_480 = arith.mulf %get3A_479, %gather3A : vector<16xf32>
          %add3A_481 = arith.addf %get3A_476, %mul3A_480 : vector<16xf32>
          %swap3A_482 = arith.constant 0 : i32
          %swap3A_483 = arith.index_cast %swap3A_482 : i32 to index
          %swap3A_484 = arith.constant 64 : index
          %swap3A_485 = tpu.vector_load %arg16[%swap3A_483, %swap3A_484] {strides = array<i32>} : memref<8x128xf32, #tpu.memory_space<vmem>>, vector<16xf32>,
          tpu.vector_store %arg16[%swap3A_483, %swap3A_484], %add3A_481 {strides = array<i32>} : memref<8x128xf32, #tpu.memory_space<vmem>>, vector<16xf32>,
          %get3A_486 = arith.constant 0 : i32
          %get3A_487 = arith.index_cast %get3A_486 : i32 to index
          %get3A_488 = arith.constant 80 : index
          %get3A_489 = tpu.vector_load %arg16[%get3A_487, %get3A_488] {strides = array<i32>} : memref<8x128xf32, #tpu.memory_space<vmem>>, vector<16xf32>,
          %get3A_490 = arith.index_cast %scan3A_325 : i32 to index
          %get3A_491 = arith.constant 80 : index
          %get3A_492 = tpu.vector_load %arg15[%get3A_490, %get3A_491] {strides = array<i32>} : memref<16x128xf32, #tpu.memory_space<vmem>>, vector<16xf32>,
          %mul3A_493 = arith.mulf %get3A_492, %gather3A : vector<16xf32>
          %add3A_494 = arith.addf %get3A_489, %mul3A_493 : vector<16xf32>
          %swap3A_495 = arith.constant 0 : i32
          %swap3A_496 = arith.index_cast %swap3A_495 : i32 to index
          %swap3A_497 = arith.constant 80 : index
          %swap3A_498 = tpu.vector_load %arg16[%swap3A_496, %swap3A_497] {strides = array<i32>} : memref<8x128xf32, #tpu.memory_space<vmem>>, vector<16xf32>,
          tpu.vector_store %arg16[%swap3A_496, %swap3A_497], %add3A_494 {strides = array<i32>} : memref<8x128xf32, #tpu.memory_space<vmem>>, vector<16xf32>,
          %get3A_499 = arith.constant 0 : i32
          %get3A_500 = arith.index_cast %get3A_499 : i32 to index
          %get3A_501 = arith.constant 96 : index
          %get3A_502 = tpu.vector_load %arg16[%get3A_500, %get3A_501] {strides = array<i32>} : memref<8x128xf32, #tpu.memory_space<vmem>>, vector<16xf32>,
          %get3A_503 = arith.index_cast %scan3A_325 : i32 to index
          %get3A_504 = arith.constant 96 : index
          %get3A_505 = tpu.vector_load %arg15[%get3A_503, %get3A_504] {strides = array<i32>} : memref<16x128xf32, #tpu.memory_space<vmem>>, vector<16xf32>,
          %mul3A_506 = arith.mulf %get3A_505, %gather3A : vector<16xf32>
          %add3A_507 = arith.addf %get3A_502, %mul3A_506 : vector<16xf32>
          %swap3A_508 = arith.constant 0 : i32
          %swap3A_509 = arith.index_cast %swap3A_508 : i32 to index
          %swap3A_510 = arith.constant 96 : index
          %swap3A_511 = tpu.vector_load %arg16[%swap3A_509, %swap3A_510] {strides = array<i32>} : memref<8x128xf32, #tpu.memory_space<vmem>>, vector<16xf32>,
          tpu.vector_store %arg16[%swap3A_509, %swap3A_510], %add3A_507 {strides = array<i32>} : memref<8x128xf32, #tpu.memory_space<vmem>>, vector<16xf32>,
          %get3A_512 = arith.constant 0 : i32
          %get3A_513 = arith.index_cast %get3A_512 : i32 to index
          %get3A_514 = arith.constant 112 : index
          %get3A_515 = tpu.vector_load %arg16[%get3A_513, %get3A_514] {strides = array<i32>} : memref<8x128xf32, #tpu.memory_space<vmem>>, vector<16xf32>,
          %get3A_516 = arith.index_cast %scan3A_325 : i32 to index
          %get3A_517 = arith.constant 112 : index
          %get3A_518 = tpu.vector_load %arg15[%get3A_516, %get3A_517] {strides = array<i32>} : memref<16x128xf32, #tpu.memory_space<vmem>>, vector<16xf32>,
          %mul3A_519 = arith.mulf %get3A_518, %gather3A : vector<16xf32>
          %add3A_520 = arith.addf %get3A_515, %mul3A_519 : vector<16xf32>
          %swap3A_521 = arith.constant 0 : i32
          %swap3A_522 = arith.index_cast %swap3A_521 : i32 to index
          %swap3A_523 = arith.constant 112 : index
          %swap3A_524 = tpu.vector_load %arg16[%swap3A_522, %swap3A_523] {strides = array<i32>} : memref<8x128xf32, #tpu.memory_space<vmem>>, vector<16xf32>,
          tpu.vector_store %arg16[%swap3A_522, %swap3A_523], %add3A_520 {strides = array<i32>} : memref<8x128xf32, #tpu.memory_space<vmem>>, vector<16xf32>,
        } else {
        }
        %shift_right_arithmetic3A_346 = arith.constant 1 : i32
        %shift_right_arithmetic3A_347 = vector.broadcast %shift_right_arithmetic3A_346 : i32 to vector<16xi32>
        %shift_right_arithmetic3A_348 = arith.shrsi %gather3A_331, %shift_right_arithmetic3A_347 : vector<16xi32>
        %and3A_349 = arith.constant 1 : i32
        %and3A_350 = vector.broadcast %and3A_349 : i32 to vector<16xi32>
        %and3A_351 = arith.andi %shift_right_arithmetic3A_348, %and3A_350 : vector<16xi32>
        %gt3A_352 = arith.constant 0 : i32
        %gt3A_353 = vector.broadcast %gt3A_352 : i32 to vector<16xi32>
        %gt3A_354 = arith.cmpi sgt, %and3A_351, %gt3A_353 : vector<16xi32>
        %convert_element_type3A_355 = arith.extui %gt3A_354 : vector<16xi1> to vector<16xi32>
        %reduce_sum3A_356 = arith.constant true
        %reduce_sum3A_357 = vector.broadcast %reduce_sum3A_356 : i1 to vector<16xi1>
        %reduce_sum3A_358 = tpu.scan <sum>, %convert_element_type3A_355 masked %reduce_sum3A_357 : vector<16xi32>, vector<16xi1> -> vector<16xi32>
        %reduce_sum3A_359 = vector.extract %reduce_sum3A_358[15] : i32 from vector<16xi32>
        %gt3A_360 = arith.constant 0 : i32
        %gt3A_361 = arith.cmpi sgt, %reduce_sum3A_359, %gt3A_360 : i32
        %convert_element_type3A_362 = arith.extui %gt3A_361 : i1 to i32
        %cond3A_363 = arith.constant 0 : i32
        %cond3A_364 = arith.cmpi ne, %convert_element_type3A_362, %cond3A_363 : i32
        scf.if %cond3A_364 {
          %get3A = arith.constant 1 : i32
          %get3A_422 = arith.index_cast %get3A : i32 to index
          %get3A_423 = arith.constant 0 : index
          %get3A_424 = tpu.vector_load %arg16[%get3A_422, %get3A_423] {strides = array<i32>} : memref<8x128xf32, #tpu.memory_space<vmem>>, vector<16xf32>,
          %get3A_425 = arith.index_cast %scan3A_325 : i32 to index
          %get3A_426 = arith.constant 0 : index
          %get3A_427 = tpu.vector_load %arg15[%get3A_425, %get3A_426] {strides = array<i32>} : memref<16x128xf32, #tpu.memory_space<vmem>>, vector<16xf32>,
          %mul3A_428 = arith.mulf %get3A_427, %gather3A : vector<16xf32>
          %add3A_429 = arith.addf %get3A_424, %mul3A_428 : vector<16xf32>
          %swap3A_430 = arith.constant 1 : i32
          %swap3A_431 = arith.index_cast %swap3A_430 : i32 to index
          %swap3A_432 = arith.constant 0 : index
          %swap3A_433 = tpu.vector_load %arg16[%swap3A_431, %swap3A_432] {strides = array<i32>} : memref<8x128xf32, #tpu.memory_space<vmem>>, vector<16xf32>,
          tpu.vector_store %arg16[%swap3A_431, %swap3A_432], %add3A_429 {strides = array<i32>} : memref<8x128xf32, #tpu.memory_space<vmem>>, vector<16xf32>,
          %get3A_434 = arith.constant 1 : i32
          %get3A_435 = arith.index_cast %get3A_434 : i32 to index
          %get3A_436 = arith.constant 16 : index
          %get3A_437 = tpu.vector_load %arg16[%get3A_435, %get3A_436] {strides = array<i32>} : memref<8x128xf32, #tpu.memory_space<vmem>>, vector<16xf32>,
          %get3A_438 = arith.index_cast %scan3A_325 : i32 to index
          %get3A_439 = arith.constant 16 : index
          %get3A_440 = tpu.vector_load %arg15[%get3A_438, %get3A_439] {strides = array<i32>} : memref<16x128xf32, #tpu.memory_space<vmem>>, vector<16xf32>,
          %mul3A_441 = arith.mulf %get3A_440, %gather3A : vector<16xf32>
          %add3A_442 = arith.addf %get3A_437, %mul3A_441 : vector<16xf32>
          %swap3A_443 = arith.constant 1 : i32
          %swap3A_444 = arith.index_cast %swap3A_443 : i32 to index
          %swap3A_445 = arith.constant 16 : index
          %swap3A_446 = tpu.vector_load %arg16[%swap3A_444, %swap3A_445] {strides = array<i32>} : memref<8x128xf32, #tpu.memory_space<vmem>>, vector<16xf32>,
          tpu.vector_store %arg16[%swap3A_444, %swap3A_445], %add3A_442 {strides = array<i32>} : memref<8x128xf32, #tpu.memory_space<vmem>>, vector<16xf32>,
          %get3A_447 = arith.constant 1 : i32
          %get3A_448 = arith.index_cast %get3A_447 : i32 to index
          %get3A_449 = arith.constant 32 : index
          %get3A_450 = tpu.vector_load %arg16[%get3A_448, %get3A_449] {strides = array<i32>} : memref<8x128xf32, #tpu.memory_space<vmem>>, vector<16xf32>,
          %get3A_451 = arith.index_cast %scan3A_325 : i32 to index
          %get3A_452 = arith.constant 32 : index
          %get3A_453 = tpu.vector_load %arg15[%get3A_451, %get3A_452] {strides = array<i32>} : memref<16x128xf32, #tpu.memory_space<vmem>>, vector<16xf32>,
          %mul3A_454 = arith.mulf %get3A_453, %gather3A : vector<16xf32>
          %add3A_455 = arith.addf %get3A_450, %mul3A_454 : vector<16xf32>
          %swap3A_456 = arith.constant 1 : i32
          %swap3A_457 = arith.index_cast %swap3A_456 : i32 to index
          %swap3A_458 = arith.constant 32 : index
          %swap3A_459 = tpu.vector_load %arg16[%swap3A_457, %swap3A_458] {strides = array<i32>} : memref<8x128xf32, #tpu.memory_space<vmem>>, vector<16xf32>,
          tpu.vector_store %arg16[%swap3A_457, %swap3A_458], %add3A_455 {strides = array<i32>} : memref<8x128xf32, #tpu.memory_space<vmem>>, vector<16xf32>,
          %get3A_460 = arith.constant 1 : i32
          %get3A_461 = arith.index_cast %get3A_460 : i32 to index
          %get3A_462 = arith.constant 48 : index
          %get3A_463 = tpu.vector_load %arg16[%get3A_461, %get3A_462] {strides = array<i32>} : memref<8x128xf32, #tpu.memory_space<vmem>>, vector<16xf32>,
          %get3A_464 = arith.index_cast %scan3A_325 : i32 to index
          %get3A_465 = arith.constant 48 : index
          %get3A_466 = tpu.vector_load %arg15[%get3A_464, %get3A_465] {strides = array<i32>} : memref<16x128xf32, #tpu.memory_space<vmem>>, vector<16xf32>,
          %mul3A_467 = arith.mulf %get3A_466, %gather3A : vector<16xf32>
          %add3A_468 = arith.addf %get3A_463, %mul3A_467 : vector<16xf32>
          %swap3A_469 = arith.constant 1 : i32
          %swap3A_470 = arith.index_cast %swap3A_469 : i32 to index
          %swap3A_471 = arith.constant 48 : index
          %swap3A_472 = tpu.vector_load %arg16[%swap3A_470, %swap3A_471] {strides = array<i32>} : memref<8x128xf32, #tpu.memory_space<vmem>>, vector<16xf32>,
          tpu.vector_store %arg16[%swap3A_470, %swap3A_471], %add3A_468 {strides = array<i32>} : memref<8x128xf32, #tpu.memory_space<vmem>>, vector<16xf32>,
          %get3A_473 = arith.constant 1 : i32
          %get3A_474 = arith.index_cast %get3A_473 : i32 to index
          %get3A_475 = arith.constant 64 : index
          %get3A_476 = tpu.vector_load %arg16[%get3A_474, %get3A_475] {strides = array<i32>} : memref<8x128xf32, #tpu.memory_space<vmem>>, vector<16xf32>,
          %get3A_477 = arith.index_cast %scan3A_325 : i32 to index
          %get3A_478 = arith.constant 64 : index
          %get3A_479 = tpu.vector_load %arg15[%get3A_477, %get3A_478] {strides = array<i32>} : memref<16x128xf32, #tpu.memory_space<vmem>>, vector<16xf32>,
          %mul3A_480 = arith.mulf %get3A_479, %gather3A : vector<16xf32>
          %add3A_481 = arith.addf %get3A_476, %mul3A_480 : vector<16xf32>
          %swap3A_482 = arith.constant 1 : i32
          %swap3A_483 = arith.index_cast %swap3A_482 : i32 to index
          %swap3A_484 = arith.constant 64 : index
          %swap3A_485 = tpu.vector_load %arg16[%swap3A_483, %swap3A_484] {strides = array<i32>} : memref<8x128xf32, #tpu.memory_space<vmem>>, vector<16xf32>,
          tpu.vector_store %arg16[%swap3A_483, %swap3A_484], %add3A_481 {strides = array<i32>} : memref<8x128xf32, #tpu.memory_space<vmem>>, vector<16xf32>,
          %get3A_486 = arith.constant 1 : i32
          %get3A_487 = arith.index_cast %get3A_486 : i32 to index
          %get3A_488 = arith.constant 80 : index
          %get3A_489 = tpu.vector_load %arg16[%get3A_487, %get3A_488] {strides = array<i32>} : memref<8x128xf32, #tpu.memory_space<vmem>>, vector<16xf32>,
          %get3A_490 = arith.index_cast %scan3A_325 : i32 to index
          %get3A_491 = arith.constant 80 : index
          %get3A_492 = tpu.vector_load %arg15[%get3A_490, %get3A_491] {strides = array<i32>} : memref<16x128xf32, #tpu.memory_space<vmem>>, vector<16xf32>,
          %mul3A_493 = arith.mulf %get3A_492, %gather3A : vector<16xf32>
          %add3A_494 = arith.addf %get3A_489, %mul3A_493 : vector<16xf32>
          %swap3A_495 = arith.constant 1 : i32
          %swap3A_496 = arith.index_cast %swap3A_495 : i32 to index
          %swap3A_497 = arith.constant 80 : index
          %swap3A_498 = tpu.vector_load %arg16[%swap3A_496, %swap3A_497] {strides = array<i32>} : memref<8x128xf32, #tpu.memory_space<vmem>>, vector<16xf32>,
          tpu.vector_store %arg16[%swap3A_496, %swap3A_497], %add3A_494 {strides = array<i32>} : memref<8x128xf32, #tpu.memory_space<vmem>>, vector<16xf32>,
          %get3A_499 = arith.constant 1 : i32
          %get3A_500 = arith.index_cast %get3A_499 : i32 to index
          %get3A_501 = arith.constant 96 : index
          %get3A_502 = tpu.vector_load %arg16[%get3A_500, %get3A_501] {strides = array<i32>} : memref<8x128xf32, #tpu.memory_space<vmem>>, vector<16xf32>,
          %get3A_503 = arith.index_cast %scan3A_325 : i32 to index
          %get3A_504 = arith.constant 96 : index
          %get3A_505 = tpu.vector_load %arg15[%get3A_503, %get3A_504] {strides = array<i32>} : memref<16x128xf32, #tpu.memory_space<vmem>>, vector<16xf32>,
          %mul3A_506 = arith.mulf %get3A_505, %gather3A : vector<16xf32>
          %add3A_507 = arith.addf %get3A_502, %mul3A_506 : vector<16xf32>
          %swap3A_508 = arith.constant 1 : i32
          %swap3A_509 = arith.index_cast %swap3A_508 : i32 to index
          %swap3A_510 = arith.constant 96 : index
          %swap3A_511 = tpu.vector_load %arg16[%swap3A_509, %swap3A_510] {strides = array<i32>} : memref<8x128xf32, #tpu.memory_space<vmem>>, vector<16xf32>,
          tpu.vector_store %arg16[%swap3A_509, %swap3A_510], %add3A_507 {strides = array<i32>} : memref<8x128xf32, #tpu.memory_space<vmem>>, vector<16xf32>,
          %get3A_512 = arith.constant 1 : i32
          %get3A_513 = arith.index_cast %get3A_512 : i32 to index
          %get3A_514 = arith.constant 112 : index
          %get3A_515 = tpu.vector_load %arg16[%get3A_513, %get3A_514] {strides = array<i32>} : memref<8x128xf32, #tpu.memory_space<vmem>>, vector<16xf32>,
          %get3A_516 = arith.index_cast %scan3A_325 : i32 to index
          %get3A_517 = arith.constant 112 : index
          %get3A_518 = tpu.vector_load %arg15[%get3A_516, %get3A_517] {strides = array<i32>} : memref<16x128xf32, #tpu.memory_space<vmem>>, vector<16xf32>,
          %mul3A_519 = arith.mulf %get3A_518, %gather3A : vector<16xf32>
          %add3A_520 = arith.addf %get3A_515, %mul3A_519 : vector<16xf32>
          %swap3A_521 = arith.constant 1 : i32
          %swap3A_522 = arith.index_cast %swap3A_521 : i32 to index
          %swap3A_523 = arith.constant 112 : index
          %swap3A_524 = tpu.vector_load %arg16[%swap3A_522, %swap3A_523] {strides = array<i32>} : memref<8x128xf32, #tpu.memory_space<vmem>>, vector<16xf32>,
          tpu.vector_store %arg16[%swap3A_522, %swap3A_523], %add3A_520 {strides = array<i32>} : memref<8x128xf32, #tpu.memory_space<vmem>>, vector<16xf32>,
        } else {
        }
        %shift_right_arithmetic3A_365 = arith.constant 2 : i32
        %shift_right_arithmetic3A_366 = vector.broadcast %shift_right_arithmetic3A_365 : i32 to vector<16xi32>
        %shift_right_arithmetic3A_367 = arith.shrsi %gather3A_331, %shift_right_arithmetic3A_366 : vector<16xi32>
        %and3A_368 = arith.constant 1 : i32
        %and3A_369 = vector.broadcast %and3A_368 : i32 to vector<16xi32>
        %and3A_370 = arith.andi %shift_right_arithmetic3A_367, %and3A_369 : vector<16xi32>
        %gt3A_371 = arith.constant 0 : i32
        %gt3A_372 = vector.broadcast %gt3A_371 : i32 to vector<16xi32>
        %gt3A_373 = arith.cmpi sgt, %and3A_370, %gt3A_372 : vector<16xi32>
        %convert_element_type3A_374 = arith.extui %gt3A_373 : vector<16xi1> to vector<16xi32>
        %reduce_sum3A_375 = arith.constant true
        %reduce_sum3A_376 = vector.broadcast %reduce_sum3A_375 : i1 to vector<16xi1>
        %reduce_sum3A_377 = tpu.scan <sum>, %convert_element_type3A_374 masked %reduce_sum3A_376 : vector<16xi32>, vector<16xi1> -> vector<16xi32>
        %reduce_sum3A_378 = vector.extract %reduce_sum3A_377[15] : i32 from vector<16xi32>
        %gt3A_379 = arith.constant 0 : i32
        %gt3A_380 = arith.cmpi sgt, %reduce_sum3A_378, %gt3A_379 : i32
        %convert_element_type3A_381 = arith.extui %gt3A_380 : i1 to i32
        %cond3A_382 = arith.constant 0 : i32
        %cond3A_383 = arith.cmpi ne, %convert_element_type3A_381, %cond3A_382 : i32
        scf.if %cond3A_383 {
          %get3A = arith.constant 2 : i32
          %get3A_422 = arith.index_cast %get3A : i32 to index
          %get3A_423 = arith.constant 0 : index
          %get3A_424 = tpu.vector_load %arg16[%get3A_422, %get3A_423] {strides = array<i32>} : memref<8x128xf32, #tpu.memory_space<vmem>>, vector<16xf32>,
          %get3A_425 = arith.index_cast %scan3A_325 : i32 to index
          %get3A_426 = arith.constant 0 : index
          %get3A_427 = tpu.vector_load %arg15[%get3A_425, %get3A_426] {strides = array<i32>} : memref<16x128xf32, #tpu.memory_space<vmem>>, vector<16xf32>,
          %mul3A_428 = arith.mulf %get3A_427, %gather3A : vector<16xf32>
          %add3A_429 = arith.addf %get3A_424, %mul3A_428 : vector<16xf32>
          %swap3A_430 = arith.constant 2 : i32
          %swap3A_431 = arith.index_cast %swap3A_430 : i32 to index
          %swap3A_432 = arith.constant 0 : index
          %swap3A_433 = tpu.vector_load %arg16[%swap3A_431, %swap3A_432] {strides = array<i32>} : memref<8x128xf32, #tpu.memory_space<vmem>>, vector<16xf32>,
          tpu.vector_store %arg16[%swap3A_431, %swap3A_432], %add3A_429 {strides = array<i32>} : memref<8x128xf32, #tpu.memory_space<vmem>>, vector<16xf32>,
          %get3A_434 = arith.constant 2 : i32
          %get3A_435 = arith.index_cast %get3A_434 : i32 to index
          %get3A_436 = arith.constant 16 : index
          %get3A_437 = tpu.vector_load %arg16[%get3A_435, %get3A_436] {strides = array<i32>} : memref<8x128xf32, #tpu.memory_space<vmem>>, vector<16xf32>,
          %get3A_438 = arith.index_cast %scan3A_325 : i32 to index
          %get3A_439 = arith.constant 16 : index
          %get3A_440 = tpu.vector_load %arg15[%get3A_438, %get3A_439] {strides = array<i32>} : memref<16x128xf32, #tpu.memory_space<vmem>>, vector<16xf32>,
          %mul3A_441 = arith.mulf %get3A_440, %gather3A : vector<16xf32>
          %add3A_442 = arith.addf %get3A_437, %mul3A_441 : vector<16xf32>
          %swap3A_443 = arith.constant 2 : i32
          %swap3A_444 = arith.index_cast %swap3A_443 : i32 to index
          %swap3A_445 = arith.constant 16 : index
          %swap3A_446 = tpu.vector_load %arg16[%swap3A_444, %swap3A_445] {strides = array<i32>} : memref<8x128xf32, #tpu.memory_space<vmem>>, vector<16xf32>,
          tpu.vector_store %arg16[%swap3A_444, %swap3A_445], %add3A_442 {strides = array<i32>} : memref<8x128xf32, #tpu.memory_space<vmem>>, vector<16xf32>,
          %get3A_447 = arith.constant 2 : i32
          %get3A_448 = arith.index_cast %get3A_447 : i32 to index
          %get3A_449 = arith.constant 32 : index
          %get3A_450 = tpu.vector_load %arg16[%get3A_448, %get3A_449] {strides = array<i32>} : memref<8x128xf32, #tpu.memory_space<vmem>>, vector<16xf32>,
          %get3A_451 = arith.index_cast %scan3A_325 : i32 to index
          %get3A_452 = arith.constant 32 : index
          %get3A_453 = tpu.vector_load %arg15[%get3A_451, %get3A_452] {strides = array<i32>} : memref<16x128xf32, #tpu.memory_space<vmem>>, vector<16xf32>,
          %mul3A_454 = arith.mulf %get3A_453, %gather3A : vector<16xf32>
          %add3A_455 = arith.addf %get3A_450, %mul3A_454 : vector<16xf32>
          %swap3A_456 = arith.constant 2 : i32
          %swap3A_457 = arith.index_cast %swap3A_456 : i32 to index
          %swap3A_458 = arith.constant 32 : index
          %swap3A_459 = tpu.vector_load %arg16[%swap3A_457, %swap3A_458] {strides = array<i32>} : memref<8x128xf32, #tpu.memory_space<vmem>>, vector<16xf32>,
          tpu.vector_store %arg16[%swap3A_457, %swap3A_458], %add3A_455 {strides = array<i32>} : memref<8x128xf32, #tpu.memory_space<vmem>>, vector<16xf32>,
          %get3A_460 = arith.constant 2 : i32
          %get3A_461 = arith.index_cast %get3A_460 : i32 to index
          %get3A_462 = arith.constant 48 : index
          %get3A_463 = tpu.vector_load %arg16[%get3A_461, %get3A_462] {strides = array<i32>} : memref<8x128xf32, #tpu.memory_space<vmem>>, vector<16xf32>,
          %get3A_464 = arith.index_cast %scan3A_325 : i32 to index
          %get3A_465 = arith.constant 48 : index
          %get3A_466 = tpu.vector_load %arg15[%get3A_464, %get3A_465] {strides = array<i32>} : memref<16x128xf32, #tpu.memory_space<vmem>>, vector<16xf32>,
          %mul3A_467 = arith.mulf %get3A_466, %gather3A : vector<16xf32>
          %add3A_468 = arith.addf %get3A_463, %mul3A_467 : vector<16xf32>
          %swap3A_469 = arith.constant 2 : i32
          %swap3A_470 = arith.index_cast %swap3A_469 : i32 to index
          %swap3A_471 = arith.constant 48 : index
          %swap3A_472 = tpu.vector_load %arg16[%swap3A_470, %swap3A_471] {strides = array<i32>} : memref<8x128xf32, #tpu.memory_space<vmem>>, vector<16xf32>,
          tpu.vector_store %arg16[%swap3A_470, %swap3A_471], %add3A_468 {strides = array<i32>} : memref<8x128xf32, #tpu.memory_space<vmem>>, vector<16xf32>,
          %get3A_473 = arith.constant 2 : i32
          %get3A_474 = arith.index_cast %get3A_473 : i32 to index
          %get3A_475 = arith.constant 64 : index
          %get3A_476 = tpu.vector_load %arg16[%get3A_474, %get3A_475] {strides = array<i32>} : memref<8x128xf32, #tpu.memory_space<vmem>>, vector<16xf32>,
          %get3A_477 = arith.index_cast %scan3A_325 : i32 to index
          %get3A_478 = arith.constant 64 : index
          %get3A_479 = tpu.vector_load %arg15[%get3A_477, %get3A_478] {strides = array<i32>} : memref<16x128xf32, #tpu.memory_space<vmem>>, vector<16xf32>,
          %mul3A_480 = arith.mulf %get3A_479, %gather3A : vector<16xf32>
          %add3A_481 = arith.addf %get3A_476, %mul3A_480 : vector<16xf32>
          %swap3A_482 = arith.constant 2 : i32
          %swap3A_483 = arith.index_cast %swap3A_482 : i32 to index
          %swap3A_484 = arith.constant 64 : index
          %swap3A_485 = tpu.vector_load %arg16[%swap3A_483, %swap3A_484] {strides = array<i32>} : memref<8x128xf32, #tpu.memory_space<vmem>>, vector<16xf32>,
          tpu.vector_store %arg16[%swap3A_483, %swap3A_484], %add3A_481 {strides = array<i32>} : memref<8x128xf32, #tpu.memory_space<vmem>>, vector<16xf32>,
          %get3A_486 = arith.constant 2 : i32
          %get3A_487 = arith.index_cast %get3A_486 : i32 to index
          %get3A_488 = arith.constant 80 : index
          %get3A_489 = tpu.vector_load %arg16[%get3A_487, %get3A_488] {strides = array<i32>} : memref<8x128xf32, #tpu.memory_space<vmem>>, vector<16xf32>,
          %get3A_490 = arith.index_cast %scan3A_325 : i32 to index
          %get3A_491 = arith.constant 80 : index
          %get3A_492 = tpu.vector_load %arg15[%get3A_490, %get3A_491] {strides = array<i32>} : memref<16x128xf32, #tpu.memory_space<vmem>>, vector<16xf32>,
          %mul3A_493 = arith.mulf %get3A_492, %gather3A : vector<16xf32>
          %add3A_494 = arith.addf %get3A_489, %mul3A_493 : vector<16xf32>
          %swap3A_495 = arith.constant 2 : i32
          %swap3A_496 = arith.index_cast %swap3A_495 : i32 to index
          %swap3A_497 = arith.constant 80 : index
          %swap3A_498 = tpu.vector_load %arg16[%swap3A_496, %swap3A_497] {strides = array<i32>} : memref<8x128xf32, #tpu.memory_space<vmem>>, vector<16xf32>,
          tpu.vector_store %arg16[%swap3A_496, %swap3A_497], %add3A_494 {strides = array<i32>} : memref<8x128xf32, #tpu.memory_space<vmem>>, vector<16xf32>,
          %get3A_499 = arith.constant 2 : i32
          %get3A_500 = arith.index_cast %get3A_499 : i32 to index
          %get3A_501 = arith.constant 96 : index
          %get3A_502 = tpu.vector_load %arg16[%get3A_500, %get3A_501] {strides = array<i32>} : memref<8x128xf32, #tpu.memory_space<vmem>>, vector<16xf32>,
          %get3A_503 = arith.index_cast %scan3A_325 : i32 to index
          %get3A_504 = arith.constant 96 : index
          %get3A_505 = tpu.vector_load %arg15[%get3A_503, %get3A_504] {strides = array<i32>} : memref<16x128xf32, #tpu.memory_space<vmem>>, vector<16xf32>,
          %mul3A_506 = arith.mulf %get3A_505, %gather3A : vector<16xf32>
          %add3A_507 = arith.addf %get3A_502, %mul3A_506 : vector<16xf32>
          %swap3A_508 = arith.constant 2 : i32
          %swap3A_509 = arith.index_cast %swap3A_508 : i32 to index
          %swap3A_510 = arith.constant 96 : index
          %swap3A_511 = tpu.vector_load %arg16[%swap3A_509, %swap3A_510] {strides = array<i32>} : memref<8x128xf32, #tpu.memory_space<vmem>>, vector<16xf32>,
          tpu.vector_store %arg16[%swap3A_509, %swap3A_510], %add3A_507 {strides = array<i32>} : memref<8x128xf32, #tpu.memory_space<vmem>>, vector<16xf32>,
          %get3A_512 = arith.constant 2 : i32
          %get3A_513 = arith.index_cast %get3A_512 : i32 to index
          %get3A_514 = arith.constant 112 : index
          %get3A_515 = tpu.vector_load %arg16[%get3A_513, %get3A_514] {strides = array<i32>} : memref<8x128xf32, #tpu.memory_space<vmem>>, vector<16xf32>,
          %get3A_516 = arith.index_cast %scan3A_325 : i32 to index
          %get3A_517 = arith.constant 112 : index
          %get3A_518 = tpu.vector_load %arg15[%get3A_516, %get3A_517] {strides = array<i32>} : memref<16x128xf32, #tpu.memory_space<vmem>>, vector<16xf32>,
          %mul3A_519 = arith.mulf %get3A_518, %gather3A : vector<16xf32>
          %add3A_520 = arith.addf %get3A_515, %mul3A_519 : vector<16xf32>
          %swap3A_521 = arith.constant 2 : i32
          %swap3A_522 = arith.index_cast %swap3A_521 : i32 to index
          %swap3A_523 = arith.constant 112 : index
          %swap3A_524 = tpu.vector_load %arg16[%swap3A_522, %swap3A_523] {strides = array<i32>} : memref<8x128xf32, #tpu.memory_space<vmem>>, vector<16xf32>,
          tpu.vector_store %arg16[%swap3A_522, %swap3A_523], %add3A_520 {strides = array<i32>} : memref<8x128xf32, #tpu.memory_space<vmem>>, vector<16xf32>,
        } else {
        }
        %shift_right_arithmetic3A_384 = arith.constant 3 : i32
        %shift_right_arithmetic3A_385 = vector.broadcast %shift_right_arithmetic3A_384 : i32 to vector<16xi32>
        %shift_right_arithmetic3A_386 = arith.shrsi %gather3A_331, %shift_right_arithmetic3A_385 : vector<16xi32>
        %and3A_387 = arith.constant 1 : i32
        %and3A_388 = vector.broadcast %and3A_387 : i32 to vector<16xi32>
        %and3A_389 = arith.andi %shift_right_arithmetic3A_386, %and3A_388 : vector<16xi32>
        %gt3A_390 = arith.constant 0 : i32
        %gt3A_391 = vector.broadcast %gt3A_390 : i32 to vector<16xi32>
        %gt3A_392 = arith.cmpi sgt, %and3A_389, %gt3A_391 : vector<16xi32>
        %convert_element_type3A_393 = arith.extui %gt3A_392 : vector<16xi1> to vector<16xi32>
        %reduce_sum3A_394 = arith.constant true
        %reduce_sum3A_395 = vector.broadcast %reduce_sum3A_394 : i1 to vector<16xi1>
        %reduce_sum3A_396 = tpu.scan <sum>, %convert_element_type3A_393 masked %reduce_sum3A_395 : vector<16xi32>, vector<16xi1> -> vector<16xi32>
        %reduce_sum3A_397 = vector.extract %reduce_sum3A_396[15] : i32 from vector<16xi32>
        %gt3A_398 = arith.constant 0 : i32
        %gt3A_399 = arith.cmpi sgt, %reduce_sum3A_397, %gt3A_398 : i32
        %convert_element_type3A_400 = arith.extui %gt3A_399 : i1 to i32
        %cond3A_401 = arith.constant 0 : i32
        %cond3A_402 = arith.cmpi ne, %convert_element_type3A_400, %cond3A_401 : i32
        scf.if %cond3A_402 {
          %get3A = arith.constant 3 : i32
          %get3A_422 = arith.index_cast %get3A : i32 to index
          %get3A_423 = arith.constant 0 : index
          %get3A_424 = tpu.vector_load %arg16[%get3A_422, %get3A_423] {strides = array<i32>} : memref<8x128xf32, #tpu.memory_space<vmem>>, vector<16xf32>,
          %get3A_425 = arith.index_cast %scan3A_325 : i32 to index
          %get3A_426 = arith.constant 0 : index
          %get3A_427 = tpu.vector_load %arg15[%get3A_425, %get3A_426] {strides = array<i32>} : memref<16x128xf32, #tpu.memory_space<vmem>>, vector<16xf32>,
          %mul3A_428 = arith.mulf %get3A_427, %gather3A : vector<16xf32>
          %add3A_429 = arith.addf %get3A_424, %mul3A_428 : vector<16xf32>
          %swap3A_430 = arith.constant 3 : i32
          %swap3A_431 = arith.index_cast %swap3A_430 : i32 to index
          %swap3A_432 = arith.constant 0 : index
          %swap3A_433 = tpu.vector_load %arg16[%swap3A_431, %swap3A_432] {strides = array<i32>} : memref<8x128xf32, #tpu.memory_space<vmem>>, vector<16xf32>,
          tpu.vector_store %arg16[%swap3A_431, %swap3A_432], %add3A_429 {strides = array<i32>} : memref<8x128xf32, #tpu.memory_space<vmem>>, vector<16xf32>,
          %get3A_434 = arith.constant 3 : i32
          %get3A_435 = arith.index_cast %get3A_434 : i32 to index
          %get3A_436 = arith.constant 16 : index
          %get3A_437 = tpu.vector_load %arg16[%get3A_435, %get3A_436] {strides = array<i32>} : memref<8x128xf32, #tpu.memory_space<vmem>>, vector<16xf32>,
          %get3A_438 = arith.index_cast %scan3A_325 : i32 to index
          %get3A_439 = arith.constant 16 : index
          %get3A_440 = tpu.vector_load %arg15[%get3A_438, %get3A_439] {strides = array<i32>} : memref<16x128xf32, #tpu.memory_space<vmem>>, vector<16xf32>,
          %mul3A_441 = arith.mulf %get3A_440, %gather3A : vector<16xf32>
          %add3A_442 = arith.addf %get3A_437, %mul3A_441 : vector<16xf32>
          %swap3A_443 = arith.constant 3 : i32
          %swap3A_444 = arith.index_cast %swap3A_443 : i32 to index
          %swap3A_445 = arith.constant 16 : index
          %swap3A_446 = tpu.vector_load %arg16[%swap3A_444, %swap3A_445] {strides = array<i32>} : memref<8x128xf32, #tpu.memory_space<vmem>>, vector<16xf32>,
          tpu.vector_store %arg16[%swap3A_444, %swap3A_445], %add3A_442 {strides = array<i32>} : memref<8x128xf32, #tpu.memory_space<vmem>>, vector<16xf32>,
          %get3A_447 = arith.constant 3 : i32
          %get3A_448 = arith.index_cast %get3A_447 : i32 to index
          %get3A_449 = arith.constant 32 : index
          %get3A_450 = tpu.vector_load %arg16[%get3A_448, %get3A_449] {strides = array<i32>} : memref<8x128xf32, #tpu.memory_space<vmem>>, vector<16xf32>,
          %get3A_451 = arith.index_cast %scan3A_325 : i32 to index
          %get3A_452 = arith.constant 32 : index
          %get3A_453 = tpu.vector_load %arg15[%get3A_451, %get3A_452] {strides = array<i32>} : memref<16x128xf32, #tpu.memory_space<vmem>>, vector<16xf32>,
          %mul3A_454 = arith.mulf %get3A_453, %gather3A : vector<16xf32>
          %add3A_455 = arith.addf %get3A_450, %mul3A_454 : vector<16xf32>
          %swap3A_456 = arith.constant 3 : i32
          %swap3A_457 = arith.index_cast %swap3A_456 : i32 to index
          %swap3A_458 = arith.constant 32 : index
          %swap3A_459 = tpu.vector_load %arg16[%swap3A_457, %swap3A_458] {strides = array<i32>} : memref<8x128xf32, #tpu.memory_space<vmem>>, vector<16xf32>,
          tpu.vector_store %arg16[%swap3A_457, %swap3A_458], %add3A_455 {strides = array<i32>} : memref<8x128xf32, #tpu.memory_space<vmem>>, vector<16xf32>,
          %get3A_460 = arith.constant 3 : i32
          %get3A_461 = arith.index_cast %get3A_460 : i32 to index
          %get3A_462 = arith.constant 48 : index
          %get3A_463 = tpu.vector_load %arg16[%get3A_461, %get3A_462] {strides = array<i32>} : memref<8x128xf32, #tpu.memory_space<vmem>>, vector<16xf32>,
          %get3A_464 = arith.index_cast %scan3A_325 : i32 to index
          %get3A_465 = arith.constant 48 : index
          %get3A_466 = tpu.vector_load %arg15[%get3A_464, %get3A_465] {strides = array<i32>} : memref<16x128xf32, #tpu.memory_space<vmem>>, vector<16xf32>,
          %mul3A_467 = arith.mulf %get3A_466, %gather3A : vector<16xf32>
          %add3A_468 = arith.addf %get3A_463, %mul3A_467 : vector<16xf32>
          %swap3A_469 = arith.constant 3 : i32
          %swap3A_470 = arith.index_cast %swap3A_469 : i32 to index
          %swap3A_471 = arith.constant 48 : index
          %swap3A_472 = tpu.vector_load %arg16[%swap3A_470, %swap3A_471] {strides = array<i32>} : memref<8x128xf32, #tpu.memory_space<vmem>>, vector<16xf32>,
          tpu.vector_store %arg16[%swap3A_470, %swap3A_471], %add3A_468 {strides = array<i32>} : memref<8x128xf32, #tpu.memory_space<vmem>>, vector<16xf32>,
          %get3A_473 = arith.constant 3 : i32
          %get3A_474 = arith.index_cast %get3A_473 : i32 to index
          %get3A_475 = arith.constant 64 : index
          %get3A_476 = tpu.vector_load %arg16[%get3A_474, %get3A_475] {strides = array<i32>} : memref<8x128xf32, #tpu.memory_space<vmem>>, vector<16xf32>,
          %get3A_477 = arith.index_cast %scan3A_325 : i32 to index
          %get3A_478 = arith.constant 64 : index
          %get3A_479 = tpu.vector_load %arg15[%get3A_477, %get3A_478] {strides = array<i32>} : memref<16x128xf32, #tpu.memory_space<vmem>>, vector<16xf32>,
          %mul3A_480 = arith.mulf %get3A_479, %gather3A : vector<16xf32>
          %add3A_481 = arith.addf %get3A_476, %mul3A_480 : vector<16xf32>
          %swap3A_482 = arith.constant 3 : i32
          %swap3A_483 = arith.index_cast %swap3A_482 : i32 to index
          %swap3A_484 = arith.constant 64 : index
          %swap3A_485 = tpu.vector_load %arg16[%swap3A_483, %swap3A_484] {strides = array<i32>} : memref<8x128xf32, #tpu.memory_space<vmem>>, vector<16xf32>,
          tpu.vector_store %arg16[%swap3A_483, %swap3A_484], %add3A_481 {strides = array<i32>} : memref<8x128xf32, #tpu.memory_space<vmem>>, vector<16xf32>,
          %get3A_486 = arith.constant 3 : i32
          %get3A_487 = arith.index_cast %get3A_486 : i32 to index
          %get3A_488 = arith.constant 80 : index
          %get3A_489 = tpu.vector_load %arg16[%get3A_487, %get3A_488] {strides = array<i32>} : memref<8x128xf32, #tpu.memory_space<vmem>>, vector<16xf32>,
          %get3A_490 = arith.index_cast %scan3A_325 : i32 to index
          %get3A_491 = arith.constant 80 : index
          %get3A_492 = tpu.vector_load %arg15[%get3A_490, %get3A_491] {strides = array<i32>} : memref<16x128xf32, #tpu.memory_space<vmem>>, vector<16xf32>,
          %mul3A_493 = arith.mulf %get3A_492, %gather3A : vector<16xf32>
          %add3A_494 = arith.addf %get3A_489, %mul3A_493 : vector<16xf32>
          %swap3A_495 = arith.constant 3 : i32
          %swap3A_496 = arith.index_cast %swap3A_495 : i32 to index
          %swap3A_497 = arith.constant 80 : index
          %swap3A_498 = tpu.vector_load %arg16[%swap3A_496, %swap3A_497] {strides = array<i32>} : memref<8x128xf32, #tpu.memory_space<vmem>>, vector<16xf32>,
          tpu.vector_store %arg16[%swap3A_496, %swap3A_497], %add3A_494 {strides = array<i32>} : memref<8x128xf32, #tpu.memory_space<vmem>>, vector<16xf32>,
          %get3A_499 = arith.constant 3 : i32
          %get3A_500 = arith.index_cast %get3A_499 : i32 to index
          %get3A_501 = arith.constant 96 : index
          %get3A_502 = tpu.vector_load %arg16[%get3A_500, %get3A_501] {strides = array<i32>} : memref<8x128xf32, #tpu.memory_space<vmem>>, vector<16xf32>,
          %get3A_503 = arith.index_cast %scan3A_325 : i32 to index
          %get3A_504 = arith.constant 96 : index
          %get3A_505 = tpu.vector_load %arg15[%get3A_503, %get3A_504] {strides = array<i32>} : memref<16x128xf32, #tpu.memory_space<vmem>>, vector<16xf32>,
          %mul3A_506 = arith.mulf %get3A_505, %gather3A : vector<16xf32>
          %add3A_507 = arith.addf %get3A_502, %mul3A_506 : vector<16xf32>
          %swap3A_508 = arith.constant 3 : i32
          %swap3A_509 = arith.index_cast %swap3A_508 : i32 to index
          %swap3A_510 = arith.constant 96 : index
          %swap3A_511 = tpu.vector_load %arg16[%swap3A_509, %swap3A_510] {strides = array<i32>} : memref<8x128xf32, #tpu.memory_space<vmem>>, vector<16xf32>,
          tpu.vector_store %arg16[%swap3A_509, %swap3A_510], %add3A_507 {strides = array<i32>} : memref<8x128xf32, #tpu.memory_space<vmem>>, vector<16xf32>,
          %get3A_512 = arith.constant 3 : i32
          %get3A_513 = arith.index_cast %get3A_512 : i32 to index
          %get3A_514 = arith.constant 112 : index
          %get3A_515 = tpu.vector_load %arg16[%get3A_513, %get3A_514] {strides = array<i32>} : memref<8x128xf32, #tpu.memory_space<vmem>>, vector<16xf32>,
          %get3A_516 = arith.index_cast %scan3A_325 : i32 to index
          %get3A_517 = arith.constant 112 : index
          %get3A_518 = tpu.vector_load %arg15[%get3A_516, %get3A_517] {strides = array<i32>} : memref<16x128xf32, #tpu.memory_space<vmem>>, vector<16xf32>,
          %mul3A_519 = arith.mulf %get3A_518, %gather3A : vector<16xf32>
          %add3A_520 = arith.addf %get3A_515, %mul3A_519 : vector<16xf32>
          %swap3A_521 = arith.constant 3 : i32
          %swap3A_522 = arith.index_cast %swap3A_521 : i32 to index
          %swap3A_523 = arith.constant 112 : index
          %swap3A_524 = tpu.vector_load %arg16[%swap3A_522, %swap3A_523] {strides = array<i32>} : memref<8x128xf32, #tpu.memory_space<vmem>>, vector<16xf32>,
          tpu.vector_store %arg16[%swap3A_522, %swap3A_523], %add3A_520 {strides = array<i32>} : memref<8x128xf32, #tpu.memory_space<vmem>>, vector<16xf32>,
        } else {
        }
        %shift_right_arithmetic3A_403 = arith.constant 4 : i32
        %shift_right_arithmetic3A_404 = vector.broadcast %shift_right_arithmetic3A_403 : i32 to vector<16xi32>
        %shift_right_arithmetic3A_405 = arith.shrsi %gather3A_331, %shift_right_arithmetic3A_404 : vector<16xi32>
        %and3A_406 = arith.constant 1 : i32
        %and3A_407 = vector.broadcast %and3A_406 : i32 to vector<16xi32>
        %and3A_408 = arith.andi %shift_right_arithmetic3A_405, %and3A_407 : vector<16xi32>
        %gt3A_409 = arith.constant 0 : i32
        %gt3A_410 = vector.broadcast %gt3A_409 : i32 to vector<16xi32>
        %gt3A_411 = arith.cmpi sgt, %and3A_408, %gt3A_410 : vector<16xi32>
        %convert_element_type3A_412 = arith.extui %gt3A_411 : vector<16xi1> to vector<16xi32>
        %reduce_sum3A_413 = arith.constant true
        %reduce_sum3A_414 = vector.broadcast %reduce_sum3A_413 : i1 to vector<16xi1>
        %reduce_sum3A_415 = tpu.scan <sum>, %convert_element_type3A_412 masked %reduce_sum3A_414 : vector<16xi32>, vector<16xi1> -> vector<16xi32>
        %reduce_sum3A_416 = vector.extract %reduce_sum3A_415[15] : i32 from vector<16xi32>
        %gt3A_417 = arith.constant 0 : i32
        %gt3A_418 = arith.cmpi sgt, %reduce_sum3A_416, %gt3A_417 : i32
        %convert_element_type3A_419 = arith.extui %gt3A_418 : i1 to i32
        %cond3A_420 = arith.constant 0 : i32
        %cond3A_421 = arith.cmpi ne, %convert_element_type3A_419, %cond3A_420 : i32
        scf.if %cond3A_421 {
          %get3A = arith.constant 4 : i32
          %get3A_422 = arith.index_cast %get3A : i32 to index
          %get3A_423 = arith.constant 0 : index
          %get3A_424 = tpu.vector_load %arg16[%get3A_422, %get3A_423] {strides = array<i32>} : memref<8x128xf32, #tpu.memory_space<vmem>>, vector<16xf32>,
          %get3A_425 = arith.index_cast %scan3A_325 : i32 to index
          %get3A_426 = arith.constant 0 : index
          %get3A_427 = tpu.vector_load %arg15[%get3A_425, %get3A_426] {strides = array<i32>} : memref<16x128xf32, #tpu.memory_space<vmem>>, vector<16xf32>,
          %mul3A_428 = arith.mulf %get3A_427, %gather3A : vector<16xf32>
          %add3A_429 = arith.addf %get3A_424, %mul3A_428 : vector<16xf32>
          %swap3A_430 = arith.constant 4 : i32
          %swap3A_431 = arith.index_cast %swap3A_430 : i32 to index
          %swap3A_432 = arith.constant 0 : index
          %swap3A_433 = tpu.vector_load %arg16[%swap3A_431, %swap3A_432] {strides = array<i32>} : memref<8x128xf32, #tpu.memory_space<vmem>>, vector<16xf32>,
          tpu.vector_store %arg16[%swap3A_431, %swap3A_432], %add3A_429 {strides = array<i32>} : memref<8x128xf32, #tpu.memory_space<vmem>>, vector<16xf32>,
          %get3A_434 = arith.constant 4 : i32
          %get3A_435 = arith.index_cast %get3A_434 : i32 to index
          %get3A_436 = arith.constant 16 : index
          %get3A_437 = tpu.vector_load %arg16[%get3A_435, %get3A_436] {strides = array<i32>} : memref<8x128xf32, #tpu.memory_space<vmem>>, vector<16xf32>,
          %get3A_438 = arith.index_cast %scan3A_325 : i32 to index
          %get3A_439 = arith.constant 16 : index
          %get3A_440 = tpu.vector_load %arg15[%get3A_438, %get3A_439] {strides = array<i32>} : memref<16x128xf32, #tpu.memory_space<vmem>>, vector<16xf32>,
          %mul3A_441 = arith.mulf %get3A_440, %gather3A : vector<16xf32>
          %add3A_442 = arith.addf %get3A_437, %mul3A_441 : vector<16xf32>
          %swap3A_443 = arith.constant 4 : i32
          %swap3A_444 = arith.index_cast %swap3A_443 : i32 to index
          %swap3A_445 = arith.constant 16 : index
          %swap3A_446 = tpu.vector_load %arg16[%swap3A_444, %swap3A_445] {strides = array<i32>} : memref<8x128xf32, #tpu.memory_space<vmem>>, vector<16xf32>,
          tpu.vector_store %arg16[%swap3A_444, %swap3A_445], %add3A_442 {strides = array<i32>} : memref<8x128xf32, #tpu.memory_space<vmem>>, vector<16xf32>,
          %get3A_447 = arith.constant 4 : i32
          %get3A_448 = arith.index_cast %get3A_447 : i32 to index
          %get3A_449 = arith.constant 32 : index
          %get3A_450 = tpu.vector_load %arg16[%get3A_448, %get3A_449] {strides = array<i32>} : memref<8x128xf32, #tpu.memory_space<vmem>>, vector<16xf32>,
          %get3A_451 = arith.index_cast %scan3A_325 : i32 to index
          %get3A_452 = arith.constant 32 : index
          %get3A_453 = tpu.vector_load %arg15[%get3A_451, %get3A_452] {strides = array<i32>} : memref<16x128xf32, #tpu.memory_space<vmem>>, vector<16xf32>,
          %mul3A_454 = arith.mulf %get3A_453, %gather3A : vector<16xf32>
          %add3A_455 = arith.addf %get3A_450, %mul3A_454 : vector<16xf32>
          %swap3A_456 = arith.constant 4 : i32
          %swap3A_457 = arith.index_cast %swap3A_456 : i32 to index
          %swap3A_458 = arith.constant 32 : index
          %swap3A_459 = tpu.vector_load %arg16[%swap3A_457, %swap3A_458] {strides = array<i32>} : memref<8x128xf32, #tpu.memory_space<vmem>>, vector<16xf32>,
          tpu.vector_store %arg16[%swap3A_457, %swap3A_458], %add3A_455 {strides = array<i32>} : memref<8x128xf32, #tpu.memory_space<vmem>>, vector<16xf32>,
          %get3A_460 = arith.constant 4 : i32
          %get3A_461 = arith.index_cast %get3A_460 : i32 to index
          %get3A_462 = arith.constant 48 : index
          %get3A_463 = tpu.vector_load %arg16[%get3A_461, %get3A_462] {strides = array<i32>} : memref<8x128xf32, #tpu.memory_space<vmem>>, vector<16xf32>,
          %get3A_464 = arith.index_cast %scan3A_325 : i32 to index
          %get3A_465 = arith.constant 48 : index
          %get3A_466 = tpu.vector_load %arg15[%get3A_464, %get3A_465] {strides = array<i32>} : memref<16x128xf32, #tpu.memory_space<vmem>>, vector<16xf32>,
          %mul3A_467 = arith.mulf %get3A_466, %gather3A : vector<16xf32>
          %add3A_468 = arith.addf %get3A_463, %mul3A_467 : vector<16xf32>
          %swap3A_469 = arith.constant 4 : i32
          %swap3A_470 = arith.index_cast %swap3A_469 : i32 to index
          %swap3A_471 = arith.constant 48 : index
          %swap3A_472 = tpu.vector_load %arg16[%swap3A_470, %swap3A_471] {strides = array<i32>} : memref<8x128xf32, #tpu.memory_space<vmem>>, vector<16xf32>,
          tpu.vector_store %arg16[%swap3A_470, %swap3A_471], %add3A_468 {strides = array<i32>} : memref<8x128xf32, #tpu.memory_space<vmem>>, vector<16xf32>,
          %get3A_473 = arith.constant 4 : i32
          %get3A_474 = arith.index_cast %get3A_473 : i32 to index
          %get3A_475 = arith.constant 64 : index
          %get3A_476 = tpu.vector_load %arg16[%get3A_474, %get3A_475] {strides = array<i32>} : memref<8x128xf32, #tpu.memory_space<vmem>>, vector<16xf32>,
          %get3A_477 = arith.index_cast %scan3A_325 : i32 to index
          %get3A_478 = arith.constant 64 : index
          %get3A_479 = tpu.vector_load %arg15[%get3A_477, %get3A_478] {strides = array<i32>} : memref<16x128xf32, #tpu.memory_space<vmem>>, vector<16xf32>,
          %mul3A_480 = arith.mulf %get3A_479, %gather3A : vector<16xf32>
          %add3A_481 = arith.addf %get3A_476, %mul3A_480 : vector<16xf32>
          %swap3A_482 = arith.constant 4 : i32
          %swap3A_483 = arith.index_cast %swap3A_482 : i32 to index
          %swap3A_484 = arith.constant 64 : index
          %swap3A_485 = tpu.vector_load %arg16[%swap3A_483, %swap3A_484] {strides = array<i32>} : memref<8x128xf32, #tpu.memory_space<vmem>>, vector<16xf32>,
          tpu.vector_store %arg16[%swap3A_483, %swap3A_484], %add3A_481 {strides = array<i32>} : memref<8x128xf32, #tpu.memory_space<vmem>>, vector<16xf32>,
          %get3A_486 = arith.constant 4 : i32
          %get3A_487 = arith.index_cast %get3A_486 : i32 to index
          %get3A_488 = arith.constant 80 : index
          %get3A_489 = tpu.vector_load %arg16[%get3A_487, %get3A_488] {strides = array<i32>} : memref<8x128xf32, #tpu.memory_space<vmem>>, vector<16xf32>,
          %get3A_490 = arith.index_cast %scan3A_325 : i32 to index
          %get3A_491 = arith.constant 80 : index
          %get3A_492 = tpu.vector_load %arg15[%get3A_490, %get3A_491] {strides = array<i32>} : memref<16x128xf32, #tpu.memory_space<vmem>>, vector<16xf32>,
          %mul3A_493 = arith.mulf %get3A_492, %gather3A : vector<16xf32>
          %add3A_494 = arith.addf %get3A_489, %mul3A_493 : vector<16xf32>
          %swap3A_495 = arith.constant 4 : i32
          %swap3A_496 = arith.index_cast %swap3A_495 : i32 to index
          %swap3A_497 = arith.constant 80 : index
          %swap3A_498 = tpu.vector_load %arg16[%swap3A_496, %swap3A_497] {strides = array<i32>} : memref<8x128xf32, #tpu.memory_space<vmem>>, vector<16xf32>,
          tpu.vector_store %arg16[%swap3A_496, %swap3A_497], %add3A_494 {strides = array<i32>} : memref<8x128xf32, #tpu.memory_space<vmem>>, vector<16xf32>,
          %get3A_499 = arith.constant 4 : i32
          %get3A_500 = arith.index_cast %get3A_499 : i32 to index
          %get3A_501 = arith.constant 96 : index
          %get3A_502 = tpu.vector_load %arg16[%get3A_500, %get3A_501] {strides = array<i32>} : memref<8x128xf32, #tpu.memory_space<vmem>>, vector<16xf32>,
          %get3A_503 = arith.index_cast %scan3A_325 : i32 to index
          %get3A_504 = arith.constant 96 : index
          %get3A_505 = tpu.vector_load %arg15[%get3A_503, %get3A_504] {strides = array<i32>} : memref<16x128xf32, #tpu.memory_space<vmem>>, vector<16xf32>,
          %mul3A_506 = arith.mulf %get3A_505, %gather3A : vector<16xf32>
          %add3A_507 = arith.addf %get3A_502, %mul3A_506 : vector<16xf32>
          %swap3A_508 = arith.constant 4 : i32
          %swap3A_509 = arith.index_cast %swap3A_508 : i32 to index
          %swap3A_510 = arith.constant 96 : index
          %swap3A_511 = tpu.vector_load %arg16[%swap3A_509, %swap3A_510] {strides = array<i32>} : memref<8x128xf32, #tpu.memory_space<vmem>>, vector<16xf32>,
          tpu.vector_store %arg16[%swap3A_509, %swap3A_510], %add3A_507 {strides = array<i32>} : memref<8x128xf32, #tpu.memory_space<vmem>>, vector<16xf32>,
          %get3A_512 = arith.constant 4 : i32
          %get3A_513 = arith.index_cast %get3A_512 : i32 to index
          %get3A_514 = arith.constant 112 : index
          %get3A_515 = tpu.vector_load %arg16[%get3A_513, %get3A_514] {strides = array<i32>} : memref<8x128xf32, #tpu.memory_space<vmem>>, vector<16xf32>,
          %get3A_516 = arith.index_cast %scan3A_325 : i32 to index
          %get3A_517 = arith.constant 112 : index
          %get3A_518 = tpu.vector_load %arg15[%get3A_516, %get3A_517] {strides = array<i32>} : memref<16x128xf32, #tpu.memory_space<vmem>>, vector<16xf32>,
          %mul3A_519 = arith.mulf %get3A_518, %gather3A : vector<16xf32>
          %add3A_520 = arith.addf %get3A_515, %mul3A_519 : vector<16xf32>
          %swap3A_521 = arith.constant 4 : i32
          %swap3A_522 = arith.index_cast %swap3A_521 : i32 to index
          %swap3A_523 = arith.constant 112 : index
          %swap3A_524 = tpu.vector_load %arg16[%swap3A_522, %swap3A_523] {strides = array<i32>} : memref<8x128xf32, #tpu.memory_space<vmem>>, vector<16xf32>,
          tpu.vector_store %arg16[%swap3A_522, %swap3A_523], %add3A_520 {strides = array<i32>} : memref<8x128xf32, #tpu.memory_space<vmem>>, vector<16xf32>,
        } else {
        }
      }
      %scan3A_324 = arith.constant 16 : i32
    }
    %while3A_309 = arith.constant 1 : i32
    scf.for %while3A_310 = %while3A_307 to %while3A_303 step %while3A_309  : i32 {
      %mul3A_311 = arith.constant 16 : i32
      %mul3A_312 = arith.muli %while3A_310, %mul3A_311 : i32
      %dma_start3A = tpu.memref_slice %arg12[%mul3A_312] : memref<10752xi32, #tpu.memory_space<vmem>> -> memref<16xi32, #tpu.memory_space<vmem>>
      %dma_start3A_313 = arith.constant 0 : i32
      %dma_start3A_314 = arith.constant 0 : i32
      %dma_start3A_315 = tpu.memref_slice %arg6[%dma_start3A_313, %dma_start3A_314] : memref<10240x128xf32, #tpu.memory_space<hbm>> -> memref<10240x128xf32, #tpu.memory_space<hbm>>
      tpu.enqueue_indirect_dma source(%dma_start3A_315 : memref<10240x128xf32, #tpu.memory_space<hbm>>) target(%arg15 : memref<16x128xf32, #tpu.memory_space<vmem>>) offsets(%dma_start3A : memref<16xi32, #tpu.memory_space<vmem>>) semaphore(%arg17 : memref<!tpu.dma_semaphore, #tpu.memory_space<semaphore_mem>>)
      %dma_wait3A = tpu.memref_slice %arg12[%mul3A_312] : memref<10752xi32, #tpu.memory_space<vmem>> -> memref<16xi32, #tpu.memory_space<vmem>>
      %dma_wait3A_316 = arith.constant 0 : i32
      %dma_wait3A_317 = arith.constant 0 : i32
      %dma_wait3A_318 = tpu.memref_slice %arg6[%dma_wait3A_316, %dma_wait3A_317] : memref<10240x128xf32, #tpu.memory_space<hbm>> -> memref<10240x128xf32, #tpu.memory_space<hbm>>
      tpu.wait_indirect_dma semaphore(%arg17 : memref<!tpu.dma_semaphore, #tpu.memory_space<semaphore_mem>>) src(%dma_wait3A_318 : memref<10240x128xf32, #tpu.memory_space<hbm>>) dst(%arg15 : memref<16x128xf32, #tpu.memory_space<vmem>>)
      %scan3A_319 = arith.constant 0 : i32
      %scan3A_320 = arith.constant 0 : i32
      %scan3A_321 = arith.constant 16 : i32
      %scan3A_322 = arith.addi %scan3A_320, %scan3A_321 : i32
      %scan3A_323 = arith.constant 1 : i32
      scf.for %scan3A_325 = %scan3A_320 to %scan3A_322 step %scan3A_323  : i32 {
        %mul3A_326 = arith.constant 16 : i32
        %mul3A_327 = arith.muli %while3A_310, %mul3A_326 : i32
        %add3A_328 = arith.addi %mul3A_327, %scan3A_325 : i32
        %broadcast_in_dim3A_329 = vector.broadcast %add3A_328 : i32 to vector<16xi32>
        %gather3A = tpu.vector_load_idx %arg13[%broadcast_in_dim3A_329] : memref<10752xf32, #tpu.memory_space<vmem>>[vector<16xi32>], vector<16xf32>,
        %broadcast_in_dim3A_330 = vector.broadcast %add3A_328 : i32 to vector<16xi32>
        %gather3A_331 = tpu.vector_load_idx %arg14[%broadcast_in_dim3A_330] : memref<10752xi32, #tpu.memory_space<vmem>>[vector<16xi32>], vector<16xi32>,
        %shift_right_arithmetic3A = arith.constant 0 : i32
        %shift_right_arithmetic3A_332 = vector.broadcast %shift_right_arithmetic3A : i32 to vector<16xi32>
        %shift_right_arithmetic3A_333 = arith.shrsi %gather3A_331, %shift_right_arithmetic3A_332 : vector<16xi32>
        %and3A_334 = arith.constant 1 : i32
        %and3A_335 = vector.broadcast %and3A_334 : i32 to vector<16xi32>
        %and3A_336 = arith.andi %shift_right_arithmetic3A_333, %and3A_335 : vector<16xi32>
        %gt3A = arith.constant 0 : i32
        %gt3A_337 = vector.broadcast %gt3A : i32 to vector<16xi32>
        %gt3A_338 = arith.cmpi sgt, %and3A_336, %gt3A_337 : vector<16xi32>
        %convert_element_type3A = arith.extui %gt3A_338 : vector<16xi1> to vector<16xi32>
        %reduce_sum3A = arith.constant true
        %reduce_sum3A_339 = vector.broadcast %reduce_sum3A : i1 to vector<16xi1>
        %reduce_sum3A_340 = tpu.scan <sum>, %convert_element_type3A masked %reduce_sum3A_339 : vector<16xi32>, vector<16xi1> -> vector<16xi32>
        %reduce_sum3A_341 = vector.extract %reduce_sum3A_340[15] : i32 from vector<16xi32>
        %gt3A_342 = arith.constant 0 : i32
        %gt3A_343 = arith.cmpi sgt, %reduce_sum3A_341, %gt3A_342 : i32
        %convert_element_type3A_344 = arith.extui %gt3A_343 : i1 to i32
        %cond3A = arith.constant 0 : i32
        %cond3A_345 = arith.cmpi ne, %convert_element_type3A_344, %cond3A : i32
        scf.if %cond3A_345 {
          %get3A = arith.constant 0 : i32
          %get3A_422 = arith.index_cast %get3A : i32 to index
          %get3A_423 = arith.constant 0 : index
          %get3A_424 = tpu.vector_load %arg16[%get3A_422, %get3A_423] {strides = array<i32>} : memref<8x128xf32, #tpu.memory_space<vmem>>, vector<16xf32>,
          %get3A_425 = arith.index_cast %scan3A_325 : i32 to index
          %get3A_426 = arith.constant 0 : index
          %get3A_427 = tpu.vector_load %arg15[%get3A_425, %get3A_426] {strides = array<i32>} : memref<16x128xf32, #tpu.memory_space<vmem>>, vector<16xf32>,
          %mul3A_428 = arith.mulf %get3A_427, %gather3A : vector<16xf32>
          %add3A_429 = arith.addf %get3A_424, %mul3A_428 : vector<16xf32>
          %swap3A_430 = arith.constant 0 : i32
          %swap3A_431 = arith.index_cast %swap3A_430 : i32 to index
          %swap3A_432 = arith.constant 0 : index
          %swap3A_433 = tpu.vector_load %arg16[%swap3A_431, %swap3A_432] {strides = array<i32>} : memref<8x128xf32, #tpu.memory_space<vmem>>, vector<16xf32>,
          tpu.vector_store %arg16[%swap3A_431, %swap3A_432], %add3A_429 {strides = array<i32>} : memref<8x128xf32, #tpu.memory_space<vmem>>, vector<16xf32>,
          %get3A_434 = arith.constant 0 : i32
          %get3A_435 = arith.index_cast %get3A_434 : i32 to index
          %get3A_436 = arith.constant 16 : index
          %get3A_437 = tpu.vector_load %arg16[%get3A_435, %get3A_436] {strides = array<i32>} : memref<8x128xf32, #tpu.memory_space<vmem>>, vector<16xf32>,
          %get3A_438 = arith.index_cast %scan3A_325 : i32 to index
          %get3A_439 = arith.constant 16 : index
          %get3A_440 = tpu.vector_load %arg15[%get3A_438, %get3A_439] {strides = array<i32>} : memref<16x128xf32, #tpu.memory_space<vmem>>, vector<16xf32>,
          %mul3A_441 = arith.mulf %get3A_440, %gather3A : vector<16xf32>
          %add3A_442 = arith.addf %get3A_437, %mul3A_441 : vector<16xf32>
          %swap3A_443 = arith.constant 0 : i32
          %swap3A_444 = arith.index_cast %swap3A_443 : i32 to index
          %swap3A_445 = arith.constant 16 : index
          %swap3A_446 = tpu.vector_load %arg16[%swap3A_444, %swap3A_445] {strides = array<i32>} : memref<8x128xf32, #tpu.memory_space<vmem>>, vector<16xf32>,
          tpu.vector_store %arg16[%swap3A_444, %swap3A_445], %add3A_442 {strides = array<i32>} : memref<8x128xf32, #tpu.memory_space<vmem>>, vector<16xf32>,
          %get3A_447 = arith.constant 0 : i32
          %get3A_448 = arith.index_cast %get3A_447 : i32 to index
          %get3A_449 = arith.constant 32 : index
          %get3A_450 = tpu.vector_load %arg16[%get3A_448, %get3A_449] {strides = array<i32>} : memref<8x128xf32, #tpu.memory_space<vmem>>, vector<16xf32>,
          %get3A_451 = arith.index_cast %scan3A_325 : i32 to index
          %get3A_452 = arith.constant 32 : index
          %get3A_453 = tpu.vector_load %arg15[%get3A_451, %get3A_452] {strides = array<i32>} : memref<16x128xf32, #tpu.memory_space<vmem>>, vector<16xf32>,
          %mul3A_454 = arith.mulf %get3A_453, %gather3A : vector<16xf32>
          %add3A_455 = arith.addf %get3A_450, %mul3A_454 : vector<16xf32>
          %swap3A_456 = arith.constant 0 : i32
          %swap3A_457 = arith.index_cast %swap3A_456 : i32 to index
          %swap3A_458 = arith.constant 32 : index
          %swap3A_459 = tpu.vector_load %arg16[%swap3A_457, %swap3A_458] {strides = array<i32>} : memref<8x128xf32, #tpu.memory_space<vmem>>, vector<16xf32>,
          tpu.vector_store %arg16[%swap3A_457, %swap3A_458], %add3A_455 {strides = array<i32>} : memref<8x128xf32, #tpu.memory_space<vmem>>, vector<16xf32>,
          %get3A_460 = arith.constant 0 : i32
          %get3A_461 = arith.index_cast %get3A_460 : i32 to index
          %get3A_462 = arith.constant 48 : index
          %get3A_463 = tpu.vector_load %arg16[%get3A_461, %get3A_462] {strides = array<i32>} : memref<8x128xf32, #tpu.memory_space<vmem>>, vector<16xf32>,
          %get3A_464 = arith.index_cast %scan3A_325 : i32 to index
          %get3A_465 = arith.constant 48 : index
          %get3A_466 = tpu.vector_load %arg15[%get3A_464, %get3A_465] {strides = array<i32>} : memref<16x128xf32, #tpu.memory_space<vmem>>, vector<16xf32>,
          %mul3A_467 = arith.mulf %get3A_466, %gather3A : vector<16xf32>
          %add3A_468 = arith.addf %get3A_463, %mul3A_467 : vector<16xf32>
          %swap3A_469 = arith.constant 0 : i32
          %swap3A_470 = arith.index_cast %swap3A_469 : i32 to index
          %swap3A_471 = arith.constant 48 : index
          %swap3A_472 = tpu.vector_load %arg16[%swap3A_470, %swap3A_471] {strides = array<i32>} : memref<8x128xf32, #tpu.memory_space<vmem>>, vector<16xf32>,
          tpu.vector_store %arg16[%swap3A_470, %swap3A_471], %add3A_468 {strides = array<i32>} : memref<8x128xf32, #tpu.memory_space<vmem>>, vector<16xf32>,
          %get3A_473 = arith.constant 0 : i32
          %get3A_474 = arith.index_cast %get3A_473 : i32 to index
          %get3A_475 = arith.constant 64 : index
          %get3A_476 = tpu.vector_load %arg16[%get3A_474, %get3A_475] {strides = array<i32>} : memref<8x128xf32, #tpu.memory_space<vmem>>, vector<16xf32>,
          %get3A_477 = arith.index_cast %scan3A_325 : i32 to index
          %get3A_478 = arith.constant 64 : index
          %get3A_479 = tpu.vector_load %arg15[%get3A_477, %get3A_478] {strides = array<i32>} : memref<16x128xf32, #tpu.memory_space<vmem>>, vector<16xf32>,
          %mul3A_480 = arith.mulf %get3A_479, %gather3A : vector<16xf32>
          %add3A_481 = arith.addf %get3A_476, %mul3A_480 : vector<16xf32>
          %swap3A_482 = arith.constant 0 : i32
          %swap3A_483 = arith.index_cast %swap3A_482 : i32 to index
          %swap3A_484 = arith.constant 64 : index
          %swap3A_485 = tpu.vector_load %arg16[%swap3A_483, %swap3A_484] {strides = array<i32>} : memref<8x128xf32, #tpu.memory_space<vmem>>, vector<16xf32>,
          tpu.vector_store %arg16[%swap3A_483, %swap3A_484], %add3A_481 {strides = array<i32>} : memref<8x128xf32, #tpu.memory_space<vmem>>, vector<16xf32>,
          %get3A_486 = arith.constant 0 : i32
          %get3A_487 = arith.index_cast %get3A_486 : i32 to index
          %get3A_488 = arith.constant 80 : index
          %get3A_489 = tpu.vector_load %arg16[%get3A_487, %get3A_488] {strides = array<i32>} : memref<8x128xf32, #tpu.memory_space<vmem>>, vector<16xf32>,
          %get3A_490 = arith.index_cast %scan3A_325 : i32 to index
          %get3A_491 = arith.constant 80 : index
          %get3A_492 = tpu.vector_load %arg15[%get3A_490, %get3A_491] {strides = array<i32>} : memref<16x128xf32, #tpu.memory_space<vmem>>, vector<16xf32>,
          %mul3A_493 = arith.mulf %get3A_492, %gather3A : vector<16xf32>
          %add3A_494 = arith.addf %get3A_489, %mul3A_493 : vector<16xf32>
          %swap3A_495 = arith.constant 0 : i32
          %swap3A_496 = arith.index_cast %swap3A_495 : i32 to index
          %swap3A_497 = arith.constant 80 : index
          %swap3A_498 = tpu.vector_load %arg16[%swap3A_496, %swap3A_497] {strides = array<i32>} : memref<8x128xf32, #tpu.memory_space<vmem>>, vector<16xf32>,
          tpu.vector_store %arg16[%swap3A_496, %swap3A_497], %add3A_494 {strides = array<i32>} : memref<8x128xf32, #tpu.memory_space<vmem>>, vector<16xf32>,
          %get3A_499 = arith.constant 0 : i32
          %get3A_500 = arith.index_cast %get3A_499 : i32 to index
          %get3A_501 = arith.constant 96 : index
          %get3A_502 = tpu.vector_load %arg16[%get3A_500, %get3A_501] {strides = array<i32>} : memref<8x128xf32, #tpu.memory_space<vmem>>, vector<16xf32>,
          %get3A_503 = arith.index_cast %scan3A_325 : i32 to index
          %get3A_504 = arith.constant 96 : index
          %get3A_505 = tpu.vector_load %arg15[%get3A_503, %get3A_504] {strides = array<i32>} : memref<16x128xf32, #tpu.memory_space<vmem>>, vector<16xf32>,
          %mul3A_506 = arith.mulf %get3A_505, %gather3A : vector<16xf32>
          %add3A_507 = arith.addf %get3A_502, %mul3A_506 : vector<16xf32>
          %swap3A_508 = arith.constant 0 : i32
          %swap3A_509 = arith.index_cast %swap3A_508 : i32 to index
          %swap3A_510 = arith.constant 96 : index
          %swap3A_511 = tpu.vector_load %arg16[%swap3A_509, %swap3A_510] {strides = array<i32>} : memref<8x128xf32, #tpu.memory_space<vmem>>, vector<16xf32>,
          tpu.vector_store %arg16[%swap3A_509, %swap3A_510], %add3A_507 {strides = array<i32>} : memref<8x128xf32, #tpu.memory_space<vmem>>, vector<16xf32>,
          %get3A_512 = arith.constant 0 : i32
          %get3A_513 = arith.index_cast %get3A_512 : i32 to index
          %get3A_514 = arith.constant 112 : index
          %get3A_515 = tpu.vector_load %arg16[%get3A_513, %get3A_514] {strides = array<i32>} : memref<8x128xf32, #tpu.memory_space<vmem>>, vector<16xf32>,
          %get3A_516 = arith.index_cast %scan3A_325 : i32 to index
          %get3A_517 = arith.constant 112 : index
          %get3A_518 = tpu.vector_load %arg15[%get3A_516, %get3A_517] {strides = array<i32>} : memref<16x128xf32, #tpu.memory_space<vmem>>, vector<16xf32>,
          %mul3A_519 = arith.mulf %get3A_518, %gather3A : vector<16xf32>
          %add3A_520 = arith.addf %get3A_515, %mul3A_519 : vector<16xf32>
          %swap3A_521 = arith.constant 0 : i32
          %swap3A_522 = arith.index_cast %swap3A_521 : i32 to index
          %swap3A_523 = arith.constant 112 : index
          %swap3A_524 = tpu.vector_load %arg16[%swap3A_522, %swap3A_523] {strides = array<i32>} : memref<8x128xf32, #tpu.memory_space<vmem>>, vector<16xf32>,
          tpu.vector_store %arg16[%swap3A_522, %swap3A_523], %add3A_520 {strides = array<i32>} : memref<8x128xf32, #tpu.memory_space<vmem>>, vector<16xf32>,
        } else {
        }
        %shift_right_arithmetic3A_346 = arith.constant 1 : i32
        %shift_right_arithmetic3A_347 = vector.broadcast %shift_right_arithmetic3A_346 : i32 to vector<16xi32>
        %shift_right_arithmetic3A_348 = arith.shrsi %gather3A_331, %shift_right_arithmetic3A_347 : vector<16xi32>
        %and3A_349 = arith.constant 1 : i32
        %and3A_350 = vector.broadcast %and3A_349 : i32 to vector<16xi32>
        %and3A_351 = arith.andi %shift_right_arithmetic3A_348, %and3A_350 : vector<16xi32>
        %gt3A_352 = arith.constant 0 : i32
        %gt3A_353 = vector.broadcast %gt3A_352 : i32 to vector<16xi32>
        %gt3A_354 = arith.cmpi sgt, %and3A_351, %gt3A_353 : vector<16xi32>
        %convert_element_type3A_355 = arith.extui %gt3A_354 : vector<16xi1> to vector<16xi32>
        %reduce_sum3A_356 = arith.constant true
        %reduce_sum3A_357 = vector.broadcast %reduce_sum3A_356 : i1 to vector<16xi1>
        %reduce_sum3A_358 = tpu.scan <sum>, %convert_element_type3A_355 masked %reduce_sum3A_357 : vector<16xi32>, vector<16xi1> -> vector<16xi32>
        %reduce_sum3A_359 = vector.extract %reduce_sum3A_358[15] : i32 from vector<16xi32>
        %gt3A_360 = arith.constant 0 : i32
        %gt3A_361 = arith.cmpi sgt, %reduce_sum3A_359, %gt3A_360 : i32
        %convert_element_type3A_362 = arith.extui %gt3A_361 : i1 to i32
        %cond3A_363 = arith.constant 0 : i32
        %cond3A_364 = arith.cmpi ne, %convert_element_type3A_362, %cond3A_363 : i32
        scf.if %cond3A_364 {
          %get3A = arith.constant 1 : i32
          %get3A_422 = arith.index_cast %get3A : i32 to index
          %get3A_423 = arith.constant 0 : index
          %get3A_424 = tpu.vector_load %arg16[%get3A_422, %get3A_423] {strides = array<i32>} : memref<8x128xf32, #tpu.memory_space<vmem>>, vector<16xf32>,
          %get3A_425 = arith.index_cast %scan3A_325 : i32 to index
          %get3A_426 = arith.constant 0 : index
          %get3A_427 = tpu.vector_load %arg15[%get3A_425, %get3A_426] {strides = array<i32>} : memref<16x128xf32, #tpu.memory_space<vmem>>, vector<16xf32>,
          %mul3A_428 = arith.mulf %get3A_427, %gather3A : vector<16xf32>
          %add3A_429 = arith.addf %get3A_424, %mul3A_428 : vector<16xf32>
          %swap3A_430 = arith.constant 1 : i32
          %swap3A_431 = arith.index_cast %swap3A_430 : i32 to index
          %swap3A_432 = arith.constant 0 : index
          %swap3A_433 = tpu.vector_load %arg16[%swap3A_431, %swap3A_432] {strides = array<i32>} : memref<8x128xf32, #tpu.memory_space<vmem>>, vector<16xf32>,
          tpu.vector_store %arg16[%swap3A_431, %swap3A_432], %add3A_429 {strides = array<i32>} : memref<8x128xf32, #tpu.memory_space<vmem>>, vector<16xf32>,
          %get3A_434 = arith.constant 1 : i32
          %get3A_435 = arith.index_cast %get3A_434 : i32 to index
          %get3A_436 = arith.constant 16 : index
          %get3A_437 = tpu.vector_load %arg16[%get3A_435, %get3A_436] {strides = array<i32>} : memref<8x128xf32, #tpu.memory_space<vmem>>, vector<16xf32>,
          %get3A_438 = arith.index_cast %scan3A_325 : i32 to index
          %get3A_439 = arith.constant 16 : index
          %get3A_440 = tpu.vector_load %arg15[%get3A_438, %get3A_439] {strides = array<i32>} : memref<16x128xf32, #tpu.memory_space<vmem>>, vector<16xf32>,
          %mul3A_441 = arith.mulf %get3A_440, %gather3A : vector<16xf32>
          %add3A_442 = arith.addf %get3A_437, %mul3A_441 : vector<16xf32>
          %swap3A_443 = arith.constant 1 : i32
          %swap3A_444 = arith.index_cast %swap3A_443 : i32 to index
          %swap3A_445 = arith.constant 16 : index
          %swap3A_446 = tpu.vector_load %arg16[%swap3A_444, %swap3A_445] {strides = array<i32>} : memref<8x128xf32, #tpu.memory_space<vmem>>, vector<16xf32>,
          tpu.vector_store %arg16[%swap3A_444, %swap3A_445], %add3A_442 {strides = array<i32>} : memref<8x128xf32, #tpu.memory_space<vmem>>, vector<16xf32>,
          %get3A_447 = arith.constant 1 : i32
          %get3A_448 = arith.index_cast %get3A_447 : i32 to index
          %get3A_449 = arith.constant 32 : index
          %get3A_450 = tpu.vector_load %arg16[%get3A_448, %get3A_449] {strides = array<i32>} : memref<8x128xf32, #tpu.memory_space<vmem>>, vector<16xf32>,
          %get3A_451 = arith.index_cast %scan3A_325 : i32 to index
          %get3A_452 = arith.constant 32 : index
          %get3A_453 = tpu.vector_load %arg15[%get3A_451, %get3A_452] {strides = array<i32>} : memref<16x128xf32, #tpu.memory_space<vmem>>, vector<16xf32>,
          %mul3A_454 = arith.mulf %get3A_453, %gather3A : vector<16xf32>
          %add3A_455 = arith.addf %get3A_450, %mul3A_454 : vector<16xf32>
          %swap3A_456 = arith.constant 1 : i32
          %swap3A_457 = arith.index_cast %swap3A_456 : i32 to index
          %swap3A_458 = arith.constant 32 : index
          %swap3A_459 = tpu.vector_load %arg16[%swap3A_457, %swap3A_458] {strides = array<i32>} : memref<8x128xf32, #tpu.memory_space<vmem>>, vector<16xf32>,
          tpu.vector_store %arg16[%swap3A_457, %swap3A_458], %add3A_455 {strides = array<i32>} : memref<8x128xf32, #tpu.memory_space<vmem>>, vector<16xf32>,
          %get3A_460 = arith.constant 1 : i32
          %get3A_461 = arith.index_cast %get3A_460 : i32 to index
          %get3A_462 = arith.constant 48 : index
          %get3A_463 = tpu.vector_load %arg16[%get3A_461, %get3A_462] {strides = array<i32>} : memref<8x128xf32, #tpu.memory_space<vmem>>, vector<16xf32>,
          %get3A_464 = arith.index_cast %scan3A_325 : i32 to index
          %get3A_465 = arith.constant 48 : index
          %get3A_466 = tpu.vector_load %arg15[%get3A_464, %get3A_465] {strides = array<i32>} : memref<16x128xf32, #tpu.memory_space<vmem>>, vector<16xf32>,
          %mul3A_467 = arith.mulf %get3A_466, %gather3A : vector<16xf32>
          %add3A_468 = arith.addf %get3A_463, %mul3A_467 : vector<16xf32>
          %swap3A_469 = arith.constant 1 : i32
          %swap3A_470 = arith.index_cast %swap3A_469 : i32 to index
          %swap3A_471 = arith.constant 48 : index
          %swap3A_472 = tpu.vector_load %arg16[%swap3A_470, %swap3A_471] {strides = array<i32>} : memref<8x128xf32, #tpu.memory_space<vmem>>, vector<16xf32>,
          tpu.vector_store %arg16[%swap3A_470, %swap3A_471], %add3A_468 {strides = array<i32>} : memref<8x128xf32, #tpu.memory_space<vmem>>, vector<16xf32>,
          %get3A_473 = arith.constant 1 : i32
          %get3A_474 = arith.index_cast %get3A_473 : i32 to index
          %get3A_475 = arith.constant 64 : index
          %get3A_476 = tpu.vector_load %arg16[%get3A_474, %get3A_475] {strides = array<i32>} : memref<8x128xf32, #tpu.memory_space<vmem>>, vector<16xf32>,
          %get3A_477 = arith.index_cast %scan3A_325 : i32 to index
          %get3A_478 = arith.constant 64 : index
          %get3A_479 = tpu.vector_load %arg15[%get3A_477, %get3A_478] {strides = array<i32>} : memref<16x128xf32, #tpu.memory_space<vmem>>, vector<16xf32>,
          %mul3A_480 = arith.mulf %get3A_479, %gather3A : vector<16xf32>
          %add3A_481 = arith.addf %get3A_476, %mul3A_480 : vector<16xf32>
          %swap3A_482 = arith.constant 1 : i32
          %swap3A_483 = arith.index_cast %swap3A_482 : i32 to index
          %swap3A_484 = arith.constant 64 : index
          %swap3A_485 = tpu.vector_load %arg16[%swap3A_483, %swap3A_484] {strides = array<i32>} : memref<8x128xf32, #tpu.memory_space<vmem>>, vector<16xf32>,
          tpu.vector_store %arg16[%swap3A_483, %swap3A_484], %add3A_481 {strides = array<i32>} : memref<8x128xf32, #tpu.memory_space<vmem>>, vector<16xf32>,
          %get3A_486 = arith.constant 1 : i32
          %get3A_487 = arith.index_cast %get3A_486 : i32 to index
          %get3A_488 = arith.constant 80 : index
          %get3A_489 = tpu.vector_load %arg16[%get3A_487, %get3A_488] {strides = array<i32>} : memref<8x128xf32, #tpu.memory_space<vmem>>, vector<16xf32>,
          %get3A_490 = arith.index_cast %scan3A_325 : i32 to index
          %get3A_491 = arith.constant 80 : index
          %get3A_492 = tpu.vector_load %arg15[%get3A_490, %get3A_491] {strides = array<i32>} : memref<16x128xf32, #tpu.memory_space<vmem>>, vector<16xf32>,
          %mul3A_493 = arith.mulf %get3A_492, %gather3A : vector<16xf32>
          %add3A_494 = arith.addf %get3A_489, %mul3A_493 : vector<16xf32>
          %swap3A_495 = arith.constant 1 : i32
          %swap3A_496 = arith.index_cast %swap3A_495 : i32 to index
          %swap3A_497 = arith.constant 80 : index
          %swap3A_498 = tpu.vector_load %arg16[%swap3A_496, %swap3A_497] {strides = array<i32>} : memref<8x128xf32, #tpu.memory_space<vmem>>, vector<16xf32>,
          tpu.vector_store %arg16[%swap3A_496, %swap3A_497], %add3A_494 {strides = array<i32>} : memref<8x128xf32, #tpu.memory_space<vmem>>, vector<16xf32>,
          %get3A_499 = arith.constant 1 : i32
          %get3A_500 = arith.index_cast %get3A_499 : i32 to index
          %get3A_501 = arith.constant 96 : index
          %get3A_502 = tpu.vector_load %arg16[%get3A_500, %get3A_501] {strides = array<i32>} : memref<8x128xf32, #tpu.memory_space<vmem>>, vector<16xf32>,
          %get3A_503 = arith.index_cast %scan3A_325 : i32 to index
          %get3A_504 = arith.constant 96 : index
          %get3A_505 = tpu.vector_load %arg15[%get3A_503, %get3A_504] {strides = array<i32>} : memref<16x128xf32, #tpu.memory_space<vmem>>, vector<16xf32>,
          %mul3A_506 = arith.mulf %get3A_505, %gather3A : vector<16xf32>
          %add3A_507 = arith.addf %get3A_502, %mul3A_506 : vector<16xf32>
          %swap3A_508 = arith.constant 1 : i32
          %swap3A_509 = arith.index_cast %swap3A_508 : i32 to index
          %swap3A_510 = arith.constant 96 : index
          %swap3A_511 = tpu.vector_load %arg16[%swap3A_509, %swap3A_510] {strides = array<i32>} : memref<8x128xf32, #tpu.memory_space<vmem>>, vector<16xf32>,
          tpu.vector_store %arg16[%swap3A_509, %swap3A_510], %add3A_507 {strides = array<i32>} : memref<8x128xf32, #tpu.memory_space<vmem>>, vector<16xf32>,
          %get3A_512 = arith.constant 1 : i32
          %get3A_513 = arith.index_cast %get3A_512 : i32 to index
          %get3A_514 = arith.constant 112 : index
          %get3A_515 = tpu.vector_load %arg16[%get3A_513, %get3A_514] {strides = array<i32>} : memref<8x128xf32, #tpu.memory_space<vmem>>, vector<16xf32>,
          %get3A_516 = arith.index_cast %scan3A_325 : i32 to index
          %get3A_517 = arith.constant 112 : index
          %get3A_518 = tpu.vector_load %arg15[%get3A_516, %get3A_517] {strides = array<i32>} : memref<16x128xf32, #tpu.memory_space<vmem>>, vector<16xf32>,
          %mul3A_519 = arith.mulf %get3A_518, %gather3A : vector<16xf32>
          %add3A_520 = arith.addf %get3A_515, %mul3A_519 : vector<16xf32>
          %swap3A_521 = arith.constant 1 : i32
          %swap3A_522 = arith.index_cast %swap3A_521 : i32 to index
          %swap3A_523 = arith.constant 112 : index
          %swap3A_524 = tpu.vector_load %arg16[%swap3A_522, %swap3A_523] {strides = array<i32>} : memref<8x128xf32, #tpu.memory_space<vmem>>, vector<16xf32>,
          tpu.vector_store %arg16[%swap3A_522, %swap3A_523], %add3A_520 {strides = array<i32>} : memref<8x128xf32, #tpu.memory_space<vmem>>, vector<16xf32>,
        } else {
        }
        %shift_right_arithmetic3A_365 = arith.constant 2 : i32
        %shift_right_arithmetic3A_366 = vector.broadcast %shift_right_arithmetic3A_365 : i32 to vector<16xi32>
        %shift_right_arithmetic3A_367 = arith.shrsi %gather3A_331, %shift_right_arithmetic3A_366 : vector<16xi32>
        %and3A_368 = arith.constant 1 : i32
        %and3A_369 = vector.broadcast %and3A_368 : i32 to vector<16xi32>
        %and3A_370 = arith.andi %shift_right_arithmetic3A_367, %and3A_369 : vector<16xi32>
        %gt3A_371 = arith.constant 0 : i32
        %gt3A_372 = vector.broadcast %gt3A_371 : i32 to vector<16xi32>
        %gt3A_373 = arith.cmpi sgt, %and3A_370, %gt3A_372 : vector<16xi32>
        %convert_element_type3A_374 = arith.extui %gt3A_373 : vector<16xi1> to vector<16xi32>
        %reduce_sum3A_375 = arith.constant true
        %reduce_sum3A_376 = vector.broadcast %reduce_sum3A_375 : i1 to vector<16xi1>
        %reduce_sum3A_377 = tpu.scan <sum>, %convert_element_type3A_374 masked %reduce_sum3A_376 : vector<16xi32>, vector<16xi1> -> vector<16xi32>
        %reduce_sum3A_378 = vector.extract %reduce_sum3A_377[15] : i32 from vector<16xi32>
        %gt3A_379 = arith.constant 0 : i32
        %gt3A_380 = arith.cmpi sgt, %reduce_sum3A_378, %gt3A_379 : i32
        %convert_element_type3A_381 = arith.extui %gt3A_380 : i1 to i32
        %cond3A_382 = arith.constant 0 : i32
        %cond3A_383 = arith.cmpi ne, %convert_element_type3A_381, %cond3A_382 : i32
        scf.if %cond3A_383 {
          %get3A = arith.constant 2 : i32
          %get3A_422 = arith.index_cast %get3A : i32 to index
          %get3A_423 = arith.constant 0 : index
          %get3A_424 = tpu.vector_load %arg16[%get3A_422, %get3A_423] {strides = array<i32>} : memref<8x128xf32, #tpu.memory_space<vmem>>, vector<16xf32>,
          %get3A_425 = arith.index_cast %scan3A_325 : i32 to index
          %get3A_426 = arith.constant 0 : index
          %get3A_427 = tpu.vector_load %arg15[%get3A_425, %get3A_426] {strides = array<i32>} : memref<16x128xf32, #tpu.memory_space<vmem>>, vector<16xf32>,
          %mul3A_428 = arith.mulf %get3A_427, %gather3A : vector<16xf32>
          %add3A_429 = arith.addf %get3A_424, %mul3A_428 : vector<16xf32>
          %swap3A_430 = arith.constant 2 : i32
          %swap3A_431 = arith.index_cast %swap3A_430 : i32 to index
          %swap3A_432 = arith.constant 0 : index
          %swap3A_433 = tpu.vector_load %arg16[%swap3A_431, %swap3A_432] {strides = array<i32>} : memref<8x128xf32, #tpu.memory_space<vmem>>, vector<16xf32>,
          tpu.vector_store %arg16[%swap3A_431, %swap3A_432], %add3A_429 {strides = array<i32>} : memref<8x128xf32, #tpu.memory_space<vmem>>, vector<16xf32>,
          %get3A_434 = arith.constant 2 : i32
          %get3A_435 = arith.index_cast %get3A_434 : i32 to index
          %get3A_436 = arith.constant 16 : index
          %get3A_437 = tpu.vector_load %arg16[%get3A_435, %get3A_436] {strides = array<i32>} : memref<8x128xf32, #tpu.memory_space<vmem>>, vector<16xf32>,
          %get3A_438 = arith.index_cast %scan3A_325 : i32 to index
          %get3A_439 = arith.constant 16 : index
          %get3A_440 = tpu.vector_load %arg15[%get3A_438, %get3A_439] {strides = array<i32>} : memref<16x128xf32, #tpu.memory_space<vmem>>, vector<16xf32>,
          %mul3A_441 = arith.mulf %get3A_440, %gather3A : vector<16xf32>
          %add3A_442 = arith.addf %get3A_437, %mul3A_441 : vector<16xf32>
          %swap3A_443 = arith.constant 2 : i32
          %swap3A_444 = arith.index_cast %swap3A_443 : i32 to index
          %swap3A_445 = arith.constant 16 : index
          %swap3A_446 = tpu.vector_load %arg16[%swap3A_444, %swap3A_445] {strides = array<i32>} : memref<8x128xf32, #tpu.memory_space<vmem>>, vector<16xf32>,
          tpu.vector_store %arg16[%swap3A_444, %swap3A_445], %add3A_442 {strides = array<i32>} : memref<8x128xf32, #tpu.memory_space<vmem>>, vector<16xf32>,
          %get3A_447 = arith.constant 2 : i32
          %get3A_448 = arith.index_cast %get3A_447 : i32 to index
          %get3A_449 = arith.constant 32 : index
          %get3A_450 = tpu.vector_load %arg16[%get3A_448, %get3A_449] {strides = array<i32>} : memref<8x128xf32, #tpu.memory_space<vmem>>, vector<16xf32>,
          %get3A_451 = arith.index_cast %scan3A_325 : i32 to index
          %get3A_452 = arith.constant 32 : index
          %get3A_453 = tpu.vector_load %arg15[%get3A_451, %get3A_452] {strides = array<i32>} : memref<16x128xf32, #tpu.memory_space<vmem>>, vector<16xf32>,
          %mul3A_454 = arith.mulf %get3A_453, %gather3A : vector<16xf32>
          %add3A_455 = arith.addf %get3A_450, %mul3A_454 : vector<16xf32>
          %swap3A_456 = arith.constant 2 : i32
          %swap3A_457 = arith.index_cast %swap3A_456 : i32 to index
          %swap3A_458 = arith.constant 32 : index
          %swap3A_459 = tpu.vector_load %arg16[%swap3A_457, %swap3A_458] {strides = array<i32>} : memref<8x128xf32, #tpu.memory_space<vmem>>, vector<16xf32>,
          tpu.vector_store %arg16[%swap3A_457, %swap3A_458], %add3A_455 {strides = array<i32>} : memref<8x128xf32, #tpu.memory_space<vmem>>, vector<16xf32>,
          %get3A_460 = arith.constant 2 : i32
          %get3A_461 = arith.index_cast %get3A_460 : i32 to index
          %get3A_462 = arith.constant 48 : index
          %get3A_463 = tpu.vector_load %arg16[%get3A_461, %get3A_462] {strides = array<i32>} : memref<8x128xf32, #tpu.memory_space<vmem>>, vector<16xf32>,
          %get3A_464 = arith.index_cast %scan3A_325 : i32 to index
          %get3A_465 = arith.constant 48 : index
          %get3A_466 = tpu.vector_load %arg15[%get3A_464, %get3A_465] {strides = array<i32>} : memref<16x128xf32, #tpu.memory_space<vmem>>, vector<16xf32>,
          %mul3A_467 = arith.mulf %get3A_466, %gather3A : vector<16xf32>
          %add3A_468 = arith.addf %get3A_463, %mul3A_467 : vector<16xf32>
          %swap3A_469 = arith.constant 2 : i32
          %swap3A_470 = arith.index_cast %swap3A_469 : i32 to index
          %swap3A_471 = arith.constant 48 : index
          %swap3A_472 = tpu.vector_load %arg16[%swap3A_470, %swap3A_471] {strides = array<i32>} : memref<8x128xf32, #tpu.memory_space<vmem>>, vector<16xf32>,
          tpu.vector_store %arg16[%swap3A_470, %swap3A_471], %add3A_468 {strides = array<i32>} : memref<8x128xf32, #tpu.memory_space<vmem>>, vector<16xf32>,
          %get3A_473 = arith.constant 2 : i32
          %get3A_474 = arith.index_cast %get3A_473 : i32 to index
          %get3A_475 = arith.constant 64 : index
          %get3A_476 = tpu.vector_load %arg16[%get3A_474, %get3A_475] {strides = array<i32>} : memref<8x128xf32, #tpu.memory_space<vmem>>, vector<16xf32>,
          %get3A_477 = arith.index_cast %scan3A_325 : i32 to index
          %get3A_478 = arith.constant 64 : index
          %get3A_479 = tpu.vector_load %arg15[%get3A_477, %get3A_478] {strides = array<i32>} : memref<16x128xf32, #tpu.memory_space<vmem>>, vector<16xf32>,
          %mul3A_480 = arith.mulf %get3A_479, %gather3A : vector<16xf32>
          %add3A_481 = arith.addf %get3A_476, %mul3A_480 : vector<16xf32>
          %swap3A_482 = arith.constant 2 : i32
          %swap3A_483 = arith.index_cast %swap3A_482 : i32 to index
          %swap3A_484 = arith.constant 64 : index
          %swap3A_485 = tpu.vector_load %arg16[%swap3A_483, %swap3A_484] {strides = array<i32>} : memref<8x128xf32, #tpu.memory_space<vmem>>, vector<16xf32>,
          tpu.vector_store %arg16[%swap3A_483, %swap3A_484], %add3A_481 {strides = array<i32>} : memref<8x128xf32, #tpu.memory_space<vmem>>, vector<16xf32>,
          %get3A_486 = arith.constant 2 : i32
          %get3A_487 = arith.index_cast %get3A_486 : i32 to index
          %get3A_488 = arith.constant 80 : index
          %get3A_489 = tpu.vector_load %arg16[%get3A_487, %get3A_488] {strides = array<i32>} : memref<8x128xf32, #tpu.memory_space<vmem>>, vector<16xf32>,
          %get3A_490 = arith.index_cast %scan3A_325 : i32 to index
          %get3A_491 = arith.constant 80 : index
          %get3A_492 = tpu.vector_load %arg15[%get3A_490, %get3A_491] {strides = array<i32>} : memref<16x128xf32, #tpu.memory_space<vmem>>, vector<16xf32>,
          %mul3A_493 = arith.mulf %get3A_492, %gather3A : vector<16xf32>
          %add3A_494 = arith.addf %get3A_489, %mul3A_493 : vector<16xf32>
          %swap3A_495 = arith.constant 2 : i32
          %swap3A_496 = arith.index_cast %swap3A_495 : i32 to index
          %swap3A_497 = arith.constant 80 : index
          %swap3A_498 = tpu.vector_load %arg16[%swap3A_496, %swap3A_497] {strides = array<i32>} : memref<8x128xf32, #tpu.memory_space<vmem>>, vector<16xf32>,
          tpu.vector_store %arg16[%swap3A_496, %swap3A_497], %add3A_494 {strides = array<i32>} : memref<8x128xf32, #tpu.memory_space<vmem>>, vector<16xf32>,
          %get3A_499 = arith.constant 2 : i32
          %get3A_500 = arith.index_cast %get3A_499 : i32 to index
          %get3A_501 = arith.constant 96 : index
          %get3A_502 = tpu.vector_load %arg16[%get3A_500, %get3A_501] {strides = array<i32>} : memref<8x128xf32, #tpu.memory_space<vmem>>, vector<16xf32>,
          %get3A_503 = arith.index_cast %scan3A_325 : i32 to index
          %get3A_504 = arith.constant 96 : index
          %get3A_505 = tpu.vector_load %arg15[%get3A_503, %get3A_504] {strides = array<i32>} : memref<16x128xf32, #tpu.memory_space<vmem>>, vector<16xf32>,
          %mul3A_506 = arith.mulf %get3A_505, %gather3A : vector<16xf32>
          %add3A_507 = arith.addf %get3A_502, %mul3A_506 : vector<16xf32>
          %swap3A_508 = arith.constant 2 : i32
          %swap3A_509 = arith.index_cast %swap3A_508 : i32 to index
          %swap3A_510 = arith.constant 96 : index
          %swap3A_511 = tpu.vector_load %arg16[%swap3A_509, %swap3A_510] {strides = array<i32>} : memref<8x128xf32, #tpu.memory_space<vmem>>, vector<16xf32>,
          tpu.vector_store %arg16[%swap3A_509, %swap3A_510], %add3A_507 {strides = array<i32>} : memref<8x128xf32, #tpu.memory_space<vmem>>, vector<16xf32>,
          %get3A_512 = arith.constant 2 : i32
          %get3A_513 = arith.index_cast %get3A_512 : i32 to index
          %get3A_514 = arith.constant 112 : index
          %get3A_515 = tpu.vector_load %arg16[%get3A_513, %get3A_514] {strides = array<i32>} : memref<8x128xf32, #tpu.memory_space<vmem>>, vector<16xf32>,
          %get3A_516 = arith.index_cast %scan3A_325 : i32 to index
          %get3A_517 = arith.constant 112 : index
          %get3A_518 = tpu.vector_load %arg15[%get3A_516, %get3A_517] {strides = array<i32>} : memref<16x128xf32, #tpu.memory_space<vmem>>, vector<16xf32>,
          %mul3A_519 = arith.mulf %get3A_518, %gather3A : vector<16xf32>
          %add3A_520 = arith.addf %get3A_515, %mul3A_519 : vector<16xf32>
          %swap3A_521 = arith.constant 2 : i32
          %swap3A_522 = arith.index_cast %swap3A_521 : i32 to index
          %swap3A_523 = arith.constant 112 : index
          %swap3A_524 = tpu.vector_load %arg16[%swap3A_522, %swap3A_523] {strides = array<i32>} : memref<8x128xf32, #tpu.memory_space<vmem>>, vector<16xf32>,
          tpu.vector_store %arg16[%swap3A_522, %swap3A_523], %add3A_520 {strides = array<i32>} : memref<8x128xf32, #tpu.memory_space<vmem>>, vector<16xf32>,
        } else {
        }
        %shift_right_arithmetic3A_384 = arith.constant 3 : i32
        %shift_right_arithmetic3A_385 = vector.broadcast %shift_right_arithmetic3A_384 : i32 to vector<16xi32>
        %shift_right_arithmetic3A_386 = arith.shrsi %gather3A_331, %shift_right_arithmetic3A_385 : vector<16xi32>
        %and3A_387 = arith.constant 1 : i32
        %and3A_388 = vector.broadcast %and3A_387 : i32 to vector<16xi32>
        %and3A_389 = arith.andi %shift_right_arithmetic3A_386, %and3A_388 : vector<16xi32>
        %gt3A_390 = arith.constant 0 : i32
        %gt3A_391 = vector.broadcast %gt3A_390 : i32 to vector<16xi32>
        %gt3A_392 = arith.cmpi sgt, %and3A_389, %gt3A_391 : vector<16xi32>
        %convert_element_type3A_393 = arith.extui %gt3A_392 : vector<16xi1> to vector<16xi32>
        %reduce_sum3A_394 = arith.constant true
        %reduce_sum3A_395 = vector.broadcast %reduce_sum3A_394 : i1 to vector<16xi1>
        %reduce_sum3A_396 = tpu.scan <sum>, %convert_element_type3A_393 masked %reduce_sum3A_395 : vector<16xi32>, vector<16xi1> -> vector<16xi32>
        %reduce_sum3A_397 = vector.extract %reduce_sum3A_396[15] : i32 from vector<16xi32>
        %gt3A_398 = arith.constant 0 : i32
        %gt3A_399 = arith.cmpi sgt, %reduce_sum3A_397, %gt3A_398 : i32
        %convert_element_type3A_400 = arith.extui %gt3A_399 : i1 to i32
        %cond3A_401 = arith.constant 0 : i32
        %cond3A_402 = arith.cmpi ne, %convert_element_type3A_400, %cond3A_401 : i32
        scf.if %cond3A_402 {
          %get3A = arith.constant 3 : i32
          %get3A_422 = arith.index_cast %get3A : i32 to index
          %get3A_423 = arith.constant 0 : index
          %get3A_424 = tpu.vector_load %arg16[%get3A_422, %get3A_423] {strides = array<i32>} : memref<8x128xf32, #tpu.memory_space<vmem>>, vector<16xf32>,
          %get3A_425 = arith.index_cast %scan3A_325 : i32 to index
          %get3A_426 = arith.constant 0 : index
          %get3A_427 = tpu.vector_load %arg15[%get3A_425, %get3A_426] {strides = array<i32>} : memref<16x128xf32, #tpu.memory_space<vmem>>, vector<16xf32>,
          %mul3A_428 = arith.mulf %get3A_427, %gather3A : vector<16xf32>
          %add3A_429 = arith.addf %get3A_424, %mul3A_428 : vector<16xf32>
          %swap3A_430 = arith.constant 3 : i32
          %swap3A_431 = arith.index_cast %swap3A_430 : i32 to index
          %swap3A_432 = arith.constant 0 : index
          %swap3A_433 = tpu.vector_load %arg16[%swap3A_431, %swap3A_432] {strides = array<i32>} : memref<8x128xf32, #tpu.memory_space<vmem>>, vector<16xf32>,
          tpu.vector_store %arg16[%swap3A_431, %swap3A_432], %add3A_429 {strides = array<i32>} : memref<8x128xf32, #tpu.memory_space<vmem>>, vector<16xf32>,
          %get3A_434 = arith.constant 3 : i32
          %get3A_435 = arith.index_cast %get3A_434 : i32 to index
          %get3A_436 = arith.constant 16 : index
          %get3A_437 = tpu.vector_load %arg16[%get3A_435, %get3A_436] {strides = array<i32>} : memref<8x128xf32, #tpu.memory_space<vmem>>, vector<16xf32>,
          %get3A_438 = arith.index_cast %scan3A_325 : i32 to index
          %get3A_439 = arith.constant 16 : index
          %get3A_440 = tpu.vector_load %arg15[%get3A_438, %get3A_439] {strides = array<i32>} : memref<16x128xf32, #tpu.memory_space<vmem>>, vector<16xf32>,
          %mul3A_441 = arith.mulf %get3A_440, %gather3A : vector<16xf32>
          %add3A_442 = arith.addf %get3A_437, %mul3A_441 : vector<16xf32>
          %swap3A_443 = arith.constant 3 : i32
          %swap3A_444 = arith.index_cast %swap3A_443 : i32 to index
          %swap3A_445 = arith.constant 16 : index
          %swap3A_446 = tpu.vector_load %arg16[%swap3A_444, %swap3A_445] {strides = array<i32>} : memref<8x128xf32, #tpu.memory_space<vmem>>, vector<16xf32>,
          tpu.vector_store %arg16[%swap3A_444, %swap3A_445], %add3A_442 {strides = array<i32>} : memref<8x128xf32, #tpu.memory_space<vmem>>, vector<16xf32>,
          %get3A_447 = arith.constant 3 : i32
          %get3A_448 = arith.index_cast %get3A_447 : i32 to index
          %get3A_449 = arith.constant 32 : index
          %get3A_450 = tpu.vector_load %arg16[%get3A_448, %get3A_449] {strides = array<i32>} : memref<8x128xf32, #tpu.memory_space<vmem>>, vector<16xf32>,
          %get3A_451 = arith.index_cast %scan3A_325 : i32 to index
          %get3A_452 = arith.constant 32 : index
          %get3A_453 = tpu.vector_load %arg15[%get3A_451, %get3A_452] {strides = array<i32>} : memref<16x128xf32, #tpu.memory_space<vmem>>, vector<16xf32>,
          %mul3A_454 = arith.mulf %get3A_453, %gather3A : vector<16xf32>
          %add3A_455 = arith.addf %get3A_450, %mul3A_454 : vector<16xf32>
          %swap3A_456 = arith.constant 3 : i32
          %swap3A_457 = arith.index_cast %swap3A_456 : i32 to index
          %swap3A_458 = arith.constant 32 : index
          %swap3A_459 = tpu.vector_load %arg16[%swap3A_457, %swap3A_458] {strides = array<i32>} : memref<8x128xf32, #tpu.memory_space<vmem>>, vector<16xf32>,
          tpu.vector_store %arg16[%swap3A_457, %swap3A_458], %add3A_455 {strides = array<i32>} : memref<8x128xf32, #tpu.memory_space<vmem>>, vector<16xf32>,
          %get3A_460 = arith.constant 3 : i32
          %get3A_461 = arith.index_cast %get3A_460 : i32 to index
          %get3A_462 = arith.constant 48 : index
          %get3A_463 = tpu.vector_load %arg16[%get3A_461, %get3A_462] {strides = array<i32>} : memref<8x128xf32, #tpu.memory_space<vmem>>, vector<16xf32>,
          %get3A_464 = arith.index_cast %scan3A_325 : i32 to index
          %get3A_465 = arith.constant 48 : index
          %get3A_466 = tpu.vector_load %arg15[%get3A_464, %get3A_465] {strides = array<i32>} : memref<16x128xf32, #tpu.memory_space<vmem>>, vector<16xf32>,
          %mul3A_467 = arith.mulf %get3A_466, %gather3A : vector<16xf32>
          %add3A_468 = arith.addf %get3A_463, %mul3A_467 : vector<16xf32>
          %swap3A_469 = arith.constant 3 : i32
          %swap3A_470 = arith.index_cast %swap3A_469 : i32 to index
          %swap3A_471 = arith.constant 48 : index
          %swap3A_472 = tpu.vector_load %arg16[%swap3A_470, %swap3A_471] {strides = array<i32>} : memref<8x128xf32, #tpu.memory_space<vmem>>, vector<16xf32>,
          tpu.vector_store %arg16[%swap3A_470, %swap3A_471], %add3A_468 {strides = array<i32>} : memref<8x128xf32, #tpu.memory_space<vmem>>, vector<16xf32>,
          %get3A_473 = arith.constant 3 : i32
          %get3A_474 = arith.index_cast %get3A_473 : i32 to index
          %get3A_475 = arith.constant 64 : index
          %get3A_476 = tpu.vector_load %arg16[%get3A_474, %get3A_475] {strides = array<i32>} : memref<8x128xf32, #tpu.memory_space<vmem>>, vector<16xf32>,
          %get3A_477 = arith.index_cast %scan3A_325 : i32 to index
          %get3A_478 = arith.constant 64 : index
          %get3A_479 = tpu.vector_load %arg15[%get3A_477, %get3A_478] {strides = array<i32>} : memref<16x128xf32, #tpu.memory_space<vmem>>, vector<16xf32>,
          %mul3A_480 = arith.mulf %get3A_479, %gather3A : vector<16xf32>
          %add3A_481 = arith.addf %get3A_476, %mul3A_480 : vector<16xf32>
          %swap3A_482 = arith.constant 3 : i32
          %swap3A_483 = arith.index_cast %swap3A_482 : i32 to index
          %swap3A_484 = arith.constant 64 : index
          %swap3A_485 = tpu.vector_load %arg16[%swap3A_483, %swap3A_484] {strides = array<i32>} : memref<8x128xf32, #tpu.memory_space<vmem>>, vector<16xf32>,
          tpu.vector_store %arg16[%swap3A_483, %swap3A_484], %add3A_481 {strides = array<i32>} : memref<8x128xf32, #tpu.memory_space<vmem>>, vector<16xf32>,
          %get3A_486 = arith.constant 3 : i32
          %get3A_487 = arith.index_cast %get3A_486 : i32 to index
          %get3A_488 = arith.constant 80 : index
          %get3A_489 = tpu.vector_load %arg16[%get3A_487, %get3A_488] {strides = array<i32>} : memref<8x128xf32, #tpu.memory_space<vmem>>, vector<16xf32>,
          %get3A_490 = arith.index_cast %scan3A_325 : i32 to index
          %get3A_491 = arith.constant 80 : index
          %get3A_492 = tpu.vector_load %arg15[%get3A_490, %get3A_491] {strides = array<i32>} : memref<16x128xf32, #tpu.memory_space<vmem>>, vector<16xf32>,
          %mul3A_493 = arith.mulf %get3A_492, %gather3A : vector<16xf32>
          %add3A_494 = arith.addf %get3A_489, %mul3A_493 : vector<16xf32>
          %swap3A_495 = arith.constant 3 : i32
          %swap3A_496 = arith.index_cast %swap3A_495 : i32 to index
          %swap3A_497 = arith.constant 80 : index
          %swap3A_498 = tpu.vector_load %arg16[%swap3A_496, %swap3A_497] {strides = array<i32>} : memref<8x128xf32, #tpu.memory_space<vmem>>, vector<16xf32>,
          tpu.vector_store %arg16[%swap3A_496, %swap3A_497], %add3A_494 {strides = array<i32>} : memref<8x128xf32, #tpu.memory_space<vmem>>, vector<16xf32>,
          %get3A_499 = arith.constant 3 : i32
          %get3A_500 = arith.index_cast %get3A_499 : i32 to index
          %get3A_501 = arith.constant 96 : index
          %get3A_502 = tpu.vector_load %arg16[%get3A_500, %get3A_501] {strides = array<i32>} : memref<8x128xf32, #tpu.memory_space<vmem>>, vector<16xf32>,
          %get3A_503 = arith.index_cast %scan3A_325 : i32 to index
          %get3A_504 = arith.constant 96 : index
          %get3A_505 = tpu.vector_load %arg15[%get3A_503, %get3A_504] {strides = array<i32>} : memref<16x128xf32, #tpu.memory_space<vmem>>, vector<16xf32>,
          %mul3A_506 = arith.mulf %get3A_505, %gather3A : vector<16xf32>
          %add3A_507 = arith.addf %get3A_502, %mul3A_506 : vector<16xf32>
          %swap3A_508 = arith.constant 3 : i32
          %swap3A_509 = arith.index_cast %swap3A_508 : i32 to index
          %swap3A_510 = arith.constant 96 : index
          %swap3A_511 = tpu.vector_load %arg16[%swap3A_509, %swap3A_510] {strides = array<i32>} : memref<8x128xf32, #tpu.memory_space<vmem>>, vector<16xf32>,
          tpu.vector_store %arg16[%swap3A_509, %swap3A_510], %add3A_507 {strides = array<i32>} : memref<8x128xf32, #tpu.memory_space<vmem>>, vector<16xf32>,
          %get3A_512 = arith.constant 3 : i32
          %get3A_513 = arith.index_cast %get3A_512 : i32 to index
          %get3A_514 = arith.constant 112 : index
          %get3A_515 = tpu.vector_load %arg16[%get3A_513, %get3A_514] {strides = array<i32>} : memref<8x128xf32, #tpu.memory_space<vmem>>, vector<16xf32>,
          %get3A_516 = arith.index_cast %scan3A_325 : i32 to index
          %get3A_517 = arith.constant 112 : index
          %get3A_518 = tpu.vector_load %arg15[%get3A_516, %get3A_517] {strides = array<i32>} : memref<16x128xf32, #tpu.memory_space<vmem>>, vector<16xf32>,
          %mul3A_519 = arith.mulf %get3A_518, %gather3A : vector<16xf32>
          %add3A_520 = arith.addf %get3A_515, %mul3A_519 : vector<16xf32>
          %swap3A_521 = arith.constant 3 : i32
          %swap3A_522 = arith.index_cast %swap3A_521 : i32 to index
          %swap3A_523 = arith.constant 112 : index
          %swap3A_524 = tpu.vector_load %arg16[%swap3A_522, %swap3A_523] {strides = array<i32>} : memref<8x128xf32, #tpu.memory_space<vmem>>, vector<16xf32>,
          tpu.vector_store %arg16[%swap3A_522, %swap3A_523], %add3A_520 {strides = array<i32>} : memref<8x128xf32, #tpu.memory_space<vmem>>, vector<16xf32>,
        } else {
        }
        %shift_right_arithmetic3A_403 = arith.constant 4 : i32
        %shift_right_arithmetic3A_404 = vector.broadcast %shift_right_arithmetic3A_403 : i32 to vector<16xi32>
        %shift_right_arithmetic3A_405 = arith.shrsi %gather3A_331, %shift_right_arithmetic3A_404 : vector<16xi32>
        %and3A_406 = arith.constant 1 : i32
        %and3A_407 = vector.broadcast %and3A_406 : i32 to vector<16xi32>
        %and3A_408 = arith.andi %shift_right_arithmetic3A_405, %and3A_407 : vector<16xi32>
        %gt3A_409 = arith.constant 0 : i32
        %gt3A_410 = vector.broadcast %gt3A_409 : i32 to vector<16xi32>
        %gt3A_411 = arith.cmpi sgt, %and3A_408, %gt3A_410 : vector<16xi32>
        %convert_element_type3A_412 = arith.extui %gt3A_411 : vector<16xi1> to vector<16xi32>
        %reduce_sum3A_413 = arith.constant true
        %reduce_sum3A_414 = vector.broadcast %reduce_sum3A_413 : i1 to vector<16xi1>
        %reduce_sum3A_415 = tpu.scan <sum>, %convert_element_type3A_412 masked %reduce_sum3A_414 : vector<16xi32>, vector<16xi1> -> vector<16xi32>
        %reduce_sum3A_416 = vector.extract %reduce_sum3A_415[15] : i32 from vector<16xi32>
        %gt3A_417 = arith.constant 0 : i32
        %gt3A_418 = arith.cmpi sgt, %reduce_sum3A_416, %gt3A_417 : i32
        %convert_element_type3A_419 = arith.extui %gt3A_418 : i1 to i32
        %cond3A_420 = arith.constant 0 : i32
        %cond3A_421 = arith.cmpi ne, %convert_element_type3A_419, %cond3A_420 : i32
        scf.if %cond3A_421 {
          %get3A = arith.constant 4 : i32
          %get3A_422 = arith.index_cast %get3A : i32 to index
          %get3A_423 = arith.constant 0 : index
          %get3A_424 = tpu.vector_load %arg16[%get3A_422, %get3A_423] {strides = array<i32>} : memref<8x128xf32, #tpu.memory_space<vmem>>, vector<16xf32>,
          %get3A_425 = arith.index_cast %scan3A_325 : i32 to index
          %get3A_426 = arith.constant 0 : index
          %get3A_427 = tpu.vector_load %arg15[%get3A_425, %get3A_426] {strides = array<i32>} : memref<16x128xf32, #tpu.memory_space<vmem>>, vector<16xf32>,
          %mul3A_428 = arith.mulf %get3A_427, %gather3A : vector<16xf32>
          %add3A_429 = arith.addf %get3A_424, %mul3A_428 : vector<16xf32>
          %swap3A_430 = arith.constant 4 : i32
          %swap3A_431 = arith.index_cast %swap3A_430 : i32 to index
          %swap3A_432 = arith.constant 0 : index
          %swap3A_433 = tpu.vector_load %arg16[%swap3A_431, %swap3A_432] {strides = array<i32>} : memref<8x128xf32, #tpu.memory_space<vmem>>, vector<16xf32>,
          tpu.vector_store %arg16[%swap3A_431, %swap3A_432], %add3A_429 {strides = array<i32>} : memref<8x128xf32, #tpu.memory_space<vmem>>, vector<16xf32>,
          %get3A_434 = arith.constant 4 : i32
          %get3A_435 = arith.index_cast %get3A_434 : i32 to index
          %get3A_436 = arith.constant 16 : index
          %get3A_437 = tpu.vector_load %arg16[%get3A_435, %get3A_436] {strides = array<i32>} : memref<8x128xf32, #tpu.memory_space<vmem>>, vector<16xf32>,
          %get3A_438 = arith.index_cast %scan3A_325 : i32 to index
          %get3A_439 = arith.constant 16 : index
          %get3A_440 = tpu.vector_load %arg15[%get3A_438, %get3A_439] {strides = array<i32>} : memref<16x128xf32, #tpu.memory_space<vmem>>, vector<16xf32>,
          %mul3A_441 = arith.mulf %get3A_440, %gather3A : vector<16xf32>
          %add3A_442 = arith.addf %get3A_437, %mul3A_441 : vector<16xf32>
          %swap3A_443 = arith.constant 4 : i32
          %swap3A_444 = arith.index_cast %swap3A_443 : i32 to index
          %swap3A_445 = arith.constant 16 : index
          %swap3A_446 = tpu.vector_load %arg16[%swap3A_444, %swap3A_445] {strides = array<i32>} : memref<8x128xf32, #tpu.memory_space<vmem>>, vector<16xf32>,
          tpu.vector_store %arg16[%swap3A_444, %swap3A_445], %add3A_442 {strides = array<i32>} : memref<8x128xf32, #tpu.memory_space<vmem>>, vector<16xf32>,
          %get3A_447 = arith.constant 4 : i32
          %get3A_448 = arith.index_cast %get3A_447 : i32 to index
          %get3A_449 = arith.constant 32 : index
          %get3A_450 = tpu.vector_load %arg16[%get3A_448, %get3A_449] {strides = array<i32>} : memref<8x128xf32, #tpu.memory_space<vmem>>, vector<16xf32>,
          %get3A_451 = arith.index_cast %scan3A_325 : i32 to index
          %get3A_452 = arith.constant 32 : index
          %get3A_453 = tpu.vector_load %arg15[%get3A_451, %get3A_452] {strides = array<i32>} : memref<16x128xf32, #tpu.memory_space<vmem>>, vector<16xf32>,
          %mul3A_454 = arith.mulf %get3A_453, %gather3A : vector<16xf32>
          %add3A_455 = arith.addf %get3A_450, %mul3A_454 : vector<16xf32>
          %swap3A_456 = arith.constant 4 : i32
          %swap3A_457 = arith.index_cast %swap3A_456 : i32 to index
          %swap3A_458 = arith.constant 32 : index
          %swap3A_459 = tpu.vector_load %arg16[%swap3A_457, %swap3A_458] {strides = array<i32>} : memref<8x128xf32, #tpu.memory_space<vmem>>, vector<16xf32>,
          tpu.vector_store %arg16[%swap3A_457, %swap3A_458], %add3A_455 {strides = array<i32>} : memref<8x128xf32, #tpu.memory_space<vmem>>, vector<16xf32>,
          %get3A_460 = arith.constant 4 : i32
          %get3A_461 = arith.index_cast %get3A_460 : i32 to index
          %get3A_462 = arith.constant 48 : index
          %get3A_463 = tpu.vector_load %arg16[%get3A_461, %get3A_462] {strides = array<i32>} : memref<8x128xf32, #tpu.memory_space<vmem>>, vector<16xf32>,
          %get3A_464 = arith.index_cast %scan3A_325 : i32 to index
          %get3A_465 = arith.constant 48 : index
          %get3A_466 = tpu.vector_load %arg15[%get3A_464, %get3A_465] {strides = array<i32>} : memref<16x128xf32, #tpu.memory_space<vmem>>, vector<16xf32>,
          %mul3A_467 = arith.mulf %get3A_466, %gather3A : vector<16xf32>
          %add3A_468 = arith.addf %get3A_463, %mul3A_467 : vector<16xf32>
          %swap3A_469 = arith.constant 4 : i32
          %swap3A_470 = arith.index_cast %swap3A_469 : i32 to index
          %swap3A_471 = arith.constant 48 : index
          %swap3A_472 = tpu.vector_load %arg16[%swap3A_470, %swap3A_471] {strides = array<i32>} : memref<8x128xf32, #tpu.memory_space<vmem>>, vector<16xf32>,
          tpu.vector_store %arg16[%swap3A_470, %swap3A_471], %add3A_468 {strides = array<i32>} : memref<8x128xf32, #tpu.memory_space<vmem>>, vector<16xf32>,
          %get3A_473 = arith.constant 4 : i32
          %get3A_474 = arith.index_cast %get3A_473 : i32 to index
          %get3A_475 = arith.constant 64 : index
          %get3A_476 = tpu.vector_load %arg16[%get3A_474, %get3A_475] {strides = array<i32>} : memref<8x128xf32, #tpu.memory_space<vmem>>, vector<16xf32>,
          %get3A_477 = arith.index_cast %scan3A_325 : i32 to index
          %get3A_478 = arith.constant 64 : index
          %get3A_479 = tpu.vector_load %arg15[%get3A_477, %get3A_478] {strides = array<i32>} : memref<16x128xf32, #tpu.memory_space<vmem>>, vector<16xf32>,
          %mul3A_480 = arith.mulf %get3A_479, %gather3A : vector<16xf32>
          %add3A_481 = arith.addf %get3A_476, %mul3A_480 : vector<16xf32>
          %swap3A_482 = arith.constant 4 : i32
          %swap3A_483 = arith.index_cast %swap3A_482 : i32 to index
          %swap3A_484 = arith.constant 64 : index
          %swap3A_485 = tpu.vector_load %arg16[%swap3A_483, %swap3A_484] {strides = array<i32>} : memref<8x128xf32, #tpu.memory_space<vmem>>, vector<16xf32>,
          tpu.vector_store %arg16[%swap3A_483, %swap3A_484], %add3A_481 {strides = array<i32>} : memref<8x128xf32, #tpu.memory_space<vmem>>, vector<16xf32>,
          %get3A_486 = arith.constant 4 : i32
          %get3A_487 = arith.index_cast %get3A_486 : i32 to index
          %get3A_488 = arith.constant 80 : index
          %get3A_489 = tpu.vector_load %arg16[%get3A_487, %get3A_488] {strides = array<i32>} : memref<8x128xf32, #tpu.memory_space<vmem>>, vector<16xf32>,
          %get3A_490 = arith.index_cast %scan3A_325 : i32 to index
          %get3A_491 = arith.constant 80 : index
          %get3A_492 = tpu.vector_load %arg15[%get3A_490, %get3A_491] {strides = array<i32>} : memref<16x128xf32, #tpu.memory_space<vmem>>, vector<16xf32>,
          %mul3A_493 = arith.mulf %get3A_492, %gather3A : vector<16xf32>
          %add3A_494 = arith.addf %get3A_489, %mul3A_493 : vector<16xf32>
          %swap3A_495 = arith.constant 4 : i32
          %swap3A_496 = arith.index_cast %swap3A_495 : i32 to index
          %swap3A_497 = arith.constant 80 : index
          %swap3A_498 = tpu.vector_load %arg16[%swap3A_496, %swap3A_497] {strides = array<i32>} : memref<8x128xf32, #tpu.memory_space<vmem>>, vector<16xf32>,
          tpu.vector_store %arg16[%swap3A_496, %swap3A_497], %add3A_494 {strides = array<i32>} : memref<8x128xf32, #tpu.memory_space<vmem>>, vector<16xf32>,
          %get3A_499 = arith.constant 4 : i32
          %get3A_500 = arith.index_cast %get3A_499 : i32 to index
          %get3A_501 = arith.constant 96 : index
          %get3A_502 = tpu.vector_load %arg16[%get3A_500, %get3A_501] {strides = array<i32>} : memref<8x128xf32, #tpu.memory_space<vmem>>, vector<16xf32>,
          %get3A_503 = arith.index_cast %scan3A_325 : i32 to index
          %get3A_504 = arith.constant 96 : index
          %get3A_505 = tpu.vector_load %arg15[%get3A_503, %get3A_504] {strides = array<i32>} : memref<16x128xf32, #tpu.memory_space<vmem>>, vector<16xf32>,
          %mul3A_506 = arith.mulf %get3A_505, %gather3A : vector<16xf32>
          %add3A_507 = arith.addf %get3A_502, %mul3A_506 : vector<16xf32>
          %swap3A_508 = arith.constant 4 : i32
          %swap3A_509 = arith.index_cast %swap3A_508 : i32 to index
          %swap3A_510 = arith.constant 96 : index
          %swap3A_511 = tpu.vector_load %arg16[%swap3A_509, %swap3A_510] {strides = array<i32>} : memref<8x128xf32, #tpu.memory_space<vmem>>, vector<16xf32>,
          tpu.vector_store %arg16[%swap3A_509, %swap3A_510], %add3A_507 {strides = array<i32>} : memref<8x128xf32, #tpu.memory_space<vmem>>, vector<16xf32>,
          %get3A_512 = arith.constant 4 : i32
          %get3A_513 = arith.index_cast %get3A_512 : i32 to index
          %get3A_514 = arith.constant 112 : index
          %get3A_515 = tpu.vector_load %arg16[%get3A_513, %get3A_514] {strides = array<i32>} : memref<8x128xf32, #tpu.memory_space<vmem>>, vector<16xf32>,
          %get3A_516 = arith.index_cast %scan3A_325 : i32 to index
          %get3A_517 = arith.constant 112 : index
          %get3A_518 = tpu.vector_load %arg15[%get3A_516, %get3A_517] {strides = array<i32>} : memref<16x128xf32, #tpu.memory_space<vmem>>, vector<16xf32>,
          %mul3A_519 = arith.mulf %get3A_518, %gather3A : vector<16xf32>
          %add3A_520 = arith.addf %get3A_515, %mul3A_519 : vector<16xf32>
          %swap3A_521 = arith.constant 4 : i32
          %swap3A_522 = arith.index_cast %swap3A_521 : i32 to index
          %swap3A_523 = arith.constant 112 : index
          %swap3A_524 = tpu.vector_load %arg16[%swap3A_522, %swap3A_523] {strides = array<i32>} : memref<8x128xf32, #tpu.memory_space<vmem>>, vector<16xf32>,
          tpu.vector_store %arg16[%swap3A_522, %swap3A_523], %add3A_520 {strides = array<i32>} : memref<8x128xf32, #tpu.memory_space<vmem>>, vector<16xf32>,
        } else {
        }
      }
      %scan3A_324 = arith.constant 16 : i32
    }
    "tpu.region"() ({
      %run_scoped3A = tpu.sem_alloc : memref<!tpu.dma_semaphore, #tpu.memory_space<semaphore_mem>>
      %dma_start3A = arith.constant 0 : i32
      %dma_start3A_310 = arith.constant 0 : i32
      %dma_start3A_311 = tpu.memref_slice %arg7[%add3A, %dma_start3A, %dma_start3A_310] : memref<32x8x128xf32, #tpu.memory_space<hbm>> -> memref<1x8x128xf32, #tpu.memory_space<hbm>>
      %dma_start3A_312 = tpu.memref_squeeze %dma_start3A_311 : memref<1x8x128xf32, #tpu.memory_space<hbm>> -> memref<8x128xf32, #tpu.memory_space<hbm>>
      %dma_start3A_313 = arith.constant 0 : i32
      %dma_start3A_314 = arith.constant 0 : i32
      %dma_start3A_315 = tpu.memref_slice %arg7[%add3A, %dma_start3A_313, %dma_start3A_314] : memref<32x8x128xf32, #tpu.memory_space<hbm>> -> memref<1x8x128xf32, #tpu.memory_space<hbm>>
      %dma_start3A_316 = tpu.memref_squeeze %dma_start3A_315 : memref<1x8x128xf32, #tpu.memory_space<hbm>> -> memref<8x128xf32, #tpu.memory_space<hbm>>
      tpu.enqueue_dma source(%arg16 : memref<8x128xf32, #tpu.memory_space<vmem>>) target(%dma_start3A_316 : memref<8x128xf32, #tpu.memory_space<hbm>>) target_semaphore(%run_scoped3A : memref<!tpu.dma_semaphore, #tpu.memory_space<semaphore_mem>>)
      %dma_wait3A = arith.constant 0 : i32
      %dma_wait3A_317 = arith.constant 0 : i32
      %dma_wait3A_318 = tpu.memref_slice %arg7[%add3A, %dma_wait3A, %dma_wait3A_317] : memref<32x8x128xf32, #tpu.memory_space<hbm>> -> memref<1x8x128xf32, #tpu.memory_space<hbm>>
      %dma_wait3A_319 = tpu.memref_squeeze %dma_wait3A_318 : memref<1x8x128xf32, #tpu.memory_space<hbm>> -> memref<8x128xf32, #tpu.memory_space<hbm>>
      %dma_wait3A_320 = arith.constant 0 : i32
      %dma_wait3A_321 = arith.constant 0 : i32
      %dma_wait3A_322 = tpu.memref_slice %arg7[%add3A, %dma_wait3A_320, %dma_wait3A_321] : memref<32x8x128xf32, #tpu.memory_space<hbm>> -> memref<1x8x128xf32, #tpu.memory_space<hbm>>
      %dma_wait3A_323 = tpu.memref_squeeze %dma_wait3A_322 : memref<1x8x128xf32, #tpu.memory_space<hbm>> -> memref<8x128xf32, #tpu.memory_space<hbm>>
      tpu.wait_dma2 semaphore(%run_scoped3A : memref<!tpu.dma_semaphore, #tpu.memory_space<semaphore_mem>>) src(%arg16 : memref<8x128xf32, #tpu.memory_space<vmem>>) dst(%dma_wait3A_323 : memref<8x128xf32, #tpu.memory_space<hbm>>)
      tpu.yield
    }) : () -> ()
    return
  }
}

#map = affine_map<(d0, d1) -> (0, 0)>
#map1 = affine_map<(d0, d1) -> (0)>
module attributes {stable_mosaic.version = 14 : i64} {
  func.func @sc_passA(%arg0: i32, %arg1: i32, %arg2: memref<2560x128xi32, #tpu.memory_space<hbm>>, %arg3: memref<2560x128xi32, #tpu.memory_space<hbm>>, %arg4: memref<10240xi32, #tpu.memory_space<hbm>>, %arg5: memref<20480xf32, #tpu.memory_space<hbm>>, %arg6: memref<20480xf32, #tpu.memory_space<hbm>>, %arg7: memref<10240xf32, #tpu.memory_space<vmem_shared>>, %arg8: memref<10240xf32, #tpu.memory_space<vmem_shared>>, %arg9: memref<10240xi32, #tpu.memory_space<vmem>>, %arg10: memref<80x128xi32, #tpu.memory_space<vmem>>, %arg11: memref<80x128xi32, #tpu.memory_space<vmem>>, %arg12: memref<128xi32, #tpu.memory_space<vmem>>, %arg13: memref<128xi32, #tpu.memory_space<vmem>>, %arg14: memref<128xf32, #tpu.memory_space<vmem>>, %arg15: memref<640xf32, #tpu.memory_space<vmem>>, %arg16: memref<!tpu.dma_semaphore, #tpu.memory_space<semaphore_mem>>, %arg17: memref<!tpu.dma_semaphore, #tpu.memory_space<semaphore_mem>>) attributes {dimension_semantics = [#tpu.dimension_semantics<core_parallel>, #tpu.dimension_semantics<subcore_parallel>], iteration_bounds = array<i64: 2, 16>, scalar_prefetch = 0 : i64, scratch_operands = 11 : i64, tpu.core_type = #tpu.core_type<sc_vector_subcore>, window_params = [{transform_indices = #map}, {transform_indices = #map}, {transform_indices = #map1}, {transform_indices = #map1}, {transform_indices = #map1}]} {
    %mul3A = arith.constant 16 : i32
    %mul3A_0 = arith.muli %arg0, %mul3A : i32
    %add3A = arith.addi %mul3A_0, %arg1 : i32
    %broadcast_in_dim3A = arith.constant 1.000000e+00 : f32
    %broadcast_in_dim3A_1 = vector.broadcast %broadcast_in_dim3A : f32 to vector<16xf32>
    %broadcast_in_dim3A_2 = arith.constant 0.000000e+00 : f32
    %broadcast_in_dim3A_3 = vector.broadcast %broadcast_in_dim3A_2 : f32 to vector<16xf32>
    %swap3A = arith.constant 0 : index
    %swap3A_4 = tpu.vector_load %arg14[%swap3A] {strides = array<i32>} : memref<128xf32, #tpu.memory_space<vmem>>, vector<16xf32>,
    tpu.vector_store %arg14[%swap3A], %broadcast_in_dim3A_1 {strides = array<i32>} : memref<128xf32, #tpu.memory_space<vmem>>, vector<16xf32>,
    %swap3A_5 = arith.constant 16 : index
    %swap3A_6 = tpu.vector_load %arg14[%swap3A_5] {strides = array<i32>} : memref<128xf32, #tpu.memory_space<vmem>>, vector<16xf32>,
    tpu.vector_store %arg14[%swap3A_5], %broadcast_in_dim3A_1 {strides = array<i32>} : memref<128xf32, #tpu.memory_space<vmem>>, vector<16xf32>,
    %swap3A_7 = arith.constant 32 : index
    %swap3A_8 = tpu.vector_load %arg14[%swap3A_7] {strides = array<i32>} : memref<128xf32, #tpu.memory_space<vmem>>, vector<16xf32>,
    tpu.vector_store %arg14[%swap3A_7], %broadcast_in_dim3A_1 {strides = array<i32>} : memref<128xf32, #tpu.memory_space<vmem>>, vector<16xf32>,
    %swap3A_9 = arith.constant 48 : index
    %swap3A_10 = tpu.vector_load %arg14[%swap3A_9] {strides = array<i32>} : memref<128xf32, #tpu.memory_space<vmem>>, vector<16xf32>,
    tpu.vector_store %arg14[%swap3A_9], %broadcast_in_dim3A_1 {strides = array<i32>} : memref<128xf32, #tpu.memory_space<vmem>>, vector<16xf32>,
    %swap3A_11 = arith.constant 64 : index
    %swap3A_12 = tpu.vector_load %arg14[%swap3A_11] {strides = array<i32>} : memref<128xf32, #tpu.memory_space<vmem>>, vector<16xf32>,
    tpu.vector_store %arg14[%swap3A_11], %broadcast_in_dim3A_1 {strides = array<i32>} : memref<128xf32, #tpu.memory_space<vmem>>, vector<16xf32>,
    %swap3A_13 = arith.constant 80 : index
    %swap3A_14 = tpu.vector_load %arg14[%swap3A_13] {strides = array<i32>} : memref<128xf32, #tpu.memory_space<vmem>>, vector<16xf32>,
    tpu.vector_store %arg14[%swap3A_13], %broadcast_in_dim3A_1 {strides = array<i32>} : memref<128xf32, #tpu.memory_space<vmem>>, vector<16xf32>,
    %swap3A_15 = arith.constant 96 : index
    %swap3A_16 = tpu.vector_load %arg14[%swap3A_15] {strides = array<i32>} : memref<128xf32, #tpu.memory_space<vmem>>, vector<16xf32>,
    tpu.vector_store %arg14[%swap3A_15], %broadcast_in_dim3A_1 {strides = array<i32>} : memref<128xf32, #tpu.memory_space<vmem>>, vector<16xf32>,
    %swap3A_17 = arith.constant 112 : index
    %swap3A_18 = tpu.vector_load %arg14[%swap3A_17] {strides = array<i32>} : memref<128xf32, #tpu.memory_space<vmem>>, vector<16xf32>,
    tpu.vector_store %arg14[%swap3A_17], %broadcast_in_dim3A_1 {strides = array<i32>} : memref<128xf32, #tpu.memory_space<vmem>>, vector<16xf32>,
    %scan3A = arith.constant 0 : i32
    %scan3A_19 = arith.constant 0 : i32
    %scan3A_20 = arith.constant 40 : i32
    %scan3A_21 = arith.addi %scan3A_19, %scan3A_20 : i32
    %scan3A_22 = arith.constant 1 : i32
    scf.for %scan3A_44 = %scan3A_19 to %scan3A_21 step %scan3A_22  : i32 {
      %mul3A_45 = arith.constant 16 : i32
      %mul3A_46 = arith.muli %scan3A_44, %mul3A_45 : i32
      %swap3A_47 = arith.index_cast %mul3A_46 : i32 to index
      %swap3A_48 = tpu.vector_load %arg15[%swap3A_47] {strides = array<i32>} : memref<640xf32, #tpu.memory_space<vmem>>, vector<16xf32>,
      tpu.vector_store %arg15[%swap3A_47], %broadcast_in_dim3A_3 {strides = array<i32>} : memref<640xf32, #tpu.memory_space<vmem>>, vector<16xf32>,
    }
    %scan3A_23 = arith.constant 40 : i32
    %mul3A_24 = arith.constant 640 : i32
    %mul3A_25 = arith.muli %arg1, %mul3A_24 : i32
    "tpu.region"() ({
      %run_scoped3A = tpu.sem_alloc : memref<!tpu.dma_semaphore, #tpu.memory_space<semaphore_mem>>
      %dma_start3A = tpu.memref_slice %arg7[%mul3A_25] : memref<10240xf32, #tpu.memory_space<vmem_shared>> -> memref<640xf32, #tpu.memory_space<vmem_shared>>
      %dma_start3A_44 = tpu.memref_slice %arg7[%mul3A_25] : memref<10240xf32, #tpu.memory_space<vmem_shared>> -> memref<640xf32, #tpu.memory_space<vmem_shared>>
      tpu.enqueue_dma source(%arg15 : memref<640xf32, #tpu.memory_space<vmem>>) target(%dma_start3A_44 : memref<640xf32, #tpu.memory_space<vmem_shared>>) target_semaphore(%run_scoped3A : memref<!tpu.dma_semaphore, #tpu.memory_space<semaphore_mem>>)
      %dma_wait3A = tpu.memref_slice %arg7[%mul3A_25] : memref<10240xf32, #tpu.memory_space<vmem_shared>> -> memref<640xf32, #tpu.memory_space<vmem_shared>>
      %dma_wait3A_45 = tpu.memref_slice %arg7[%mul3A_25] : memref<10240xf32, #tpu.memory_space<vmem_shared>> -> memref<640xf32, #tpu.memory_space<vmem_shared>>
      tpu.wait_dma2 semaphore(%run_scoped3A : memref<!tpu.dma_semaphore, #tpu.memory_space<semaphore_mem>>) src(%arg15 : memref<640xf32, #tpu.memory_space<vmem>>) dst(%dma_wait3A_45 : memref<640xf32, #tpu.memory_space<vmem_shared>>)
      tpu.yield
    }) : () -> ()
    %mul3A_26 = arith.constant 640 : i32
    %mul3A_27 = arith.muli %arg1, %mul3A_26 : i32
    "tpu.region"() ({
      %run_scoped3A = tpu.sem_alloc : memref<!tpu.dma_semaphore, #tpu.memory_space<semaphore_mem>>
      %dma_start3A = tpu.memref_slice %arg8[%mul3A_27] : memref<10240xf32, #tpu.memory_space<vmem_shared>> -> memref<640xf32, #tpu.memory_space<vmem_shared>>
      %dma_start3A_44 = tpu.memref_slice %arg8[%mul3A_27] : memref<10240xf32, #tpu.memory_space<vmem_shared>> -> memref<640xf32, #tpu.memory_space<vmem_shared>>
      tpu.enqueue_dma source(%arg15 : memref<640xf32, #tpu.memory_space<vmem>>) target(%dma_start3A_44 : memref<640xf32, #tpu.memory_space<vmem_shared>>) target_semaphore(%run_scoped3A : memref<!tpu.dma_semaphore, #tpu.memory_space<semaphore_mem>>)
      %dma_wait3A = tpu.memref_slice %arg8[%mul3A_27] : memref<10240xf32, #tpu.memory_space<vmem_shared>> -> memref<640xf32, #tpu.memory_space<vmem_shared>>
      %dma_wait3A_45 = tpu.memref_slice %arg8[%mul3A_27] : memref<10240xf32, #tpu.memory_space<vmem_shared>> -> memref<640xf32, #tpu.memory_space<vmem_shared>>
      tpu.wait_dma2 semaphore(%run_scoped3A : memref<!tpu.dma_semaphore, #tpu.memory_space<semaphore_mem>>) src(%arg15 : memref<640xf32, #tpu.memory_space<vmem>>) dst(%dma_wait3A_45 : memref<640xf32, #tpu.memory_space<vmem_shared>>)
      tpu.yield
    }) : () -> ()
    "tpu.region"() ({
      %run_scoped3A = tpu.sem_alloc : memref<!tpu.dma_semaphore, #tpu.memory_space<semaphore_mem>>
      tpu.enqueue_dma source(%arg4 : memref<10240xi32, #tpu.memory_space<hbm>>) target(%arg9 : memref<10240xi32, #tpu.memory_space<vmem>>) target_semaphore(%run_scoped3A : memref<!tpu.dma_semaphore, #tpu.memory_space<semaphore_mem>>)
      tpu.wait_dma2 semaphore(%run_scoped3A : memref<!tpu.dma_semaphore, #tpu.memory_space<semaphore_mem>>) src(%arg4 : memref<10240xi32, #tpu.memory_space<hbm>>) dst(%arg9 : memref<10240xi32, #tpu.memory_space<vmem>>)
      tpu.yield
    }) : () -> ()
    %barrier3A = arith.constant 0 : index
    tpu.barrier barrier_id(%barrier3A)
    %mul3A_28 = arith.constant 80 : i32
    %mul3A_29 = arith.muli %add3A, %mul3A_28 : i32
    "tpu.region"() ({
      %run_scoped3A = tpu.sem_alloc : memref<!tpu.dma_semaphore, #tpu.memory_space<semaphore_mem>>
      %dma_start3A = arith.constant 0 : i32
      %dma_start3A_44 = tpu.memref_slice %arg2[%mul3A_29, %dma_start3A] : memref<2560x128xi32, #tpu.memory_space<hbm>> -> memref<80x128xi32, #tpu.memory_space<hbm>>
      %dma_start3A_45 = arith.constant 0 : i32
      %dma_start3A_46 = tpu.memref_slice %arg2[%mul3A_29, %dma_start3A_45] : memref<2560x128xi32, #tpu.memory_space<hbm>> -> memref<80x128xi32, #tpu.memory_space<hbm>>
      tpu.enqueue_dma source(%dma_start3A_46 : memref<80x128xi32, #tpu.memory_space<hbm>>) target(%arg10 : memref<80x128xi32, #tpu.memory_space<vmem>>) target_semaphore(%run_scoped3A : memref<!tpu.dma_semaphore, #tpu.memory_space<semaphore_mem>>)
      %dma_wait3A = arith.constant 0 : i32
      %dma_wait3A_47 = tpu.memref_slice %arg2[%mul3A_29, %dma_wait3A] : memref<2560x128xi32, #tpu.memory_space<hbm>> -> memref<80x128xi32, #tpu.memory_space<hbm>>
      %dma_wait3A_48 = arith.constant 0 : i32
      %dma_wait3A_49 = tpu.memref_slice %arg2[%mul3A_29, %dma_wait3A_48] : memref<2560x128xi32, #tpu.memory_space<hbm>> -> memref<80x128xi32, #tpu.memory_space<hbm>>
      tpu.wait_dma2 semaphore(%run_scoped3A : memref<!tpu.dma_semaphore, #tpu.memory_space<semaphore_mem>>) src(%dma_wait3A_49 : memref<80x128xi32, #tpu.memory_space<hbm>>) dst(%arg10 : memref<80x128xi32, #tpu.memory_space<vmem>>)
      tpu.yield
    }) : () -> ()
    "tpu.region"() ({
      %run_scoped3A = tpu.sem_alloc : memref<!tpu.dma_semaphore, #tpu.memory_space<semaphore_mem>>
      %dma_start3A = arith.constant 0 : i32
      %dma_start3A_44 = tpu.memref_slice %arg3[%mul3A_29, %dma_start3A] : memref<2560x128xi32, #tpu.memory_space<hbm>> -> memref<80x128xi32, #tpu.memory_space<hbm>>
      %dma_start3A_45 = arith.constant 0 : i32
      %dma_start3A_46 = tpu.memref_slice %arg3[%mul3A_29, %dma_start3A_45] : memref<2560x128xi32, #tpu.memory_space<hbm>> -> memref<80x128xi32, #tpu.memory_space<hbm>>
      tpu.enqueue_dma source(%dma_start3A_46 : memref<80x128xi32, #tpu.memory_space<hbm>>) target(%arg11 : memref<80x128xi32, #tpu.memory_space<vmem>>) target_semaphore(%run_scoped3A : memref<!tpu.dma_semaphore, #tpu.memory_space<semaphore_mem>>)
      %dma_wait3A = arith.constant 0 : i32
      %dma_wait3A_47 = tpu.memref_slice %arg3[%mul3A_29, %dma_wait3A] : memref<2560x128xi32, #tpu.memory_space<hbm>> -> memref<80x128xi32, #tpu.memory_space<hbm>>
      %dma_wait3A_48 = arith.constant 0 : i32
      %dma_wait3A_49 = tpu.memref_slice %arg3[%mul3A_29, %dma_wait3A_48] : memref<2560x128xi32, #tpu.memory_space<hbm>> -> memref<80x128xi32, #tpu.memory_space<hbm>>
      tpu.wait_dma2 semaphore(%run_scoped3A : memref<!tpu.dma_semaphore, #tpu.memory_space<semaphore_mem>>) src(%dma_wait3A_49 : memref<80x128xi32, #tpu.memory_space<hbm>>) dst(%arg11 : memref<80x128xi32, #tpu.memory_space<vmem>>)
      tpu.yield
    }) : () -> ()
    %scan3A_30 = arith.constant 0 : i32
    %scan3A_31 = arith.constant 0 : i32
    %scan3A_32 = arith.constant 80 : i32
    %scan3A_33 = arith.addi %scan3A_31, %scan3A_32 : i32
    %scan3A_34 = arith.constant 1 : i32
    scf.for %scan3A_44 = %scan3A_31 to %scan3A_33 step %scan3A_34  : i32 {
      %get3A = arith.index_cast %scan3A_44 : i32 to index
      %get3A_45 = arith.constant 0 : index
      %get3A_46 = tpu.vector_load %arg11[%get3A, %get3A_45] {strides = array<i32>} : memref<80x128xi32, #tpu.memory_space<vmem>>, vector<16xi32>,
      %get3A_47 = arith.index_cast %scan3A_44 : i32 to index
      %get3A_48 = arith.constant 0 : index
      %get3A_49 = tpu.vector_load %arg10[%get3A_47, %get3A_48] {strides = array<i32>} : memref<80x128xi32, #tpu.memory_space<vmem>>, vector<16xi32>,
      %swap3A_50 = arith.constant 0 : index
      %swap3A_51 = tpu.vector_load %arg12[%swap3A_50] {strides = array<i32>} : memref<128xi32, #tpu.memory_space<vmem>>, vector<16xi32>,
      tpu.vector_store %arg12[%swap3A_50], %get3A_46 {strides = array<i32>} : memref<128xi32, #tpu.memory_space<vmem>>, vector<16xi32>,
      %gather3A = tpu.vector_load_idx %arg9[%get3A_46] : memref<10240xi32, #tpu.memory_space<vmem>>[vector<16xi32>], vector<16xi32>,
      %gt3A = arith.constant 0 : i32
      %gt3A_52 = vector.broadcast %gt3A : i32 to vector<16xi32>
      %gt3A_53 = arith.cmpi sgt, %gather3A, %gt3A_52 : vector<16xi32>
      %jit3A = arith.constant 10200 : i32
      %broadcast_in_dim3A_54 = vector.broadcast %jit3A : i32 to vector<16xi32>
      %select_n3A = arith.select %gt3A_53, %get3A_49, %broadcast_in_dim3A_54 : vector<16xi1>, vector<16xi32>
      %swap3A_55 = arith.constant 0 : index
      %swap3A_56 = tpu.vector_load %arg13[%swap3A_55] {strides = array<i32>} : memref<128xi32, #tpu.memory_space<vmem>>, vector<16xi32>,
      tpu.vector_store %arg13[%swap3A_55], %select_n3A {strides = array<i32>} : memref<128xi32, #tpu.memory_space<vmem>>, vector<16xi32>,
      %convert_element_type3A = arith.extui %gt3A_53 : vector<16xi1> to vector<16xi32>
      %reduce_sum3A = arith.constant true
      %reduce_sum3A_57 = vector.broadcast %reduce_sum3A : i1 to vector<16xi1>
      %reduce_sum3A_58 = tpu.scan <sum>, %convert_element_type3A masked %reduce_sum3A_57 : vector<16xi32>, vector<16xi1> -> vector<16xi32>
      %reduce_sum3A_59 = vector.extract %reduce_sum3A_58[15] : i32 from vector<16xi32>
      %add3A_60 = arith.constant 0 : i32
      %add3A_61 = arith.addi %add3A_60, %reduce_sum3A_59 : i32
      %get3A_62 = arith.index_cast %scan3A_44 : i32 to index
      %get3A_63 = arith.constant 16 : index
      %get3A_64 = tpu.vector_load %arg11[%get3A_62, %get3A_63] {strides = array<i32>} : memref<80x128xi32, #tpu.memory_space<vmem>>, vector<16xi32>,
      %get3A_65 = arith.index_cast %scan3A_44 : i32 to index
      %get3A_66 = arith.constant 16 : index
      %get3A_67 = tpu.vector_load %arg10[%get3A_65, %get3A_66] {strides = array<i32>} : memref<80x128xi32, #tpu.memory_space<vmem>>, vector<16xi32>,
      %swap3A_68 = arith.constant 16 : index
      %swap3A_69 = tpu.vector_load %arg12[%swap3A_68] {strides = array<i32>} : memref<128xi32, #tpu.memory_space<vmem>>, vector<16xi32>,
      tpu.vector_store %arg12[%swap3A_68], %get3A_64 {strides = array<i32>} : memref<128xi32, #tpu.memory_space<vmem>>, vector<16xi32>,
      %gather3A_70 = tpu.vector_load_idx %arg9[%get3A_64] : memref<10240xi32, #tpu.memory_space<vmem>>[vector<16xi32>], vector<16xi32>,
      %gt3A_71 = arith.constant 0 : i32
      %gt3A_72 = vector.broadcast %gt3A_71 : i32 to vector<16xi32>
      %gt3A_73 = arith.cmpi sgt, %gather3A_70, %gt3A_72 : vector<16xi32>
      %jit3A_74 = arith.constant 10200 : i32
      %broadcast_in_dim3A_75 = vector.broadcast %jit3A_74 : i32 to vector<16xi32>
      %select_n3A_76 = arith.select %gt3A_73, %get3A_67, %broadcast_in_dim3A_75 : vector<16xi1>, vector<16xi32>
      %swap3A_77 = arith.constant 16 : index
      %swap3A_78 = tpu.vector_load %arg13[%swap3A_77] {strides = array<i32>} : memref<128xi32, #tpu.memory_space<vmem>>, vector<16xi32>,
      tpu.vector_store %arg13[%swap3A_77], %select_n3A_76 {strides = array<i32>} : memref<128xi32, #tpu.memory_space<vmem>>, vector<16xi32>,
      %convert_element_type3A_79 = arith.extui %gt3A_73 : vector<16xi1> to vector<16xi32>
      %reduce_sum3A_80 = arith.constant true
      %reduce_sum3A_81 = vector.broadcast %reduce_sum3A_80 : i1 to vector<16xi1>
      %reduce_sum3A_82 = tpu.scan <sum>, %convert_element_type3A_79 masked %reduce_sum3A_81 : vector<16xi32>, vector<16xi1> -> vector<16xi32>
      %reduce_sum3A_83 = vector.extract %reduce_sum3A_82[15] : i32 from vector<16xi32>
      %add3A_84 = arith.addi %add3A_61, %reduce_sum3A_83 : i32
      %get3A_85 = arith.index_cast %scan3A_44 : i32 to index
      %get3A_86 = arith.constant 32 : index
      %get3A_87 = tpu.vector_load %arg11[%get3A_85, %get3A_86] {strides = array<i32>} : memref<80x128xi32, #tpu.memory_space<vmem>>, vector<16xi32>,
      %get3A_88 = arith.index_cast %scan3A_44 : i32 to index
      %get3A_89 = arith.constant 32 : index
      %get3A_90 = tpu.vector_load %arg10[%get3A_88, %get3A_89] {strides = array<i32>} : memref<80x128xi32, #tpu.memory_space<vmem>>, vector<16xi32>,
      %swap3A_91 = arith.constant 32 : index
      %swap3A_92 = tpu.vector_load %arg12[%swap3A_91] {strides = array<i32>} : memref<128xi32, #tpu.memory_space<vmem>>, vector<16xi32>,
      tpu.vector_store %arg12[%swap3A_91], %get3A_87 {strides = array<i32>} : memref<128xi32, #tpu.memory_space<vmem>>, vector<16xi32>,
      %gather3A_93 = tpu.vector_load_idx %arg9[%get3A_87] : memref<10240xi32, #tpu.memory_space<vmem>>[vector<16xi32>], vector<16xi32>,
      %gt3A_94 = arith.constant 0 : i32
      %gt3A_95 = vector.broadcast %gt3A_94 : i32 to vector<16xi32>
      %gt3A_96 = arith.cmpi sgt, %gather3A_93, %gt3A_95 : vector<16xi32>
      %jit3A_97 = arith.constant 10200 : i32
      %broadcast_in_dim3A_98 = vector.broadcast %jit3A_97 : i32 to vector<16xi32>
      %select_n3A_99 = arith.select %gt3A_96, %get3A_90, %broadcast_in_dim3A_98 : vector<16xi1>, vector<16xi32>
      %swap3A_100 = arith.constant 32 : index
      %swap3A_101 = tpu.vector_load %arg13[%swap3A_100] {strides = array<i32>} : memref<128xi32, #tpu.memory_space<vmem>>, vector<16xi32>,
      tpu.vector_store %arg13[%swap3A_100], %select_n3A_99 {strides = array<i32>} : memref<128xi32, #tpu.memory_space<vmem>>, vector<16xi32>,
      %convert_element_type3A_102 = arith.extui %gt3A_96 : vector<16xi1> to vector<16xi32>
      %reduce_sum3A_103 = arith.constant true
      %reduce_sum3A_104 = vector.broadcast %reduce_sum3A_103 : i1 to vector<16xi1>
      %reduce_sum3A_105 = tpu.scan <sum>, %convert_element_type3A_102 masked %reduce_sum3A_104 : vector<16xi32>, vector<16xi1> -> vector<16xi32>
      %reduce_sum3A_106 = vector.extract %reduce_sum3A_105[15] : i32 from vector<16xi32>
      %add3A_107 = arith.addi %add3A_84, %reduce_sum3A_106 : i32
      %get3A_108 = arith.index_cast %scan3A_44 : i32 to index
      %get3A_109 = arith.constant 48 : index
      %get3A_110 = tpu.vector_load %arg11[%get3A_108, %get3A_109] {strides = array<i32>} : memref<80x128xi32, #tpu.memory_space<vmem>>, vector<16xi32>,
      %get3A_111 = arith.index_cast %scan3A_44 : i32 to index
      %get3A_112 = arith.constant 48 : index
      %get3A_113 = tpu.vector_load %arg10[%get3A_111, %get3A_112] {strides = array<i32>} : memref<80x128xi32, #tpu.memory_space<vmem>>, vector<16xi32>,
      %swap3A_114 = arith.constant 48 : index
      %swap3A_115 = tpu.vector_load %arg12[%swap3A_114] {strides = array<i32>} : memref<128xi32, #tpu.memory_space<vmem>>, vector<16xi32>,
      tpu.vector_store %arg12[%swap3A_114], %get3A_110 {strides = array<i32>} : memref<128xi32, #tpu.memory_space<vmem>>, vector<16xi32>,
      %gather3A_116 = tpu.vector_load_idx %arg9[%get3A_110] : memref<10240xi32, #tpu.memory_space<vmem>>[vector<16xi32>], vector<16xi32>,
      %gt3A_117 = arith.constant 0 : i32
      %gt3A_118 = vector.broadcast %gt3A_117 : i32 to vector<16xi32>
      %gt3A_119 = arith.cmpi sgt, %gather3A_116, %gt3A_118 : vector<16xi32>
      %jit3A_120 = arith.constant 10200 : i32
      %broadcast_in_dim3A_121 = vector.broadcast %jit3A_120 : i32 to vector<16xi32>
      %select_n3A_122 = arith.select %gt3A_119, %get3A_113, %broadcast_in_dim3A_121 : vector<16xi1>, vector<16xi32>
      %swap3A_123 = arith.constant 48 : index
      %swap3A_124 = tpu.vector_load %arg13[%swap3A_123] {strides = array<i32>} : memref<128xi32, #tpu.memory_space<vmem>>, vector<16xi32>,
      tpu.vector_store %arg13[%swap3A_123], %select_n3A_122 {strides = array<i32>} : memref<128xi32, #tpu.memory_space<vmem>>, vector<16xi32>,
      %convert_element_type3A_125 = arith.extui %gt3A_119 : vector<16xi1> to vector<16xi32>
      %reduce_sum3A_126 = arith.constant true
      %reduce_sum3A_127 = vector.broadcast %reduce_sum3A_126 : i1 to vector<16xi1>
      %reduce_sum3A_128 = tpu.scan <sum>, %convert_element_type3A_125 masked %reduce_sum3A_127 : vector<16xi32>, vector<16xi1> -> vector<16xi32>
      %reduce_sum3A_129 = vector.extract %reduce_sum3A_128[15] : i32 from vector<16xi32>
      %add3A_130 = arith.addi %add3A_107, %reduce_sum3A_129 : i32
      %get3A_131 = arith.index_cast %scan3A_44 : i32 to index
      %get3A_132 = arith.constant 64 : index
      %get3A_133 = tpu.vector_load %arg11[%get3A_131, %get3A_132] {strides = array<i32>} : memref<80x128xi32, #tpu.memory_space<vmem>>, vector<16xi32>,
      %get3A_134 = arith.index_cast %scan3A_44 : i32 to index
      %get3A_135 = arith.constant 64 : index
      %get3A_136 = tpu.vector_load %arg10[%get3A_134, %get3A_135] {strides = array<i32>} : memref<80x128xi32, #tpu.memory_space<vmem>>, vector<16xi32>,
      %swap3A_137 = arith.constant 64 : index
      %swap3A_138 = tpu.vector_load %arg12[%swap3A_137] {strides = array<i32>} : memref<128xi32, #tpu.memory_space<vmem>>, vector<16xi32>,
      tpu.vector_store %arg12[%swap3A_137], %get3A_133 {strides = array<i32>} : memref<128xi32, #tpu.memory_space<vmem>>, vector<16xi32>,
      %gather3A_139 = tpu.vector_load_idx %arg9[%get3A_133] : memref<10240xi32, #tpu.memory_space<vmem>>[vector<16xi32>], vector<16xi32>,
      %gt3A_140 = arith.constant 0 : i32
      %gt3A_141 = vector.broadcast %gt3A_140 : i32 to vector<16xi32>
      %gt3A_142 = arith.cmpi sgt, %gather3A_139, %gt3A_141 : vector<16xi32>
      %jit3A_143 = arith.constant 10200 : i32
      %broadcast_in_dim3A_144 = vector.broadcast %jit3A_143 : i32 to vector<16xi32>
      %select_n3A_145 = arith.select %gt3A_142, %get3A_136, %broadcast_in_dim3A_144 : vector<16xi1>, vector<16xi32>
      %swap3A_146 = arith.constant 64 : index
      %swap3A_147 = tpu.vector_load %arg13[%swap3A_146] {strides = array<i32>} : memref<128xi32, #tpu.memory_space<vmem>>, vector<16xi32>,
      tpu.vector_store %arg13[%swap3A_146], %select_n3A_145 {strides = array<i32>} : memref<128xi32, #tpu.memory_space<vmem>>, vector<16xi32>,
      %convert_element_type3A_148 = arith.extui %gt3A_142 : vector<16xi1> to vector<16xi32>
      %reduce_sum3A_149 = arith.constant true
      %reduce_sum3A_150 = vector.broadcast %reduce_sum3A_149 : i1 to vector<16xi1>
      %reduce_sum3A_151 = tpu.scan <sum>, %convert_element_type3A_148 masked %reduce_sum3A_150 : vector<16xi32>, vector<16xi1> -> vector<16xi32>
      %reduce_sum3A_152 = vector.extract %reduce_sum3A_151[15] : i32 from vector<16xi32>
      %add3A_153 = arith.addi %add3A_130, %reduce_sum3A_152 : i32
      %get3A_154 = arith.index_cast %scan3A_44 : i32 to index
      %get3A_155 = arith.constant 80 : index
      %get3A_156 = tpu.vector_load %arg11[%get3A_154, %get3A_155] {strides = array<i32>} : memref<80x128xi32, #tpu.memory_space<vmem>>, vector<16xi32>,
      %get3A_157 = arith.index_cast %scan3A_44 : i32 to index
      %get3A_158 = arith.constant 80 : index
      %get3A_159 = tpu.vector_load %arg10[%get3A_157, %get3A_158] {strides = array<i32>} : memref<80x128xi32, #tpu.memory_space<vmem>>, vector<16xi32>,
      %swap3A_160 = arith.constant 80 : index
      %swap3A_161 = tpu.vector_load %arg12[%swap3A_160] {strides = array<i32>} : memref<128xi32, #tpu.memory_space<vmem>>, vector<16xi32>,
      tpu.vector_store %arg12[%swap3A_160], %get3A_156 {strides = array<i32>} : memref<128xi32, #tpu.memory_space<vmem>>, vector<16xi32>,
      %gather3A_162 = tpu.vector_load_idx %arg9[%get3A_156] : memref<10240xi32, #tpu.memory_space<vmem>>[vector<16xi32>], vector<16xi32>,
      %gt3A_163 = arith.constant 0 : i32
      %gt3A_164 = vector.broadcast %gt3A_163 : i32 to vector<16xi32>
      %gt3A_165 = arith.cmpi sgt, %gather3A_162, %gt3A_164 : vector<16xi32>
      %jit3A_166 = arith.constant 10200 : i32
      %broadcast_in_dim3A_167 = vector.broadcast %jit3A_166 : i32 to vector<16xi32>
      %select_n3A_168 = arith.select %gt3A_165, %get3A_159, %broadcast_in_dim3A_167 : vector<16xi1>, vector<16xi32>
      %swap3A_169 = arith.constant 80 : index
      %swap3A_170 = tpu.vector_load %arg13[%swap3A_169] {strides = array<i32>} : memref<128xi32, #tpu.memory_space<vmem>>, vector<16xi32>,
      tpu.vector_store %arg13[%swap3A_169], %select_n3A_168 {strides = array<i32>} : memref<128xi32, #tpu.memory_space<vmem>>, vector<16xi32>,
      %convert_element_type3A_171 = arith.extui %gt3A_165 : vector<16xi1> to vector<16xi32>
      %reduce_sum3A_172 = arith.constant true
      %reduce_sum3A_173 = vector.broadcast %reduce_sum3A_172 : i1 to vector<16xi1>
      %reduce_sum3A_174 = tpu.scan <sum>, %convert_element_type3A_171 masked %reduce_sum3A_173 : vector<16xi32>, vector<16xi1> -> vector<16xi32>
      %reduce_sum3A_175 = vector.extract %reduce_sum3A_174[15] : i32 from vector<16xi32>
      %add3A_176 = arith.addi %add3A_153, %reduce_sum3A_175 : i32
      %get3A_177 = arith.index_cast %scan3A_44 : i32 to index
      %get3A_178 = arith.constant 96 : index
      %get3A_179 = tpu.vector_load %arg11[%get3A_177, %get3A_178] {strides = array<i32>} : memref<80x128xi32, #tpu.memory_space<vmem>>, vector<16xi32>,
      %get3A_180 = arith.index_cast %scan3A_44 : i32 to index
      %get3A_181 = arith.constant 96 : index
      %get3A_182 = tpu.vector_load %arg10[%get3A_180, %get3A_181] {strides = array<i32>} : memref<80x128xi32, #tpu.memory_space<vmem>>, vector<16xi32>,
      %swap3A_183 = arith.constant 96 : index
      %swap3A_184 = tpu.vector_load %arg12[%swap3A_183] {strides = array<i32>} : memref<128xi32, #tpu.memory_space<vmem>>, vector<16xi32>,
      tpu.vector_store %arg12[%swap3A_183], %get3A_179 {strides = array<i32>} : memref<128xi32, #tpu.memory_space<vmem>>, vector<16xi32>,
      %gather3A_185 = tpu.vector_load_idx %arg9[%get3A_179] : memref<10240xi32, #tpu.memory_space<vmem>>[vector<16xi32>], vector<16xi32>,
      %gt3A_186 = arith.constant 0 : i32
      %gt3A_187 = vector.broadcast %gt3A_186 : i32 to vector<16xi32>
      %gt3A_188 = arith.cmpi sgt, %gather3A_185, %gt3A_187 : vector<16xi32>
      %jit3A_189 = arith.constant 10200 : i32
      %broadcast_in_dim3A_190 = vector.broadcast %jit3A_189 : i32 to vector<16xi32>
      %select_n3A_191 = arith.select %gt3A_188, %get3A_182, %broadcast_in_dim3A_190 : vector<16xi1>, vector<16xi32>
      %swap3A_192 = arith.constant 96 : index
      %swap3A_193 = tpu.vector_load %arg13[%swap3A_192] {strides = array<i32>} : memref<128xi32, #tpu.memory_space<vmem>>, vector<16xi32>,
      tpu.vector_store %arg13[%swap3A_192], %select_n3A_191 {strides = array<i32>} : memref<128xi32, #tpu.memory_space<vmem>>, vector<16xi32>,
      %convert_element_type3A_194 = arith.extui %gt3A_188 : vector<16xi1> to vector<16xi32>
      %reduce_sum3A_195 = arith.constant true
      %reduce_sum3A_196 = vector.broadcast %reduce_sum3A_195 : i1 to vector<16xi1>
      %reduce_sum3A_197 = tpu.scan <sum>, %convert_element_type3A_194 masked %reduce_sum3A_196 : vector<16xi32>, vector<16xi1> -> vector<16xi32>
      %reduce_sum3A_198 = vector.extract %reduce_sum3A_197[15] : i32 from vector<16xi32>
      %add3A_199 = arith.addi %add3A_176, %reduce_sum3A_198 : i32
      %get3A_200 = arith.index_cast %scan3A_44 : i32 to index
      %get3A_201 = arith.constant 112 : index
      %get3A_202 = tpu.vector_load %arg11[%get3A_200, %get3A_201] {strides = array<i32>} : memref<80x128xi32, #tpu.memory_space<vmem>>, vector<16xi32>,
      %get3A_203 = arith.index_cast %scan3A_44 : i32 to index
      %get3A_204 = arith.constant 112 : index
      %get3A_205 = tpu.vector_load %arg10[%get3A_203, %get3A_204] {strides = array<i32>} : memref<80x128xi32, #tpu.memory_space<vmem>>, vector<16xi32>,
      %swap3A_206 = arith.constant 112 : index
      %swap3A_207 = tpu.vector_load %arg12[%swap3A_206] {strides = array<i32>} : memref<128xi32, #tpu.memory_space<vmem>>, vector<16xi32>,
      tpu.vector_store %arg12[%swap3A_206], %get3A_202 {strides = array<i32>} : memref<128xi32, #tpu.memory_space<vmem>>, vector<16xi32>,
      %gather3A_208 = tpu.vector_load_idx %arg9[%get3A_202] : memref<10240xi32, #tpu.memory_space<vmem>>[vector<16xi32>], vector<16xi32>,
      %gt3A_209 = arith.constant 0 : i32
      %gt3A_210 = vector.broadcast %gt3A_209 : i32 to vector<16xi32>
      %gt3A_211 = arith.cmpi sgt, %gather3A_208, %gt3A_210 : vector<16xi32>
      %jit3A_212 = arith.constant 10200 : i32
      %broadcast_in_dim3A_213 = vector.broadcast %jit3A_212 : i32 to vector<16xi32>
      %select_n3A_214 = arith.select %gt3A_211, %get3A_205, %broadcast_in_dim3A_213 : vector<16xi1>, vector<16xi32>
      %swap3A_215 = arith.constant 112 : index
      %swap3A_216 = tpu.vector_load %arg13[%swap3A_215] {strides = array<i32>} : memref<128xi32, #tpu.memory_space<vmem>>, vector<16xi32>,
      tpu.vector_store %arg13[%swap3A_215], %select_n3A_214 {strides = array<i32>} : memref<128xi32, #tpu.memory_space<vmem>>, vector<16xi32>,
      %convert_element_type3A_217 = arith.extui %gt3A_211 : vector<16xi1> to vector<16xi32>
      %reduce_sum3A_218 = arith.constant true
      %reduce_sum3A_219 = vector.broadcast %reduce_sum3A_218 : i1 to vector<16xi1>
      %reduce_sum3A_220 = tpu.scan <sum>, %convert_element_type3A_217 masked %reduce_sum3A_219 : vector<16xi32>, vector<16xi1> -> vector<16xi32>
      %reduce_sum3A_221 = vector.extract %reduce_sum3A_220[15] : i32 from vector<16xi32>
      %add3A_222 = arith.addi %add3A_199, %reduce_sum3A_221 : i32
      %dma_start3A = arith.constant 0 : i32
      %dma_start3A_223 = tpu.memref_slice %arg7[%dma_start3A] : memref<10240xf32, #tpu.memory_space<vmem_shared>> -> memref<10240xf32, #tpu.memory_space<vmem_shared>>
      tpu.enqueue_indirect_dma source(%arg14 : memref<128xf32, #tpu.memory_space<vmem>>) target(%dma_start3A_223 : memref<10240xf32, #tpu.memory_space<vmem_shared>>) offsets(%arg12 : memref<128xi32, #tpu.memory_space<vmem>>) semaphore(%arg16 : memref<!tpu.dma_semaphore, #tpu.memory_space<semaphore_mem>>) {add = true}
      %gt3A_224 = arith.constant 0 : i32
      %gt3A_225 = arith.cmpi sgt, %add3A_222, %gt3A_224 : i32
      %convert_element_type3A_226 = arith.extui %gt3A_225 : i1 to i32
      %cond3A = arith.constant 0 : i32
      %cond3A_227 = arith.cmpi ne, %convert_element_type3A_226, %cond3A : i32
      scf.if %cond3A_227 {
        %dma_start3A_229 = arith.constant 0 : i32
        %dma_start3A_230 = tpu.memref_slice %arg8[%dma_start3A_229] : memref<10240xf32, #tpu.memory_space<vmem_shared>> -> memref<10240xf32, #tpu.memory_space<vmem_shared>>
        tpu.enqueue_indirect_dma source(%arg14 : memref<128xf32, #tpu.memory_space<vmem>>) target(%dma_start3A_230 : memref<10240xf32, #tpu.memory_space<vmem_shared>>) offsets(%arg13 : memref<128xi32, #tpu.memory_space<vmem>>) semaphore(%arg17 : memref<!tpu.dma_semaphore, #tpu.memory_space<semaphore_mem>>) {add = true}
        %dma_wait3A_231 = arith.constant 0 : i32
        %dma_wait3A_232 = tpu.memref_slice %arg8[%dma_wait3A_231] : memref<10240xf32, #tpu.memory_space<vmem_shared>> -> memref<10240xf32, #tpu.memory_space<vmem_shared>>
        tpu.wait_indirect_dma semaphore(%arg17 : memref<!tpu.dma_semaphore, #tpu.memory_space<semaphore_mem>>) src(%arg14 : memref<128xf32, #tpu.memory_space<vmem>>) dst(%dma_wait3A_232 : memref<10240xf32, #tpu.memory_space<vmem_shared>>)
      } else {
      }
      %dma_wait3A = arith.constant 0 : i32
      %dma_wait3A_228 = tpu.memref_slice %arg7[%dma_wait3A] : memref<10240xf32, #tpu.memory_space<vmem_shared>> -> memref<10240xf32, #tpu.memory_space<vmem_shared>>
      tpu.wait_indirect_dma semaphore(%arg16 : memref<!tpu.dma_semaphore, #tpu.memory_space<semaphore_mem>>) src(%arg14 : memref<128xf32, #tpu.memory_space<vmem>>) dst(%dma_wait3A_228 : memref<10240xf32, #tpu.memory_space<vmem_shared>>)
    }
    %scan3A_35 = arith.constant 80 : i32
    %barrier3A_36 = arith.constant 0 : index
    tpu.barrier barrier_id(%barrier3A_36)
    %mul3A_37 = arith.constant 640 : i32
    %mul3A_38 = arith.muli %arg1, %mul3A_37 : i32
    %mul3A_39 = arith.constant 10240 : i32
    %mul3A_40 = arith.muli %arg0, %mul3A_39 : i32
    %mul3A_41 = arith.constant 640 : i32
    %mul3A_42 = arith.muli %arg1, %mul3A_41 : i32
    %add3A_43 = arith.addi %mul3A_40, %mul3A_42 : i32
    "tpu.region"() ({
      %run_scoped3A = tpu.sem_alloc : memref<!tpu.dma_semaphore, #tpu.memory_space<semaphore_mem>>
      %dma_start3A = tpu.memref_slice %arg5[%add3A_43] : memref<20480xf32, #tpu.memory_space<hbm>> -> memref<640xf32, #tpu.memory_space<hbm>>
      %dma_start3A_44 = tpu.memref_slice %arg7[%mul3A_38] : memref<10240xf32, #tpu.memory_space<vmem_shared>> -> memref<640xf32, #tpu.memory_space<vmem_shared>>
      tpu.enqueue_dma source(%dma_start3A_44 : memref<640xf32, #tpu.memory_space<vmem_shared>>) target(%dma_start3A : memref<640xf32, #tpu.memory_space<hbm>>) target_semaphore(%run_scoped3A : memref<!tpu.dma_semaphore, #tpu.memory_space<semaphore_mem>>)
      %dma_wait3A = tpu.memref_slice %arg5[%add3A_43] : memref<20480xf32, #tpu.memory_space<hbm>> -> memref<640xf32, #tpu.memory_space<hbm>>
      %dma_wait3A_45 = tpu.memref_slice %arg7[%mul3A_38] : memref<10240xf32, #tpu.memory_space<vmem_shared>> -> memref<640xf32, #tpu.memory_space<vmem_shared>>
      tpu.wait_dma2 semaphore(%run_scoped3A : memref<!tpu.dma_semaphore, #tpu.memory_space<semaphore_mem>>) src(%dma_wait3A_45 : memref<640xf32, #tpu.memory_space<vmem_shared>>) dst(%dma_wait3A : memref<640xf32, #tpu.memory_space<hbm>>)
      tpu.yield
    }) : () -> ()
    "tpu.region"() ({
      %run_scoped3A = tpu.sem_alloc : memref<!tpu.dma_semaphore, #tpu.memory_space<semaphore_mem>>
      %dma_start3A = tpu.memref_slice %arg6[%add3A_43] : memref<20480xf32, #tpu.memory_space<hbm>> -> memref<640xf32, #tpu.memory_space<hbm>>
      %dma_start3A_44 = tpu.memref_slice %arg8[%mul3A_38] : memref<10240xf32, #tpu.memory_space<vmem_shared>> -> memref<640xf32, #tpu.memory_space<vmem_shared>>
      tpu.enqueue_dma source(%dma_start3A_44 : memref<640xf32, #tpu.memory_space<vmem_shared>>) target(%dma_start3A : memref<640xf32, #tpu.memory_space<hbm>>) target_semaphore(%run_scoped3A : memref<!tpu.dma_semaphore, #tpu.memory_space<semaphore_mem>>)
      %dma_wait3A = tpu.memref_slice %arg6[%add3A_43] : memref<20480xf32, #tpu.memory_space<hbm>> -> memref<640xf32, #tpu.memory_space<hbm>>
      %dma_wait3A_45 = tpu.memref_slice %arg8[%mul3A_38] : memref<10240xf32, #tpu.memory_space<vmem_shared>> -> memref<640xf32, #tpu.memory_space<vmem_shared>>
      tpu.wait_dma2 semaphore(%run_scoped3A : memref<!tpu.dma_semaphore, #tpu.memory_space<semaphore_mem>>) src(%dma_wait3A_45 : memref<640xf32, #tpu.memory_space<vmem_shared>>) dst(%dma_wait3A : memref<640xf32, #tpu.memory_space<hbm>>)
      tpu.yield
    }) : () -> ()
    return
  }
}

module attributes {stable_mosaic.version = 14 : i64} {
  func.func @_qmap_body(%arg0: memref<8xi32, #tpu.memory_space<smem>>, %arg1: memref<80x128xi32, #tpu.memory_space<vmem>>) attributes {dimension_semantics = [], scalar_prefetch = 0 : i64, scratch_operands = 0 : i64, tpu.core_type = #tpu.core_type<tc>} {
    %iota3A = tpu.iota {dimensions = array<i32: 0>} : vector<80x128xi32>
    %mul3A = arith.constant 128 : i32
    %mul3A_0 = vector.broadcast %mul3A : i32 to vector<80x128xi32>
    %mul3A_1 = arith.muli %iota3A, %mul3A_0 : vector<80x128xi32>
    %iota3A_2 = tpu.iota {dimensions = array<i32: 1>} : vector<80x128xi32>
    %add3A = arith.addi %mul3A_1, %iota3A_2 : vector<80x128xi32>
    %broadcast_in_dim3A = arith.constant 0 : i32
    %broadcast_in_dim3A_3 = vector.broadcast %broadcast_in_dim3A : i32 to vector<80x128xi32>
    %get3A = arith.constant 0 : index
    %get3A_4 = memref.load %arg0[%get3A] : memref<8xi32, #tpu.memory_space<smem>>
    %eq3A = vector.broadcast %get3A_4 : i32 to vector<80x128xi32>
    %eq3A_5 = arith.cmpi eq, %add3A, %eq3A : vector<80x128xi32>
    %convert_element_type3A = arith.extui %eq3A_5 : vector<80x128xi1> to vector<80x128xi32>
    %shift_left3A = arith.constant 0 : i32
    %shift_left3A_6 = vector.broadcast %shift_left3A : i32 to vector<80x128xi32>
    %shift_left3A_7 = arith.shli %convert_element_type3A, %shift_left3A_6 : vector<80x128xi32>
    %or3A = arith.ori %broadcast_in_dim3A_3, %shift_left3A_7 : vector<80x128xi32>
    %get3A_8 = arith.constant 1 : index
    %get3A_9 = memref.load %arg0[%get3A_8] : memref<8xi32, #tpu.memory_space<smem>>
    %eq3A_10 = vector.broadcast %get3A_9 : i32 to vector<80x128xi32>
    %eq3A_11 = arith.cmpi eq, %add3A, %eq3A_10 : vector<80x128xi32>
    %convert_element_type3A_12 = arith.extui %eq3A_11 : vector<80x128xi1> to vector<80x128xi32>
    %shift_left3A_13 = arith.constant 1 : i32
    %shift_left3A_14 = vector.broadcast %shift_left3A_13 : i32 to vector<80x128xi32>
    %shift_left3A_15 = arith.shli %convert_element_type3A_12, %shift_left3A_14 : vector<80x128xi32>
    %or3A_16 = arith.ori %or3A, %shift_left3A_15 : vector<80x128xi32>
    %get3A_17 = arith.constant 2 : index
    %get3A_18 = memref.load %arg0[%get3A_17] : memref<8xi32, #tpu.memory_space<smem>>
    %eq3A_19 = vector.broadcast %get3A_18 : i32 to vector<80x128xi32>
    %eq3A_20 = arith.cmpi eq, %add3A, %eq3A_19 : vector<80x128xi32>
    %convert_element_type3A_21 = arith.extui %eq3A_20 : vector<80x128xi1> to vector<80x128xi32>
    %shift_left3A_22 = arith.constant 2 : i32
    %shift_left3A_23 = vector.broadcast %shift_left3A_22 : i32 to vector<80x128xi32>
    %shift_left3A_24 = arith.shli %convert_element_type3A_21, %shift_left3A_23 : vector<80x128xi32>
    %or3A_25 = arith.ori %or3A_16, %shift_left3A_24 : vector<80x128xi32>
    %get3A_26 = arith.constant 3 : index
    %get3A_27 = memref.load %arg0[%get3A_26] : memref<8xi32, #tpu.memory_space<smem>>
    %eq3A_28 = vector.broadcast %get3A_27 : i32 to vector<80x128xi32>
    %eq3A_29 = arith.cmpi eq, %add3A, %eq3A_28 : vector<80x128xi32>
    %convert_element_type3A_30 = arith.extui %eq3A_29 : vector<80x128xi1> to vector<80x128xi32>
    %shift_left3A_31 = arith.constant 3 : i32
    %shift_left3A_32 = vector.broadcast %shift_left3A_31 : i32 to vector<80x128xi32>
    %shift_left3A_33 = arith.shli %convert_element_type3A_30, %shift_left3A_32 : vector<80x128xi32>
    %or3A_34 = arith.ori %or3A_25, %shift_left3A_33 : vector<80x128xi32>
    %get3A_35 = arith.constant 4 : index
    %get3A_36 = memref.load %arg0[%get3A_35] : memref<8xi32, #tpu.memory_space<smem>>
    %eq3A_37 = vector.broadcast %get3A_36 : i32 to vector<80x128xi32>
    %eq3A_38 = arith.cmpi eq, %add3A, %eq3A_37 : vector<80x128xi32>
    %convert_element_type3A_39 = arith.extui %eq3A_38 : vector<80x128xi1> to vector<80x128xi32>
    %shift_left3A_40 = arith.constant 4 : i32
    %shift_left3A_41 = vector.broadcast %shift_left3A_40 : i32 to vector<80x128xi32>
    %shift_left3A_42 = arith.shli %convert_element_type3A_39, %shift_left3A_41 : vector<80x128xi32>
    %or3A_43 = arith.ori %or3A_34, %shift_left3A_42 : vector<80x128xi32>
    %swap3A = arith.constant 0 : index
    %swap3A_44 = arith.constant 0 : index
    %swap3A_45 = vector.load %arg1[%swap3A, %swap3A_44] : memref<80x128xi32, #tpu.memory_space<vmem>>, vector<80x128xi32>
    tpu.vector_store %arg1[%swap3A, %swap3A_44], %or3A_43 {strides = array<i32>} : memref<80x128xi32, #tpu.memory_space<vmem>>, vector<80x128xi32>,
    return
  }
}

module attributes {stable_mosaic.version = 14 : i64} {
  func.func @_prep_body(%arg0: memref<2x80x128xf32, #tpu.memory_space<vmem>>, %arg1: memref<2x80x128xf32, #tpu.memory_space<vmem>>, %arg2: memref<80x128xi32, #tpu.memory_space<vmem>>, %arg3: memref<80x128xf32, #tpu.memory_space<vmem>>, %arg4: memref<80x128xf32, #tpu.memory_space<vmem>>) attributes {dimension_semantics = [], scalar_prefetch = 0 : i64, scratch_operands = 0 : i64, tpu.core_type = #tpu.core_type<tc>} {
    %iota3A = tpu.iota {dimensions = array<i32: 0>} : vector<80x128xi32>
    %mul3A = arith.constant 128 : i32
    %mul3A_0 = vector.broadcast %mul3A : i32 to vector<80x128xi32>
    %mul3A_1 = arith.muli %iota3A, %mul3A_0 : vector<80x128xi32>
    %iota3A_2 = tpu.iota {dimensions = array<i32: 1>} : vector<80x128xi32>
    %add3A = arith.addi %mul3A_1, %iota3A_2 : vector<80x128xi32>
    %get3A = arith.constant 0 : index
    %get3A_3 = arith.constant 0 : index
    %get3A_4 = arith.constant 0 : index
    %get3A_5 = vector.load %arg0[%get3A, %get3A_3, %get3A_4] : memref<2x80x128xf32, #tpu.memory_space<vmem>>, vector<1x80x128xf32>
    %get3A_6 = vector.shape_cast %get3A_5 : vector<1x80x128xf32> to vector<80x128xf32>
    %get3A_7 = arith.constant 1 : index
    %get3A_8 = arith.constant 0 : index
    %get3A_9 = arith.constant 0 : index
    %get3A_10 = vector.load %arg0[%get3A_7, %get3A_8, %get3A_9] : memref<2x80x128xf32, #tpu.memory_space<vmem>>, vector<1x80x128xf32>
    %get3A_11 = vector.shape_cast %get3A_10 : vector<1x80x128xf32> to vector<80x128xf32>
    %add3A_12 = arith.addf %get3A_6, %get3A_11 : vector<80x128xf32>
    %add3A_13 = arith.constant 1.000000e+00 : f32
    %add3A_14 = vector.broadcast %add3A_13 : f32 to vector<80x128xf32>
    %add3A_15 = arith.addf %add3A_12, %add3A_14 : vector<80x128xf32>
    %rsqrt3A = math.rsqrt %add3A_15 : vector<80x128xf32>
    %swap3A = arith.constant 0 : index
    %swap3A_16 = arith.constant 0 : index
    %swap3A_17 = vector.load %arg3[%swap3A, %swap3A_16] : memref<80x128xf32, #tpu.memory_space<vmem>>, vector<80x128xf32>
    tpu.vector_store %arg3[%swap3A, %swap3A_16], %rsqrt3A {strides = array<i32>} : memref<80x128xf32, #tpu.memory_space<vmem>>, vector<80x128xf32>,
    %get3A_18 = arith.constant 0 : index
    %get3A_19 = arith.constant 0 : index
    %get3A_20 = arith.constant 0 : index
    %get3A_21 = vector.load %arg1[%get3A_18, %get3A_19, %get3A_20] : memref<2x80x128xf32, #tpu.memory_space<vmem>>, vector<1x80x128xf32>
    %get3A_22 = vector.shape_cast %get3A_21 : vector<1x80x128xf32> to vector<80x128xf32>
    %get3A_23 = arith.constant 1 : index
    %get3A_24 = arith.constant 0 : index
    %get3A_25 = arith.constant 0 : index
    %get3A_26 = vector.load %arg1[%get3A_23, %get3A_24, %get3A_25] : memref<2x80x128xf32, #tpu.memory_space<vmem>>, vector<1x80x128xf32>
    %get3A_27 = vector.shape_cast %get3A_26 : vector<1x80x128xf32> to vector<80x128xf32>
    %add3A_28 = arith.addf %get3A_22, %get3A_27 : vector<80x128xf32>
    %gt3A = arith.constant 0.000000e+00 : f32
    %gt3A_29 = vector.broadcast %gt3A : f32 to vector<80x128xf32>
    %gt3A_30 = arith.cmpf ogt, %add3A_28, %gt3A_29 : vector<80x128xf32>
    %get3A_31 = arith.constant 0 : index
    %get3A_32 = arith.constant 0 : index
    %get3A_33 = vector.load %arg2[%get3A_31, %get3A_32] : memref<80x128xi32, #tpu.memory_space<vmem>>, vector<80x128xi32>
    %gt3A_34 = arith.constant 0 : i32
    %gt3A_35 = vector.broadcast %gt3A_34 : i32 to vector<80x128xi32>
    %gt3A_36 = arith.cmpi sgt, %get3A_33, %gt3A_35 : vector<80x128xi32>
    %or3A = arith.ori %gt3A_30, %gt3A_36 : vector<80x128xi1>
    %lt3A = arith.constant 10000 : i32
    %lt3A_37 = vector.broadcast %lt3A : i32 to vector<80x128xi32>
    %lt3A_38 = arith.cmpi slt, %add3A, %lt3A_37 : vector<80x128xi32>
    %and3A = arith.andi %or3A, %lt3A_38 : vector<80x128xi1>
    %neg3A = arith.constant 0.000000e+00 : f32
    %neg3A_39 = vector.broadcast %neg3A : f32 to vector<80x128xf32>
    %neg3A_40 = arith.subf %neg3A_39, %rsqrt3A : vector<80x128xf32>
    %select_n3A = arith.select %and3A, %rsqrt3A, %neg3A_40 : vector<80x128xi1>, vector<80x128xf32>
    %swap3A_41 = arith.constant 0 : index
    %swap3A_42 = arith.constant 0 : index
    %swap3A_43 = vector.load %arg4[%swap3A_41, %swap3A_42] : memref<80x128xf32, #tpu.memory_space<vmem>>, vector<80x128xf32>
    tpu.vector_store %arg4[%swap3A_41, %swap3A_42], %select_n3A {strides = array<i32>} : memref<80x128xf32, #tpu.memory_space<vmem>>, vector<80x128xf32>,
    return
  }
}

module attributes {stable_mosaic.version = 14 : i64} {
  func.func @_h1_body(%arg0: i32, %arg1: memref<2x1024x128xf32, #tpu.memory_space<vmem>>, %arg2: memref<128x128xf32, #tpu.memory_space<vmem>>, %arg3: memref<1x128xf32, #tpu.memory_space<vmem>>, %arg4: memref<1024x128xf32, #tpu.memory_space<vmem>>) attributes {dimension_semantics = [#tpu.dimension_semantics<arbitrary>], iteration_bounds = array<i64: 10>, scalar_prefetch = 0 : i64, scratch_operands = 0 : i64, tpu.core_type = #tpu.core_type<tc>, window_params = [{transform_indices = @transform_0, window_bounds = array<i64: 2, 1024, 128>}, {pipeline_mode = #tpu.pipeline_mode<synchronous>, transform_indices = @transform_1, window_bounds = array<i64: 128, 128>}, {pipeline_mode = #tpu.pipeline_mode<synchronous>, transform_indices = @transform_2, window_bounds = array<i64: 1, 128>}, {transform_indices = @transform_3, window_bounds = array<i64: 1024, 128>}]} {
    %get3A = arith.constant 0 : index
    %get3A_0 = arith.constant 0 : index
    %get3A_1 = arith.constant 0 : index
    %get3A_2 = vector.load %arg1[%get3A, %get3A_0, %get3A_1] : memref<2x1024x128xf32, #tpu.memory_space<vmem>>, vector<1x1024x128xf32>
    %get3A_3 = vector.shape_cast %get3A_2 : vector<1x1024x128xf32> to vector<1024x128xf32>
    %get3A_4 = arith.constant 1 : index
    %get3A_5 = arith.constant 0 : index
    %get3A_6 = arith.constant 0 : index
    %get3A_7 = vector.load %arg1[%get3A_4, %get3A_5, %get3A_6] : memref<2x1024x128xf32, #tpu.memory_space<vmem>>, vector<1x1024x128xf32>
    %get3A_8 = vector.shape_cast %get3A_7 : vector<1x1024x128xf32> to vector<1024x128xf32>
    %add3A = arith.addf %get3A_3, %get3A_8 : vector<1024x128xf32>
    %get3A_9 = arith.constant 0 : index
    %get3A_10 = arith.constant 0 : index
    %get3A_11 = vector.load %arg2[%get3A_9, %get3A_10] : memref<128x128xf32, #tpu.memory_space<vmem>>, vector<128x128xf32>
    %dot_general3A = arith.constant dense<0.000000e+00> : vector<1024x128xf32>
    %dot_general3A_12 = tpu.matmul %add3A, %get3A_11, %dot_general3A {dimension_numbers = #tpu.dot_dimension_numbers<[1], [1], [0], [0], [0, 0, 1, 0], [], []>, transpose_lhs_hint = false} : vector<1024x128xf32>, vector<128x128xf32>, vector<1024x128xf32> -> vector<1024x128xf32>
    %get3A_13 = arith.constant 0 : index
    %get3A_14 = arith.constant 0 : index
    %get3A_15 = vector.load %arg3[%get3A_13, %get3A_14] : memref<1x128xf32, #tpu.memory_space<vmem>>, vector<1x128xf32>
    %add3A_16 = vector.broadcast %get3A_15 : vector<1x128xf32> to vector<1024x128xf32>
    %add3A_17 = arith.addf %dot_general3A_12, %add3A_16 : vector<1024x128xf32>
    %max3A = arith.constant 0.000000e+00 : f32
    %max3A_18 = vector.broadcast %max3A : f32 to vector<1024x128xf32>
    %max3A_19 = arith.maximumf %add3A_17, %max3A_18 : vector<1024x128xf32>
    %swap3A = arith.constant 0 : index
    %swap3A_20 = arith.constant 0 : index
    %swap3A_21 = vector.load %arg4[%swap3A, %swap3A_20] : memref<1024x128xf32, #tpu.memory_space<vmem>>, vector<1024x128xf32>
    tpu.vector_store %arg4[%swap3A, %swap3A_20], %max3A_19 {strides = array<i32>} : memref<1024x128xf32, #tpu.memory_space<vmem>>, vector<1024x128xf32>,
    return
  }
  func.func @transform_0(%arg0: i32) -> (i32, i32, i32) {
    %c0_i32 = arith.constant 0 : i32
    %c0_i32_0 = arith.constant 0 : i32
    %c0_i32_1 = arith.constant 0 : i32
    return %c0_i32, %arg0, %c0_i32_0 : i32, i32, i32
  }
  func.func @transform_1(%arg0: i32) -> (i32, i32) {
    %c0_i32 = arith.constant 0 : i32
    %c0_i32_0 = arith.constant 0 : i32
    %c0_i32_1 = arith.constant 0 : i32
    return %c0_i32, %c0_i32_0 : i32, i32
  }
  func.func @transform_2(%arg0: i32) -> (i32, i32) {
    %c0_i32 = arith.constant 0 : i32
    %c0_i32_0 = arith.constant 0 : i32
    %c0_i32_1 = arith.constant 0 : i32
    return %c0_i32, %c0_i32_0 : i32, i32
  }
  func.func @transform_3(%arg0: i32) -> (i32, i32) {
    %c0_i32 = arith.constant 0 : i32
    %c0_i32_0 = arith.constant 0 : i32
    return %arg0, %c0_i32 : i32, i32
  }
}

module attributes {stable_mosaic.version = 14 : i64} {
  func.func @_head_body(%arg0: memref<32x8x128xf32, #tpu.memory_space<vmem>>, %arg1: memref<128x128xf32, #tpu.memory_space<vmem>>, %arg2: memref<1x128xf32, #tpu.memory_space<vmem>>, %arg3: memref<256x640xf32, #tpu.memory_space<vmem>>, %arg4: memref<256x128xf32, #tpu.memory_space<vmem>>, %arg5: memref<1x256xf32, #tpu.memory_space<vmem>>, %arg6: memref<256x256xf32, #tpu.memory_space<vmem>>, %arg7: memref<1x256xf32, #tpu.memory_space<vmem>>, %arg8: memref<1x128xf32, #tpu.memory_space<vmem>>, %arg9: memref<1x256xf32, #tpu.memory_space<vmem>>) attributes {dimension_semantics = [], scalar_prefetch = 0 : i64, scratch_operands = 0 : i64, tpu.core_type = #tpu.core_type<tc>} {
    %get3A = arith.constant 0 : index
    %get3A_0 = arith.constant 0 : index
    %get3A_1 = arith.constant 0 : index
    %get3A_2 = vector.load %arg0[%get3A, %get3A_0, %get3A_1] : memref<32x8x128xf32, #tpu.memory_space<vmem>>, vector<1x8x128xf32>
    %get3A_3 = vector.shape_cast %get3A_2 : vector<1x8x128xf32> to vector<8x128xf32>
    %get3A_4 = arith.constant 1 : index
    %get3A_5 = arith.constant 0 : index
    %get3A_6 = arith.constant 0 : index
    %get3A_7 = vector.load %arg0[%get3A_4, %get3A_5, %get3A_6] : memref<32x8x128xf32, #tpu.memory_space<vmem>>, vector<1x8x128xf32>
    %get3A_8 = vector.shape_cast %get3A_7 : vector<1x8x128xf32> to vector<8x128xf32>
    %add3A = arith.addf %get3A_3, %get3A_8 : vector<8x128xf32>
    %get3A_9 = arith.constant 2 : index
    %get3A_10 = arith.constant 0 : index
    %get3A_11 = arith.constant 0 : index
    %get3A_12 = vector.load %arg0[%get3A_9, %get3A_10, %get3A_11] : memref<32x8x128xf32, #tpu.memory_space<vmem>>, vector<1x8x128xf32>
    %get3A_13 = vector.shape_cast %get3A_12 : vector<1x8x128xf32> to vector<8x128xf32>
    %add3A_14 = arith.addf %add3A, %get3A_13 : vector<8x128xf32>
    %get3A_15 = arith.constant 3 : index
    %get3A_16 = arith.constant 0 : index
    %get3A_17 = arith.constant 0 : index
    %get3A_18 = vector.load %arg0[%get3A_15, %get3A_16, %get3A_17] : memref<32x8x128xf32, #tpu.memory_space<vmem>>, vector<1x8x128xf32>
    %get3A_19 = vector.shape_cast %get3A_18 : vector<1x8x128xf32> to vector<8x128xf32>
    %add3A_20 = arith.addf %add3A_14, %get3A_19 : vector<8x128xf32>
    %get3A_21 = arith.constant 4 : index
    %get3A_22 = arith.constant 0 : index
    %get3A_23 = arith.constant 0 : index
    %get3A_24 = vector.load %arg0[%get3A_21, %get3A_22, %get3A_23] : memref<32x8x128xf32, #tpu.memory_space<vmem>>, vector<1x8x128xf32>
    %get3A_25 = vector.shape_cast %get3A_24 : vector<1x8x128xf32> to vector<8x128xf32>
    %add3A_26 = arith.addf %add3A_20, %get3A_25 : vector<8x128xf32>
    %get3A_27 = arith.constant 5 : index
    %get3A_28 = arith.constant 0 : index
    %get3A_29 = arith.constant 0 : index
    %get3A_30 = vector.load %arg0[%get3A_27, %get3A_28, %get3A_29] : memref<32x8x128xf32, #tpu.memory_space<vmem>>, vector<1x8x128xf32>
    %get3A_31 = vector.shape_cast %get3A_30 : vector<1x8x128xf32> to vector<8x128xf32>
    %add3A_32 = arith.addf %add3A_26, %get3A_31 : vector<8x128xf32>
    %get3A_33 = arith.constant 6 : index
    %get3A_34 = arith.constant 0 : index
    %get3A_35 = arith.constant 0 : index
    %get3A_36 = vector.load %arg0[%get3A_33, %get3A_34, %get3A_35] : memref<32x8x128xf32, #tpu.memory_space<vmem>>, vector<1x8x128xf32>
    %get3A_37 = vector.shape_cast %get3A_36 : vector<1x8x128xf32> to vector<8x128xf32>
    %add3A_38 = arith.addf %add3A_32, %get3A_37 : vector<8x128xf32>
    %get3A_39 = arith.constant 7 : index
    %get3A_40 = arith.constant 0 : index
    %get3A_41 = arith.constant 0 : index
    %get3A_42 = vector.load %arg0[%get3A_39, %get3A_40, %get3A_41] : memref<32x8x128xf32, #tpu.memory_space<vmem>>, vector<1x8x128xf32>
    %get3A_43 = vector.shape_cast %get3A_42 : vector<1x8x128xf32> to vector<8x128xf32>
    %add3A_44 = arith.addf %add3A_38, %get3A_43 : vector<8x128xf32>
    %get3A_45 = arith.constant 8 : index
    %get3A_46 = arith.constant 0 : index
    %get3A_47 = arith.constant 0 : index
    %get3A_48 = vector.load %arg0[%get3A_45, %get3A_46, %get3A_47] : memref<32x8x128xf32, #tpu.memory_space<vmem>>, vector<1x8x128xf32>
    %get3A_49 = vector.shape_cast %get3A_48 : vector<1x8x128xf32> to vector<8x128xf32>
    %add3A_50 = arith.addf %add3A_44, %get3A_49 : vector<8x128xf32>
    %get3A_51 = arith.constant 9 : index
    %get3A_52 = arith.constant 0 : index
    %get3A_53 = arith.constant 0 : index
    %get3A_54 = vector.load %arg0[%get3A_51, %get3A_52, %get3A_53] : memref<32x8x128xf32, #tpu.memory_space<vmem>>, vector<1x8x128xf32>
    %get3A_55 = vector.shape_cast %get3A_54 : vector<1x8x128xf32> to vector<8x128xf32>
    %add3A_56 = arith.addf %add3A_50, %get3A_55 : vector<8x128xf32>
    %get3A_57 = arith.constant 10 : index
    %get3A_58 = arith.constant 0 : index
    %get3A_59 = arith.constant 0 : index
    %get3A_60 = vector.load %arg0[%get3A_57, %get3A_58, %get3A_59] : memref<32x8x128xf32, #tpu.memory_space<vmem>>, vector<1x8x128xf32>
    %get3A_61 = vector.shape_cast %get3A_60 : vector<1x8x128xf32> to vector<8x128xf32>
    %add3A_62 = arith.addf %add3A_56, %get3A_61 : vector<8x128xf32>
    %get3A_63 = arith.constant 11 : index
    %get3A_64 = arith.constant 0 : index
    %get3A_65 = arith.constant 0 : index
    %get3A_66 = vector.load %arg0[%get3A_63, %get3A_64, %get3A_65] : memref<32x8x128xf32, #tpu.memory_space<vmem>>, vector<1x8x128xf32>
    %get3A_67 = vector.shape_cast %get3A_66 : vector<1x8x128xf32> to vector<8x128xf32>
    %add3A_68 = arith.addf %add3A_62, %get3A_67 : vector<8x128xf32>
    %get3A_69 = arith.constant 12 : index
    %get3A_70 = arith.constant 0 : index
    %get3A_71 = arith.constant 0 : index
    %get3A_72 = vector.load %arg0[%get3A_69, %get3A_70, %get3A_71] : memref<32x8x128xf32, #tpu.memory_space<vmem>>, vector<1x8x128xf32>
    %get3A_73 = vector.shape_cast %get3A_72 : vector<1x8x128xf32> to vector<8x128xf32>
    %add3A_74 = arith.addf %add3A_68, %get3A_73 : vector<8x128xf32>
    %get3A_75 = arith.constant 13 : index
    %get3A_76 = arith.constant 0 : index
    %get3A_77 = arith.constant 0 : index
    %get3A_78 = vector.load %arg0[%get3A_75, %get3A_76, %get3A_77] : memref<32x8x128xf32, #tpu.memory_space<vmem>>, vector<1x8x128xf32>
    %get3A_79 = vector.shape_cast %get3A_78 : vector<1x8x128xf32> to vector<8x128xf32>
    %add3A_80 = arith.addf %add3A_74, %get3A_79 : vector<8x128xf32>
    %get3A_81 = arith.constant 14 : index
    %get3A_82 = arith.constant 0 : index
    %get3A_83 = arith.constant 0 : index
    %get3A_84 = vector.load %arg0[%get3A_81, %get3A_82, %get3A_83] : memref<32x8x128xf32, #tpu.memory_space<vmem>>, vector<1x8x128xf32>
    %get3A_85 = vector.shape_cast %get3A_84 : vector<1x8x128xf32> to vector<8x128xf32>
    %add3A_86 = arith.addf %add3A_80, %get3A_85 : vector<8x128xf32>
    %get3A_87 = arith.constant 15 : index
    %get3A_88 = arith.constant 0 : index
    %get3A_89 = arith.constant 0 : index
    %get3A_90 = vector.load %arg0[%get3A_87, %get3A_88, %get3A_89] : memref<32x8x128xf32, #tpu.memory_space<vmem>>, vector<1x8x128xf32>
    %get3A_91 = vector.shape_cast %get3A_90 : vector<1x8x128xf32> to vector<8x128xf32>
    %add3A_92 = arith.addf %add3A_86, %get3A_91 : vector<8x128xf32>
    %get3A_93 = arith.constant 16 : index
    %get3A_94 = arith.constant 0 : index
    %get3A_95 = arith.constant 0 : index
    %get3A_96 = vector.load %arg0[%get3A_93, %get3A_94, %get3A_95] : memref<32x8x128xf32, #tpu.memory_space<vmem>>, vector<1x8x128xf32>
    %get3A_97 = vector.shape_cast %get3A_96 : vector<1x8x128xf32> to vector<8x128xf32>
    %add3A_98 = arith.addf %add3A_92, %get3A_97 : vector<8x128xf32>
    %get3A_99 = arith.constant 17 : index
    %get3A_100 = arith.constant 0 : index
    %get3A_101 = arith.constant 0 : index
    %get3A_102 = vector.load %arg0[%get3A_99, %get3A_100, %get3A_101] : memref<32x8x128xf32, #tpu.memory_space<vmem>>, vector<1x8x128xf32>
    %get3A_103 = vector.shape_cast %get3A_102 : vector<1x8x128xf32> to vector<8x128xf32>
    %add3A_104 = arith.addf %add3A_98, %get3A_103 : vector<8x128xf32>
    %get3A_105 = arith.constant 18 : index
    %get3A_106 = arith.constant 0 : index
    %get3A_107 = arith.constant 0 : index
    %get3A_108 = vector.load %arg0[%get3A_105, %get3A_106, %get3A_107] : memref<32x8x128xf32, #tpu.memory_space<vmem>>, vector<1x8x128xf32>
    %get3A_109 = vector.shape_cast %get3A_108 : vector<1x8x128xf32> to vector<8x128xf32>
    %add3A_110 = arith.addf %add3A_104, %get3A_109 : vector<8x128xf32>
    %get3A_111 = arith.constant 19 : index
    %get3A_112 = arith.constant 0 : index
    %get3A_113 = arith.constant 0 : index
    %get3A_114 = vector.load %arg0[%get3A_111, %get3A_112, %get3A_113] : memref<32x8x128xf32, #tpu.memory_space<vmem>>, vector<1x8x128xf32>
    %get3A_115 = vector.shape_cast %get3A_114 : vector<1x8x128xf32> to vector<8x128xf32>
    %add3A_116 = arith.addf %add3A_110, %get3A_115 : vector<8x128xf32>
    %get3A_117 = arith.constant 20 : index
    %get3A_118 = arith.constant 0 : index
    %get3A_119 = arith.constant 0 : index
    %get3A_120 = vector.load %arg0[%get3A_117, %get3A_118, %get3A_119] : memref<32x8x128xf32, #tpu.memory_space<vmem>>, vector<1x8x128xf32>
    %get3A_121 = vector.shape_cast %get3A_120 : vector<1x8x128xf32> to vector<8x128xf32>
    %add3A_122 = arith.addf %add3A_116, %get3A_121 : vector<8x128xf32>
    %get3A_123 = arith.constant 21 : index
    %get3A_124 = arith.constant 0 : index
    %get3A_125 = arith.constant 0 : index
    %get3A_126 = vector.load %arg0[%get3A_123, %get3A_124, %get3A_125] : memref<32x8x128xf32, #tpu.memory_space<vmem>>, vector<1x8x128xf32>
    %get3A_127 = vector.shape_cast %get3A_126 : vector<1x8x128xf32> to vector<8x128xf32>
    %add3A_128 = arith.addf %add3A_122, %get3A_127 : vector<8x128xf32>
    %get3A_129 = arith.constant 22 : index
    %get3A_130 = arith.constant 0 : index
    %get3A_131 = arith.constant 0 : index
    %get3A_132 = vector.load %arg0[%get3A_129, %get3A_130, %get3A_131] : memref<32x8x128xf32, #tpu.memory_space<vmem>>, vector<1x8x128xf32>
    %get3A_133 = vector.shape_cast %get3A_132 : vector<1x8x128xf32> to vector<8x128xf32>
    %add3A_134 = arith.addf %add3A_128, %get3A_133 : vector<8x128xf32>
    %get3A_135 = arith.constant 23 : index
    %get3A_136 = arith.constant 0 : index
    %get3A_137 = arith.constant 0 : index
    %get3A_138 = vector.load %arg0[%get3A_135, %get3A_136, %get3A_137] : memref<32x8x128xf32, #tpu.memory_space<vmem>>, vector<1x8x128xf32>
    %get3A_139 = vector.shape_cast %get3A_138 : vector<1x8x128xf32> to vector<8x128xf32>
    %add3A_140 = arith.addf %add3A_134, %get3A_139 : vector<8x128xf32>
    %get3A_141 = arith.constant 24 : index
    %get3A_142 = arith.constant 0 : index
    %get3A_143 = arith.constant 0 : index
    %get3A_144 = vector.load %arg0[%get3A_141, %get3A_142, %get3A_143] : memref<32x8x128xf32, #tpu.memory_space<vmem>>, vector<1x8x128xf32>
    %get3A_145 = vector.shape_cast %get3A_144 : vector<1x8x128xf32> to vector<8x128xf32>
    %add3A_146 = arith.addf %add3A_140, %get3A_145 : vector<8x128xf32>
    %get3A_147 = arith.constant 25 : index
    %get3A_148 = arith.constant 0 : index
    %get3A_149 = arith.constant 0 : index
    %get3A_150 = vector.load %arg0[%get3A_147, %get3A_148, %get3A_149] : memref<32x8x128xf32, #tpu.memory_space<vmem>>, vector<1x8x128xf32>
    %get3A_151 = vector.shape_cast %get3A_150 : vector<1x8x128xf32> to vector<8x128xf32>
    %add3A_152 = arith.addf %add3A_146, %get3A_151 : vector<8x128xf32>
    %get3A_153 = arith.constant 26 : index
    %get3A_154 = arith.constant 0 : index
    %get3A_155 = arith.constant 0 : index
    %get3A_156 = vector.load %arg0[%get3A_153, %get3A_154, %get3A_155] : memref<32x8x128xf32, #tpu.memory_space<vmem>>, vector<1x8x128xf32>
    %get3A_157 = vector.shape_cast %get3A_156 : vector<1x8x128xf32> to vector<8x128xf32>
    %add3A_158 = arith.addf %add3A_152, %get3A_157 : vector<8x128xf32>
    %get3A_159 = arith.constant 27 : index
    %get3A_160 = arith.constant 0 : index
    %get3A_161 = arith.constant 0 : index
    %get3A_162 = vector.load %arg0[%get3A_159, %get3A_160, %get3A_161] : memref<32x8x128xf32, #tpu.memory_space<vmem>>, vector<1x8x128xf32>
    %get3A_163 = vector.shape_cast %get3A_162 : vector<1x8x128xf32> to vector<8x128xf32>
    %add3A_164 = arith.addf %add3A_158, %get3A_163 : vector<8x128xf32>
    %get3A_165 = arith.constant 28 : index
    %get3A_166 = arith.constant 0 : index
    %get3A_167 = arith.constant 0 : index
    %get3A_168 = vector.load %arg0[%get3A_165, %get3A_166, %get3A_167] : memref<32x8x128xf32, #tpu.memory_space<vmem>>, vector<1x8x128xf32>
    %get3A_169 = vector.shape_cast %get3A_168 : vector<1x8x128xf32> to vector<8x128xf32>
    %add3A_170 = arith.addf %add3A_164, %get3A_169 : vector<8x128xf32>
    %get3A_171 = arith.constant 29 : index
    %get3A_172 = arith.constant 0 : index
    %get3A_173 = arith.constant 0 : index
    %get3A_174 = vector.load %arg0[%get3A_171, %get3A_172, %get3A_173] : memref<32x8x128xf32, #tpu.memory_space<vmem>>, vector<1x8x128xf32>
    %get3A_175 = vector.shape_cast %get3A_174 : vector<1x8x128xf32> to vector<8x128xf32>
    %add3A_176 = arith.addf %add3A_170, %get3A_175 : vector<8x128xf32>
    %get3A_177 = arith.constant 30 : index
    %get3A_178 = arith.constant 0 : index
    %get3A_179 = arith.constant 0 : index
    %get3A_180 = vector.load %arg0[%get3A_177, %get3A_178, %get3A_179] : memref<32x8x128xf32, #tpu.memory_space<vmem>>, vector<1x8x128xf32>
    %get3A_181 = vector.shape_cast %get3A_180 : vector<1x8x128xf32> to vector<8x128xf32>
    %add3A_182 = arith.addf %add3A_176, %get3A_181 : vector<8x128xf32>
    %get3A_183 = arith.constant 31 : index
    %get3A_184 = arith.constant 0 : index
    %get3A_185 = arith.constant 0 : index
    %get3A_186 = vector.load %arg0[%get3A_183, %get3A_184, %get3A_185] : memref<32x8x128xf32, #tpu.memory_space<vmem>>, vector<1x8x128xf32>
    %get3A_187 = vector.shape_cast %get3A_186 : vector<1x8x128xf32> to vector<8x128xf32>
    %add3A_188 = arith.addf %add3A_182, %get3A_187 : vector<8x128xf32>
    %get3A_189 = arith.constant 0 : index
    %get3A_190 = arith.constant 0 : index
    %get3A_191 = vector.load %arg1[%get3A_189, %get3A_190] : memref<128x128xf32, #tpu.memory_space<vmem>>, vector<128x128xf32>
    %dot_general3A = arith.constant dense<0.000000e+00> : vector<8x128xf32>
    %dot_general3A_192 = tpu.matmul %add3A_188, %get3A_191, %dot_general3A {dimension_numbers = #tpu.dot_dimension_numbers<[1], [1], [0], [0], [0, 0, 1, 0], [], []>, transpose_lhs_hint = false} : vector<8x128xf32>, vector<128x128xf32>, vector<8x128xf32> -> vector<8x128xf32>
    %get3A_193 = arith.constant 0 : index
    %get3A_194 = arith.constant 0 : index
    %get3A_195 = vector.load %arg2[%get3A_193, %get3A_194] : memref<1x128xf32, #tpu.memory_space<vmem>>, vector<1x128xf32>
    %add3A_196 = vector.broadcast %get3A_195 : vector<1x128xf32> to vector<8x128xf32>
    %add3A_197 = arith.addf %dot_general3A_192, %add3A_196 : vector<8x128xf32>
    %max3A = arith.constant 0.000000e+00 : f32
    %max3A_198 = vector.broadcast %max3A : f32 to vector<8x128xf32>
    %max3A_199 = arith.maximumf %add3A_197, %max3A_198 : vector<8x128xf32>
    %get3A_200 = arith.constant 0 : index
    %get3A_201 = arith.constant 0 : index
    %get3A_202 = vector.load %arg8[%get3A_200, %get3A_201] : memref<1x128xf32, #tpu.memory_space<vmem>>, vector<1x128xf32>
    %get3A_203 = arith.constant 0 : index
    %get3A_204 = arith.constant 0 : index
    %get3A_205 = vector.load %arg4[%get3A_203, %get3A_204] : memref<256x128xf32, #tpu.memory_space<vmem>>, vector<256x128xf32>
    %dot_general3A_206 = arith.constant dense<0.000000e+00> : vector<1x256xf32>
    %dot_general3A_207 = tpu.matmul %get3A_202, %get3A_205, %dot_general3A_206 {dimension_numbers = #tpu.dot_dimension_numbers<[1], [1], [0], [0], [0, 0, 1, 0], [], []>, transpose_lhs_hint = false} : vector<1x128xf32>, vector<256x128xf32>, vector<1x256xf32> -> vector<1x256xf32>
    %slice3A = vector.extract_strided_slice %max3A_199 {offsets = [0, 0], sizes = [1, 128], strides = [1, 1]} : vector<8x128xf32> to vector<1x128xf32>
    %get3A_208 = arith.constant 0 : index
    %get3A_209 = arith.constant 0 : index
    %get3A_210 = vector.load %arg3[%get3A_208, %get3A_209] : memref<256x640xf32, #tpu.memory_space<vmem>>, vector<256x128xf32>
    %dot_general3A_211 = arith.constant dense<0.000000e+00> : vector<1x256xf32>
    %dot_general3A_212 = tpu.matmul %slice3A, %get3A_210, %dot_general3A_211 {dimension_numbers = #tpu.dot_dimension_numbers<[1], [1], [0], [0], [0, 0, 1, 0], [], []>, transpose_lhs_hint = false} : vector<1x128xf32>, vector<256x128xf32>, vector<1x256xf32> -> vector<1x256xf32>
    %add3A_213 = arith.addf %dot_general3A_207, %dot_general3A_212 : vector<1x256xf32>
    %slice3A_214 = vector.extract_strided_slice %max3A_199 {offsets = [1, 0], sizes = [1, 128], strides = [1, 1]} : vector<8x128xf32> to vector<1x128xf32>
    %get3A_215 = arith.constant 0 : index
    %get3A_216 = arith.constant 128 : index
    %get3A_217 = vector.load %arg3[%get3A_215, %get3A_216] : memref<256x640xf32, #tpu.memory_space<vmem>>, vector<256x128xf32>
    %dot_general3A_218 = arith.constant dense<0.000000e+00> : vector<1x256xf32>
    %dot_general3A_219 = tpu.matmul %slice3A_214, %get3A_217, %dot_general3A_218 {dimension_numbers = #tpu.dot_dimension_numbers<[1], [1], [0], [0], [0, 0, 1, 0], [], []>, transpose_lhs_hint = false} : vector<1x128xf32>, vector<256x128xf32>, vector<1x256xf32> -> vector<1x256xf32>
    %add3A_220 = arith.addf %add3A_213, %dot_general3A_219 : vector<1x256xf32>
    %slice3A_221 = vector.extract_strided_slice %max3A_199 {offsets = [2, 0], sizes = [1, 128], strides = [1, 1]} : vector<8x128xf32> to vector<1x128xf32>
    %get3A_222 = arith.constant 0 : index
    %get3A_223 = arith.constant 256 : index
    %get3A_224 = vector.load %arg3[%get3A_222, %get3A_223] : memref<256x640xf32, #tpu.memory_space<vmem>>, vector<256x128xf32>
    %dot_general3A_225 = arith.constant dense<0.000000e+00> : vector<1x256xf32>
    %dot_general3A_226 = tpu.matmul %slice3A_221, %get3A_224, %dot_general3A_225 {dimension_numbers = #tpu.dot_dimension_numbers<[1], [1], [0], [0], [0, 0, 1, 0], [], []>, transpose_lhs_hint = false} : vector<1x128xf32>, vector<256x128xf32>, vector<1x256xf32> -> vector<1x256xf32>
    %add3A_227 = arith.addf %add3A_220, %dot_general3A_226 : vector<1x256xf32>
    %slice3A_228 = vector.extract_strided_slice %max3A_199 {offsets = [3, 0], sizes = [1, 128], strides = [1, 1]} : vector<8x128xf32> to vector<1x128xf32>
    %get3A_229 = arith.constant 0 : index
    %get3A_230 = arith.constant 384 : index
    %get3A_231 = vector.load %arg3[%get3A_229, %get3A_230] : memref<256x640xf32, #tpu.memory_space<vmem>>, vector<256x128xf32>
    %dot_general3A_232 = arith.constant dense<0.000000e+00> : vector<1x256xf32>
    %dot_general3A_233 = tpu.matmul %slice3A_228, %get3A_231, %dot_general3A_232 {dimension_numbers = #tpu.dot_dimension_numbers<[1], [1], [0], [0], [0, 0, 1, 0], [], []>, transpose_lhs_hint = false} : vector<1x128xf32>, vector<256x128xf32>, vector<1x256xf32> -> vector<1x256xf32>
    %add3A_234 = arith.addf %add3A_227, %dot_general3A_233 : vector<1x256xf32>
    %slice3A_235 = vector.extract_strided_slice %max3A_199 {offsets = [4, 0], sizes = [1, 128], strides = [1, 1]} : vector<8x128xf32> to vector<1x128xf32>
    %get3A_236 = arith.constant 0 : index
    %get3A_237 = arith.constant 512 : index
    %get3A_238 = vector.load %arg3[%get3A_236, %get3A_237] : memref<256x640xf32, #tpu.memory_space<vmem>>, vector<256x128xf32>
    %dot_general3A_239 = arith.constant dense<0.000000e+00> : vector<1x256xf32>
    %dot_general3A_240 = tpu.matmul %slice3A_235, %get3A_238, %dot_general3A_239 {dimension_numbers = #tpu.dot_dimension_numbers<[1], [1], [0], [0], [0, 0, 1, 0], [], []>, transpose_lhs_hint = false} : vector<1x128xf32>, vector<256x128xf32>, vector<1x256xf32> -> vector<1x256xf32>
    %add3A_241 = arith.addf %add3A_234, %dot_general3A_240 : vector<1x256xf32>
    %get3A_242 = arith.constant 0 : index
    %get3A_243 = arith.constant 0 : index
    %get3A_244 = vector.load %arg5[%get3A_242, %get3A_243] : memref<1x256xf32, #tpu.memory_space<vmem>>, vector<1x256xf32>
    %add3A_245 = arith.addf %add3A_241, %get3A_244 : vector<1x256xf32>
    %max3A_246 = arith.constant 0.000000e+00 : f32
    %max3A_247 = vector.broadcast %max3A_246 : f32 to vector<1x256xf32>
    %max3A_248 = arith.maximumf %add3A_245, %max3A_247 : vector<1x256xf32>
    %get3A_249 = arith.constant 0 : index
    %get3A_250 = arith.constant 0 : index
    %get3A_251 = vector.load %arg6[%get3A_249, %get3A_250] : memref<256x256xf32, #tpu.memory_space<vmem>>, vector<256x256xf32>
    %dot_general3A_252 = arith.constant dense<0.000000e+00> : vector<1x256xf32>
    %dot_general3A_253 = tpu.matmul %max3A_248, %get3A_251, %dot_general3A_252 {dimension_numbers = #tpu.dot_dimension_numbers<[1], [1], [0], [0], [0, 0, 1, 0], [], []>, transpose_lhs_hint = false} : vector<1x256xf32>, vector<256x256xf32>, vector<1x256xf32> -> vector<1x256xf32>
    %get3A_254 = arith.constant 0 : index
    %get3A_255 = arith.constant 0 : index
    %get3A_256 = vector.load %arg7[%get3A_254, %get3A_255] : memref<1x256xf32, #tpu.memory_space<vmem>>, vector<1x256xf32>
    %add3A_257 = arith.addf %dot_general3A_253, %get3A_256 : vector<1x256xf32>
    %swap3A = arith.constant 0 : index
    %swap3A_258 = arith.constant 0 : index
    %swap3A_259 = vector.load %arg9[%swap3A, %swap3A_258] : memref<1x256xf32, #tpu.memory_space<vmem>>, vector<1x256xf32>
    tpu.vector_store %arg9[%swap3A, %swap3A_258], %add3A_257 {strides = array<i32>} : memref<1x256xf32, #tpu.memory_space<vmem>>, vector<1x256xf32>,
    return
  }
}

</mosaic_0001>

<sc_bundles>
// kernel: sc_passA.3.cloned.1.call-start
scs
__scs_entry_jumppad:
0x0: {  	(pc) =	sbr.rel $0x88, $3  }
0x1: {  	(tag) =	ssettag $0x0;
	lr =	simm.s32 $0x1  }
0x2: {  	[smem:$0x3F94] =	sst lr;
	_ =	strace $0xD0000000  }
0x3: {  	_ = 	snop  }
0x4: {  	_ = 	snop  }
0x5: {  	_ = 	snop  }
0x6: {  	_ = 	snop  }
0x7: {  	_ = 	snop  }
__scs_overlays_trampoline_lowered:
0x8: {  	[smem:$0x3FA3] =	sst s0  }
0x9: {  	[smem:$0x3FA4] =	sst s1  }
0xa: {  	[smem:$0x3FA5] =	sst s2  }
0xb: {  	[smem:$0x3FA6] =	sst s3  }
0xc: {  	[smem:$0x3FA7] =	sst s4  }
0xd: {  	[smem:$0x3FA8] =	sst s5  }
0xe: {  	[smem:$0x3FA9] =	sst s6  }
0xf: {  	[smem:$0x3FAA] =	sst s7  }
0x10: {  	[smem:$0x3FAB] =	sst s8  }
0x11: {  	[smem:$0x3FAC] =	sst s9;
	s0 =	simm.s32 @!p0 $0x0  }
0x12: {  	s1 =	sld [smem:$0x3F92];
	s0 =	simm.s32 @p0 $0x1  }
0x13: {  	[smem:$0x3FAD] =	sst s0;
	s0 =	simm.s32 @!p1 $0x0  }
0x14: {  	s2 =	sld [smem:$0x3F91];
	s0 =	simm.s32 @p1 $0x1  }
0x15: {  	[smem:$0x3FAE] =	sst s0;
	s0 =	simm.s32 @!p2 $0x0  }
0x16: {  	s3 =	sld [smem:$0x3FDB];
	s0 =	simm.s32 @p2 $0x1  }
0x17: {  	s4 =	simm.s32 $0x1BF5;
	[smem:$0x3FB0] =	sst s0  }
0x18: {  	s0 =	sld [smem:$0x3F93];
	_ =	swait.ge [sflag:s4], $0x0  }
0x19: {  	s7 =	sld [smem:$0x3F94]  }
0x1a: {  	s8 =	sadd.s32 $0xFFFFE003, lr  }
0x1b: {  	s9 =	sadd.s32 $0xFFFFFEF7, lr;
	s5 =	simm.s32 $0xFFFFFFFF;
	p2 =	slt.u32 s8, $0xFFFFF086  }
0x1c: {  	p1 =	slt.u32 s9, $0xF7A;
	s5 =	simm.s32 @!p2 $0x0  }
0x1d: {  	s5 =	simm.s32 @p1 $0x1;
	p0 =	seq.s32 s7, s2  }
0x1e: {  	s7 =	smul.u32 @!p0 $0xF7A, s2;
	p2 =	seq.s32 @!p0 s5, $0x0  }
0x1f: {  	s9 =	smul.u32 $0xF7A, s1;
	s8 =	simm.s32 @!p0 $0x1BF5;
	p2 =	por !p2, p0  }
0x20: {  	[sflag:s8] =	ssyncset.s32 @!p0 $0xFFFFF086;
	s6 =	sadd.s32 @!p0 s3, s7;
	s7 =	simm.s32 @!p0 $0x108  }
0x21: {  	s3 =	sadd.s32 s3, s9;
	s6 =	sadd.s32 @!p0 $0x88, s6;
	s7 =	simm.s32 @p2 $0x1082  }
0x22: {  	[simem:s7], [sflag:s8] =	dma.local @!p0 [hbm:s6], $0xF7A  }
0x23: {  	s9 =	sor.u32 $0xD0000000, s2;
	s6 =	simm.s32 $0x108;
	_ =	swait.ge @!p0 [sflag:s8], $0x0  }
0x24: {  	s3 =	sadd.s32 $0x88, s3;
	s6 =	simm.s32 @!p1 $0x1082;
	[sflag:s4] =	ssyncset.s32 $0xFFFFF086  }
0x25: {  	[simem:s6], [sflag:s4] =	dma.local [hbm:s3], $0xF7A  }
0x26: {  	[smem:$0x3F94] =	sst s1;
	(tag) =	ssettag s2;
	_ =	strace s9  }
0x27: {  	s1 =	sld [smem:$0x3FA4]  }
0x28: {  	s2 =	sld [smem:$0x3FA5]  }
0x29: {  	s4 =	sld [smem:$0x3FA7]  }
0x2a: {  	p0 =	seq.s32 s5, $0x0;
	s5 =	sld [smem:$0x3FA8]  }
0x2b: {  	s6 =	sld [smem:$0x3FA9]  }
0x2c: {  	s7 =	sld [smem:$0x3FAA]  }
0x2d: {  	s3 =	simm.s32 $0x108;
	s8 =	sld [smem:$0x3FAB]  }
0x2e: {  	s3 =	simm.s32 @!p0 $0x1082;
	s9 =	sld [smem:$0x3FAC]  }
0x2f: {  	lr =	sadd.s32 s0, s3;
	s0 =	sld [smem:$0x3FA3]  }
0x30: {  	s3 =	sld [smem:$0x3FA6]  }
0x31: {  	[smem:$0x3FAF] =	sst s10  }
0x32: {  	s10 =	sld [smem:$0x3FAD];
	_ =	sdelay $0x3  }
0x33: {  	p0 =	seq.s32 s10, $0x1;
	s10 =	sld [smem:$0x3FAF];
	_ =	sdelay $0x3  }
0x34: {  	[smem:$0x3FAF] =	sst s10  }
0x35: {  	s10 =	sld [smem:$0x3FAE];
	_ =	sdelay $0x3  }
0x36: {  	p1 =	seq.s32 s10, $0x1;
	s10 =	sld [smem:$0x3FAF];
	_ =	sdelay $0x3  }
0x37: {  	[smem:$0x3FAF] =	sst s10  }
0x38: {  	s10 =	sld [smem:$0x3FB0]  }
0x39: {  	_ = 	snop;
	(pc) =	sbr.ind lr, $3  }
0x3a: {  	_ = 	snop  }
0x3b: {  	_ = 	snop  }
0x3c: {  	p2 =	seq.s32 s10, $0x1;
	s10 =	sld [smem:$0x3FAF]  }
0x3d: {  	_ =	shalt  }
0x3e: {  	_ =	shalt  }
0x3f: {  	_ =	shalt  }
0x40: {  	_ =	shalt  }
0x41: {  	_ =	shalt  }
0x42: {  	_ =	shalt  }
0x43: {  	_ =	shalt  }
0x44: {  	_ =	shalt  }
0x45: {  	_ =	shalt  }
0x46: {  	_ =	shalt  }
0x47: {  	_ =	shalt  }
0x48: {  	_ =	shalt  }
0x49: {  	_ =	shalt  }
0x4a: {  	_ =	shalt  }
0x4b: {  	_ =	shalt  }
0x4c: {  	_ =	shalt  }
0x4d: {  	_ =	shalt  }
0x4e: {  	_ =	shalt  }
0x4f: {  	_ =	shalt  }
0x50: {  	_ =	shalt  }
0x51: {  	_ =	shalt  }
0x52: {  	_ =	shalt  }
0x53: {  	_ =	shalt  }
0x54: {  	_ =	shalt  }
0x55: {  	_ =	shalt  }
0x56: {  	_ =	shalt  }
0x57: {  	_ =	shalt  }
0x58: {  	_ =	shalt  }
0x59: {  	_ =	shalt  }
0x5a: {  	_ =	shalt  }
0x5b: {  	_ =	shalt  }
0x5c: {  	_ =	shalt  }
0x5d: {  	_ =	shalt  }
0x5e: {  	_ =	shalt  }
0x5f: {  	_ =	shalt  }
0x60: {  	_ =	shalt  }
0x61: {  	_ =	shalt  }
0x62: {  	_ =	shalt  }
0x63: {  	_ =	shalt  }
0x64: {  	_ =	shalt  }
0x65: {  	_ =	shalt  }
0x66: {  	_ =	shalt  }
0x67: {  	_ =	shalt  }
0x68: {  	_ =	shalt  }
0x69: {  	_ =	shalt  }
0x6a: {  	_ =	shalt  }
0x6b: {  	_ =	shalt  }
0x6c: {  	_ =	shalt  }
0x6d: {  	_ =	shalt  }
0x6e: {  	_ =	shalt  }
0x6f: {  	_ =	shalt  }
0x70: {  	_ =	shalt  }
0x71: {  	_ =	shalt  }
0x72: {  	_ =	shalt  }
0x73: {  	_ =	shalt  }
0x74: {  	_ =	shalt  }
0x75: {  	_ =	shalt  }
0x76: {  	_ =	shalt  }
0x77: {  	_ =	shalt  }
0x78: {  	_ =	shalt  }
0x79: {  	_ =	shalt  }
0x7a: {  	_ =	shalt  }
0x7b: {  	_ =	shalt  }
0x7c: {  	_ =	shalt  }
0x7d: {  	_ =	shalt  }
0x7e: {  	_ =	shalt  }
0x7f: {  	_ =	shalt  }
0x80: {  	_ =	shalt  }
0x81: {  	_ =	shalt  }
0x82: {  	_ =	shalt  }
0x83: {  	_ =	shalt  }
0x84: {  	_ =	shalt  }
0x85: {  	_ =	shalt  }
0x86: {  	_ =	shalt  }
0x87: {  	_ =	shalt  }
.Lfunc_end0:
.L_simem_size_0:
called_computation_lowered:
.L_overlay_start_0:
0x88: {  	s2 =	sld [smem:$0x3FD9]  }
0x89: {  	s3 =	sld [smem:$0x3FFE];
	_ =	sdelay $0x1  }
0x8a: {  	s1 =	srdreg.scid  }
0x8b: {  	s0 =	sand.u32 $0x1, s1  }
0x8c: {  	s16 =	sshll.u32 s0, $0xA;
	s2 =	sadd.s32 s3, s2  }
0x8d: {  	s2 =	sadd.s32 s2, s16  }
0x8e: {  	[smem:$0x3FBB] =	sst s2  }
0x8f: {  	_ = 	snop  }
0x90: {  	(tm) =	ssettm $0x1  }
0x91: {  	s17 =	sld [smem:$0x3FFB];
	_ =	sdelay $0x3  }
0x92: {  	_ =	strace s17  }
0x93: {  	s2 =	sld [smem:$0x3FFC];
	_ =	sdelay $0x3  }
0x94: {  	_ =	strace s2  }
0x95: {  	s2 =	sld [smem:$0x3FFD];
	_ =	sdelay $0x3  }
0x96: {  	_ =	strace s2  }
0x97: {  	_ =	strace $0x8FFFFFFF  }
0x98: {  	s18 =	sld [smem:$0x3FDB];
	_ =	sdelay $0x1  }
0x99: {  	s19 =	simm.s32 $_scs_section_size  }
0x9a: {  	s4 =	simm.s32 $_size__tile_overlayer_lowered;
	s5 =	simm.s32 $_tile_overlayer_lowered  }
0x9b: {  	s22 =	simm.s32 $0x1BFF;
	s21 =	sshll.u32 s5, $0x1;
	s2 =	sadd.s32 s19, s18  }
0x9c: {  	s6 =	simm.s32 $0x0;
	s20 =	sshll.u32 s4, $0x1;
	s4 =	sadd.s32 s21, s2  }
0x9d: {  	[timem:s6], [sflag:s22] =	dma.local [hbm:s4], s20  }
0x9e: {  	_ =	swait.ge [sflag:s22], s20  }
0x9f: {  	s3 =	ssub.s32 $0x0, s20;
	[sflag:s22] =	ssyncset.done $0x0  }
0xa0: {  	[sflag:s22] =	ssyncadd.s32 s3;
	_ =	sdelay $0x1  }
0xa1: {  	s23 =	simm.s32 $0x1B8B  }
0xa2: {  	_ =	swait.ge [sflag:s23], $0x1  }
0xa3: {  	[sflag:s23] =	ssyncset.done $0x0  }
0xa4: {  	s25 =	simm.s32 $0x1B8E;
	s24 =	sld [smem:$0x3FFE];
	[sflag:s23] =	ssyncadd.s32 $0xFFFFFFFF  }
0xa5: {  	s26 =	simm.s32 $execute0_lowered;
	[smem:$0x3FD2] =	sst s25  }
0xa6: {  	s4 =	sshll.u32 s26, $0x1;
	_ =	strace $0x80000046;
	[dreg:$0x1] =	wrdreg $0xFFFFFFFF  }
0xa7: {  	s28 =	simm.s32 $_size_execute0_lowered;
	s2 =	sadd.s32 s2, s4;
	[dreg:$0x0] =	wrdreg $0x0  }
0xa8: {  	s4 =	sshll.u32 s28, $0x1;
	[dreg:$0x2] =	wrdreg s2  }
0xa9: {  	[dreg:$0x3] =	wrdreg s4  }
0xaa: {  	[dreg:$0x4] =	wrdreg $0xC0  }
0xab: {  	_ =	task [dreg:s6], $0x5FFFF  }
0xac: {  	[dreg:$0x1] =	wrdreg $0xFFFFFFFF  }
0xad: {  	[dreg:$0x0] =	wrdreg $0x60  }
0xae: {  	[dreg:$0x2] =	wrdreg s24  }
0xaf: {  	[dreg:$0x3] =	wrdreg $0x0  }
0xb0: {  	[dreg:$0x4] =	wrdreg $0x2800  }
0xb1: {  	[dreg:$0x5] =	wrdreg $0x9  }
0xb2: {  	_ =	task.clear_ibuf [dreg:s6], $0x6FFFF;
	_ =	strace $0x90000046  }
0xb3: {  	s29 =	simm.s32 $0x9;
	_ =	strace $0x80000048  }
0xb4: {  	_ =	swait.ge [sflag:s29], $0x1  }
0xb5: {  	[sflag:s29] =	ssyncadd.s32 $0xFFFFFFFF  }
0xb6: {  	_ =	strace $0x90000048  }
0xb7: {  	_ =	sfence  }
0xb8: {  	s30 =	sld [smem:$0x0];
	_ =	sdelay $0x2  }
0xb9: {  	s31 =	sshll.u32 s1, $0xD;
	s1 =	sshrl.u32 s1, $0x2  }
0xba: {  	s3 =	sand.u32 $0x4000, s31;
	s1 =	sadd.s32 s1, s30  }
0xbb: {  	s0 =	sor.u32 s3, s0;
	s1 =	sshll.u32 s1, $0x11  }
0xbc: {  	s0 =	sor.u32 s1, s0  }
0xbd: {  	s0 =	sadd.s32 $0x8F2B, s0  }
0xbe: {  	[sflag:s0] =	ssyncadd.remote.s32 $0x1  }
0xbf: {  	_ =	sfence.sel $0xFFFF  }
0xc0: {  	[dreg:$0x0] =	wrdreg $0xFFFFFFFF;
	(pc) =	sbr.abs _section_cstart, $3  }
0xc1: {  	[dreg:$0x1] =	wrdreg $0xFFFFFFFF  }
0xc2: {  	_ =	task.clear_ibuf [dreg:s6], $0x2FFFF;
	_ =	strace $0x9FFFFFFF  }
0xc3: {  	(tm) =	ssettm $0x7FFFFFFF  }
tec
execute0_lowered:
.L_overlay_start_1:
0x0: {  	(tag) =	ssettag $0x1  }
0x1: {  	s6 =	rddreg [dreg:$0x0]  }
0x2: {  	s2 =	rddreg [dreg:$0x1];
	s0 =	srdreg.scid  }
0x3: {  	s3 =	rddreg [dreg:$0x2];
	s1 =	stileid.u32  }
0x4: {  	s4 =	simm.s32 $0x0;
	s14 =	simm.s32 $0x3;
	s15 =	simm.s32 $0x500  }
0x5: {  	s16 =	simm.s32 $0x2D00;
	s17 =	simm.s32 $0x5500;
	s18 =	simm.s32 $0x80  }
0x6: {  	s19 =	simm.s32 $0x7D00;
	s20 =	simm.s32 $0x7E00;
	s21 =	simm.s32 $0x1  }
0x7: {  	s25 =	simm.s32 $0x0;
	s5 =	sand.u32 $0x1, s0;
	s0 =	rddreg [dreg:$0x3]  }
0x8: {  	s8 =	smul.u32 $0x280, s1;
	[smem:$0x7FF] =	sst s4;
	s22 =	sshll.u32 s1, $0x6  }
0x9: {  	s7 =	sshll.u32 s5, $0x4;
	s9 =	smul.u32 $0x2800, s5;
	_ =	strace $0x80000047  }
0xa: {  	s10 =	ssub.s32 $0x2, s5;
	s5 =	sadd.s32 $0x3200, s6;
	s7 =	sor.u32 s1, s7  }
0xb: {  	s31 =	sshrl.u32 s10, $0x1;
	s7 =	smul.u32 $0x500, s7;
	s9 =	sadd.s32 s8, s9  }
0xc: {  	s22 =	sor.u32 $0x1C03, s22;
	s13 =	ssub.s32 s10, s31;
	s30 =	sshrl.u32 s9, $0x3  }
0xd: {  	s11 =	sadd.s32 s7, s6;
	s12 =	sadd.s32 s30, s6;
	s6 =	sadd.s32 s8, s2  }
0xe: {  	s7 =	sadd.s32 s8, s3;
	s8 =	sadd.s32 $0xD800, s11;
	s9 =	sadd.s32 $0x3800, s11  }
0xf: {  	s10 =	sadd.s32 $0x17800, s12;
	s11 =	sadd.s32 $0x18200, s12;
	s12 =	smax.u32 s13, $0x1  }
0x10: {  	v0 =	vimm.f32 $1.000000000e+00;
	v1 =	vimm.f32 $0.0e+00;
	v2 =	vimm.s32 $0x0;
	s13 =	simm.s32 $0x7E80;
	s23 =	sshrl.u32 s6, $0x3;
	s24 =	sshrl.u32 s7, $0x3  }
.LBB2_1:
0x11: {  	[tilespmem:$0x7E00] =	vst v0  }
0x12: {  	[tilespmem:$0x7E10] =	vst v0  }
0x13: {  	[tilespmem:$0x7E20] =	vst v0  }
0x14: {  	[tilespmem:$0x7E30] =	vst v0  }
0x15: {  	[tilespmem:$0x7E40] =	vst v0  }
0x16: {  	[tilespmem:$0x7E50] =	vst v0  }
0x17: {  	[tilespmem:$0x7E60] =	vst v0  }
0x18: {  	[tilespmem:$0x7E70] =	vst v0  }
0x19: {  	[tilespmem:$0x7E80] =	vst v1  }
0x1a: {  	[tilespmem:$0x7E90] =	vst v1  }
0x1b: {  	[tilespmem:$0x7EA0] =	vst v1  }
0x1c: {  	[tilespmem:$0x7EB0] =	vst v1  }
0x1d: {  	[tilespmem:$0x7EC0] =	vst v1  }
0x1e: {  	[tilespmem:$0x7ED0] =	vst v1  }
0x1f: {  	[tilespmem:$0x7EE0] =	vst v1  }
0x20: {  	[tilespmem:$0x7EF0] =	vst v1  }
0x21: {  	[tilespmem:$0x7F00] =	vst v1  }
0x22: {  	[tilespmem:$0x7F10] =	vst v1  }
0x23: {  	[tilespmem:$0x7F20] =	vst v1  }
0x24: {  	[tilespmem:$0x7F30] =	vst v1  }
0x25: {  	[tilespmem:$0x7F40] =	vst v1  }
0x26: {  	[tilespmem:$0x7F50] =	vst v1  }
0x27: {  	[tilespmem:$0x7F60] =	vst v1  }
0x28: {  	[tilespmem:$0x7F70] =	vst v1  }
0x29: {  	[tilespmem:$0x7F80] =	vst v1  }
0x2a: {  	[tilespmem:$0x7F90] =	vst v1  }
0x2b: {  	[tilespmem:$0x7FA0] =	vst v1  }
0x2c: {  	[tilespmem:$0x7FB0] =	vst v1  }
0x2d: {  	[tilespmem:$0x7FC0] =	vst v1  }
0x2e: {  	[tilespmem:$0x7FD0] =	vst v1  }
0x2f: {  	[tilespmem:$0x7FE0] =	vst v1  }
0x30: {  	[tilespmem:$0x7FF0] =	vst v1  }
0x31: {  	[tilespmem:$0x8000] =	vst v1  }
0x32: {  	[tilespmem:$0x8010] =	vst v1  }
0x33: {  	[tilespmem:$0x8020] =	vst v1  }
0x34: {  	[tilespmem:$0x8030] =	vst v1  }
0x35: {  	[tilespmem:$0x8040] =	vst v1  }
0x36: {  	[tilespmem:$0x8050] =	vst v1  }
0x37: {  	[tilespmem:$0x8060] =	vst v1  }
0x38: {  	[tilespmem:$0x8070] =	vst v1  }
0x39: {  	[tilespmem:$0x8080] =	vst v1  }
0x3a: {  	[tilespmem:$0x8090] =	vst v1  }
0x3b: {  	[tilespmem:$0x80A0] =	vst v1  }
0x3c: {  	[tilespmem:$0x80B0] =	vst v1  }
0x3d: {  	[tilespmem:$0x80C0] =	vst v1  }
0x3e: {  	[tilespmem:$0x80D0] =	vst v1  }
0x3f: {  	[tilespmem:$0x80E0] =	vst v1  }
0x40: {  	[tilespmem:$0x80F0] =	vst v1  }
0x41: {  	[spmem:s6] =	stream.linear.scatter [tilespmem:s13], [sflag:$0x3], $0x280, $0x38;
	[tilespmem:$0x8100] =	vst v63  }
0x42: {  	_ =	swait.ge [sflag:s14], $0x280  }
0x43: {  	[sflag:s14] =	ssyncset.done $0x0  }
0x44: {  	[sflag:s14] =	ssyncadd.s32 $0xFFFFFD80  }
0x45: {  	[spmem:s7] =	stream.linear.scatter [tilespmem:s13], [sflag:$0x3], $0x280, $0x38;
	[tilespmem:$0x8100] =	vst v63  }
0x46: {  	_ =	swait.ge [sflag:s14], $0x280  }
0x47: {  	[sflag:s14] =	ssyncset.done $0x0  }
0x48: {  	[sflag:s14] =	ssyncadd.s32 $0xFFFFFD80  }
0x49: {  	[tilespmem:s15], [sflag:$0x3] =	stream.linear.gather [hbm4b:s5+s4], $0x2800, $0x38;
	[tilespmem:$0x8100] =	vst v63  }
0x4a: {  	_ =	swait.ge [sflag:s14], $0x2800  }
0x4b: {  	[sflag:s14] =	ssyncset.done $0x0  }
0x4c: {  	[sflag:s14] =	ssyncadd.s32 $0xFFFFD800  }
0x4d: {  	[bflag:$0x0] =	sbarrier.arrive $0xFFFF  }
0x4e: {  	[tilespmem:s16], [sflag:$0x3] =	stream.linear.gather [hbm4b:s8+s4], $0x2800, $0x38;
	[tilespmem:$0x8100] =	vst v63  }
0x4f: {  	_ =	swait.ge [sflag:s14], $0x2800  }
0x50: {  	[sflag:s14] =	ssyncset.done $0x0  }
0x51: {  	[sflag:s14] =	ssyncadd.s32 $0xFFFFD800  }
0x52: {  	[tilespmem:s17], [sflag:$0x3] =	stream.linear.gather [hbm4b:s9+s4], $0x2800, $0x38;
	[tilespmem:$0x8100] =	vst v63  }
0x53: {  	_ =	swait.ge [sflag:s14], $0x2800  }
0x54: {  	[sflag:s14] =	ssyncset.done $0x0  }
0x55: {  	s26 =	simm.s32 $0x0;
	[sflag:s14] =	ssyncadd.s32 $0xFFFFD800  }
.LBB2_2:
0x56: {  	s28 =	sshra.s32 s26, $0x2  }
0x57: {  	v3 =	vld [tilespmem:s28+$0x5500];
	_ =	sdelay $0x6  }
0x58: {  	v4 =	vld [tilespmem:s28+$0x2D00];
	[tilespmem:$0x7D00] =	vst v3  }
0x59: {  	v3 =	vld.idx.msk [tilespmem:v3+s15+$0x0], $0xffff;
	_ =	sdelay $0x4  }
0x5a: {  	vm0 =	vgt.s32 v3, $0x0  }
0x5b: {  	v3 =	vnsel vm0, $0x27D8, v4  }
0x5c: {  	[tilespmem:$0x7D80] =	vst v3  }
0x5d: {  	v3 =	vld [tilespmem:s28+$0x5510];
	_ =	sdelay $0x6  }
0x5e: {  	v48 =	vld [tilespmem:s28+$0x2D10];
	[tilespmem:$0x7D10] =	vst v3  }
0x5f: {  	v3 =	vld.idx.msk [tilespmem:v3+s15+$0x0], $0xffff;
	_ =	sdelay $0x4  }
0x60: {  	vm1 =	vgt.s32 v3, $0x0  }
0x61: {  	v3 =	vnsel vm1, $0x27D8, v48  }
0x62: {  	[tilespmem:$0x7D90] =	vst v3  }
0x63: {  	v3 =	vld [tilespmem:s28+$0x5520];
	_ =	sdelay $0x6  }
0x64: {  	v49 =	vld [tilespmem:s28+$0x2D20];
	[tilespmem:$0x7D20] =	vst v3  }
0x65: {  	v3 =	vld.idx.msk [tilespmem:v3+s15+$0x0], $0xffff;
	_ =	sdelay $0x4  }
0x66: {  	vm2 =	vgt.s32 v3, $0x0  }
0x67: {  	v3 =	vnsel vm2, $0x27D8, v49  }
0x68: {  	[tilespmem:$0x7DA0] =	vst v3  }
0x69: {  	v3 =	vld [tilespmem:s28+$0x5530];
	_ =	sdelay $0x6  }
0x6a: {  	v50 =	vld [tilespmem:s28+$0x2D30];
	[tilespmem:$0x7D30] =	vst v3  }
0x6b: {  	v3 =	vld.idx.msk [tilespmem:v3+s15+$0x0], $0xffff;
	_ =	sdelay $0x4  }
0x6c: {  	vm3 =	vgt.s32 v3, $0x0  }
0x6d: {  	v3 =	vnsel vm3, $0x27D8, v50  }
0x6e: {  	[tilespmem:$0x7DB0] =	vst v3  }
0x6f: {  	v3 =	vld [tilespmem:s28+$0x5540];
	_ =	sdelay $0x6  }
0x70: {  	v51 =	vld [tilespmem:s28+$0x2D40];
	[tilespmem:$0x7D40] =	vst v3  }
0x71: {  	v3 =	vld.idx.msk [tilespmem:v3+s15+$0x0], $0xffff;
	_ =	sdelay $0x4  }
0x72: {  	vm4 =	vgt.s32 v3, $0x0  }
0x73: {  	v3 =	vnsel vm4, $0x27D8, v51  }
0x74: {  	[tilespmem:$0x7DC0] =	vst v3  }
0x75: {  	v3 =	vld [tilespmem:s28+$0x5550];
	_ =	sdelay $0x6  }
0x76: {  	v52 =	vld [tilespmem:s28+$0x2D50];
	[tilespmem:$0x7D50] =	vst v3  }
0x77: {  	v3 =	vld.idx.msk [tilespmem:v3+s15+$0x0], $0xffff;
	_ =	sdelay $0x4  }
0x78: {  	vm5 =	vgt.s32 v3, $0x0  }
0x79: {  	v3 =	vnsel vm5, $0x27D8, v52  }
0x7a: {  	[tilespmem:$0x7DD0] =	vst v3  }
0x7b: {  	v3 =	vld [tilespmem:s28+$0x5560];
	_ =	sdelay $0x6  }
0x7c: {  	v53 =	vld [tilespmem:s28+$0x2D60];
	[tilespmem:$0x7D60] =	vst v3  }
0x7d: {  	v3 =	vld.idx.msk [tilespmem:v3+s15+$0x0], $0xffff;
	_ =	sdelay $0x4  }
0x7e: {  	vm6 =	vgt.s32 v3, $0x0  }
0x7f: {  	v3 =	vnsel vm6, $0x27D8, v53  }
0x80: {  	[tilespmem:$0x7DE0] =	vst v3  }
0x81: {  	v3 =	vld [tilespmem:s28+$0x5570];
	_ =	sdelay $0x6  }
0x82: {  	v5 =	vsel vm0, $0x1, v2;
	v54 =	vld [tilespmem:s28+$0x2D70];
	[tilespmem:$0x7D70] =	vst v3  }
0x83: {  	(xrf0) =	vadd.scan.msk.s32 $0xffff, v5;
	v6 =	vsel vm1, $0x1, v2;
	v3 =	vld.idx.msk [tilespmem:v3+s15+$0x0], $0xffff  }
0x84: {  	(xrf0) =	vadd.scan.msk.s32 $0xffff, v6;
	v55 =	vsel vm2, $0x1, v2  }
0x85: {  	(xrf0) =	vadd.scan.msk.s32 $0xffff, v55;
	v56 =	vsel vm3, $0x1, v2  }
0x86: {  	(xrf0) =	vadd.scan.msk.s32 $0xffff, v56;
	v57 =	vsel vm4, $0x1, v2  }
0x87: {  	(xrf0) =	vadd.scan.msk.s32 $0xffff, v57;
	v58 =	vsel vm5, $0x1, v2  }
0x88: {  	(xrf0) =	vadd.scan.msk.s32 $0xffff, v58;
	v59 =	vsel vm6, $0x1, v2;
	vm15 =	vgt.s32 v3, $0x0  }
0x89: {  	v3, _, _ =	vpop (xrf0);
	(xrf0) =	vadd.scan.msk.s32 $0xffff, v59;
	v60 =	vsel vm15, $0x1, v2  }
0x8a: {  	(v2sf) =	vpush v3, $0xF;
	v3, _, _ =	vpop (xrf0);
	(xrf0) =	vadd.scan.msk.s32 $0xffff, v60  }
0x8b: {  	v61, _, _ =	vpop (xrf0);
	(v2sf) =	vpush v3, $0xF  }
0x8c: {  	v3, _, _ =	vpop (xrf0);
	(v2sf) =	vpush v61, $0xF  }
0x8d: {  	v62, _, _ =	vpop (xrf0);
	(v2sf) =	vpush v3, $0xF  }
0x8e: {  	v3, _, _ =	vpop (xrf0);
	(v2sf) =	vpush v62, $0xF  }
0x8f: {  	v63, _, _ =	vpop (xrf0);
	(v2sf) =	vpush v3, $0xF  }
0x90: {  	(v2sf) =	vpush v63, $0xF;
	v3, _, _ =	vpop (xrf0)  }
0x91: {  	(v2sf) =	vpush v3, $0xF;
	_ =	sdelay $0x4  }
0x92: {  	v3 =	vnsel vm15, $0x27D8, v54  }
0x93: {  	[tilespmem:$0x7DF0] =	vst v3  }
0x94: {  	[spmem:s2] =	stream.indirect.scatter.add.f32 [tilespmem:s20], [sflag:$0x1], $0x1, s19, s18, $0xb8;
	[tilespmem:$0x8100] =	vst v63  }
0x95: {  	s31 =	spop (v2sf)  }
0x96: {  	s29 =	spop (v2sf)  }
0x97: {  	s30 =	spop (v2sf);
	s28 =	sadd.s32 s31, s29  }
0x98: {  	s29 =	spop (v2sf);
	s28 =	sadd.s32 s30, s28  }
0x99: {  	s31 =	spop (v2sf);
	s28 =	sadd.s32 s29, s28  }
0x9a: {  	s29 =	spop (v2sf);
	s28 =	sadd.s32 s31, s28  }
0x9b: {  	s31 =	spop (v2sf);
	s28 =	sadd.s32 s29, s28  }
0x9c: {  	s28 =	sadd.s32 s31, s28;
	s31 =	spop (v2sf)  }
0x9d: {  	s28 =	sadd.s32 s31, s28  }
0x9e: {  	p0 =	slt.s32 s28, $0x1  }
0x9f: {  	s28 =	simm.s32 @!p0 $0x80;
	s29 =	simm.s32 @!p0 $0x7D80;
	s30 =	simm.s32 @!p0 $0x7E00  }
0xa0: {  	[spmem:s3] =	stream.indirect.scatter.add.f32 @!p0 [tilespmem:s30], [sflag:$0x2], $0x1, s29, s28, $0xb8;
	[tilespmem:$0x8100] =	vst v63  }
0xa1: {  	s28 =	simm.s32 @!p0 $0x2  }
0xa2: {  	_ =	swait.ge @!p0 [sflag:s28], $0x80  }
0xa3: {  	s26 =	sadd.s32 $0x200, s26;
	[sflag:s28] =	ssyncset.done @!p0 $0x0  }
0xa4: {  	[sflag:s28] =	ssyncadd.s32 @!p0 $0xFFFFFF80;
	p0 =	sne.s32 s26, $0xA000  }
.Ltmp0:
0xa5: {  	_ = 	snop;
	(pc) =	sbr.rel @p0 .LBB2_2-.Ltmp0, $4  }
0xa6: {  	_ = 	snop  }
0xa7: {  	_ =	swait.ge [sflag:s21], $0x80  }
0xa8: {  	[sflag:s21] =	ssyncset.done $0x0  }
0xa9: {  	[sflag:s21] =	ssyncadd.s32 $0xFFFFFF80  }
0xaa: {  	[bflag:$0x0] =	sbarrier.arrive $0xFFFF  }
0xab: {  	[hbm:s10], [sflag:s22] =	dma.local [spmem:s23], $0x50  }
0xac: {  	s25 =	sadd.s32 $0x1, s25;
	_ =	swait.ge [sflag:s14], $0x50  }
0xad: {  	p0 =	sne.s32 s25, s12;
	[sflag:s14] =	ssyncset.done $0x0  }
.Ltmp1:
0xae: {  	[sflag:s14] =	ssyncadd.s32 $0xFFFFFFB0;
	(pc) =	sbr.rel @p0 .LBB2_1-.Ltmp1, $4  }
0xaf: {  	[hbm:s11], [sflag:s22] =	dma.local [spmem:s24], $0x50  }
0xb0: {  	_ =	swait.ge [sflag:s14], $0x50  }
0xb1: {  	[sflag:s14] =	ssyncset.done $0x0  }
0xb2: {  	[sflag:s14] =	ssyncadd.s32 $0xFFFFFFB0  }
0xb3: {  	_ =	sfence.sel $0x180000  }
0xb4: {  	[bflag:$0x0] =	sbarrier.arrive $0xFFFF  }
0xb5: {  	p0 =	sne.s32 s1, $0x0;
	_ =	strace $0x90000047  }
0xb6: {  	s0 =	sadd.s32 @!p0 $0x100000, s0;
	[bflag:$0x2] =	sbarrier.arrive $0xFFFF  }
0xb7: {  	[sflag:s0] =	ssyncadd.tile.s32 @!p0 $0x1;
	_ =	shalt  }
.Lfunc_end2:
_tile_overlayer_lowered:
.L_overlay_start_2:
0xb8: {  	(tag) =	ssettag $0x2  }
0xb9: {  	s0 =	rddreg [dreg:$0x0];
	s2 =	stileid.u32  }
0xba: {  	s1 =	rddreg [dreg:$0x1];
	p0 =	sne.s32 s2, $0x0  }
0xbb: {  	s3 =	rddreg [dreg:$0x2];
	[bflag:$0x3] =	sbarrier.arrive $0xFFFF;
	s2 =	simm.s32 @!p0 $0x1C03  }
0xbc: {  	[timem:s3], [sflag:s2] =	dma.local @!p0 [hbm:s0], s1  }
0xbd: {  	s0 =	simm.s32 @!p0 $0x3  }
0xbe: {  	_ =	swait.ge @!p0 [sflag:s0], s1  }
0xbf: {  	s1 =	ssub.s32 @!p0 $0x0, s1;
	[sflag:s0] =	ssyncset.done @!p0 $0x0  }
0xc0: {  	[sflag:s0] =	ssyncadd.s32 @!p0 s1  }
0xc1: {  	[bflag:$0x3] =	sbarrier.arrive $0xFFFF  }
0xc2: {  	_ =	shalt  }

// kernel: sc_passB.3.cloned.1.call-start
scs
__scs_entry_jumppad:
0x0: {  	(pc) =	sbr.rel $0x88, $3  }
0x1: {  	(tag) =	ssettag $0x0;
	lr =	simm.s32 $0x1  }
0x2: {  	[smem:$0x3F94] =	sst lr;
	_ =	strace $0xD0000000  }
0x3: {  	_ = 	snop  }
0x4: {  	_ = 	snop  }
0x5: {  	_ = 	snop  }
0x6: {  	_ = 	snop  }
0x7: {  	_ = 	snop  }
__scs_overlays_trampoline_lowered:
0x8: {  	[smem:$0x3FA3] =	sst s0  }
0x9: {  	[smem:$0x3FA4] =	sst s1  }
0xa: {  	[smem:$0x3FA5] =	sst s2  }
0xb: {  	[smem:$0x3FA6] =	sst s3  }
0xc: {  	[smem:$0x3FA7] =	sst s4  }
0xd: {  	[smem:$0x3FA8] =	sst s5  }
0xe: {  	[smem:$0x3FA9] =	sst s6  }
0xf: {  	[smem:$0x3FAA] =	sst s7  }
0x10: {  	[smem:$0x3FAB] =	sst s8  }
0x11: {  	[smem:$0x3FAC] =	sst s9;
	s0 =	simm.s32 @!p0 $0x0  }
0x12: {  	s1 =	sld [smem:$0x3F92];
	s0 =	simm.s32 @p0 $0x1  }
0x13: {  	[smem:$0x3FAD] =	sst s0;
	s0 =	simm.s32 @!p1 $0x0  }
0x14: {  	s2 =	sld [smem:$0x3F91];
	s0 =	simm.s32 @p1 $0x1  }
0x15: {  	[smem:$0x3FAE] =	sst s0;
	s0 =	simm.s32 @!p2 $0x0  }
0x16: {  	s3 =	sld [smem:$0x3FDB];
	s0 =	simm.s32 @p2 $0x1  }
0x17: {  	s4 =	simm.s32 $0x1BF5;
	[smem:$0x3FB0] =	sst s0  }
0x18: {  	s0 =	sld [smem:$0x3F93];
	_ =	swait.ge [sflag:s4], $0x0  }
0x19: {  	s7 =	sld [smem:$0x3F94]  }
0x1a: {  	s8 =	sadd.s32 $0xFFFFE003, lr  }
0x1b: {  	s9 =	sadd.s32 $0xFFFFFEF7, lr;
	s5 =	simm.s32 $0xFFFFFFFF;
	p2 =	slt.u32 s8, $0xFFFFF086  }
0x1c: {  	p1 =	slt.u32 s9, $0xF7A;
	s5 =	simm.s32 @!p2 $0x0  }
0x1d: {  	s5 =	simm.s32 @p1 $0x1;
	p0 =	seq.s32 s7, s2  }
0x1e: {  	s7 =	smul.u32 @!p0 $0xF7A, s2;
	p2 =	seq.s32 @!p0 s5, $0x0  }
0x1f: {  	s9 =	smul.u32 $0xF7A, s1;
	s8 =	simm.s32 @!p0 $0x1BF5;
	p2 =	por !p2, p0  }
0x20: {  	[sflag:s8] =	ssyncset.s32 @!p0 $0xFFFFF086;
	s6 =	sadd.s32 @!p0 s3, s7;
	s7 =	simm.s32 @!p0 $0x108  }
0x21: {  	s3 =	sadd.s32 s3, s9;
	s6 =	sadd.s32 @!p0 $0x88, s6;
	s7 =	simm.s32 @p2 $0x1082  }
0x22: {  	[simem:s7], [sflag:s8] =	dma.local @!p0 [hbm:s6], $0xF7A  }
0x23: {  	s9 =	sor.u32 $0xD0000000, s2;
	s6 =	simm.s32 $0x108;
	_ =	swait.ge @!p0 [sflag:s8], $0x0  }
0x24: {  	s3 =	sadd.s32 $0x88, s3;
	s6 =	simm.s32 @!p1 $0x1082;
	[sflag:s4] =	ssyncset.s32 $0xFFFFF086  }
0x25: {  	[simem:s6], [sflag:s4] =	dma.local [hbm:s3], $0xF7A  }
0x26: {  	[smem:$0x3F94] =	sst s1;
	(tag) =	ssettag s2;
	_ =	strace s9  }
0x27: {  	s1 =	sld [smem:$0x3FA4]  }
0x28: {  	s2 =	sld [smem:$0x3FA5]  }
0x29: {  	s4 =	sld [smem:$0x3FA7]  }
0x2a: {  	p0 =	seq.s32 s5, $0x0;
	s5 =	sld [smem:$0x3FA8]  }
0x2b: {  	s6 =	sld [smem:$0x3FA9]  }
0x2c: {  	s7 =	sld [smem:$0x3FAA]  }
0x2d: {  	s3 =	simm.s32 $0x108;
	s8 =	sld [smem:$0x3FAB]  }
0x2e: {  	s3 =	simm.s32 @!p0 $0x1082;
	s9 =	sld [smem:$0x3FAC]  }
0x2f: {  	lr =	sadd.s32 s0, s3;
	s0 =	sld [smem:$0x3FA3]  }
0x30: {  	s3 =	sld [smem:$0x3FA6]  }
0x31: {  	[smem:$0x3FAF] =	sst s10  }
0x32: {  	s10 =	sld [smem:$0x3FAD];
	_ =	sdelay $0x3  }
0x33: {  	p0 =	seq.s32 s10, $0x1;
	s10 =	sld [smem:$0x3FAF];
	_ =	sdelay $0x3  }
0x34: {  	[smem:$0x3FAF] =	sst s10  }
0x35: {  	s10 =	sld [smem:$0x3FAE];
	_ =	sdelay $0x3  }
0x36: {  	p1 =	seq.s32 s10, $0x1;
	s10 =	sld [smem:$0x3FAF];
	_ =	sdelay $0x3  }
0x37: {  	[smem:$0x3FAF] =	sst s10  }
0x38: {  	s10 =	sld [smem:$0x3FB0]  }
0x39: {  	_ = 	snop;
	(pc) =	sbr.ind lr, $3  }
0x3a: {  	_ = 	snop  }
0x3b: {  	_ = 	snop  }
0x3c: {  	p2 =	seq.s32 s10, $0x1;
	s10 =	sld [smem:$0x3FAF]  }
0x3d: {  	_ =	shalt  }
0x3e: {  	_ =	shalt  }
0x3f: {  	_ =	shalt  }
0x40: {  	_ =	shalt  }
0x41: {  	_ =	shalt  }
0x42: {  	_ =	shalt  }
0x43: {  	_ =	shalt  }
0x44: {  	_ =	shalt  }
0x45: {  	_ =	shalt  }
0x46: {  	_ =	shalt  }
0x47: {  	_ =	shalt  }
0x48: {  	_ =	shalt  }
0x49: {  	_ =	shalt  }
0x4a: {  	_ =	shalt  }
0x4b: {  	_ =	shalt  }
0x4c: {  	_ =	shalt  }
0x4d: {  	_ =	shalt  }
0x4e: {  	_ =	shalt  }
0x4f: {  	_ =	shalt  }
0x50: {  	_ =	shalt  }
0x51: {  	_ =	shalt  }
0x52: {  	_ =	shalt  }
0x53: {  	_ =	shalt  }
0x54: {  	_ =	shalt  }
0x55: {  	_ =	shalt  }
0x56: {  	_ =	shalt  }
0x57: {  	_ =	shalt  }
0x58: {  	_ =	shalt  }
0x59: {  	_ =	shalt  }
0x5a: {  	_ =	shalt  }
0x5b: {  	_ =	shalt  }
0x5c: {  	_ =	shalt  }
0x5d: {  	_ =	shalt  }
0x5e: {  	_ =	shalt  }
0x5f: {  	_ =	shalt  }
0x60: {  	_ =	shalt  }
0x61: {  	_ =	shalt  }
0x62: {  	_ =	shalt  }
0x63: {  	_ =	shalt  }
0x64: {  	_ =	shalt  }
0x65: {  	_ =	shalt  }
0x66: {  	_ =	shalt  }
0x67: {  	_ =	shalt  }
0x68: {  	_ =	shalt  }
0x69: {  	_ =	shalt  }
0x6a: {  	_ =	shalt  }
0x6b: {  	_ =	shalt  }
0x6c: {  	_ =	shalt  }
0x6d: {  	_ =	shalt  }
0x6e: {  	_ =	shalt  }
0x6f: {  	_ =	shalt  }
0x70: {  	_ =	shalt  }
0x71: {  	_ =	shalt  }
0x72: {  	_ =	shalt  }
0x73: {  	_ =	shalt  }
0x74: {  	_ =	shalt  }
0x75: {  	_ =	shalt  }
0x76: {  	_ =	shalt  }
0x77: {  	_ =	shalt  }
0x78: {  	_ =	shalt  }
0x79: {  	_ =	shalt  }
0x7a: {  	_ =	shalt  }
0x7b: {  	_ =	shalt  }
0x7c: {  	_ =	shalt  }
0x7d: {  	_ =	shalt  }
0x7e: {  	_ =	shalt  }
0x7f: {  	_ =	shalt  }
0x80: {  	_ =	shalt  }
0x81: {  	_ =	shalt  }
0x82: {  	_ =	shalt  }
0x83: {  	_ =	shalt  }
0x84: {  	_ =	shalt  }
0x85: {  	_ =	shalt  }
0x86: {  	_ =	shalt  }
0x87: {  	_ =	shalt  }
.Lfunc_end0:
.L_simem_size_0:
called_computation.1_lowered:
.L_overlay_start_0:
0x88: {  	s2 =	sld [smem:$0x3FD9]  }
0x89: {  	s3 =	sld [smem:$0x3FFE];
	_ =	sdelay $0x1  }
0x8a: {  	s1 =	srdreg.scid  }
0x8b: {  	s0 =	sand.u32 $0x1, s1  }
0x8c: {  	s17 =	sshll.u32 s0, $0xA;
	s2 =	sadd.s32 s3, s2  }
0x8d: {  	s2 =	sadd.s32 s2, s17  }
0x8e: {  	[smem:$0x3FBB] =	sst s2  }
0x8f: {  	_ = 	snop  }
0x90: {  	s2 =	sld [smem:$0x3FC9];
	(tm) =	ssettm $0x1  }
0x91: {  	s18 =	sld [smem:$0x3FFB];
	_ =	sdelay $0x3  }
0x92: {  	_ =	strace s18  }
0x93: {  	s3 =	sld [smem:$0x3FFC];
	_ =	sdelay $0x3  }
0x94: {  	_ =	strace s3  }
0x95: {  	s3 =	sld [smem:$0x3FFD];
	_ =	sdelay $0x3  }
0x96: {  	_ =	strace s3  }
0x97: {  	_ =	strace $0x8FFFFFFF  }
0x98: {  	s19 =	sld [smem:$0x3FDB];
	_ =	sdelay $0x1  }
0x99: {  	s4 =	simm.s32 $_scs_section_size  }
0x9a: {  	s5 =	simm.s32 $_size__tile_overlayer_lowered;
	s6 =	simm.s32 $_tile_overlayer_lowered  }
0x9b: {  	s22 =	simm.s32 $0x1BFF;
	s21 =	sshll.u32 s6, $0x1;
	s3 =	sadd.s32 s4, s19  }
0x9c: {  	s7 =	simm.s32 $0x0;
	s20 =	sshll.u32 s5, $0x1;
	s5 =	sadd.s32 s21, s3  }
0x9d: {  	[timem:s7], [sflag:s22] =	dma.local [hbm:s5], s20  }
0x9e: {  	_ =	swait.ge [sflag:s22], s20  }
0x9f: {  	s4 =	ssub.s32 $0x0, s20;
	[sflag:s22] =	ssyncset.done $0x0  }
0xa0: {  	[sflag:s22] =	ssyncadd.s32 s4;
	_ =	sdelay $0x1  }
0xa1: {  	s23 =	simm.s32 $0x1B8B  }
0xa2: {  	_ =	swait.ge [sflag:s23], $0x1  }
0xa3: {  	[sflag:s23] =	ssyncset.done $0x0  }
0xa4: {  	s25 =	simm.s32 $0x1B8E;
	s24 =	sld [smem:$0x3FFE];
	[sflag:s23] =	ssyncadd.s32 $0xFFFFFFFF  }
0xa5: {  	s26 =	simm.s32 $execute0_lowered;
	[smem:$0x3FD2] =	sst s25  }
0xa6: {  	s5 =	sshll.u32 s26, $0x1;
	_ =	strace $0x80000049;
	[dreg:$0x1] =	wrdreg $0xFFFFFFFF  }
0xa7: {  	s28 =	simm.s32 $_size_execute0_lowered;
	s3 =	sadd.s32 s3, s5;
	[dreg:$0x0] =	wrdreg $0x0  }
0xa8: {  	s5 =	sshll.u32 s28, $0x1;
	[dreg:$0x2] =	wrdreg s3  }
0xa9: {  	[dreg:$0x3] =	wrdreg s5  }
0xaa: {  	[dreg:$0x4] =	wrdreg $0xC0  }
0xab: {  	_ =	task [dreg:s7], $0x5FFFF  }
0xac: {  	[dreg:$0x1] =	wrdreg $0xFFFFFFFF  }
0xad: {  	[dreg:$0x0] =	wrdreg $0x60  }
0xae: {  	[dreg:$0x2] =	wrdreg s24  }
0xaf: {  	[dreg:$0x3] =	wrdreg s2  }
0xb0: {  	[dreg:$0x4] =	wrdreg $0x0  }
0xb1: {  	[dreg:$0x5] =	wrdreg $0x9  }
0xb2: {  	_ =	task.clear_ibuf [dreg:s7], $0x6FFFF;
	_ =	strace $0x90000049  }
0xb3: {  	s29 =	simm.s32 $0x9;
	_ =	strace $0x8000004B  }
0xb4: {  	_ =	swait.ge [sflag:s29], $0x1  }
0xb5: {  	[sflag:s29] =	ssyncadd.s32 $0xFFFFFFFF  }
0xb6: {  	_ =	strace $0x9000004B  }
0xb7: {  	_ =	sfence  }
0xb8: {  	s30 =	sld [smem:$0x0];
	_ =	sdelay $0x2  }
0xb9: {  	s31 =	sshll.u32 s1, $0xD;
	s1 =	sshrl.u32 s1, $0x2  }
0xba: {  	s3 =	sand.u32 $0x4000, s31;
	s1 =	sadd.s32 s1, s30  }
0xbb: {  	s0 =	sor.u32 s3, s0;
	s1 =	sshll.u32 s1, $0x11  }
0xbc: {  	s0 =	sor.u32 s1, s0  }
0xbd: {  	s0 =	sadd.s32 $0x8F2B, s0  }
0xbe: {  	[sflag:s0] =	ssyncadd.remote.s32 $0x1  }
0xbf: {  	_ =	sfence.sel $0xFFFF  }
0xc0: {  	[dreg:$0x0] =	wrdreg $0xFFFFFFFF;
	(pc) =	sbr.abs _section_cstart, $3  }
0xc1: {  	[dreg:$0x1] =	wrdreg $0xFFFFFFFF  }
0xc2: {  	_ =	task.clear_ibuf [dreg:s7], $0x2FFFF;
	_ =	strace $0x9FFFFFFF  }
0xc3: {  	(tm) =	ssettm $0x7FFFFFFF  }
tec
execute0_lowered:
.L_overlay_start_1:
0x0: {  	(tag) =	ssettag $0x1  }
0x1: {  	s22 =	stileid.u32  }
0x2: {  	s0 =	srdreg.scid;
	s1 =	smul.u32 $0x280, s22  }
0x3: {  	s3 =	rddreg [dreg:$0x0];
	s13 =	smul.u32 $0x14000, s22  }
0x4: {  	s2 =	simm.s32 $0x0;
	s4 =	sand.u32 $0x1, s0;
	s28 =	smul.u32 $0x50000, s22  }
0x5: {  	[smem:$0x7FF] =	sst s2;
	s6 =	sadd.s32 $0x18400, s3;
	s5 =	smul.u32 $0x140000, s4  }
0x6: {  	s8 =	ssub.s32 $0x2, s4;
	s24 =	smul.u32 $0x5000, s4;
	s7 =	sshll.u32 s1, $0x7  }
0x7: {  	s10 =	sshrl.u32 s8, $0x1;
	s0 =	sadd.s32 s13, s5;
	s9 =	sor.u32 $0x2000, s7  }
0x8: {  	s13 =	sadd.s32 $0x8000, s7;
	s11 =	sshrl.u32 s0, $0x3;
	s12 =	sadd.s32 s5, s9  }
0x9: {  	s0 =	ssub.s32 s8, s10;
	s10 =	sadd.s32 $0x6000, s7;
	s14 =	sadd.s32 s6, s11  }
0xa: {  	s15 =	sshrl.u32 s12, $0x3;
	s17 =	sadd.s32 s5, s10;
	s0 =	smax.u32 s0, $0x1  }
0xb: {  	[dreg:$0x4] =	wrdreg s14;
	s8 =	sadd.s32 s6, s15;
	s12 =	sshrl.u32 s17, $0x3  }
0xc: {  	s14 =	sadd.s32 s5, s13;
	s17 =	smul.u32 $0x500, s22;
	[dreg:$0x5] =	wrdreg s8  }
0xd: {  	s8 =	sadd.s32 $0x4000, s7;
	s18 =	sadd.s32 s6, s12;
	s19 =	sshrl.u32 s14, $0x3  }
0xe: {  	s12 =	sadd.s32 $0xA000, s7;
	s14 =	sadd.s32 $0xC000, s7;
	s16 =	sadd.s32 s5, s8  }
0xf: {  	[dreg:$0x7] =	wrdreg s18;
	s20 =	sadd.s32 s5, s12;
	s15 =	sadd.s32 s5, s14  }
0x10: {  	s18 =	smul.u32 $0x1400, s4;
	s4 =	sshll.u32 s4, $0x4;
	s11 =	sshrl.u32 s16, $0x3  }
0x11: {  	s15 =	sshrl.u32 s15, $0x3;
	s4 =	sor.u32 s22, s4;
	s11 =	sadd.s32 s6, s11  }
0x12: {  	s21 =	sadd.s32 s6, s15;
	[dreg:$0x6] =	wrdreg s11;
	s11 =	sadd.s32 s6, s19  }
0x13: {  	s19 =	sadd.s32 $0xE000, s7;
	[dreg:$0xa] =	wrdreg s21;
	s21 =	sadd.s32 $0x10000, s7  }
0x14: {  	s7 =	sadd.s32 $0x12000, s7;
	[dreg:$0x8] =	wrdreg s11;
	s11 =	sshrl.u32 s20, $0x3  }
0x15: {  	s16 =	sadd.s32 s5, s19;
	s25 =	sadd.s32 s5, s21;
	s5 =	sadd.s32 s5, s7  }
0x16: {  	s20 =	smul.u32 $0x140, s22;
	s11 =	sadd.s32 s6, s11;
	s23 =	sshrl.u32 s16, $0x3  }
0x17: {  	s22 =	sshrl.u32 s28, $0x2;
	[dreg:$0x9] =	wrdreg s11;
	s11 =	sadd.s32 s6, s23  }
0x18: {  	s26 =	sshrl.u32 s25, $0x3;
	s5 =	sshrl.u32 s5, $0x3;
	[dreg:$0xb] =	wrdreg s11  }
0x19: {  	s15 =	sadd.s32 s6, s26;
	s5 =	sadd.s32 s6, s5;
	s11 =	rddreg [dreg:$0x1]  }
0x1a: {  	s16 =	sadd.s32 s20, s18;
	s18 =	sadd.s32 $0x3800, s3;
	[dreg:$0xc] =	wrdreg s15  }
0x1b: {  	s20 =	smul.u32 $0x2800, s4;
	s4 =	simm.s32 $0x1;
	[dreg:$0xd] =	wrdreg s5  }
0x1c: {  	s6 =	simm.s32 $0x1C800;
	s15 =	rddreg [dreg:$0x2];
	s5 =	sadd.s32 s17, s24  }
0x1d: {  	s17 =	sadd.s32 $0xD800, s3;
	s3 =	sadd.s32 $0x17800, s3;
	_ =	strace $0x8000004A  }
0x1e: {  	[dreg:$0xe] =	wrdreg s3;
	s3 =	sadd.s32 s22, s15;
	s23 =	sadd.s32 s9, s15  }
0x1f: {  	s24 =	sadd.s32 s8, s15;
	s25 =	sadd.s32 s10, s15;
	s26 =	sadd.s32 s13, s15  }
0x20: {  	s28 =	sadd.s32 s12, s15;
	s12 =	sadd.s32 s14, s15;
	s13 =	sadd.s32 s19, s15  }
0x21: {  	s14 =	sadd.s32 s21, s15;
	s7 =	sadd.s32 s7, s15;
	[dreg:$0xf] =	wrdreg s0  }
0x22: {  	s19 =	sshrl.u32 s5, $0x2;
	s0 =	simm.s32 $0x14000;
	s5 =	simm.s32 $0x40  }
0x23: {  	s8 =	simm.s32 $0x2;
	s9 =	simm.s32 $0x16800;
	s10 =	simm.s32 $0x17000  }
0x24: {  	s21 =	sor.u32 $0x14000, s19;
	s22 =	sshrl.u32 s3, $0x3;
	s23 =	sshrl.u32 s23, $0x3  }
0x25: {  	s24 =	sshrl.u32 s24, $0x3;
	s25 =	sshrl.u32 s25, $0x3;
	[dreg:$0x10] =	wrdreg s22  }
.Ltmp0:
0x26: {  	s26 =	sshrl.u32 s26, $0x3;
	[dreg:$0x11] =	wrdreg s23;
	(pc) =	sbr.rel .LBB2_1-.Ltmp0, $4  }
0x27: {  	s28 =	sshrl.u32 s28, $0x3;
	s29 =	sshrl.u32 s12, $0x3;
	[dreg:$0x12] =	wrdreg s24;
	v0 =	vmov s21  }
0x28: {  	s30 =	sshrl.u32 s13, $0x3;
	s31 =	sshrl.u32 s14, $0x3;
	[dreg:$0x13] =	wrdreg s25  }
0x29: {  	s12 =	sshrl.u32 s7, $0x3;
	s3 =	simm.s32 $0x3;
	[dreg:$0x14] =	wrdreg s26  }
0x2a: {  	v1 =	vimm.f32 $0.0e+00;
	v2 =	vimm.s32 $0x0;
	v3 =	vimm.s32 $0x27D8;
	s7 =	simm.s32 $0x1A800;
	s13 =	simm.s32 $0x18800;
	[dreg:$0x15] =	wrdreg s28  }
.LBB2_25:
0x2b: {  	s14 =	stileid.u32;
	[bflag:$0x0] =	sbarrier.arrive $0xFFFF  }
0x2c: {  	s14 =	sshll.u32 s14, $0x6;
	s19 =	rddreg [dreg:$0x4]  }
0x2d: {  	s21 =	rddreg [dreg:$0x10];
	s14 =	sor.u32 $0x1C03, s14  }
0x2e: {  	[hbm:s19], [sflag:s14] =	dma.local [spmem:s21], $0x400  }
0x2f: {  	_ =	swait.ge [sflag:s3], $0x400  }
0x30: {  	[sflag:s3] =	ssyncset.done $0x0;
	s26 =	rddreg [dreg:$0x5]  }
0x31: {  	s28 =	rddreg [dreg:$0x11];
	[sflag:s3] =	ssyncadd.s32 $0xFFFFFC00  }
0x32: {  	[hbm:s26], [sflag:s14] =	dma.local [spmem:s28], $0x400  }
0x33: {  	_ =	swait.ge [sflag:s3], $0x400  }
0x34: {  	[sflag:s3] =	ssyncset.done $0x0;
	s22 =	rddreg [dreg:$0x6]  }
0x35: {  	s23 =	rddreg [dreg:$0x12];
	[sflag:s3] =	ssyncadd.s32 $0xFFFFFC00  }
0x36: {  	[hbm:s22], [sflag:s14] =	dma.local [spmem:s23], $0x400  }
0x37: {  	_ =	swait.ge [sflag:s3], $0x400  }
0x38: {  	[sflag:s3] =	ssyncset.done $0x0;
	s24 =	rddreg [dreg:$0x7]  }
0x39: {  	s25 =	rddreg [dreg:$0x13];
	[sflag:s3] =	ssyncadd.s32 $0xFFFFFC00  }
0x3a: {  	[hbm:s24], [sflag:s14] =	dma.local [spmem:s25], $0x400  }
0x3b: {  	_ =	swait.ge [sflag:s3], $0x400  }
0x3c: {  	[sflag:s3] =	ssyncset.done $0x0;
	s26 =	rddreg [dreg:$0x8]  }
0x3d: {  	s28 =	rddreg [dreg:$0x14];
	[sflag:s3] =	ssyncadd.s32 $0xFFFFFC00  }
0x3e: {  	[hbm:s26], [sflag:s14] =	dma.local [spmem:s28], $0x400  }
0x3f: {  	_ =	swait.ge [sflag:s3], $0x400  }
0x40: {  	[sflag:s3] =	ssyncset.done $0x0;
	s21 =	rddreg [dreg:$0x9]  }
0x41: {  	s22 =	rddreg [dreg:$0x15];
	[sflag:s3] =	ssyncadd.s32 $0xFFFFFC00  }
0x42: {  	[hbm:s21], [sflag:s14] =	dma.local [spmem:s22], $0x400  }
0x43: {  	_ =	swait.ge [sflag:s3], $0x400  }
0x44: {  	[sflag:s3] =	ssyncset.done $0x0  }
0x45: {  	s23 =	rddreg [dreg:$0xa];
	[sflag:s3] =	ssyncadd.s32 $0xFFFFFC00  }
0x46: {  	[hbm:s23], [sflag:s14] =	dma.local [spmem:s29], $0x400  }
0x47: {  	_ =	swait.ge [sflag:s3], $0x400  }
0x48: {  	[sflag:s3] =	ssyncset.done $0x0  }
0x49: {  	s24 =	rddreg [dreg:$0xb];
	[sflag:s3] =	ssyncadd.s32 $0xFFFFFC00  }
0x4a: {  	[hbm:s24], [sflag:s14] =	dma.local [spmem:s30], $0x400  }
0x4b: {  	_ =	swait.ge [sflag:s3], $0x400  }
0x4c: {  	[sflag:s3] =	ssyncset.done $0x0  }
0x4d: {  	s25 =	rddreg [dreg:$0xc];
	[sflag:s3] =	ssyncadd.s32 $0xFFFFFC00  }
0x4e: {  	[hbm:s25], [sflag:s14] =	dma.local [spmem:s31], $0x400  }
0x4f: {  	_ =	swait.ge [sflag:s3], $0x400  }
0x50: {  	[sflag:s3] =	ssyncset.done $0x0  }
0x51: {  	s26 =	rddreg [dreg:$0xd];
	[sflag:s3] =	ssyncadd.s32 $0xFFFFFC00  }
0x52: {  	[hbm:s26], [sflag:s14] =	dma.local [spmem:s12], $0x400  }
0x53: {  	_ =	swait.ge [sflag:s3], $0x400  }
0x54: {  	s2 =	sadd.s32 $0x1, s2;
	s28 =	rddreg [dreg:$0xf]  }
0x55: {  	p0 =	sne.s32 s2, s28  }
.Ltmp1:
0x56: {  	_ = 	snop;
	(pc) =	sbr.rel @!p0 .LBB2_26-.Ltmp1, $3  }
0x57: {  	_ =	sdelay $0x1  }
0x58: {  	[sflag:s3] =	ssyncset.done $0x0  }
0x59: {  	[sflag:s3] =	ssyncadd.s32 $0xFFFFFC00  }
.LBB2_1:
0x5a: {  	s14 =	simm.s32 $0x0;
	s19 =	simm.s32 $0x200  }
.LBB2_2:
0x5b: {  	p0 =	sne.s32 s19, $0x7E00;
	[tilespmem:s14+$0x1A870] =	vst v1  }
0x5c: {  	[tilespmem:s14+$0x1A800] =	vst v1  }
0x5d: {  	[tilespmem:s14+$0x1A810] =	vst v1  }
.Ltmp2:
0x5e: {  	[tilespmem:s14+$0x1A820] =	vst v1;
	(pc) =	sbr.rel @p0 .LBB2_2-.Ltmp2, $4  }
0x5f: {  	[tilespmem:s14+$0x1A830] =	vst v1  }
0x60: {  	[tilespmem:s14+$0x1A840] =	vst v1  }
0x61: {  	[tilespmem:s14+$0x1A850] =	vst v1  }
0x62: {  	[tilespmem:s14+$0x1A860] =	vst v1;
	s14 =	sshra.s32 s19, $0x2;
	s19 =	sadd.s32 $0x200, s19  }
0x63: {  	[tilespmem:s14+$0x1A870] =	vst v1  }
0x64: {  	[tilespmem:s14+$0x1A800] =	vst v1  }
0x65: {  	[tilespmem:s14+$0x1A810] =	vst v1  }
0x66: {  	[tilespmem:s14+$0x1A820] =	vst v1  }
0x67: {  	[tilespmem:s14+$0x1A830] =	vst v1  }
0x68: {  	[tilespmem:s14+$0x1A840] =	vst v1  }
0x69: {  	[tilespmem:s14+$0x1A850] =	vst v1  }
0x6a: {  	[tilespmem:s14+$0x1A860] =	vst v1;
	s14 =	simm.s32 $0x0;
	s19 =	rddreg [dreg:$0xe]  }
0x6b: {  	[tilespmem:s0], [sflag:$0x3] =	stream.linear.gather [hbm4b:s19+s14], $0x2800, $0x38;
	[tilespmem:$0x1C880] =	vst v63  }
0x6c: {  	s21 =	sadd.s32 $0x0, s1;
	_ =	swait.ge [sflag:s3], $0x2800  }
0x6d: {  	s26 =	sand.u32 $0x7F80, s21;
	s22 =	sand.u32 $0x70, s14;
	[sflag:s3] =	ssyncset.done $0x0  }
0x6e: {  	s19 =	sor.u32 s22, s26;
	[sflag:s3] =	ssyncadd.s32 $0xFFFFD800  }
0x6f: {  	v4 =	vld [tilespmem:s19+$0x14000];
	_ =	sdelay $0x4  }
0x70: {  	vm0 =	vgt.f32 v4, $0.0e+00  }
0x71: {  	v5 =	vsel vm0, $0x1, v2  }
0x72: {  	(xrf0) =	vadd.scan.msk.s32 $0xffff, v5;
	_ =	sdelay $0x5  }
0x73: {  	v5, _, _ =	vpop (xrf0)  }
0x74: {  	(v2sf) =	vpush v5, $0xF;
	_ =	sdelay $0xe  }
0x75: {  	s28 =	spop (v2sf)  }
0x76: {  	s22 =	simm.s32 $0x10;
	p1 =	slt.s32 s28, $0x1;
	s19 =	sadd.s32 $0x0, s28  }
.LBB2_4:
0x77: {  	s23 =	sadd.s32 s22, s1;
	v5 =	vlaneseq.u32 @!p1;
	s24 =	smov.u32 s22;
	s22 =	sadd.s32 $0x10, s22  }
0x78: {  	vm0 =	vgt.f32 @!p1 v4, $0.0e+00;
	s25 =	sand.u32 $0x7F80, s23;
	s24 =	sand.u32 $0x70, s24;
	p0 =	sne.s32 s22, $0x280;
	v4 =	vor.u32 @!p1 s21, v5  }
0x79: {  	s21 =	smov.u32 s23;
	s24 =	sor.u32 s24, s25;
	[tilespmem:s14+$0x17800] =	vst.msk @!p1 vm0, v4;
	s14 =	smov.u32 s19  }
0x7a: {  	v4 =	vld [tilespmem:s24+$0x14000];
	_ =	sdelay $0x4  }
0x7b: {  	vm0 =	vgt.f32 v4, $0.0e+00  }
0x7c: {  	v5 =	vsel vm0, $0x1, v2  }
0x7d: {  	(xrf0) =	vadd.scan.msk.s32 $0xffff, v5;
	_ =	sdelay $0x5  }
0x7e: {  	v5, _, _ =	vpop (xrf0)  }
0x7f: {  	(v2sf) =	vpush v5, $0xF;
	_ =	sdelay $0xb  }
.Ltmp3:
0x80: {  	(pc) =	sbr.rel @p0 .LBB2_4-.Ltmp3, $3  }
0x81: {  	_ =	sdelay $0x1  }
0x82: {  	s23 =	spop (v2sf)  }
0x83: {  	p1 =	slt.s32 s23, $0x1;
	s19 =	sadd.s32 s19, s23  }
0x84: {  	s22 =	sadd.s32 $0x3F, s19  }
0x85: {  	s23 =	sand.u32 $0x3F, s22  }
0x86: {  	s25 =	sshra.s32 s22, $0x1F;
	p2 =	slt.s32 s22, $0x1;
	p0 =	sne.s32 s23, $0x0  }
0x87: {  	v5 =	vlaneseq.u32 @!p1;
	s26 =	sshrl.u32 s25, $0x1A;
	p0 =	por !p2, !p0  }
0x88: {  	vm0 =	vgt.f32 @!p1 v4, $0.0e+00;
	v5 =	vor.u32 @!p1 s21, v5;
	s21 =	simm.s32 $0x1;
	s28 =	sadd.s32 s26, s22;
	p0 =	por !p0, !p0  }
0x89: {  	[tilespmem:s14+$0x17800] =	vst.msk @!p1 vm0, v5;
	s14 =	sshra.s32 s28, $0x6;
	s21 =	simm.s32 @!p0 $0x0  }
0x8a: {  	s21 =	ssub.s32 s14, s21  }
0x8b: {  	p0 =	slt.s32 s21, $0x1  }
.Ltmp4:
0x8c: {  	_ = 	snop;
	(pc) =	sbr.rel @p0 .LBB2_9-.Ltmp4, $4  }
0x8d: {  	[tilespmem:s19+$0x17800] =	vst v3  }
0x8e: {  	[tilespmem:s19+$0x17810] =	vst v3  }
0x8f: {  	[tilespmem:s19+$0x17820] =	vst v3  }
0x90: {  	[tilespmem:s19+$0x17830] =	vst v3;
	s14 =	simm.s32 $0x17820  }
0x91: {  	v4 =	vld [tilespmem:s14+$0xFFFFFFE0];
	_ =	sdelay $0x4  }
0x92: {  	[tilespmem:$0x1C800] =	vst v4  }
0x93: {  	v4 =	vld [tilespmem:s14+$0xFFFFFFF0];
	_ =	sdelay $0x4  }
0x94: {  	[tilespmem:$0x1C810] =	vst v4  }
0x95: {  	v4 =	vld [tilespmem:s14+$0x0];
	_ =	sdelay $0x4  }
0x96: {  	[tilespmem:$0x1C820] =	vst v4  }
0x97: {  	v4 =	vld [tilespmem:s14+$0x10];
	_ =	sdelay $0x2  }
0x98: {  	p0 =	sne.s32 s21, $0x1  }
.Ltmp5:
0x99: {  	_ = 	snop;
	(pc) =	sbr.rel @!p0 .LBB2_8-.Ltmp5, $4  }
0x9a: {  	[tilespmem:$0x1C830] =	vst v4  }
0x9b: {  	[spmem:s15] =	stream.indirect.scatter [tilespmem:s7], [sflag:$0x2], $0x80, s6, s5, $0xb8;
	[tilespmem:$0x1C880] =	vst v63  }
0x9c: {  	_ =	swait.ge [sflag:s8], $0x2000  }
0x9d: {  	s19 =	sadd.s32 $0xFFFFFFFF, s21;
	[sflag:s8] =	ssyncset.done $0x0  }
.LBB2_7:
0x9e: {  	p0 =	sne.s32 s19, $0x1;
	[sflag:s8] =	ssyncadd.s32 $0xFFFFE000;
	s14 =	sadd.s32 $0x40, s14  }
0x9f: {  	s19 =	sadd.s32 $0xFFFFFFFF, s19;
	v4 =	vld [tilespmem:s14+$0xFFFFFFE0];
	_ =	sdelay $0x4  }
0xa0: {  	[tilespmem:$0x1C800] =	vst v4  }
0xa1: {  	v4 =	vld [tilespmem:s14+$0xFFFFFFF0];
	_ =	sdelay $0x4  }
0xa2: {  	[tilespmem:$0x1C810] =	vst v4  }
0xa3: {  	v4 =	vld [tilespmem:s14+$0x0];
	_ =	sdelay $0x4  }
0xa4: {  	[tilespmem:$0x1C820] =	vst v4  }
0xa5: {  	v4 =	vld [tilespmem:s14+$0x10];
	_ =	sdelay $0x3  }
.Ltmp6:
0xa6: {  	(pc) =	sbr.rel @p0 .LBB2_7-.Ltmp6, $4  }
0xa7: {  	[tilespmem:$0x1C830] =	vst v4  }
0xa8: {  	[spmem:s15] =	stream.indirect.scatter [tilespmem:s7], [sflag:$0x2], $0x80, s6, s5, $0xb8;
	[tilespmem:$0x1C880] =	vst v63  }
0xa9: {  	_ =	swait.ge [sflag:s8], $0x2000  }
0xaa: {  	[sflag:s8] =	ssyncset.done $0x0  }
.LBB2_8:
0xab: {  	[sflag:s8] =	ssyncadd.s32 $0xFFFFE000  }
.LBB2_9:
.Ltmp7:
0xac: {  	(pc) =	sbr.rel .LBB2_10-.Ltmp7, $3  }
0xad: {  	_ =	sdelay $0x1  }
0xae: {  	[bflag:$0x0] =	sbarrier.arrive $0xFFFF  }
0xaf: {  	s14 =	simm.s32 $0x0;
	s21 =	simm.s32 $0x0;
	s19 =	simm.s32 $0x0  }
.LBB2_13:
0xb0: {  	s21 =	simm.s32 @!p0 $0x0  }
.LBB2_18:
0xb1: {  	s19 =	sadd.s32 $0x1, s19  }
0xb2: {  	p0 =	sne.s32 s19, $0x5  }
.Ltmp8:
0xb3: {  	_ = 	snop;
	(pc) =	sbr.rel @!p0 .LBB2_19-.Ltmp8, $1  }
0xb4: {  	_ =	sdelay $0x3  }
.LBB2_10:
0xb5: {  	s22 =	sshll.u32 s19, $0xB  }
0xb6: {  	s22 =	sadd.s32 s20, s22  }
0xb7: {  	s22 =	sshrl.u32 s22, $0x3  }
0xb8: {  	s23 =	sadd.s32 s17, s22  }
0xb9: {  	[tilespmem:s9], [sflag:$0x3] =	stream.linear.gather [hbm4b:s23+s14], $0x800, $0x38;
	[tilespmem:$0x1C880] =	vst v63  }
0xba: {  	_ =	swait.ge [sflag:s3], $0x800  }
0xbb: {  	[sflag:s3] =	ssyncset.done $0x0  }
0xbc: {  	s22 =	sadd.s32 s18, s22;
	[sflag:s3] =	ssyncadd.s32 $0xFFFFF800  }
0xbd: {  	[tilespmem:s10], [sflag:$0x3] =	stream.linear.gather [hbm4b:s22+s14], $0x800, $0x38;
	[tilespmem:$0x1C880] =	vst v63  }
0xbe: {  	_ =	swait.ge [sflag:s3], $0x800  }
0xbf: {  	[sflag:s3] =	ssyncset.done $0x0  }
0xc0: {  	s22 =	simm.s32 $0x0;
	[sflag:s3] =	ssyncadd.s32 $0xFFFFF800  }
.LBB2_11:
0xc1: {  	s23 =	sshra.s32 s22, $0x2  }
0xc2: {  	v4 =	vld [tilespmem:s23+$0x17000];
	_ =	sdelay $0x7  }
0xc3: {  	v5 =	vld.idx.msk [tilespmem:v4+s0+$0x0], $0xffff;
	_ =	sdelay $0x4  }
0xc4: {  	vm0 =	vgt.f32 v5, $0.0e+00  }
0xc5: {  	v6 =	vsel vm0, $0x1, v2  }
0xc6: {  	(xrf0) =	vadd.scan.msk.s32 $0xffff, v6;
	_ =	sdelay $0x5  }
0xc7: {  	v6, _, _ =	vpop (xrf0)  }
0xc8: {  	(v2sf) =	vpush v6, $0xF;
	_ =	sdelay $0xe  }
0xc9: {  	s24 =	spop (v2sf)  }
0xca: {  	p0 =	slt.s32 s24, $0x1  }
0xcb: {  	s25 =	sshra.s32 @!p0 s22, $0x2  }
0xcc: {  	v6 =	vld @!p0 [tilespmem:s25+$0x16800];
	_ =	sdelay $0x6  }
0xcd: {  	s25 =	simm.s32 @!p0 $0x14000  }
0xce: {  	v7 =	vld.idx.msk @!p0 [tilespmem:v6+s25+$0x0], $0xffff;
	_ =	sdelay $0x4  }
0xcf: {  	v7 =	vand.u32 @!p0 $0x7FFFFFFF, v7  }
0xd0: {  	vm0 =	vgt.f32 @!p0 v5, $0.0e+00;
	v5 =	vmul.f32 @!p0 v7, v5  }
0xd1: {  	[tilespmem:s21+$0x17800] =	vst.msk @!p0 vm0, v6  }
0xd2: {  	[tilespmem:s21+$0x18800] =	vst.msk @!p0 vm0, v5  }
0xd3: {  	[tilespmem:s21+$0x19800] =	vst.msk @!p0 vm0, v4  }
0xd4: {  	v4 =	vld [tilespmem:s23+$0x17010];
	_ =	sdelay $0x7  }
0xd5: {  	v5 =	vld.idx.msk [tilespmem:v4+s0+$0x0], $0xffff;
	_ =	sdelay $0x4  }
0xd6: {  	vm9 =	vgt.f32 v5, $0.0e+00  }
0xd7: {  	v57 =	vsel vm9, $0x1, v2  }
0xd8: {  	(xrf0) =	vadd.scan.msk.s32 $0xffff, v57;
	_ =	sdelay $0x5  }
0xd9: {  	v6, _, _ =	vpop (xrf0)  }
0xda: {  	(v2sf) =	vpush v6, $0xF;
	_ =	sdelay $0xe  }
0xdb: {  	s28 =	spop (v2sf)  }
0xdc: {  	p0 =	slt.s32 s28, $0x1  }
0xdd: {  	s26 =	sshra.s32 @!p0 s22, $0x2  }
0xde: {  	v6 =	vld @!p0 [tilespmem:s26+$0x16810];
	_ =	sdelay $0x6  }
0xdf: {  	s26 =	simm.s32 @!p0 $0x14000  }
0xe0: {  	v7 =	vld.idx.msk @!p0 [tilespmem:v6+s26+$0x0], $0xffff;
	_ =	sdelay $0x4  }
0xe1: {  	v7 =	vand.u32 @!p0 $0x7FFFFFFF, v7  }
0xe2: {  	s21 =	sadd.s32 s21, s24;
	vm0 =	vgt.f32 @!p0 v5, $0.0e+00;
	v5 =	vmul.f32 @!p0 v7, v5  }
0xe3: {  	[tilespmem:s21+$0x17800] =	vst.msk @!p0 vm0, v6  }
0xe4: {  	[tilespmem:s21+$0x18800] =	vst.msk @!p0 vm0, v5  }
0xe5: {  	[tilespmem:s21+$0x19800] =	vst.msk @!p0 vm0, v4  }
0xe6: {  	v4 =	vld [tilespmem:s23+$0x17020];
	_ =	sdelay $0x7  }
0xe7: {  	v5 =	vld.idx.msk [tilespmem:v4+s0+$0x0], $0xffff;
	_ =	sdelay $0x4  }
0xe8: {  	vm10 =	vgt.f32 v5, $0.0e+00  }
0xe9: {  	v58 =	vsel vm10, $0x1, v2  }
0xea: {  	(xrf0) =	vadd.scan.msk.s32 $0xffff, v58;
	_ =	sdelay $0x5  }
0xeb: {  	v6, _, _ =	vpop (xrf0)  }
0xec: {  	(v2sf) =	vpush v6, $0xF;
	_ =	sdelay $0xe  }
0xed: {  	s24 =	spop (v2sf)  }
0xee: {  	p0 =	slt.s32 s24, $0x1  }
0xef: {  	s26 =	sshra.s32 @!p0 s22, $0x2  }
0xf0: {  	v6 =	vld @!p0 [tilespmem:s26+$0x16820];
	_ =	sdelay $0x6  }
0xf1: {  	s26 =	simm.s32 @!p0 $0x14000  }
0xf2: {  	v7 =	vld.idx.msk @!p0 [tilespmem:v6+s26+$0x0], $0xffff;
	_ =	sdelay $0x4  }
0xf3: {  	v7 =	vand.u32 @!p0 $0x7FFFFFFF, v7  }
0xf4: {  	s21 =	sadd.s32 s21, s28;
	vm0 =	vgt.f32 @!p0 v5, $0.0e+00;
	v5 =	vmul.f32 @!p0 v7, v5  }
0xf5: {  	[tilespmem:s21+$0x17800] =	vst.msk @!p0 vm0, v6  }
0xf6: {  	[tilespmem:s21+$0x18800] =	vst.msk @!p0 vm0, v5  }
0xf7: {  	[tilespmem:s21+$0x19800] =	vst.msk @!p0 vm0, v4  }
0xf8: {  	v4 =	vld [tilespmem:s23+$0x17030];
	_ =	sdelay $0x7  }
0xf9: {  	v5 =	vld.idx.msk [tilespmem:v4+s0+$0x0], $0xffff;
	_ =	sdelay $0x4  }
0xfa: {  	vm11 =	vgt.f32 v5, $0.0e+00  }
0xfb: {  	v59 =	vsel vm11, $0x1, v2  }
0xfc: {  	(xrf0) =	vadd.scan.msk.s32 $0xffff, v59;
	_ =	sdelay $0x5  }
0xfd: {  	v6, _, _ =	vpop (xrf0)  }
0xfe: {  	(v2sf) =	vpush v6, $0xF;
	_ =	sdelay $0xe  }
0xff: {  	s28 =	spop (v2sf)  }
0x100: {  	p0 =	slt.s32 s28, $0x1  }
0x101: {  	s26 =	sshra.s32 @!p0 s22, $0x2  }
0x102: {  	v6 =	vld @!p0 [tilespmem:s26+$0x16830];
	_ =	sdelay $0x6  }
0x103: {  	s26 =	simm.s32 @!p0 $0x14000  }
0x104: {  	v7 =	vld.idx.msk @!p0 [tilespmem:v6+s26+$0x0], $0xffff;
	_ =	sdelay $0x4  }
0x105: {  	v7 =	vand.u32 @!p0 $0x7FFFFFFF, v7  }
0x106: {  	s21 =	sadd.s32 s21, s24;
	vm0 =	vgt.f32 @!p0 v5, $0.0e+00;
	v5 =	vmul.f32 @!p0 v7, v5  }
0x107: {  	[tilespmem:s21+$0x17800] =	vst.msk @!p0 vm0, v6  }
0x108: {  	[tilespmem:s21+$0x18800] =	vst.msk @!p0 vm0, v5  }
0x109: {  	[tilespmem:s21+$0x19800] =	vst.msk @!p0 vm0, v4  }
0x10a: {  	v4 =	vld [tilespmem:s23+$0x17040];
	_ =	sdelay $0x7  }
0x10b: {  	v5 =	vld.idx.msk [tilespmem:v4+s0+$0x0], $0xffff;
	_ =	sdelay $0x4  }
0x10c: {  	vm12 =	vgt.f32 v5, $0.0e+00  }
0x10d: {  	v60 =	vsel vm12, $0x1, v2  }
0x10e: {  	(xrf0) =	vadd.scan.msk.s32 $0xffff, v60;
	_ =	sdelay $0x5  }
0x10f: {  	v6, _, _ =	vpop (xrf0)  }
0x110: {  	(v2sf) =	vpush v6, $0xF;
	_ =	sdelay $0xe  }
0x111: {  	s24 =	spop (v2sf)  }
0x112: {  	p0 =	slt.s32 s24, $0x1  }
0x113: {  	s26 =	sshra.s32 @!p0 s22, $0x2  }
0x114: {  	v6 =	vld @!p0 [tilespmem:s26+$0x16840];
	_ =	sdelay $0x6  }
0x115: {  	s26 =	simm.s32 @!p0 $0x14000  }
0x116: {  	v7 =	vld.idx.msk @!p0 [tilespmem:v6+s26+$0x0], $0xffff;
	_ =	sdelay $0x4  }
0x117: {  	v7 =	vand.u32 @!p0 $0x7FFFFFFF, v7  }
0x118: {  	s21 =	sadd.s32 s21, s28;
	vm0 =	vgt.f32 @!p0 v5, $0.0e+00;
	v5 =	vmul.f32 @!p0 v7, v5  }
0x119: {  	[tilespmem:s21+$0x17800] =	vst.msk @!p0 vm0, v6  }
0x11a: {  	[tilespmem:s21+$0x18800] =	vst.msk @!p0 vm0, v5  }
0x11b: {  	[tilespmem:s21+$0x19800] =	vst.msk @!p0 vm0, v4  }
0x11c: {  	v4 =	vld [tilespmem:s23+$0x17050];
	_ =	sdelay $0x7  }
0x11d: {  	v5 =	vld.idx.msk [tilespmem:v4+s0+$0x0], $0xffff;
	_ =	sdelay $0x4  }
0x11e: {  	vm13 =	vgt.f32 v5, $0.0e+00  }
0x11f: {  	v61 =	vsel vm13, $0x1, v2  }
0x120: {  	(xrf0) =	vadd.scan.msk.s32 $0xffff, v61;
	_ =	sdelay $0x5  }
0x121: {  	v6, _, _ =	vpop (xrf0)  }
0x122: {  	(v2sf) =	vpush v6, $0xF;
	_ =	sdelay $0xe  }
0x123: {  	s28 =	spop (v2sf)  }
0x124: {  	p0 =	slt.s32 s28, $0x1  }
0x125: {  	s26 =	sshra.s32 @!p0 s22, $0x2  }
0x126: {  	v6 =	vld @!p0 [tilespmem:s26+$0x16850];
	_ =	sdelay $0x6  }
0x127: {  	s26 =	simm.s32 @!p0 $0x14000  }
0x128: {  	v7 =	vld.idx.msk @!p0 [tilespmem:v6+s26+$0x0], $0xffff;
	_ =	sdelay $0x4  }
0x129: {  	v7 =	vand.u32 @!p0 $0x7FFFFFFF, v7  }
0x12a: {  	s21 =	sadd.s32 s21, s24;
	vm0 =	vgt.f32 @!p0 v5, $0.0e+00;
	v5 =	vmul.f32 @!p0 v7, v5  }
0x12b: {  	[tilespmem:s21+$0x17800] =	vst.msk @!p0 vm0, v6  }
0x12c: {  	[tilespmem:s21+$0x18800] =	vst.msk @!p0 vm0, v5  }
0x12d: {  	[tilespmem:s21+$0x19800] =	vst.msk @!p0 vm0, v4  }
0x12e: {  	v4 =	vld [tilespmem:s23+$0x17060];
	_ =	sdelay $0x7  }
0x12f: {  	v5 =	vld.idx.msk [tilespmem:v4+s0+$0x0], $0xffff;
	_ =	sdelay $0x4  }
0x130: {  	vm14 =	vgt.f32 v5, $0.0e+00  }
0x131: {  	v62 =	vsel vm14, $0x1, v2  }
0x132: {  	(xrf0) =	vadd.scan.msk.s32 $0xffff, v62;
	_ =	sdelay $0x5  }
0x133: {  	v6, _, _ =	vpop (xrf0)  }
0x134: {  	(v2sf) =	vpush v6, $0xF;
	_ =	sdelay $0xe  }
0x135: {  	s24 =	spop (v2sf)  }
0x136: {  	p0 =	slt.s32 s24, $0x1  }
0x137: {  	s26 =	sshra.s32 @!p0 s22, $0x2  }
0x138: {  	v6 =	vld @!p0 [tilespmem:s26+$0x16860];
	_ =	sdelay $0x6  }
0x139: {  	s26 =	simm.s32 @!p0 $0x14000  }
0x13a: {  	v7 =	vld.idx.msk @!p0 [tilespmem:v6+s26+$0x0], $0xffff;
	_ =	sdelay $0x4  }
0x13b: {  	v7 =	vand.u32 @!p0 $0x7FFFFFFF, v7  }
0x13c: {  	s21 =	sadd.s32 s21, s28;
	vm0 =	vgt.f32 @!p0 v5, $0.0e+00;
	v5 =	vmul.f32 @!p0 v7, v5  }
0x13d: {  	[tilespmem:s21+$0x17800] =	vst.msk @!p0 vm0, v6  }
0x13e: {  	[tilespmem:s21+$0x18800] =	vst.msk @!p0 vm0, v5  }
0x13f: {  	[tilespmem:s21+$0x19800] =	vst.msk @!p0 vm0, v4  }
0x140: {  	v4 =	vld [tilespmem:s23+$0x17070];
	_ =	sdelay $0x7  }
0x141: {  	v5 =	vld.idx.msk [tilespmem:v4+s0+$0x0], $0xffff;
	_ =	sdelay $0x4  }
0x142: {  	vm15 =	vgt.f32 v5, $0.0e+00  }
0x143: {  	v63 =	vsel vm15, $0x1, v2  }
0x144: {  	(xrf0) =	vadd.scan.msk.s32 $0xffff, v63;
	_ =	sdelay $0x5  }
0x145: {  	v6, _, _ =	vpop (xrf0)  }
0x146: {  	(v2sf) =	vpush v6, $0xF;
	_ =	sdelay $0xe  }
0x147: {  	s28 =	spop (v2sf)  }
0x148: {  	p0 =	slt.s32 s28, $0x1  }
0x149: {  	s25 =	sshra.s32 @!p0 s22, $0x2  }
0x14a: {  	v6 =	vld @!p0 [tilespmem:s25+$0x16870];
	_ =	sdelay $0x6  }
0x14b: {  	s25 =	simm.s32 @!p0 $0x14000  }
0x14c: {  	v7 =	vld.idx.msk @!p0 [tilespmem:v6+s25+$0x0], $0xffff;
	_ =	sdelay $0x2  }
0x14d: {  	s22 =	sadd.s32 $0x200, s22  }
0x14e: {  	p1 =	sne.s32 s22, $0x2000  }
.Ltmp9:
0x14f: {  	v7 =	vand.u32 @!p0 $0x7FFFFFFF, v7;
	(pc) =	sbr.rel @p1 .LBB2_11-.Ltmp9, $4  }
0x150: {  	s21 =	sadd.s32 s21, s24;
	vm0 =	vgt.f32 @!p0 v5, $0.0e+00;
	v5 =	vmul.f32 @!p0 v7, v5  }
0x151: {  	[tilespmem:s21+$0x17800] =	vst.msk @!p0 vm0, v6  }
0x152: {  	[tilespmem:s21+$0x18800] =	vst.msk @!p0 vm0, v5  }
0x153: {  	[tilespmem:s21+$0x19800] =	vst.msk @!p0 vm0, v4;
	s21 =	sadd.s32 s21, s28  }
0x154: {  	p0 =	slt.s32 s21, $0x681  }
0x155: {  	s22 =	sadd.s32 @!p0 $0x3F, s21  }
0x156: {  	s23 =	sand.u32 @!p0 $0x3F, s22  }
0x157: {  	v4 =	vimm.s32 @!p0 $0x0;
	p1 =	slt.s32 @!p0 s22, $0x0;
	p2 =	sne.s32 @!p0 s23, $0x0  }
0x158: {  	v5 =	vimm.f32 @!p0 $0.0e+00;
	[tilespmem:s21+$0x17800] =	vst @!p0 v4;
	s23 =	sshra.s32 @!p0 s22, $0x1F;
	p1 =	por @!p0 !p1, !p2  }
0x159: {  	v6 =	vimm.s32 @!p0 $0x27D8;
	[tilespmem:s21+$0x18800] =	vst @!p0 v5;
	s23 =	sshrl.u32 @!p0 s23, $0x1A;
	p1 =	por @!p0 !p1, !p1  }
0x15a: {  	[tilespmem:s21+$0x19800] =	vst @!p0 v6;
	s22 =	sadd.s32 @!p0 s23, s22;
	s23 =	simm.s32 @!p0 $0x1;
	p1 =	por !p1, p0  }
0x15b: {  	[tilespmem:s21+$0x17810] =	vst @!p0 v4;
	s22 =	sshra.s32 @!p0 s22, $0x6;
	s23 =	simm.s32 @p1 $0x0  }
0x15c: {  	[tilespmem:s21+$0x18810] =	vst @!p0 v5;
	s22 =	ssub.s32 @!p0 s22, s23  }
0x15d: {  	[tilespmem:s21+$0x19810] =	vst @!p0 v6;
	p1 =	slt.s32 @!p0 s22, $0x1  }
0x15e: {  	[tilespmem:s21+$0x17820] =	vst @!p0 v4;
	p1 =	por p0, p1  }
.Ltmp10:
0x15f: {  	[tilespmem:s21+$0x18820] =	vst @!p0 v5;
	(pc) =	sbr.rel @p1 .LBB2_13-.Ltmp10, $4  }
0x160: {  	[tilespmem:s21+$0x19820] =	vst @!p0 v6  }
0x161: {  	[tilespmem:s21+$0x17830] =	vst @!p0 v4  }
0x162: {  	[tilespmem:s21+$0x18830] =	vst @!p0 v5  }
0x163: {  	s24 =	simm.s32 @!p0 $0x0;
	[tilespmem:s21+$0x19830] =	vst @!p0 v6;
	s23 =	simm.s32 @!p0 $0x0  }
.LBB2_14:
0x164: {  	s21 =	sshll.u32 s24, $0x6  }
0x165: {  	s25 =	sadd.s32 $0x17800, s21  }
0x166: {  	[tilespmem:s7], [sflag:$0x1] =	stream.indirect.gather [hbm4b:s11+s5], $0x80, s25, s5, $0xb8;
	[tilespmem:$0x1C880] =	vst v63  }
0x167: {  	v4 =	vld [tilespmem:s21+$0x19800];
	_ =	sdelay $0x4  }
0x168: {  	[tilespmem:$0x1C800] =	vst v4  }
0x169: {  	v4 =	vld [tilespmem:s21+$0x19810];
	_ =	sdelay $0x4  }
0x16a: {  	[tilespmem:$0x1C810] =	vst v4  }
0x16b: {  	v4 =	vld [tilespmem:s21+$0x19820];
	_ =	sdelay $0x4  }
0x16c: {  	[tilespmem:$0x1C820] =	vst v4  }
0x16d: {  	v4 =	vld [tilespmem:s21+$0x19830];
	_ =	sdelay $0x4  }
0x16e: {  	[tilespmem:$0x1C830] =	vst v4  }
0x16f: {  	s28 =	sadd.s32 $0x0, s23;
	_ =	swait.ge [sflag:s4], $0x2000  }
0x170: {  	v4 =	vmov s28;
	[sflag:s4] =	ssyncset.done $0x0  }
0x171: {  	s21 =	simm.s32 $0x1A840;
	[sflag:s4] =	ssyncadd.s32 $0xFFFFE000  }
0x172: {  	v8 =	vld [tilespmem:s21+$0x30]  }
0x173: {  	v11 =	vld [tilespmem:s21+$0x10]  }
0x174: {  	v9 =	vld [tilespmem:s21+$0xFFFFFFC0]  }
0x175: {  	v5 =	vld.idx.msk [tilespmem:v4+s13+$0x0], $0xffff  }
0x176: {  	v13 =	vld [tilespmem:s21+$0xFFFFFFE0]  }
0x177: {  	v6 =	vld [tilespmem:s21+$0x20]  }
0x178: {  	v7 =	vld [tilespmem:s21+$0xFFFFFFD0]  }
0x179: {  	v4 =	vld [tilespmem:s21+$0xFFFFFFF0]  }
0x17a: {  	v12 =	vmul.f32 v8, v5;
	v8 =	vld [tilespmem:s21+$0x0]  }
0x17b: {  	v10 =	vmul.f32 v9, v5  }
0x17c: {  	s26 =	simm.s32 $0x1A840;
	s25 =	simm.s32 $0x1;
	v9 =	vmul.f32 v13, v5;
	v11 =	vmul.f32 v11, v5  }
.LBB2_15:
0x17d: {  	p0 =	sne.s32 s25, $0x3F  }
0x17e: {  	v7 =	vmul.f32 v7, v5;
	v6 =	vmul.f32 v6, v5;
	[tilespmem:s21+$0x30] =	vst v12;
	s26 =	sadd.s32 $0x80, s26;
	s28 =	smov.u32 s25;
	s25 =	sadd.s32 $0x1, s25  }
0x17f: {  	[tilespmem:s21+$0xFFFFFFC0] =	vst v10;
	v10 =	vmul.f32 v4, v5;
	v5 =	vmul.f32 v8, v5  }
0x180: {  	s28 =	sadd.s32 s28, s23;
	[tilespmem:s21+$0x10] =	vst v11  }
0x181: {  	v8 =	vmov s28;
	[tilespmem:s21+$0xFFFFFFE0] =	vst v9  }
0x182: {  	v4 =	vld [tilespmem:s26+$0xFFFFFFF0];
	[tilespmem:s21+$0xFFFFFFF0] =	vst v10  }
0x183: {  	v9 =	vld [tilespmem:s26+$0x30];
	[tilespmem:s21+$0x0] =	vst v5  }
0x184: {  	v11 =	vld [tilespmem:s26+$0x10];
	[tilespmem:s21+$0x20] =	vst v6  }
0x185: {  	v10 =	vld [tilespmem:s26+$0xFFFFFFC0];
	[tilespmem:s21+$0xFFFFFFD0] =	vst v7;
	s21 =	smov.u32 s26  }
0x186: {  	v5 =	vld.idx.msk [tilespmem:v8+s13+$0x0], $0xffff  }
0x187: {  	v13 =	vld [tilespmem:s26+$0xFFFFFFE0]  }
0x188: {  	v6 =	vld [tilespmem:s26+$0x20]  }
.Ltmp11:
0x189: {  	v7 =	vld [tilespmem:s26+$0xFFFFFFD0];
	(pc) =	sbr.rel @p0 .LBB2_15-.Ltmp11, $3  }
0x18a: {  	v8 =	vld [tilespmem:s26+$0x0];
	_ =	sdelay $0x1  }
0x18b: {  	v10 =	vmul.f32 v10, v5;
	v12 =	vmul.f32 v9, v5  }
0x18c: {  	v11 =	vmul.f32 v11, v5;
	v9 =	vmul.f32 v13, v5  }
0x18d: {  	[tilespmem:s21+$0x30] =	vst v12  }
0x18e: {  	[tilespmem:s21+$0xFFFFFFC0] =	vst v10  }
0x18f: {  	v4 =	vmul.f32 v4, v5;
	[tilespmem:s21+$0x10] =	vst v11  }
0x190: {  	v6 =	vmul.f32 v6, v5;
	[tilespmem:s21+$0xFFFFFFE0] =	vst v9  }
0x191: {  	v8 =	vmul.f32 v8, v5;
	[tilespmem:s21+$0xFFFFFFF0] =	vst v4  }
0x192: {  	s24 =	sadd.s32 $0x1, s24;
	v4 =	vmul.f32 v7, v5;
	[tilespmem:s21+$0x20] =	vst v6  }
0x193: {  	p0 =	sne.s32 s24, s22;
	[tilespmem:s21+$0x0] =	vst v8  }
.Ltmp12:
0x194: {  	[tilespmem:s21+$0xFFFFFFD0] =	vst v4;
	(pc) =	sbr.rel @p0 .LBB2_14-.Ltmp12, $4  }
0x195: {  	[spmem:s15] =	stream.indirect.scatter.add.f32 [tilespmem:s7], [sflag:$0x2], $0x80, s6, s5, $0xb8;
	[tilespmem:$0x1C880] =	vst v63  }
0x196: {  	_ =	swait.ge [sflag:s8], $0x2000  }
0x197: {  	[sflag:s8] =	ssyncset.done $0x0  }
0x198: {  	s23 =	sadd.s32 $0x40, s23;
	[sflag:s8] =	ssyncadd.s32 $0xFFFFE000  }
.Ltmp13:
0x199: {  	(pc) =	sbr.rel .LBB2_18-.Ltmp13, $2  }
0x19a: {  	_ =	sdelay $0x2  }
0x19b: {  	s21 =	simm.s32 $0x0  }
.LBB2_19:
0x19c: {  	_ =	sdelay $0x2  }
0x19d: {  	s14 =	simm.s32 $0x0  }
0x19e: {  	v5 =	vld.idx.msk [tilespmem:v0+s14+$0x0 ss:$0x1], $0xffff;
	_ =	sdelay $0x4  }
0x19f: {  	vm0 =	vgt.f32 v5, $0.0e+00  }
0x1a0: {  	v4 =	vsel vm0, $0x1, v2  }
0x1a1: {  	(xrf0) =	vadd.scan.msk.s32 $0xffff, v4;
	_ =	sdelay $0x5  }
0x1a2: {  	v4, _, _ =	vpop (xrf0)  }
0x1a3: {  	(v2sf) =	vpush v4, $0xF;
	_ =	sdelay $0xe  }
0x1a4: {  	s19 =	spop (v2sf)  }
0x1a5: {  	p1 =	slt.s32 s19, $0x1  }
0x1a6: {  	v4 =	vlaneseq.u32 @!p1  }
0x1a7: {  	vm0 =	vgt.f32 @!p1 v5, $0.0e+00;
	v5 =	vmul.f32 @!p1 v5, v5;
	v4 =	vor.u32 @!p1 s16, v4  }
0x1a8: {  	[tilespmem:s21+$0x17800] =	vst.msk @!p1 vm0, v4  }
0x1a9: {  	s22 =	smov.u32 s16;
	s14 =	simm.s32 $0x40;
	s19 =	sadd.s32 s21, s19;
	[tilespmem:s21+$0x18800] =	vst.msk @!p1 vm0, v5  }
.LBB2_20:
0x1aa: {  	s23 =	sshra.s32 s14, $0x2;
	[tilespmem:s21+$0x19800] =	vst.msk @!p1 vm0, v4;
	s21 =	smov.u32 s19  }
0x1ab: {  	v5 =	vld.idx.msk [tilespmem:v0+s23+$0x0 ss:$0x1], $0xffff  }
0x1ac: {  	s14 =	sadd.s32 $0x40, s14  }
0x1ad: {  	p0 =	sne.s32 s14, $0x500;
	_ =	sdelay $0x3  }
0x1ae: {  	vm0 =	vgt.f32 v5, $0.0e+00  }
0x1af: {  	v4 =	vsel vm0, $0x1, v2  }
0x1b0: {  	(xrf0) =	vadd.scan.msk.s32 $0xffff, v4;
	_ =	sdelay $0x5  }
0x1b1: {  	v4, _, _ =	vpop (xrf0)  }
0x1b2: {  	(v2sf) =	vpush v4, $0xF;
	_ =	sdelay $0xe  }
0x1b3: {  	s23 =	spop (v2sf)  }
.Ltmp14:
0x1b4: {  	p1 =	slt.s32 s23, $0x1;
	s19 =	sadd.s32 s19, s23;
	(pc) =	sbr.rel @p0 .LBB2_20-.Ltmp14, $4  }
0x1b5: {  	s22 =	sadd.s32 $0x10, s22;
	v4 =	vlaneseq.u32 @!p1  }
0x1b6: {  	vm0 =	vgt.f32 @!p1 v5, $0.0e+00;
	v5 =	vmul.f32 @!p1 v5, v5;
	v4 =	vor.u32 @!p1 s22, v4  }
0x1b7: {  	[tilespmem:s21+$0x17800] =	vst.msk @!p1 vm0, v4  }
0x1b8: {  	[tilespmem:s21+$0x18800] =	vst.msk @!p1 vm0, v5  }
0x1b9: {  	[tilespmem:s21+$0x19800] =	vst.msk @!p1 vm0, v4;
	s14 =	sadd.s32 $0x3F, s19  }
0x1ba: {  	[tilespmem:s19+$0x17800] =	vst v2;
	s26 =	sand.u32 $0x3F, s14  }
0x1bb: {  	[tilespmem:s19+$0x18800] =	vst v1;
	s28 =	sshra.s32 s14, $0x1F;
	p6 =	slt.s32 s14, $0x1;
	p0 =	sne.s32 s26, $0x0  }
0x1bc: {  	[tilespmem:s19+$0x19800] =	vst v3;
	s21 =	sshrl.u32 s28, $0x1A;
	p0 =	por !p6, !p0  }
0x1bd: {  	[tilespmem:s19+$0x17810] =	vst v2;
	s14 =	sadd.s32 s21, s14;
	s21 =	simm.s32 $0x1;
	p0 =	por !p0, !p0  }
0x1be: {  	[tilespmem:s19+$0x18810] =	vst v1;
	s14 =	sshra.s32 s14, $0x6;
	s21 =	simm.s32 @!p0 $0x0  }
0x1bf: {  	[tilespmem:s19+$0x19810] =	vst v3;
	s14 =	ssub.s32 s14, s21  }
0x1c0: {  	[tilespmem:s19+$0x17820] =	vst v2;
	p0 =	slt.s32 s14, $0x1  }
.Ltmp15:
0x1c1: {  	[tilespmem:s19+$0x18820] =	vst v1;
	(pc) =	sbr.rel @p0 .LBB2_25-.Ltmp15, $4  }
0x1c2: {  	[tilespmem:s19+$0x19820] =	vst v3  }
0x1c3: {  	[tilespmem:s19+$0x17830] =	vst v2  }
0x1c4: {  	[tilespmem:s19+$0x18830] =	vst v1  }
0x1c5: {  	[tilespmem:s19+$0x19830] =	vst v3;
	s19 =	simm.s32 $0x0;
	s21 =	simm.s32 $0x0  }
.LBB2_22:
0x1c6: {  	s22 =	sshll.u32 s21, $0x6  }
0x1c7: {  	s23 =	sadd.s32 $0x17800, s22  }
0x1c8: {  	[tilespmem:s7], [sflag:$0x1] =	stream.indirect.gather [hbm4b:s11+s5], $0x80, s23, s5, $0xb8;
	[tilespmem:$0x1C880] =	vst v63  }
0x1c9: {  	v4 =	vld [tilespmem:s22+$0x19800];
	_ =	sdelay $0x4  }
0x1ca: {  	[tilespmem:$0x1C800] =	vst v4  }
0x1cb: {  	v4 =	vld [tilespmem:s22+$0x19810];
	_ =	sdelay $0x4  }
0x1cc: {  	[tilespmem:$0x1C810] =	vst v4  }
0x1cd: {  	v4 =	vld [tilespmem:s22+$0x19820];
	_ =	sdelay $0x4  }
0x1ce: {  	[tilespmem:$0x1C820] =	vst v4  }
0x1cf: {  	v4 =	vld [tilespmem:s22+$0x19830];
	_ =	sdelay $0x4  }
0x1d0: {  	[tilespmem:$0x1C830] =	vst v4  }
0x1d1: {  	s28 =	sadd.s32 $0x0, s19;
	_ =	swait.ge [sflag:s4], $0x2000  }
0x1d2: {  	v4 =	vmov s28;
	[sflag:s4] =	ssyncset.done $0x0  }
0x1d3: {  	s22 =	simm.s32 $0x1A840;
	[sflag:s4] =	ssyncadd.s32 $0xFFFFE000  }
0x1d4: {  	v8 =	vld [tilespmem:s22+$0x30]  }
0x1d5: {  	v11 =	vld [tilespmem:s22+$0x10]  }
0x1d6: {  	v9 =	vld [tilespmem:s22+$0xFFFFFFC0]  }
0x1d7: {  	v5 =	vld.idx.msk [tilespmem:v4+s13+$0x0], $0xffff  }
0x1d8: {  	v13 =	vld [tilespmem:s22+$0xFFFFFFE0]  }
0x1d9: {  	v6 =	vld [tilespmem:s22+$0x20]  }
0x1da: {  	v7 =	vld [tilespmem:s22+$0xFFFFFFD0]  }
0x1db: {  	v4 =	vld [tilespmem:s22+$0xFFFFFFF0]  }
0x1dc: {  	v12 =	vmul.f32 v8, v5;
	v8 =	vld [tilespmem:s22+$0x0]  }
0x1dd: {  	v10 =	vmul.f32 v9, v5  }
0x1de: {  	s24 =	simm.s32 $0x1A840;
	s23 =	simm.s32 $0x1;
	v9 =	vmul.f32 v13, v5;
	v11 =	vmul.f32 v11, v5  }
.LBB2_23:
0x1df: {  	p0 =	sne.s32 s23, $0x3F  }
0x1e0: {  	v7 =	vmul.f32 v7, v5;
	v6 =	vmul.f32 v6, v5;
	[tilespmem:s22+$0x30] =	vst v12;
	s24 =	sadd.s32 $0x80, s24;
	s25 =	smov.u32 s23;
	s23 =	sadd.s32 $0x1, s23  }
0x1e1: {  	[tilespmem:s22+$0xFFFFFFC0] =	vst v10;
	v10 =	vmul.f32 v4, v5;
	v5 =	vmul.f32 v8, v5  }
0x1e2: {  	s25 =	sadd.s32 s25, s19;
	[tilespmem:s22+$0x10] =	vst v11  }
0x1e3: {  	v8 =	vmov s25;
	[tilespmem:s22+$0xFFFFFFE0] =	vst v9  }
0x1e4: {  	v4 =	vld [tilespmem:s24+$0xFFFFFFF0];
	[tilespmem:s22+$0xFFFFFFF0] =	vst v10  }
0x1e5: {  	v9 =	vld [tilespmem:s24+$0x30];
	[tilespmem:s22+$0x0] =	vst v5  }
0x1e6: {  	v11 =	vld [tilespmem:s24+$0x10];
	[tilespmem:s22+$0x20] =	vst v6  }
0x1e7: {  	v10 =	vld [tilespmem:s24+$0xFFFFFFC0];
	[tilespmem:s22+$0xFFFFFFD0] =	vst v7;
	s22 =	smov.u32 s24  }
0x1e8: {  	v5 =	vld.idx.msk [tilespmem:v8+s13+$0x0], $0xffff  }
0x1e9: {  	v13 =	vld [tilespmem:s24+$0xFFFFFFE0]  }
0x1ea: {  	v6 =	vld [tilespmem:s24+$0x20]  }
.Ltmp16:
0x1eb: {  	v7 =	vld [tilespmem:s24+$0xFFFFFFD0];
	(pc) =	sbr.rel @p0 .LBB2_23-.Ltmp16, $3  }
0x1ec: {  	v8 =	vld [tilespmem:s24+$0x0];
	_ =	sdelay $0x1  }
0x1ed: {  	v10 =	vmul.f32 v10, v5;
	v12 =	vmul.f32 v9, v5  }
0x1ee: {  	v11 =	vmul.f32 v11, v5;
	v9 =	vmul.f32 v13, v5  }
0x1ef: {  	[tilespmem:s22+$0x30] =	vst v12  }
0x1f0: {  	[tilespmem:s22+$0xFFFFFFC0] =	vst v10  }
0x1f1: {  	v4 =	vmul.f32 v4, v5;
	[tilespmem:s22+$0x10] =	vst v11  }
0x1f2: {  	v6 =	vmul.f32 v6, v5;
	[tilespmem:s22+$0xFFFFFFE0] =	vst v9  }
0x1f3: {  	v8 =	vmul.f32 v8, v5;
	[tilespmem:s22+$0xFFFFFFF0] =	vst v4  }
0x1f4: {  	v4 =	vmul.f32 v7, v5;
	[tilespmem:s22+$0x20] =	vst v6  }
0x1f5: {  	s21 =	sadd.s32 $0x1, s21;
	[tilespmem:s22+$0x0] =	vst v8  }
0x1f6: {  	p0 =	sne.s32 s21, s14;
	[tilespmem:s22+$0xFFFFFFD0] =	vst v4  }
0x1f7: {  	[spmem:s15] =	stream.indirect.scatter.add.f32 [tilespmem:s7], [sflag:$0x2], $0x80, s6, s5, $0xb8;
	[tilespmem:$0x1C880] =	vst v63  }
.Ltmp17:
0x1f8: {  	_ = 	snop;
	(pc) =	sbr.rel @p0 .LBB2_22-.Ltmp17, $4  }
.Ltmp18:
0x1f9: {  	_ = 	snop;
	(pc) =	sbr.rel @!p0 .LBB2_25-.Ltmp18, $4  }
0x1fa: {  	_ =	swait.ge [sflag:s8], $0x2000  }
0x1fb: {  	[sflag:s8] =	ssyncset.done $0x0  }
0x1fc: {  	s19 =	sadd.s32 $0x40, s19;
	[sflag:s8] =	ssyncadd.s32 $0xFFFFE000  }
0x1fd: {  	_ = 	snop  }
.LBB2_26:
0x1fe: {  	_ =	sfence.sel $0x180000  }
0x1ff: {  	[bflag:$0x0] =	sbarrier.arrive $0xFFFF  }
0x200: {  	_ =	strace $0x9000004A  }
0x201: {  	s0 =	stileid.u32;
	[bflag:$0x2] =	sbarrier.arrive $0xFFFF  }
0x202: {  	p0 =	sne.s32 s0, $0x0;
	s0 =	rddreg [dreg:$0x3]  }
0x203: {  	s0 =	sadd.s32 @!p0 $0x100000, s0  }
0x204: {  	[sflag:s0] =	ssyncadd.tile.s32 @!p0 $0x1;
	_ =	shalt  }
.Lfunc_end2:
_tile_overlayer_lowered:
.L_overlay_start_2:
0x205: {  	(tag) =	ssettag $0x2  }
0x206: {  	s0 =	rddreg [dreg:$0x0];
	s2 =	stileid.u32  }
0x207: {  	s1 =	rddreg [dreg:$0x1];
	p0 =	sne.s32 s2, $0x0  }
0x208: {  	s3 =	rddreg [dreg:$0x2];
	[bflag:$0x3] =	sbarrier.arrive $0xFFFF;
	s2 =	simm.s32 @!p0 $0x1C03  }
0x209: {  	[timem:s3], [sflag:s2] =	dma.local @!p0 [hbm:s0], s1  }
0x20a: {  	s0 =	simm.s32 @!p0 $0x3  }
0x20b: {  	_ =	swait.ge @!p0 [sflag:s0], s1  }
0x20c: {  	s1 =	ssub.s32 @!p0 $0x0, s1;
	[sflag:s0] =	ssyncset.done @!p0 $0x0  }
0x20d: {  	[sflag:s0] =	ssyncadd.s32 @!p0 s1  }
0x20e: {  	[bflag:$0x3] =	sbarrier.arrive $0xFFFF  }
0x20f: {  	_ =	shalt  }

// kernel: sc_passC.3.cloned.1.call-start
scs
__scs_entry_jumppad:
0x0: {  	(pc) =	sbr.rel $0x88, $3  }
0x1: {  	(tag) =	ssettag $0x0;
	lr =	simm.s32 $0x1  }
0x2: {  	[smem:$0x3F94] =	sst lr;
	_ =	strace $0xD0000000  }
0x3: {  	_ = 	snop  }
0x4: {  	_ = 	snop  }
0x5: {  	_ = 	snop  }
0x6: {  	_ = 	snop  }
0x7: {  	_ = 	snop  }
__scs_overlays_trampoline_lowered:
0x8: {  	[smem:$0x3FA3] =	sst s0  }
0x9: {  	[smem:$0x3FA4] =	sst s1  }
0xa: {  	[smem:$0x3FA5] =	sst s2  }
0xb: {  	[smem:$0x3FA6] =	sst s3  }
0xc: {  	[smem:$0x3FA7] =	sst s4  }
0xd: {  	[smem:$0x3FA8] =	sst s5  }
0xe: {  	[smem:$0x3FA9] =	sst s6  }
0xf: {  	[smem:$0x3FAA] =	sst s7  }
0x10: {  	[smem:$0x3FAB] =	sst s8  }
0x11: {  	[smem:$0x3FAC] =	sst s9;
	s0 =	simm.s32 @!p0 $0x0  }
0x12: {  	s1 =	sld [smem:$0x3F92];
	s0 =	simm.s32 @p0 $0x1  }
0x13: {  	[smem:$0x3FAD] =	sst s0;
	s0 =	simm.s32 @!p1 $0x0  }
0x14: {  	s2 =	sld [smem:$0x3F91];
	s0 =	simm.s32 @p1 $0x1  }
0x15: {  	[smem:$0x3FAE] =	sst s0;
	s0 =	simm.s32 @!p2 $0x0  }
0x16: {  	s3 =	sld [smem:$0x3FDB];
	s0 =	simm.s32 @p2 $0x1  }
0x17: {  	s4 =	simm.s32 $0x1BF5;
	[smem:$0x3FB0] =	sst s0  }
0x18: {  	s0 =	sld [smem:$0x3F93];
	_ =	swait.ge [sflag:s4], $0x0  }
0x19: {  	s7 =	sld [smem:$0x3F94]  }
0x1a: {  	s8 =	sadd.s32 $0xFFFFE003, lr  }
0x1b: {  	s9 =	sadd.s32 $0xFFFFFEF7, lr;
	s5 =	simm.s32 $0xFFFFFFFF;
	p2 =	slt.u32 s8, $0xFFFFF086  }
0x1c: {  	p1 =	slt.u32 s9, $0xF7A;
	s5 =	simm.s32 @!p2 $0x0  }
0x1d: {  	s5 =	simm.s32 @p1 $0x1;
	p0 =	seq.s32 s7, s2  }
0x1e: {  	s7 =	smul.u32 @!p0 $0xF7A, s2;
	p2 =	seq.s32 @!p0 s5, $0x0  }
0x1f: {  	s9 =	smul.u32 $0xF7A, s1;
	s8 =	simm.s32 @!p0 $0x1BF5;
	p2 =	por !p2, p0  }
0x20: {  	[sflag:s8] =	ssyncset.s32 @!p0 $0xFFFFF086;
	s6 =	sadd.s32 @!p0 s3, s7;
	s7 =	simm.s32 @!p0 $0x108  }
0x21: {  	s3 =	sadd.s32 s3, s9;
	s6 =	sadd.s32 @!p0 $0x88, s6;
	s7 =	simm.s32 @p2 $0x1082  }
0x22: {  	[simem:s7], [sflag:s8] =	dma.local @!p0 [hbm:s6], $0xF7A  }
0x23: {  	s9 =	sor.u32 $0xD0000000, s2;
	s6 =	simm.s32 $0x108;
	_ =	swait.ge @!p0 [sflag:s8], $0x0  }
0x24: {  	s3 =	sadd.s32 $0x88, s3;
	s6 =	simm.s32 @!p1 $0x1082;
	[sflag:s4] =	ssyncset.s32 $0xFFFFF086  }
0x25: {  	[simem:s6], [sflag:s4] =	dma.local [hbm:s3], $0xF7A  }
0x26: {  	[smem:$0x3F94] =	sst s1;
	(tag) =	ssettag s2;
	_ =	strace s9  }
0x27: {  	s1 =	sld [smem:$0x3FA4]  }
0x28: {  	s2 =	sld [smem:$0x3FA5]  }
0x29: {  	s4 =	sld [smem:$0x3FA7]  }
0x2a: {  	p0 =	seq.s32 s5, $0x0;
	s5 =	sld [smem:$0x3FA8]  }
0x2b: {  	s6 =	sld [smem:$0x3FA9]  }
0x2c: {  	s7 =	sld [smem:$0x3FAA]  }
0x2d: {  	s3 =	simm.s32 $0x108;
	s8 =	sld [smem:$0x3FAB]  }
0x2e: {  	s3 =	simm.s32 @!p0 $0x1082;
	s9 =	sld [smem:$0x3FAC]  }
0x2f: {  	lr =	sadd.s32 s0, s3;
	s0 =	sld [smem:$0x3FA3]  }
0x30: {  	s3 =	sld [smem:$0x3FA6]  }
0x31: {  	[smem:$0x3FAF] =	sst s10  }
0x32: {  	s10 =	sld [smem:$0x3FAD];
	_ =	sdelay $0x3  }
0x33: {  	p0 =	seq.s32 s10, $0x1;
	s10 =	sld [smem:$0x3FAF];
	_ =	sdelay $0x3  }
0x34: {  	[smem:$0x3FAF] =	sst s10  }
0x35: {  	s10 =	sld [smem:$0x3FAE];
	_ =	sdelay $0x3  }
0x36: {  	p1 =	seq.s32 s10, $0x1;
	s10 =	sld [smem:$0x3FAF];
	_ =	sdelay $0x3  }
0x37: {  	[smem:$0x3FAF] =	sst s10  }
0x38: {  	s10 =	sld [smem:$0x3FB0]  }
0x39: {  	_ = 	snop;
	(pc) =	sbr.ind lr, $3  }
0x3a: {  	_ = 	snop  }
0x3b: {  	_ = 	snop  }
0x3c: {  	p2 =	seq.s32 s10, $0x1;
	s10 =	sld [smem:$0x3FAF]  }
0x3d: {  	_ =	shalt  }
0x3e: {  	_ =	shalt  }
0x3f: {  	_ =	shalt  }
0x40: {  	_ =	shalt  }
0x41: {  	_ =	shalt  }
0x42: {  	_ =	shalt  }
0x43: {  	_ =	shalt  }
0x44: {  	_ =	shalt  }
0x45: {  	_ =	shalt  }
0x46: {  	_ =	shalt  }
0x47: {  	_ =	shalt  }
0x48: {  	_ =	shalt  }
0x49: {  	_ =	shalt  }
0x4a: {  	_ =	shalt  }
0x4b: {  	_ =	shalt  }
0x4c: {  	_ =	shalt  }
0x4d: {  	_ =	shalt  }
0x4e: {  	_ =	shalt  }
0x4f: {  	_ =	shalt  }
0x50: {  	_ =	shalt  }
0x51: {  	_ =	shalt  }
0x52: {  	_ =	shalt  }
0x53: {  	_ =	shalt  }
0x54: {  	_ =	shalt  }
0x55: {  	_ =	shalt  }
0x56: {  	_ =	shalt  }
0x57: {  	_ =	shalt  }
0x58: {  	_ =	shalt  }
0x59: {  	_ =	shalt  }
0x5a: {  	_ =	shalt  }
0x5b: {  	_ =	shalt  }
0x5c: {  	_ =	shalt  }
0x5d: {  	_ =	shalt  }
0x5e: {  	_ =	shalt  }
0x5f: {  	_ =	shalt  }
0x60: {  	_ =	shalt  }
0x61: {  	_ =	shalt  }
0x62: {  	_ =	shalt  }
0x63: {  	_ =	shalt  }
0x64: {  	_ =	shalt  }
0x65: {  	_ =	shalt  }
0x66: {  	_ =	shalt  }
0x67: {  	_ =	shalt  }
0x68: {  	_ =	shalt  }
0x69: {  	_ =	shalt  }
0x6a: {  	_ =	shalt  }
0x6b: {  	_ =	shalt  }
0x6c: {  	_ =	shalt  }
0x6d: {  	_ =	shalt  }
0x6e: {  	_ =	shalt  }
0x6f: {  	_ =	shalt  }
0x70: {  	_ =	shalt  }
0x71: {  	_ =	shalt  }
0x72: {  	_ =	shalt  }
0x73: {  	_ =	shalt  }
0x74: {  	_ =	shalt  }
0x75: {  	_ =	shalt  }
0x76: {  	_ =	shalt  }
0x77: {  	_ =	shalt  }
0x78: {  	_ =	shalt  }
0x79: {  	_ =	shalt  }
0x7a: {  	_ =	shalt  }
0x7b: {  	_ =	shalt  }
0x7c: {  	_ =	shalt  }
0x7d: {  	_ =	shalt  }
0x7e: {  	_ =	shalt  }
0x7f: {  	_ =	shalt  }
0x80: {  	_ =	shalt  }
0x81: {  	_ =	shalt  }
0x82: {  	_ =	shalt  }
0x83: {  	_ =	shalt  }
0x84: {  	_ =	shalt  }
0x85: {  	_ =	shalt  }
0x86: {  	_ =	shalt  }
0x87: {  	_ =	shalt  }
.Lfunc_end0:
.L_simem_size_0:
called_computation.2_lowered:
.L_overlay_start_0:
0x88: {  	s2 =	sld [smem:$0x3FD9]  }
0x89: {  	s3 =	sld [smem:$0x3FFE];
	_ =	sdelay $0x1  }
0x8a: {  	s1 =	srdreg.scid  }
0x8b: {  	s0 =	sand.u32 $0x1, s1  }
0x8c: {  	s16 =	sshll.u32 s0, $0xA;
	s2 =	sadd.s32 s3, s2  }
0x8d: {  	s2 =	sadd.s32 s2, s16  }
0x8e: {  	[smem:$0x3FBB] =	sst s2  }
0x8f: {  	_ = 	snop  }
0x90: {  	(tm) =	ssettm $0x1  }
0x91: {  	s17 =	sld [smem:$0x3FFB];
	_ =	sdelay $0x3  }
0x92: {  	_ =	strace s17  }
0x93: {  	s2 =	sld [smem:$0x3FFC];
	_ =	sdelay $0x3  }
0x94: {  	_ =	strace s2  }
0x95: {  	s2 =	sld [smem:$0x3FFD];
	_ =	sdelay $0x3  }
0x96: {  	_ =	strace s2  }
0x97: {  	_ =	strace $0x8FFFFFFF  }
0x98: {  	s18 =	sld [smem:$0x3FDB];
	_ =	sdelay $0x1  }
0x99: {  	s19 =	simm.s32 $_scs_section_size  }
0x9a: {  	s4 =	simm.s32 $_size__tile_overlayer_lowered;
	s5 =	simm.s32 $_tile_overlayer_lowered  }
0x9b: {  	s22 =	simm.s32 $0x1BFF;
	s21 =	sshll.u32 s5, $0x1;
	s2 =	sadd.s32 s19, s18  }
0x9c: {  	s6 =	simm.s32 $0x0;
	s20 =	sshll.u32 s4, $0x1;
	s4 =	sadd.s32 s21, s2  }
0x9d: {  	[timem:s6], [sflag:s22] =	dma.local [hbm:s4], s20  }
0x9e: {  	_ =	swait.ge [sflag:s22], s20  }
0x9f: {  	s3 =	ssub.s32 $0x0, s20;
	[sflag:s22] =	ssyncset.done $0x0  }
0xa0: {  	[sflag:s22] =	ssyncadd.s32 s3;
	_ =	sdelay $0x1  }
0xa1: {  	s23 =	simm.s32 $0x1B8B  }
0xa2: {  	_ =	swait.ge [sflag:s23], $0x1  }
0xa3: {  	[sflag:s23] =	ssyncset.done $0x0  }
0xa4: {  	s25 =	simm.s32 $0x1B8E;
	s24 =	sld [smem:$0x3FFE];
	[sflag:s23] =	ssyncadd.s32 $0xFFFFFFFF  }
0xa5: {  	s26 =	simm.s32 $execute0_lowered;
	[smem:$0x3FD2] =	sst s25  }
0xa6: {  	s4 =	sshll.u32 s26, $0x1;
	_ =	strace $0x8000004C;
	[dreg:$0x1] =	wrdreg $0xFFFFFFFF  }
0xa7: {  	s28 =	simm.s32 $_size_execute0_lowered;
	s2 =	sadd.s32 s2, s4;
	[dreg:$0x0] =	wrdreg $0x0  }
0xa8: {  	s4 =	sshll.u32 s28, $0x1;
	[dreg:$0x2] =	wrdreg s2  }
0xa9: {  	[dreg:$0x3] =	wrdreg s4  }
0xaa: {  	[dreg:$0x4] =	wrdreg $0xC0  }
0xab: {  	_ =	task [dreg:s6], $0x5FFFF  }
0xac: {  	[dreg:$0x1] =	wrdreg $0xFFFFFFFF  }
0xad: {  	[dreg:$0x0] =	wrdreg $0x60  }
0xae: {  	[dreg:$0x2] =	wrdreg s24  }
0xaf: {  	[dreg:$0x3] =	wrdreg $0x9  }
0xb0: {  	_ =	task.clear_ibuf [dreg:s6], $0x4FFFF;
	_ =	strace $0x9000004C  }
0xb1: {  	s29 =	simm.s32 $0x9;
	_ =	strace $0x8000004E  }
0xb2: {  	_ =	swait.ge [sflag:s29], $0x1  }
0xb3: {  	[sflag:s29] =	ssyncadd.s32 $0xFFFFFFFF  }
0xb4: {  	_ =	strace $0x9000004E  }
0xb5: {  	_ =	sfence  }
0xb6: {  	s30 =	sld [smem:$0x0];
	_ =	sdelay $0x2  }
0xb7: {  	s31 =	sshll.u32 s1, $0xD;
	s1 =	sshrl.u32 s1, $0x2  }
0xb8: {  	s3 =	sand.u32 $0x4000, s31;
	s1 =	sadd.s32 s1, s30  }
0xb9: {  	s0 =	sor.u32 s3, s0;
	s1 =	sshll.u32 s1, $0x11  }
0xba: {  	s0 =	sor.u32 s1, s0  }
0xbb: {  	s0 =	sadd.s32 $0x8F2B, s0  }
0xbc: {  	[sflag:s0] =	ssyncadd.remote.s32 $0x1  }
0xbd: {  	_ =	sfence.sel $0xFFFF  }
0xbe: {  	[dreg:$0x0] =	wrdreg $0xFFFFFFFF;
	(pc) =	sbr.abs _section_cstart, $3  }
0xbf: {  	[dreg:$0x1] =	wrdreg $0xFFFFFFFF  }
0xc0: {  	_ =	task.clear_ibuf [dreg:s6], $0x2FFFF;
	_ =	strace $0x9FFFFFFF  }
0xc1: {  	(tm) =	ssettm $0x7FFFFFFF  }
tec
execute0_lowered:
.L_overlay_start_1:
0x0: {  	(tag) =	ssettag $0x1  }
0x1: {  	s8 =	rddreg [dreg:$0x0]  }
0x2: {  	s0 =	rddreg [dreg:$0x1];
	s1 =	simm.s32 $0x0;
	s2 =	srdreg.scid  }
0x3: {  	s15 =	simm.s32 $0x5800;
	s16 =	simm.s32 $0x1;
	s17 =	simm.s32 $0x10  }
0x4: {  	s18 =	simm.s32 $0xDE00;
	s19 =	simm.s32 $0x8A00;
	s20 =	simm.s32 $0xB400  }
0x5: {  	s21 =	simm.s32 $0xE600;
	[smem:$0x7FF] =	sst s1;
	s9 =	sand.u32 $0x1, s2  }
0x6: {  	s3 =	sadd.s32 $0xD800, s8;
	s2 =	stileid.u32;
	s11 =	smul.u32 $0x5000, s9  }
0x7: {  	s4 =	sadd.s32 $0x3800, s8;
	s5 =	sadd.s32 $0x17E00, s8;
	s13 =	smul.u32 $0x500, s2  }
0x8: {  	s6 =	sadd.s32 $0x3200, s8;
	_ =	strace $0x8000004D;
	s30 =	smul.u32 $0x1400, s9  }
0x9: {  	s7 =	sshll.u32 s9, $0x4;
	s14 =	ssub.s32 $0x2, s9;
	s31 =	smul.u32 $0x140, s2  }
0xa: {  	s10 =	sor.u32 s2, s7;
	s7 =	sadd.s32 $0x18400, s8;
	s11 =	sadd.s32 s13, s11  }
.Ltmp0:
0xb: {  	s29 =	sshrl.u32 s14, $0x1;
	s22 =	sshrl.u32 s11, $0x2;
	(pc) =	sbr.rel .LBB2_1-.Ltmp0, $4  }
0xc: {  	s12 =	sshll.u32 s10, $0x7;
	s13 =	simm.s32 $0x2800;
	s23 =	sadd.s32 $0x2800, s22  }
0xd: {  	s12 =	sadd.s32 s12, s8;
	s8 =	smul.u32 $0x2800, s10;
	s10 =	ssub.s32 s14, s29;
	v2 =	vmov s23  }
0xe: {  	s11 =	sadd.s32 s31, s30;
	s14 =	simm.s32 $0x5000;
	s9 =	sadd.s32 $0x40400, s12  }
0xf: {  	v0 =	vimm.f32 $0.0e+00;
	v1 =	vimm.s32 $0x0;
	s10 =	smax.u32 s10, $0x1;
	s12 =	simm.s32 $0x2;
	v3 =	vmov s22;
	s22 =	simm.s32 $0x0  }
.LBB2_11:
0x10: {  	s22 =	sadd.s32 $0x1, s22  }
0x11: {  	p0 =	sne.s32 s22, s10  }
.Ltmp1:
0x12: {  	_ = 	snop;
	(pc) =	sbr.rel @!p0 .LBB2_12-.Ltmp1, $4  }
0x13: {  	[hbm4b:s9+s1] =	stream.linear.scatter [tilespmem:s21], [sflag:$0x2], $0x400, $0x38;
	[tilespmem:$0xEA00] =	vst v63  }
0x14: {  	_ =	swait.ge [sflag:s12], $0x400  }
0x15: {  	[sflag:s12] =	ssyncset.done $0x0  }
0x16: {  	[sflag:s12] =	ssyncadd.s32 $0xFFFFFC00  }
.LBB2_1:
0x17: {  	[tilespmem:$0xE600] =	vst v0  }
0x18: {  	[tilespmem:$0xE610] =	vst v0  }
0x19: {  	[tilespmem:$0xE620] =	vst v0  }
0x1a: {  	[tilespmem:$0xE630] =	vst v0  }
0x1b: {  	[tilespmem:$0xE640] =	vst v0  }
0x1c: {  	[tilespmem:$0xE650] =	vst v0  }
0x1d: {  	[tilespmem:$0xE660] =	vst v0  }
0x1e: {  	[tilespmem:$0xE670] =	vst v0  }
0x1f: {  	[tilespmem:$0xE680] =	vst v0  }
0x20: {  	[tilespmem:$0xE690] =	vst v0  }
0x21: {  	[tilespmem:$0xE6A0] =	vst v0  }
0x22: {  	[tilespmem:$0xE6B0] =	vst v0  }
0x23: {  	[tilespmem:$0xE6C0] =	vst v0  }
0x24: {  	[tilespmem:$0xE6D0] =	vst v0  }
0x25: {  	[tilespmem:$0xE6E0] =	vst v0  }
0x26: {  	[tilespmem:$0xE6F0] =	vst v0  }
0x27: {  	[tilespmem:$0xE700] =	vst v0  }
0x28: {  	[tilespmem:$0xE710] =	vst v0  }
0x29: {  	[tilespmem:$0xE720] =	vst v0  }
0x2a: {  	[tilespmem:$0xE730] =	vst v0  }
0x2b: {  	[tilespmem:$0xE740] =	vst v0  }
0x2c: {  	[tilespmem:$0xE750] =	vst v0  }
0x2d: {  	[tilespmem:$0xE760] =	vst v0  }
0x2e: {  	[tilespmem:$0xE770] =	vst v0  }
0x2f: {  	[tilespmem:$0xE780] =	vst v0  }
0x30: {  	[tilespmem:$0xE790] =	vst v0  }
0x31: {  	[tilespmem:$0xE7A0] =	vst v0  }
0x32: {  	[tilespmem:$0xE7B0] =	vst v0  }
0x33: {  	[tilespmem:$0xE7C0] =	vst v0  }
0x34: {  	[tilespmem:$0xE7D0] =	vst v0  }
0x35: {  	[tilespmem:$0xE7E0] =	vst v0  }
0x36: {  	[tilespmem:$0xE7F0] =	vst v0  }
0x37: {  	[tilespmem:$0xE800] =	vst v0  }
0x38: {  	[tilespmem:$0xE810] =	vst v0  }
0x39: {  	[tilespmem:$0xE820] =	vst v0  }
0x3a: {  	[tilespmem:$0xE830] =	vst v0  }
0x3b: {  	[tilespmem:$0xE840] =	vst v0  }
0x3c: {  	[tilespmem:$0xE850] =	vst v0  }
0x3d: {  	[tilespmem:$0xE860] =	vst v0  }
0x3e: {  	[tilespmem:$0xE870] =	vst v0  }
0x3f: {  	[tilespmem:$0xE880] =	vst v0  }
0x40: {  	[tilespmem:$0xE890] =	vst v0  }
0x41: {  	[tilespmem:$0xE8A0] =	vst v0  }
0x42: {  	[tilespmem:$0xE8B0] =	vst v0  }
0x43: {  	[tilespmem:$0xE8C0] =	vst v0  }
0x44: {  	[tilespmem:$0xE8D0] =	vst v0  }
0x45: {  	[tilespmem:$0xE8E0] =	vst v0  }
0x46: {  	[tilespmem:$0xE8F0] =	vst v0  }
0x47: {  	[tilespmem:$0xE900] =	vst v0  }
0x48: {  	[tilespmem:$0xE910] =	vst v0  }
0x49: {  	[tilespmem:$0xE920] =	vst v0  }
0x4a: {  	[tilespmem:$0xE930] =	vst v0  }
0x4b: {  	[tilespmem:$0xE940] =	vst v0  }
0x4c: {  	[tilespmem:$0xE950] =	vst v0  }
0x4d: {  	[tilespmem:$0xE960] =	vst v0  }
0x4e: {  	[tilespmem:$0xE970] =	vst v0  }
0x4f: {  	[tilespmem:$0xE980] =	vst v0  }
0x50: {  	[tilespmem:$0xE990] =	vst v0  }
0x51: {  	[tilespmem:$0xE9A0] =	vst v0  }
0x52: {  	[tilespmem:$0xE9B0] =	vst v0  }
0x53: {  	[tilespmem:$0xE9C0] =	vst v0  }
0x54: {  	[tilespmem:$0xE9D0] =	vst v0  }
0x55: {  	[tilespmem:$0xE9E0] =	vst v0  }
0x56: {  	[tilespmem:$0xE9F0] =	vst v0  }
0x57: {  	[tilespmem:s1], [sflag:$0x2] =	stream.linear.gather [hbm4b:s5+s1], $0x2800, $0x38;
	[tilespmem:$0xEA00] =	vst v63  }
0x58: {  	_ =	swait.ge [sflag:s12], $0x2800  }
0x59: {  	[sflag:s12] =	ssyncset.done $0x0  }
0x5a: {  	[sflag:s12] =	ssyncadd.s32 $0xFFFFD800  }
0x5b: {  	[tilespmem:s13], [sflag:$0x2] =	stream.linear.gather [hbm4b:s6+s1], $0x2800, $0x38;
	[tilespmem:$0xEA00] =	vst v63  }
0x5c: {  	_ =	swait.ge [sflag:s12], $0x2800  }
0x5d: {  	[sflag:s12] =	ssyncset.done $0x0  }
0x5e: {  	s25 =	simm.s32 $0x0;
	s23 =	simm.s32 $0x0;
	[sflag:s12] =	ssyncadd.s32 $0xFFFFD800  }
.LBB2_2:
0x5f: {  	s24 =	sshll.u32 s23, $0xB  }
0x60: {  	s24 =	sadd.s32 s8, s24  }
0x61: {  	s26 =	sshrl.u32 s24, $0x3  }
0x62: {  	s24 =	simm.s32 $0x0;
	s28 =	sadd.s32 s3, s26  }
0x63: {  	[tilespmem:s14], [sflag:$0x2] =	stream.linear.gather [hbm4b:s28+s24], $0x800, $0x38;
	[tilespmem:$0xEA00] =	vst v63  }
0x64: {  	_ =	swait.ge [sflag:s12], $0x800  }
0x65: {  	[sflag:s12] =	ssyncset.done $0x0  }
0x66: {  	s26 =	sadd.s32 s4, s26;
	[sflag:s12] =	ssyncadd.s32 $0xFFFFF800  }
0x67: {  	[tilespmem:s15], [sflag:$0x2] =	stream.linear.gather [hbm4b:s26+s24], $0x800, $0x38;
	[tilespmem:$0xEA00] =	vst v63  }
0x68: {  	_ =	swait.ge [sflag:s12], $0x800  }
0x69: {  	[sflag:s12] =	ssyncset.done $0x0  }
0x6a: {  	[sflag:s12] =	ssyncadd.s32 $0xFFFFF800  }
.LBB2_3:
0x6b: {  	s26 =	sshra.s32 s24, $0x2  }
0x6c: {  	v4 =	vld [tilespmem:s26+$0x5800];
	_ =	sdelay $0x7  }
0x6d: {  	v5 =	vld.idx.msk [tilespmem:v4+s13+$0x0], $0xffff;
	_ =	sdelay $0x4  }
0x6e: {  	vm0 =	vgt.s32 v5, $0x0  }
0x6f: {  	v6 =	vsel vm0, $0x1, v1  }
0x70: {  	(xrf0) =	vadd.scan.msk.s32 $0xffff, v6;
	_ =	sdelay $0x5  }
0x71: {  	v6, _, _ =	vpop (xrf0)  }
0x72: {  	(v2sf) =	vpush v6, $0xF;
	_ =	sdelay $0xe  }
0x73: {  	s28 =	spop (v2sf)  }
0x74: {  	p0 =	slt.s32 s28, $0x1  }
0x75: {  	s29 =	sshra.s32 @!p0 s24, $0x2  }
0x76: {  	v6 =	vld @!p0 [tilespmem:s29+$0x5000];
	_ =	sdelay $0x5  }
0x77: {  	s29 =	simm.s32 @!p0 $0x0  }
0x78: {  	v4 =	vld.idx.msk @!p0 [tilespmem:v4+s29+$0x0], $0xffff  }
0x79: {  	v7 =	vld.idx.msk @!p0 [tilespmem:v6+s29+$0x0], $0xffff;
	_ =	sdelay $0x4  }
0x7a: {  	vm0 =	vgt.s32 @!p0 v5, $0x0;
	v4 =	vmul.f32 @!p0 v4, v7  }
0x7b: {  	[tilespmem:s25+$0x6000] =	vst.msk @!p0 vm0, v6  }
0x7c: {  	[tilespmem:s25+$0x8A00] =	vst.msk @!p0 vm0, v4  }
0x7d: {  	[tilespmem:s25+$0xB400] =	vst.msk @!p0 vm0, v5  }
0x7e: {  	v4 =	vld [tilespmem:s26+$0x5810];
	_ =	sdelay $0x7  }
0x7f: {  	v5 =	vld.idx.msk [tilespmem:v4+s13+$0x0], $0xffff;
	_ =	sdelay $0x4  }
0x80: {  	vm9 =	vgt.s32 v5, $0x0  }
0x81: {  	v57 =	vsel vm9, $0x1, v1  }
0x82: {  	(xrf0) =	vadd.scan.msk.s32 $0xffff, v57;
	_ =	sdelay $0x5  }
0x83: {  	v6, _, _ =	vpop (xrf0)  }
0x84: {  	(v2sf) =	vpush v6, $0xF;
	_ =	sdelay $0xe  }
0x85: {  	s31 =	spop (v2sf)  }
0x86: {  	p0 =	slt.s32 s31, $0x1  }
0x87: {  	s30 =	sshra.s32 @!p0 s24, $0x2  }
0x88: {  	v6 =	vld @!p0 [tilespmem:s30+$0x5010];
	_ =	sdelay $0x5  }
0x89: {  	s30 =	simm.s32 @!p0 $0x0  }
0x8a: {  	v4 =	vld.idx.msk @!p0 [tilespmem:v4+s30+$0x0], $0xffff  }
0x8b: {  	v7 =	vld.idx.msk @!p0 [tilespmem:v6+s30+$0x0], $0xffff;
	_ =	sdelay $0x4  }
0x8c: {  	s25 =	sadd.s32 s25, s28;
	vm0 =	vgt.s32 @!p0 v5, $0x0;
	v4 =	vmul.f32 @!p0 v4, v7  }
0x8d: {  	[tilespmem:s25+$0x6000] =	vst.msk @!p0 vm0, v6  }
0x8e: {  	[tilespmem:s25+$0x8A00] =	vst.msk @!p0 vm0, v4  }
0x8f: {  	[tilespmem:s25+$0xB400] =	vst.msk @!p0 vm0, v5  }
0x90: {  	v4 =	vld [tilespmem:s26+$0x5820];
	_ =	sdelay $0x7  }
0x91: {  	v5 =	vld.idx.msk [tilespmem:v4+s13+$0x0], $0xffff;
	_ =	sdelay $0x4  }
0x92: {  	vm10 =	vgt.s32 v5, $0x0  }
0x93: {  	v58 =	vsel vm10, $0x1, v1  }
0x94: {  	(xrf0) =	vadd.scan.msk.s32 $0xffff, v58;
	_ =	sdelay $0x5  }
0x95: {  	v6, _, _ =	vpop (xrf0)  }
0x96: {  	(v2sf) =	vpush v6, $0xF;
	_ =	sdelay $0xe  }
0x97: {  	s28 =	spop (v2sf)  }
0x98: {  	p0 =	slt.s32 s28, $0x1  }
0x99: {  	s30 =	sshra.s32 @!p0 s24, $0x2  }
0x9a: {  	v6 =	vld @!p0 [tilespmem:s30+$0x5020];
	_ =	sdelay $0x5  }
0x9b: {  	s30 =	simm.s32 @!p0 $0x0  }
0x9c: {  	v4 =	vld.idx.msk @!p0 [tilespmem:v4+s30+$0x0], $0xffff  }
0x9d: {  	v7 =	vld.idx.msk @!p0 [tilespmem:v6+s30+$0x0], $0xffff;
	_ =	sdelay $0x4  }
0x9e: {  	s25 =	sadd.s32 s25, s31;
	vm0 =	vgt.s32 @!p0 v5, $0x0;
	v4 =	vmul.f32 @!p0 v4, v7  }
0x9f: {  	[tilespmem:s25+$0x6000] =	vst.msk @!p0 vm0, v6  }
0xa0: {  	[tilespmem:s25+$0x8A00] =	vst.msk @!p0 vm0, v4  }
0xa1: {  	[tilespmem:s25+$0xB400] =	vst.msk @!p0 vm0, v5  }
0xa2: {  	v4 =	vld [tilespmem:s26+$0x5830];
	_ =	sdelay $0x7  }
0xa3: {  	v5 =	vld.idx.msk [tilespmem:v4+s13+$0x0], $0xffff;
	_ =	sdelay $0x4  }
0xa4: {  	vm11 =	vgt.s32 v5, $0x0  }
0xa5: {  	v59 =	vsel vm11, $0x1, v1  }
0xa6: {  	(xrf0) =	vadd.scan.msk.s32 $0xffff, v59;
	_ =	sdelay $0x5  }
0xa7: {  	v6, _, _ =	vpop (xrf0)  }
0xa8: {  	(v2sf) =	vpush v6, $0xF;
	_ =	sdelay $0xe  }
0xa9: {  	s31 =	spop (v2sf)  }
0xaa: {  	p0 =	slt.s32 s31, $0x1  }
0xab: {  	s30 =	sshra.s32 @!p0 s24, $0x2  }
0xac: {  	v6 =	vld @!p0 [tilespmem:s30+$0x5030];
	_ =	sdelay $0x5  }
0xad: {  	s30 =	simm.s32 @!p0 $0x0  }
0xae: {  	v4 =	vld.idx.msk @!p0 [tilespmem:v4+s30+$0x0], $0xffff  }
0xaf: {  	v7 =	vld.idx.msk @!p0 [tilespmem:v6+s30+$0x0], $0xffff;
	_ =	sdelay $0x4  }
0xb0: {  	s25 =	sadd.s32 s25, s28;
	vm0 =	vgt.s32 @!p0 v5, $0x0;
	v4 =	vmul.f32 @!p0 v4, v7  }
0xb1: {  	[tilespmem:s25+$0x6000] =	vst.msk @!p0 vm0, v6  }
0xb2: {  	[tilespmem:s25+$0x8A00] =	vst.msk @!p0 vm0, v4  }
0xb3: {  	[tilespmem:s25+$0xB400] =	vst.msk @!p0 vm0, v5  }
0xb4: {  	v4 =	vld [tilespmem:s26+$0x5840];
	_ =	sdelay $0x7  }
0xb5: {  	v5 =	vld.idx.msk [tilespmem:v4+s13+$0x0], $0xffff;
	_ =	sdelay $0x4  }
0xb6: {  	vm12 =	vgt.s32 v5, $0x0  }
0xb7: {  	v60 =	vsel vm12, $0x1, v1  }
0xb8: {  	(xrf0) =	vadd.scan.msk.s32 $0xffff, v60;
	_ =	sdelay $0x5  }
0xb9: {  	v6, _, _ =	vpop (xrf0)  }
0xba: {  	(v2sf) =	vpush v6, $0xF;
	_ =	sdelay $0xe  }
0xbb: {  	s28 =	spop (v2sf)  }
0xbc: {  	p0 =	slt.s32 s28, $0x1  }
0xbd: {  	s30 =	sshra.s32 @!p0 s24, $0x2  }
0xbe: {  	v6 =	vld @!p0 [tilespmem:s30+$0x5040];
	_ =	sdelay $0x5  }
0xbf: {  	s30 =	simm.s32 @!p0 $0x0  }
0xc0: {  	v4 =	vld.idx.msk @!p0 [tilespmem:v4+s30+$0x0], $0xffff  }
0xc1: {  	v7 =	vld.idx.msk @!p0 [tilespmem:v6+s30+$0x0], $0xffff;
	_ =	sdelay $0x4  }
0xc2: {  	s25 =	sadd.s32 s25, s31;
	vm0 =	vgt.s32 @!p0 v5, $0x0;
	v4 =	vmul.f32 @!p0 v4, v7  }
0xc3: {  	[tilespmem:s25+$0x6000] =	vst.msk @!p0 vm0, v6  }
0xc4: {  	[tilespmem:s25+$0x8A00] =	vst.msk @!p0 vm0, v4  }
0xc5: {  	[tilespmem:s25+$0xB400] =	vst.msk @!p0 vm0, v5  }
0xc6: {  	v4 =	vld [tilespmem:s26+$0x5850];
	_ =	sdelay $0x7  }
0xc7: {  	v5 =	vld.idx.msk [tilespmem:v4+s13+$0x0], $0xffff;
	_ =	sdelay $0x4  }
0xc8: {  	vm13 =	vgt.s32 v5, $0x0  }
0xc9: {  	v61 =	vsel vm13, $0x1, v1  }
0xca: {  	(xrf0) =	vadd.scan.msk.s32 $0xffff, v61;
	_ =	sdelay $0x5  }
0xcb: {  	v6, _, _ =	vpop (xrf0)  }
0xcc: {  	(v2sf) =	vpush v6, $0xF;
	_ =	sdelay $0xe  }
0xcd: {  	s31 =	spop (v2sf)  }
0xce: {  	p0 =	slt.s32 s31, $0x1  }
0xcf: {  	s30 =	sshra.s32 @!p0 s24, $0x2  }
0xd0: {  	v6 =	vld @!p0 [tilespmem:s30+$0x5050];
	_ =	sdelay $0x5  }
0xd1: {  	s30 =	simm.s32 @!p0 $0x0  }
0xd2: {  	v4 =	vld.idx.msk @!p0 [tilespmem:v4+s30+$0x0], $0xffff  }
0xd3: {  	v7 =	vld.idx.msk @!p0 [tilespmem:v6+s30+$0x0], $0xffff;
	_ =	sdelay $0x4  }
0xd4: {  	s25 =	sadd.s32 s25, s28;
	vm0 =	vgt.s32 @!p0 v5, $0x0;
	v4 =	vmul.f32 @!p0 v4, v7  }
0xd5: {  	[tilespmem:s25+$0x6000] =	vst.msk @!p0 vm0, v6  }
0xd6: {  	[tilespmem:s25+$0x8A00] =	vst.msk @!p0 vm0, v4  }
0xd7: {  	[tilespmem:s25+$0xB400] =	vst.msk @!p0 vm0, v5  }
0xd8: {  	v4 =	vld [tilespmem:s26+$0x5860];
	_ =	sdelay $0x7  }
0xd9: {  	v5 =	vld.idx.msk [tilespmem:v4+s13+$0x0], $0xffff;
	_ =	sdelay $0x4  }
0xda: {  	vm14 =	vgt.s32 v5, $0x0  }
0xdb: {  	v62 =	vsel vm14, $0x1, v1  }
0xdc: {  	(xrf0) =	vadd.scan.msk.s32 $0xffff, v62;
	_ =	sdelay $0x5  }
0xdd: {  	v6, _, _ =	vpop (xrf0)  }
0xde: {  	(v2sf) =	vpush v6, $0xF;
	_ =	sdelay $0xe  }
0xdf: {  	s28 =	spop (v2sf)  }
0xe0: {  	p0 =	slt.s32 s28, $0x1  }
0xe1: {  	s30 =	sshra.s32 @!p0 s24, $0x2  }
0xe2: {  	v6 =	vld @!p0 [tilespmem:s30+$0x5060];
	_ =	sdelay $0x5  }
0xe3: {  	s30 =	simm.s32 @!p0 $0x0  }
0xe4: {  	v4 =	vld.idx.msk @!p0 [tilespmem:v4+s30+$0x0], $0xffff  }
0xe5: {  	v7 =	vld.idx.msk @!p0 [tilespmem:v6+s30+$0x0], $0xffff;
	_ =	sdelay $0x4  }
0xe6: {  	s25 =	sadd.s32 s25, s31;
	vm0 =	vgt.s32 @!p0 v5, $0x0;
	v4 =	vmul.f32 @!p0 v4, v7  }
0xe7: {  	[tilespmem:s25+$0x6000] =	vst.msk @!p0 vm0, v6  }
0xe8: {  	[tilespmem:s25+$0x8A00] =	vst.msk @!p0 vm0, v4  }
0xe9: {  	[tilespmem:s25+$0xB400] =	vst.msk @!p0 vm0, v5  }
0xea: {  	v4 =	vld [tilespmem:s26+$0x5870];
	_ =	sdelay $0x7  }
0xeb: {  	v5 =	vld.idx.msk [tilespmem:v4+s13+$0x0], $0xffff;
	_ =	sdelay $0x4  }
0xec: {  	vm15 =	vgt.s32 v5, $0x0  }
0xed: {  	v63 =	vsel vm15, $0x1, v1  }
0xee: {  	(xrf0) =	vadd.scan.msk.s32 $0xffff, v63;
	_ =	sdelay $0x5  }
0xef: {  	v6, _, _ =	vpop (xrf0)  }
0xf0: {  	(v2sf) =	vpush v6, $0xF;
	_ =	sdelay $0xe  }
0xf1: {  	s31 =	spop (v2sf)  }
0xf2: {  	p0 =	slt.s32 s31, $0x1  }
0xf3: {  	s29 =	sshra.s32 @!p0 s24, $0x2  }
0xf4: {  	v6 =	vld @!p0 [tilespmem:s29+$0x5070];
	_ =	sdelay $0x5  }
0xf5: {  	s29 =	simm.s32 @!p0 $0x0  }
0xf6: {  	v4 =	vld.idx.msk @!p0 [tilespmem:v4+s29+$0x0], $0xffff  }
0xf7: {  	v7 =	vld.idx.msk @!p0 [tilespmem:v6+s29+$0x0], $0xffff;
	_ =	sdelay $0x1  }
0xf8: {  	s24 =	sadd.s32 $0x200, s24  }
0xf9: {  	p1 =	sne.s32 s24, $0x2000  }
.Ltmp2:
0xfa: {  	_ = 	snop;
	(pc) =	sbr.rel @p1 .LBB2_3-.Ltmp2, $4  }
0xfb: {  	s25 =	sadd.s32 s25, s28;
	vm0 =	vgt.s32 @!p0 v5, $0x0;
	v4 =	vmul.f32 @!p0 v4, v7  }
0xfc: {  	[tilespmem:s25+$0x6000] =	vst.msk @!p0 vm0, v6  }
0xfd: {  	[tilespmem:s25+$0x8A00] =	vst.msk @!p0 vm0, v4  }
0xfe: {  	[tilespmem:s25+$0xB400] =	vst.msk @!p0 vm0, v5;
	s25 =	sadd.s32 s25, s31  }
0xff: {  	s23 =	sadd.s32 $0x1, s23  }
0x100: {  	p0 =	sne.s32 s23, $0x5  }
.Ltmp3:
0x101: {  	_ = 	snop;
	(pc) =	sbr.rel @p0 .LBB2_2-.Ltmp3, $1  }
0x102: {  	_ =	sdelay $0x3  }
0x103: {  	_ =	sdelay $0x2  }
0x104: {  	s23 =	simm.s32 $0x0  }
0x105: {  	v4 =	vld.idx.msk [tilespmem:v2+s23+$0x0 ss:$0x1], $0xffff;
	_ =	sdelay $0x4  }
0x106: {  	vm0 =	vgt.s32 v4, $0x0  }
0x107: {  	v5 =	vsel vm0, $0x1, v1  }
0x108: {  	(xrf0) =	vadd.scan.msk.s32 $0xffff, v5;
	_ =	sdelay $0x5  }
0x109: {  	v5, _, _ =	vpop (xrf0)  }
0x10a: {  	(v2sf) =	vpush v5, $0xF;
	_ =	sdelay $0xe  }
0x10b: {  	s31 =	spop (v2sf)  }
0x10c: {  	p1 =	slt.s32 s31, $0x1  }
0x10d: {  	s24 =	simm.s32 @!p1 $0x0  }
0x10e: {  	v5 =	vld.idx.msk @!p1 [tilespmem:v3+s24+$0x0 ss:$0x1], $0xffff;
	_ =	sdelay $0x3  }
0x10f: {  	v6 =	vlaneseq.u32 @!p1  }
0x110: {  	vm0 =	vgt.s32 @!p1 v4, $0x0;
	v6 =	vor.u32 @!p1 s11, v6;
	v5 =	vmul.f32 @!p1 v5, v5  }
0x111: {  	s26 =	simm.s32 $0x40;
	[tilespmem:s25+$0x6000] =	vst.msk @!p1 vm0, v6  }
0x112: {  	s28 =	simm.s32 $0x80;
	s23 =	sadd.s32 s25, s31;
	s24 =	smov.u32 s11;
	[tilespmem:s25+$0x8A00] =	vst.msk @!p1 vm0, v5  }
.LBB2_6:
0x113: {  	s29 =	sshra.s32 s26, $0x2;
	s24 =	sadd.s32 $0x10, s24  }
0x114: {  	[tilespmem:s25+$0xB400] =	vst.msk @!p1 vm0, v4;
	s30 =	smov.u32 s28;
	s28 =	sadd.s32 $0x40, s28;
	s25 =	smov.u32 s23  }
0x115: {  	p0 =	sne.s32 s28, $0x500;
	v4 =	vld.idx.msk [tilespmem:v2+s29+$0x0 ss:$0x1], $0xffff;
	_ =	sdelay $0x5  }
0x116: {  	vm0 =	vgt.s32 v4, $0x0  }
0x117: {  	v5 =	vsel vm0, $0x1, v1  }
0x118: {  	(xrf0) =	vadd.scan.msk.s32 $0xffff, v5;
	_ =	sdelay $0x5  }
0x119: {  	v5, _, _ =	vpop (xrf0)  }
0x11a: {  	(v2sf) =	vpush v5, $0xF;
	_ =	sdelay $0xe  }
0x11b: {  	s29 =	spop (v2sf)  }
0x11c: {  	p1 =	slt.s32 s29, $0x1;
	s23 =	sadd.s32 s23, s29  }
0x11d: {  	s29 =	sshra.s32 @!p1 s26, $0x2;
	v5 =	vlaneseq.u32 @!p1;
	s26 =	smov.u32 s30  }
0x11e: {  	vm0 =	vgt.s32 @!p1 v4, $0x0;
	v6 =	vld.idx.msk @!p1 [tilespmem:v3+s29+$0x0 ss:$0x1], $0xffff;
	v5 =	vor.u32 @!p1 s24, v5  }
0x11f: {  	[tilespmem:s25+$0x6000] =	vst.msk @!p1 vm0, v5;
	_ =	sdelay $0x2  }
.Ltmp4:
0x120: {  	(pc) =	sbr.rel @p0 .LBB2_6-.Ltmp4, $3  }
0x121: {  	_ = 	snop  }
0x122: {  	v5 =	vmul.f32 @!p1 v6, v6;
	_ =	sdelay $0x1  }
0x123: {  	[tilespmem:s25+$0x8A00] =	vst.msk @!p1 vm0, v5  }
0x124: {  	_ =	sdelay $0x2  }
0x125: {  	s28 =	sshra.s32 s26, $0x2;
	[tilespmem:s25+$0xB400] =	vst.msk @!p1 vm0, v4  }
0x126: {  	v4 =	vld.idx.msk [tilespmem:v2+s28+$0x0 ss:$0x1], $0xffff;
	_ =	sdelay $0x4  }
0x127: {  	vm15 =	vgt.s32 v4, $0x0  }
0x128: {  	v5 =	vsel vm15, $0x1, v1  }
0x129: {  	(xrf0) =	vadd.scan.msk.s32 $0xffff, v5;
	_ =	sdelay $0x5  }
0x12a: {  	v5, _, _ =	vpop (xrf0)  }
0x12b: {  	(v2sf) =	vpush v5, $0xF;
	_ =	sdelay $0xe  }
0x12c: {  	s30 =	spop (v2sf)  }
0x12d: {  	p0 =	slt.s32 s30, $0x1  }
0x12e: {  	s26 =	sshra.s32 @!p0 s26, $0x2  }
0x12f: {  	v5 =	vld.idx.msk @!p0 [tilespmem:v3+s26+$0x0 ss:$0x1], $0xffff  }
0x130: {  	s25 =	sadd.s32 s23, s30  }
0x131: {  	s31 =	sadd.s32 $0xF, s25  }
0x132: {  	s24 =	sadd.s32 $0x10, s24;
	s29 =	sand.u32 $0xF, s31  }
0x133: {  	v6 =	vlaneseq.u32 @!p0;
	s30 =	sshra.s32 s31, $0x1F;
	p6 =	slt.s32 s31, $0x1;
	p2 =	sne.s32 s29, $0x0  }
0x134: {  	vm0 =	vgt.s32 @!p0 v4, $0x0;
	v6 =	vor.u32 @!p0 s24, v6;
	s24 =	sshrl.u32 s30, $0x1C;
	p1 =	por !p6, !p2;
	v5 =	vmul.f32 @!p0 v5, v5  }
0x135: {  	s26 =	simm.s32 $0x1;
	[tilespmem:s23+$0x6000] =	vst.msk @!p0 vm0, v6;
	s24 =	sadd.s32 s24, s31;
	p1 =	por !p1, !p1  }
0x136: {  	s31 =	sshra.s32 s24, $0x4;
	s26 =	simm.s32 @!p1 $0x0;
	[tilespmem:s23+$0x8A00] =	vst.msk @!p0 vm0, v5  }
0x137: {  	[tilespmem:s23+$0xB400] =	vst.msk @!p0 vm0, v4;
	s23 =	ssub.s32 s31, s26  }
0x138: {  	p0 =	slt.s32 s23, $0x1  }
.Ltmp5:
0x139: {  	_ = 	snop;
	(pc) =	sbr.rel @p0 .LBB2_11-.Ltmp5, $4  }
0x13a: {  	_ = 	snop  }
0x13b: {  	[tilespmem:s25+$0x6000] =	vst v1  }
0x13c: {  	[tilespmem:s25+$0x8A00] =	vst v0  }
0x13d: {  	s24 =	simm.s32 $0x0;
	[tilespmem:s25+$0xB400] =	vst v1;
	s25 =	simm.s32 $0x0  }
.LBB2_8:
0x13e: {  	s26 =	sshll.u32 s25, $0x4  }
0x13f: {  	s26 =	sadd.s32 $0x6000, s26  }
0x140: {  	[tilespmem:s18], [sflag:$0x1] =	stream.indirect.gather [hbm4b:s7+s17], $0x80, s26, s17, $0xb8;
	[tilespmem:$0xEA00] =	vst v63  }
0x141: {  	_ =	swait.ge [sflag:s16], $0x800  }
0x142: {  	[sflag:s16] =	ssyncset.done $0x0  }
0x143: {  	s28 =	simm.s32 $0x0;
	s26 =	simm.s32 $0xDE40;
	[sflag:s16] =	ssyncadd.s32 $0xFFFFF800  }
.LBB2_9:
0x144: {  	s29 =	sadd.s32 s28, s24  }
0x145: {  	v4 =	vmov s29;
	_ =	sdelay $0x4  }
0x146: {  	v5 =	vld.idx.msk [tilespmem:v4+s20+$0x0], $0xffff;
	_ =	sdelay $0x4  }
0x147: {  	v6 =	vand.u32 $0x1, v5  }
0x148: {  	(xrf0) =	vadd.scan.msk.s32 $0xffff, v6;
	_ =	sdelay $0x5  }
0x149: {  	v6, _, _ =	vpop (xrf0)  }
0x14a: {  	(v2sf) =	vpush v6, $0xF;
	_ =	sdelay $0xe  }
0x14b: {  	s31 =	spop (v2sf)  }
0x14c: {  	v4 =	vld.idx.msk [tilespmem:v4+s19+$0x0], $0xffff;
	p0 =	slt.s32 s31, $0x1  }
0x14d: {  	v6 =	vld @!p0 [tilespmem:s26+$0xFFFFFFC0];
	_ =	sdelay $0x1  }
0x14e: {  	v7 =	vld @!p0 [tilespmem:$0xE600];
	_ =	sdelay $0x2  }
0x14f: {  	v6 =	vmul.f32 @!p0 v6, v4;
	_ =	sdelay $0x1  }
0x150: {  	v6 =	vadd.f32 @!p0 v6, v7;
	_ =	sdelay $0x1  }
0x151: {  	[tilespmem:$0xE600] =	vst @!p0 v6  }
0x152: {  	v6 =	vld @!p0 [tilespmem:s26+$0xFFFFFFD0];
	_ =	sdelay $0x1  }
0x153: {  	v7 =	vld @!p0 [tilespmem:$0xE610];
	_ =	sdelay $0x2  }
0x154: {  	v6 =	vmul.f32 @!p0 v6, v4;
	_ =	sdelay $0x1  }
0x155: {  	v6 =	vadd.f32 @!p0 v6, v7;
	_ =	sdelay $0x1  }
0x156: {  	[tilespmem:$0xE610] =	vst @!p0 v6  }
0x157: {  	v6 =	vld @!p0 [tilespmem:s26+$0xFFFFFFE0];
	_ =	sdelay $0x1  }
0x158: {  	v7 =	vld @!p0 [tilespmem:$0xE620];
	_ =	sdelay $0x2  }
0x159: {  	v6 =	vmul.f32 @!p0 v6, v4;
	_ =	sdelay $0x1  }
0x15a: {  	v6 =	vadd.f32 @!p0 v6, v7;
	_ =	sdelay $0x1  }
0x15b: {  	[tilespmem:$0xE620] =	vst @!p0 v6  }
0x15c: {  	v6 =	vld @!p0 [tilespmem:s26+$0xFFFFFFF0];
	_ =	sdelay $0x1  }
0x15d: {  	v7 =	vld @!p0 [tilespmem:$0xE630];
	_ =	sdelay $0x2  }
0x15e: {  	v6 =	vmul.f32 @!p0 v6, v4;
	_ =	sdelay $0x1  }
0x15f: {  	v6 =	vadd.f32 @!p0 v6, v7;
	_ =	sdelay $0x1  }
0x160: {  	[tilespmem:$0xE630] =	vst @!p0 v6  }
0x161: {  	v6 =	vld @!p0 [tilespmem:s26+$0x0];
	_ =	sdelay $0x1  }
0x162: {  	v7 =	vld @!p0 [tilespmem:$0xE640];
	_ =	sdelay $0x2  }
0x163: {  	v6 =	vmul.f32 @!p0 v6, v4;
	_ =	sdelay $0x1  }
0x164: {  	v6 =	vadd.f32 @!p0 v6, v7;
	_ =	sdelay $0x1  }
0x165: {  	[tilespmem:$0xE640] =	vst @!p0 v6  }
0x166: {  	v6 =	vld @!p0 [tilespmem:s26+$0x10];
	_ =	sdelay $0x1  }
0x167: {  	v7 =	vld @!p0 [tilespmem:$0xE650];
	_ =	sdelay $0x1  }
0x168: {  	v8 =	vshrl.u32 v5, $0x1  }
0x169: {  	v8 =	vand.u32 $0x1, v8;
	v6 =	vmul.f32 @!p0 v6, v4  }
0x16a: {  	(xrf0) =	vadd.scan.msk.s32 $0xffff, v8  }
0x16b: {  	v6 =	vadd.f32 @!p0 v6, v7;
	_ =	sdelay $0x1  }
0x16c: {  	[tilespmem:$0xE650] =	vst @!p0 v6  }
0x16d: {  	v6 =	vld @!p0 [tilespmem:s26+$0x20];
	_ =	sdelay $0x1  }
0x16e: {  	v8, _, _ =	vpop (xrf0);
	v7 =	vld @!p0 [tilespmem:$0xE660]  }
0x16f: {  	(v2sf) =	vpush v8, $0xF;
	_ =	sdelay $0x1  }
0x170: {  	v6 =	vmul.f32 @!p0 v6, v4;
	_ =	sdelay $0x1  }
0x171: {  	v6 =	vadd.f32 @!p0 v6, v7;
	_ =	sdelay $0x1  }
0x172: {  	[tilespmem:$0xE660] =	vst @!p0 v6  }
0x173: {  	v6 =	vld @!p0 [tilespmem:s26+$0x30];
	_ =	sdelay $0x1  }
0x174: {  	v7 =	vld @!p0 [tilespmem:$0xE670];
	_ =	sdelay $0x2  }
0x175: {  	v6 =	vmul.f32 @!p0 v6, v4;
	_ =	sdelay $0x1  }
0x176: {  	v6 =	vadd.f32 @!p0 v6, v7  }
0x177: {  	s30 =	spop (v2sf)  }
0x178: {  	[tilespmem:$0xE670] =	vst @!p0 v6;
	p0 =	slt.s32 s30, $0x1  }
0x179: {  	v6 =	vld @!p0 [tilespmem:s26+$0xFFFFFFC0];
	_ =	sdelay $0x1  }
0x17a: {  	v7 =	vld @!p0 [tilespmem:$0xE680];
	_ =	sdelay $0x2  }
0x17b: {  	v6 =	vmul.f32 @!p0 v6, v4;
	_ =	sdelay $0x1  }
0x17c: {  	v6 =	vadd.f32 @!p0 v6, v7;
	_ =	sdelay $0x1  }
0x17d: {  	[tilespmem:$0xE680] =	vst @!p0 v6  }
0x17e: {  	v6 =	vld @!p0 [tilespmem:s26+$0xFFFFFFD0];
	_ =	sdelay $0x1  }
0x17f: {  	v7 =	vld @!p0 [tilespmem:$0xE690];
	_ =	sdelay $0x2  }
0x180: {  	v6 =	vmul.f32 @!p0 v6, v4;
	_ =	sdelay $0x1  }
0x181: {  	v6 =	vadd.f32 @!p0 v6, v7;
	_ =	sdelay $0x1  }
0x182: {  	[tilespmem:$0xE690] =	vst @!p0 v6  }
0x183: {  	v6 =	vld @!p0 [tilespmem:s26+$0xFFFFFFE0];
	_ =	sdelay $0x1  }
0x184: {  	v7 =	vld @!p0 [tilespmem:$0xE6A0];
	_ =	sdelay $0x2  }
0x185: {  	v6 =	vmul.f32 @!p0 v6, v4;
	_ =	sdelay $0x1  }
0x186: {  	v6 =	vadd.f32 @!p0 v6, v7;
	_ =	sdelay $0x1  }
0x187: {  	[tilespmem:$0xE6A0] =	vst @!p0 v6  }
0x188: {  	v6 =	vld @!p0 [tilespmem:s26+$0xFFFFFFF0];
	_ =	sdelay $0x1  }
0x189: {  	v7 =	vld @!p0 [tilespmem:$0xE6B0];
	_ =	sdelay $0x2  }
0x18a: {  	v6 =	vmul.f32 @!p0 v6, v4;
	_ =	sdelay $0x1  }
0x18b: {  	v6 =	vadd.f32 @!p0 v6, v7;
	_ =	sdelay $0x1  }
0x18c: {  	[tilespmem:$0xE6B0] =	vst @!p0 v6  }
0x18d: {  	v6 =	vld @!p0 [tilespmem:s26+$0x0];
	_ =	sdelay $0x1  }
0x18e: {  	v7 =	vld @!p0 [tilespmem:$0xE6C0];
	_ =	sdelay $0x2  }
0x18f: {  	v6 =	vmul.f32 @!p0 v6, v4;
	_ =	sdelay $0x1  }
0x190: {  	v6 =	vadd.f32 @!p0 v6, v7;
	_ =	sdelay $0x1  }
0x191: {  	[tilespmem:$0xE6C0] =	vst @!p0 v6  }
0x192: {  	v6 =	vld @!p0 [tilespmem:s26+$0x10];
	_ =	sdelay $0x1  }
0x193: {  	v7 =	vld @!p0 [tilespmem:$0xE6D0];
	_ =	sdelay $0x1  }
0x194: {  	v61 =	vshrl.u32 v5, $0x2  }
0x195: {  	v8 =	vand.u32 $0x1, v61;
	v6 =	vmul.f32 @!p0 v6, v4  }
0x196: {  	(xrf0) =	vadd.scan.msk.s32 $0xffff, v8  }
0x197: {  	v6 =	vadd.f32 @!p0 v6, v7;
	_ =	sdelay $0x1  }
0x198: {  	[tilespmem:$0xE6D0] =	vst @!p0 v6  }
0x199: {  	v6 =	vld @!p0 [tilespmem:s26+$0x20];
	_ =	sdelay $0x1  }
0x19a: {  	v8, _, _ =	vpop (xrf0);
	v7 =	vld @!p0 [tilespmem:$0xE6E0]  }
0x19b: {  	(v2sf) =	vpush v8, $0xF;
	_ =	sdelay $0x1  }
0x19c: {  	v6 =	vmul.f32 @!p0 v6, v4;
	_ =	sdelay $0x1  }
0x19d: {  	v6 =	vadd.f32 @!p0 v6, v7;
	_ =	sdelay $0x1  }
0x19e: {  	[tilespmem:$0xE6E0] =	vst @!p0 v6  }
0x19f: {  	v6 =	vld @!p0 [tilespmem:s26+$0x30];
	_ =	sdelay $0x1  }
0x1a0: {  	v7 =	vld @!p0 [tilespmem:$0xE6F0];
	_ =	sdelay $0x2  }
0x1a1: {  	v6 =	vmul.f32 @!p0 v6, v4;
	_ =	sdelay $0x1  }
0x1a2: {  	v6 =	vadd.f32 @!p0 v6, v7  }
0x1a3: {  	s31 =	spop (v2sf)  }
0x1a4: {  	[tilespmem:$0xE6F0] =	vst @!p0 v6;
	p0 =	slt.s32 s31, $0x1  }
0x1a5: {  	v6 =	vld @!p0 [tilespmem:s26+$0xFFFFFFC0];
	_ =	sdelay $0x1  }
0x1a6: {  	v7 =	vld @!p0 [tilespmem:$0xE700];
	_ =	sdelay $0x2  }
0x1a7: {  	v6 =	vmul.f32 @!p0 v6, v4;
	_ =	sdelay $0x1  }
0x1a8: {  	v6 =	vadd.f32 @!p0 v6, v7;
	_ =	sdelay $0x1  }
0x1a9: {  	[tilespmem:$0xE700] =	vst @!p0 v6  }
0x1aa: {  	v6 =	vld @!p0 [tilespmem:s26+$0xFFFFFFD0];
	_ =	sdelay $0x1  }
0x1ab: {  	v7 =	vld @!p0 [tilespmem:$0xE710];
	_ =	sdelay $0x2  }
0x1ac: {  	v6 =	vmul.f32 @!p0 v6, v4;
	_ =	sdelay $0x1  }
0x1ad: {  	v6 =	vadd.f32 @!p0 v6, v7;
	_ =	sdelay $0x1  }
0x1ae: {  	[tilespmem:$0xE710] =	vst @!p0 v6  }
0x1af: {  	v6 =	vld @!p0 [tilespmem:s26+$0xFFFFFFE0];
	_ =	sdelay $0x1  }
0x1b0: {  	v7 =	vld @!p0 [tilespmem:$0xE720];
	_ =	sdelay $0x2  }
0x1b1: {  	v6 =	vmul.f32 @!p0 v6, v4;
	_ =	sdelay $0x1  }
0x1b2: {  	v6 =	vadd.f32 @!p0 v6, v7;
	_ =	sdelay $0x1  }
0x1b3: {  	[tilespmem:$0xE720] =	vst @!p0 v6  }
0x1b4: {  	v6 =	vld @!p0 [tilespmem:s26+$0xFFFFFFF0];
	_ =	sdelay $0x1  }
0x1b5: {  	v7 =	vld @!p0 [tilespmem:$0xE730];
	_ =	sdelay $0x2  }
0x1b6: {  	v6 =	vmul.f32 @!p0 v6, v4;
	_ =	sdelay $0x1  }
0x1b7: {  	v6 =	vadd.f32 @!p0 v6, v7;
	_ =	sdelay $0x1  }
0x1b8: {  	[tilespmem:$0xE730] =	vst @!p0 v6  }
0x1b9: {  	v6 =	vld @!p0 [tilespmem:s26+$0x0];
	_ =	sdelay $0x1  }
0x1ba: {  	v7 =	vld @!p0 [tilespmem:$0xE740];
	_ =	sdelay $0x2  }
0x1bb: {  	v6 =	vmul.f32 @!p0 v6, v4;
	_ =	sdelay $0x1  }
0x1bc: {  	v6 =	vadd.f32 @!p0 v6, v7;
	_ =	sdelay $0x1  }
0x1bd: {  	[tilespmem:$0xE740] =	vst @!p0 v6  }
0x1be: {  	v6 =	vld @!p0 [tilespmem:s26+$0x10];
	_ =	sdelay $0x1  }
0x1bf: {  	v7 =	vld @!p0 [tilespmem:$0xE750];
	_ =	sdelay $0x1  }
0x1c0: {  	v62 =	vshrl.u32 v5, $0x3  }
0x1c1: {  	v8 =	vand.u32 $0x1, v62;
	v6 =	vmul.f32 @!p0 v6, v4  }
0x1c2: {  	(xrf0) =	vadd.scan.msk.s32 $0xffff, v8  }
0x1c3: {  	v6 =	vadd.f32 @!p0 v6, v7;
	_ =	sdelay $0x1  }
0x1c4: {  	[tilespmem:$0xE750] =	vst @!p0 v6  }
0x1c5: {  	v6 =	vld @!p0 [tilespmem:s26+$0x20];
	_ =	sdelay $0x1  }
0x1c6: {  	v8, _, _ =	vpop (xrf0);
	v7 =	vld @!p0 [tilespmem:$0xE760]  }
0x1c7: {  	(v2sf) =	vpush v8, $0xF;
	_ =	sdelay $0x1  }
0x1c8: {  	v6 =	vmul.f32 @!p0 v6, v4;
	_ =	sdelay $0x1  }
0x1c9: {  	v6 =	vadd.f32 @!p0 v6, v7;
	_ =	sdelay $0x1  }
0x1ca: {  	[tilespmem:$0xE760] =	vst @!p0 v6  }
0x1cb: {  	v6 =	vld @!p0 [tilespmem:s26+$0x30];
	_ =	sdelay $0x1  }
0x1cc: {  	v7 =	vld @!p0 [tilespmem:$0xE770];
	_ =	sdelay $0x2  }
0x1cd: {  	v6 =	vmul.f32 @!p0 v6, v4;
	_ =	sdelay $0x1  }
0x1ce: {  	v6 =	vadd.f32 @!p0 v6, v7  }
0x1cf: {  	s30 =	spop (v2sf)  }
0x1d0: {  	[tilespmem:$0xE770] =	vst @!p0 v6;
	p0 =	slt.s32 s30, $0x1  }
0x1d1: {  	v6 =	vld @!p0 [tilespmem:s26+$0xFFFFFFC0];
	_ =	sdelay $0x1  }
0x1d2: {  	v7 =	vld @!p0 [tilespmem:$0xE780];
	_ =	sdelay $0x2  }
0x1d3: {  	v6 =	vmul.f32 @!p0 v6, v4;
	_ =	sdelay $0x1  }
0x1d4: {  	v6 =	vadd.f32 @!p0 v6, v7;
	_ =	sdelay $0x1  }
0x1d5: {  	[tilespmem:$0xE780] =	vst @!p0 v6  }
0x1d6: {  	v6 =	vld @!p0 [tilespmem:s26+$0xFFFFFFD0];
	_ =	sdelay $0x1  }
0x1d7: {  	v7 =	vld @!p0 [tilespmem:$0xE790];
	_ =	sdelay $0x2  }
0x1d8: {  	v6 =	vmul.f32 @!p0 v6, v4;
	_ =	sdelay $0x1  }
0x1d9: {  	v6 =	vadd.f32 @!p0 v6, v7;
	_ =	sdelay $0x1  }
0x1da: {  	[tilespmem:$0xE790] =	vst @!p0 v6  }
0x1db: {  	v6 =	vld @!p0 [tilespmem:s26+$0xFFFFFFE0];
	_ =	sdelay $0x1  }
0x1dc: {  	v7 =	vld @!p0 [tilespmem:$0xE7A0];
	_ =	sdelay $0x2  }
0x1dd: {  	v6 =	vmul.f32 @!p0 v6, v4;
	_ =	sdelay $0x1  }
0x1de: {  	v6 =	vadd.f32 @!p0 v6, v7;
	_ =	sdelay $0x1  }
0x1df: {  	[tilespmem:$0xE7A0] =	vst @!p0 v6  }
0x1e0: {  	v6 =	vld @!p0 [tilespmem:s26+$0xFFFFFFF0];
	_ =	sdelay $0x1  }
0x1e1: {  	v7 =	vld @!p0 [tilespmem:$0xE7B0];
	_ =	sdelay $0x2  }
0x1e2: {  	v6 =	vmul.f32 @!p0 v6, v4;
	_ =	sdelay $0x1  }
0x1e3: {  	v6 =	vadd.f32 @!p0 v6, v7;
	_ =	sdelay $0x1  }
0x1e4: {  	[tilespmem:$0xE7B0] =	vst @!p0 v6  }
0x1e5: {  	v6 =	vld @!p0 [tilespmem:s26+$0x0];
	_ =	sdelay $0x1  }
0x1e6: {  	v7 =	vld @!p0 [tilespmem:$0xE7C0];
	_ =	sdelay $0x2  }
0x1e7: {  	v6 =	vmul.f32 @!p0 v6, v4;
	_ =	sdelay $0x1  }
0x1e8: {  	v6 =	vadd.f32 @!p0 v6, v7;
	_ =	sdelay $0x1  }
0x1e9: {  	[tilespmem:$0xE7C0] =	vst @!p0 v6  }
0x1ea: {  	v6 =	vld @!p0 [tilespmem:s26+$0x10];
	_ =	sdelay $0x1  }
0x1eb: {  	v7 =	vld @!p0 [tilespmem:$0xE7D0];
	_ =	sdelay $0x1  }
0x1ec: {  	v5 =	vshrl.u32 v5, $0x4  }
0x1ed: {  	v5 =	vand.u32 $0x1, v5;
	v6 =	vmul.f32 @!p0 v6, v4  }
0x1ee: {  	(xrf0) =	vadd.scan.msk.s32 $0xffff, v5  }
0x1ef: {  	v5 =	vadd.f32 @!p0 v6, v7;
	_ =	sdelay $0x1  }
0x1f0: {  	[tilespmem:$0xE7D0] =	vst @!p0 v5  }
0x1f1: {  	v5 =	vld @!p0 [tilespmem:s26+$0x20];
	_ =	sdelay $0x1  }
0x1f2: {  	v63, _, _ =	vpop (xrf0);
	v6 =	vld @!p0 [tilespmem:$0xE7E0]  }
0x1f3: {  	(v2sf) =	vpush v63, $0xF;
	_ =	sdelay $0x1  }
0x1f4: {  	v5 =	vmul.f32 @!p0 v5, v4;
	_ =	sdelay $0x1  }
0x1f5: {  	v5 =	vadd.f32 @!p0 v5, v6;
	_ =	sdelay $0x1  }
0x1f6: {  	[tilespmem:$0xE7E0] =	vst @!p0 v5  }
0x1f7: {  	v5 =	vld @!p0 [tilespmem:s26+$0x30];
	_ =	sdelay $0x1  }
0x1f8: {  	v6 =	vld @!p0 [tilespmem:$0xE7F0];
	_ =	sdelay $0x2  }
0x1f9: {  	v5 =	vmul.f32 @!p0 v5, v4;
	_ =	sdelay $0x1  }
0x1fa: {  	v5 =	vadd.f32 @!p0 v5, v6  }
0x1fb: {  	s31 =	spop (v2sf)  }
0x1fc: {  	[tilespmem:$0xE7F0] =	vst @!p0 v5;
	p0 =	slt.s32 s31, $0x1  }
0x1fd: {  	v5 =	vld @!p0 [tilespmem:s26+$0xFFFFFFC0];
	_ =	sdelay $0x1  }
0x1fe: {  	v6 =	vld @!p0 [tilespmem:$0xE800];
	_ =	sdelay $0x2  }
0x1ff: {  	v5 =	vmul.f32 @!p0 v5, v4;
	_ =	sdelay $0x1  }
0x200: {  	v5 =	vadd.f32 @!p0 v5, v6;
	_ =	sdelay $0x1  }
0x201: {  	[tilespmem:$0xE800] =	vst @!p0 v5  }
0x202: {  	v5 =	vld @!p0 [tilespmem:s26+$0xFFFFFFD0];
	_ =	sdelay $0x1  }
0x203: {  	v6 =	vld @!p0 [tilespmem:$0xE810];
	_ =	sdelay $0x2  }
0x204: {  	v5 =	vmul.f32 @!p0 v5, v4;
	_ =	sdelay $0x1  }
0x205: {  	v5 =	vadd.f32 @!p0 v5, v6;
	_ =	sdelay $0x1  }
0x206: {  	[tilespmem:$0xE810] =	vst @!p0 v5  }
0x207: {  	v5 =	vld @!p0 [tilespmem:s26+$0xFFFFFFE0];
	_ =	sdelay $0x1  }
0x208: {  	v6 =	vld @!p0 [tilespmem:$0xE820];
	_ =	sdelay $0x2  }
0x209: {  	v5 =	vmul.f32 @!p0 v5, v4;
	_ =	sdelay $0x1  }
0x20a: {  	v5 =	vadd.f32 @!p0 v5, v6;
	_ =	sdelay $0x1  }
0x20b: {  	[tilespmem:$0xE820] =	vst @!p0 v5  }
0x20c: {  	v5 =	vld @!p0 [tilespmem:s26+$0xFFFFFFF0];
	_ =	sdelay $0x1  }
0x20d: {  	v6 =	vld @!p0 [tilespmem:$0xE830];
	_ =	sdelay $0x2  }
0x20e: {  	v5 =	vmul.f32 @!p0 v5, v4;
	_ =	sdelay $0x1  }
0x20f: {  	v5 =	vadd.f32 @!p0 v5, v6;
	_ =	sdelay $0x1  }
0x210: {  	[tilespmem:$0xE830] =	vst @!p0 v5  }
0x211: {  	v5 =	vld @!p0 [tilespmem:s26+$0x0];
	_ =	sdelay $0x1  }
0x212: {  	v6 =	vld @!p0 [tilespmem:$0xE840];
	_ =	sdelay $0x2  }
0x213: {  	v5 =	vmul.f32 @!p0 v5, v4;
	_ =	sdelay $0x1  }
0x214: {  	v5 =	vadd.f32 @!p0 v5, v6;
	_ =	sdelay $0x1  }
0x215: {  	[tilespmem:$0xE840] =	vst @!p0 v5  }
0x216: {  	v5 =	vld @!p0 [tilespmem:s26+$0x10];
	_ =	sdelay $0x1  }
0x217: {  	v6 =	vld @!p0 [tilespmem:$0xE850];
	_ =	sdelay $0x2  }
0x218: {  	v5 =	vmul.f32 @!p0 v5, v4;
	_ =	sdelay $0x1  }
0x219: {  	v5 =	vadd.f32 @!p0 v5, v6;
	_ =	sdelay $0x1  }
0x21a: {  	[tilespmem:$0xE850] =	vst @!p0 v5  }
0x21b: {  	v5 =	vld @!p0 [tilespmem:s26+$0x20];
	_ =	sdelay $0x1  }
0x21c: {  	v6 =	vld @!p0 [tilespmem:$0xE860];
	_ =	sdelay $0x2  }
0x21d: {  	v5 =	vmul.f32 @!p0 v5, v4;
	_ =	sdelay $0x1  }
0x21e: {  	v5 =	vadd.f32 @!p0 v5, v6;
	_ =	sdelay $0x1  }
0x21f: {  	[tilespmem:$0xE860] =	vst @!p0 v5  }
0x220: {  	v5 =	vld @!p0 [tilespmem:s26+$0x30];
	_ =	sdelay $0x1  }
0x221: {  	v6 =	vld @!p0 [tilespmem:$0xE870]  }
0x222: {  	s28 =	sadd.s32 $0x1, s28  }
0x223: {  	p1 =	sne.s32 s28, $0x10  }
.Ltmp6:
0x224: {  	v4 =	vmul.f32 @!p0 v5, v4;
	(pc) =	sbr.rel @p1 .LBB2_9-.Ltmp6, $3  }
0x225: {  	_ = 	snop  }
0x226: {  	v4 =	vadd.f32 @!p0 v4, v6;
	_ =	sdelay $0x1  }
0x227: {  	s26 =	sadd.s32 $0x80, s26;
	[tilespmem:$0xE870] =	vst @!p0 v4  }
0x228: {  	s25 =	sadd.s32 $0x1, s25  }
0x229: {  	p0 =	sne.s32 s25, s23  }
.Ltmp7:
0x22a: {  	_ = 	snop;
	(pc) =	sbr.rel @p0 .LBB2_8-.Ltmp7, $4  }
.Ltmp8:
0x22b: {  	_ = 	snop;
	(pc) =	sbr.rel @!p0 .LBB2_11-.Ltmp8, $4  }
0x22c: {  	_ = 	snop  }
0x22d: {  	_ = 	snop  }
0x22e: {  	s24 =	sadd.s32 $0x10, s24  }
0x22f: {  	_ = 	snop  }
.LBB2_12:
0x230: {  	_ =	sfence.sel $0x180000  }
0x231: {  	[bflag:$0x0] =	sbarrier.arrive $0xFFFF  }
0x232: {  	p0 =	sne.s32 s2, $0x0;
	_ =	strace $0x9000004D  }
0x233: {  	s0 =	sadd.s32 @!p0 $0x100000, s0;
	[bflag:$0x2] =	sbarrier.arrive $0xFFFF  }
0x234: {  	[sflag:s0] =	ssyncadd.tile.s32 @!p0 $0x1;
	_ =	shalt  }
.Lfunc_end2:
_tile_overlayer_lowered:
.L_overlay_start_2:
0x235: {  	(tag) =	ssettag $0x2  }
0x236: {  	s0 =	rddreg [dreg:$0x0];
	s2 =	stileid.u32  }
0x237: {  	s1 =	rddreg [dreg:$0x1];
	p0 =	sne.s32 s2, $0x0  }
0x238: {  	s3 =	rddreg [dreg:$0x2];
	[bflag:$0x3] =	sbarrier.arrive $0xFFFF;
	s2 =	simm.s32 @!p0 $0x1C02  }
0x239: {  	[timem:s3], [sflag:s2] =	dma.local @!p0 [hbm:s0], s1  }
0x23a: {  	s0 =	simm.s32 @!p0 $0x2  }
0x23b: {  	_ =	swait.ge @!p0 [sflag:s0], s1  }
0x23c: {  	s1 =	ssub.s32 @!p0 $0x0, s1;
	[sflag:s0] =	ssyncset.done @!p0 $0x0  }
0x23d: {  	[sflag:s0] =	ssyncadd.s32 @!p0 s1  }
0x23e: {  	[bflag:$0x3] =	sbarrier.arrive $0xFFFF  }
0x23f: {  	_ =	shalt  }

</sc_bundles>
